<compile_context>
chip_gen: v7x
topology: tpu7x:2x2x1
jax: 0.10.2.dev20260603
libtpu: 0.0.44.dev20260713+nightly
codegen_flags: <defaults>
</compile_context>

<pallas_src>
import functools

import jax
import jax.numpy as jnp
from jax import lax
from jax.experimental import pallas as pl
from jax.experimental.pallas import tpu as pltpu
from jax.experimental.pallas import tpu_sc as plsc

KNB = 20
KPAD = 24
PB = 256
NCORES = 2
NSUB = 16
NW = NCORES * NSUB
SC_CH = 128


def _knn_body(n, nblk, xblk_ref, xall_ref, xx_ref, idx_ref):
    b = pl.program_id(0)
    x = xblk_ref[0]
    xa = xall_ref[0]
    pb = x.shape[0]
    m = lax.dot_general(
        x, xa, (((1,), (1,)), ((), ())),
        preferred_element_type=jnp.float32)
    dist = 2.0 * m - xx_ref[0]
    cols = lax.broadcasted_iota(jnp.int32, (pb, n), 1).astype(jnp.float32)
    nf = jnp.float32(n)
    for kk in range(KNB):
        m = jnp.max(dist, axis=1, keepdims=True)
        cand = jnp.where(dist >= m, cols, nf)
        j = jnp.min(cand, axis=1, keepdims=True)
        idx_ref[:, kk:kk + 1] = j.astype(jnp.int32) + b * n
        dist = jnp.where(cols == j, -1e30, dist)


def _knn(xt, n_per_b):
    b, n, c = xt.shape
    nblk = n // PB
    xx3 = jnp.sum(xt * xt, axis=2)[:, None, :]
    return pl.pallas_call(
        functools.partial(_knn_body, n, nblk),
        grid=(b, nblk),
        in_specs=[
            pl.BlockSpec((1, PB, c), lambda bb, nb: (bb, nb, 0)),
            pl.BlockSpec((1, n, c), lambda bb, nb: (bb, 0, 0)),
            pl.BlockSpec((1, 1, n), lambda bb, nb: (bb, 0, 0)),
        ],
        out_specs=pl.BlockSpec((PB, KPAD), lambda bb, nb: (bb * nblk + nb, 0)),
        out_shape=jax.ShapeDtypeStruct((b * n, KPAD), jnp.int32),
        compiler_params=pltpu.CompilerParams(
            dimension_semantics=("parallel", "parallel")),
    )(xt, xt, xx3)


def _sc_gather_body(tot, table_ref, idx_ref, out_ref, idx_v, rows_v, sem):
    wid = lax.axis_index("s") * NCORES + lax.axis_index("c")
    per_w = tot // NW
    base = wid * per_w
    nch = per_w // SC_CH

    def body(kk, carry):
        for ch in range(nch):
            off = base + ch * SC_CH
            pltpu.sync_copy(idx_ref.at[kk, pl.ds(off, SC_CH)], idx_v)
            pltpu.async_copy(table_ref.at[idx_v], rows_v, sem).wait()
            pltpu.sync_copy(rows_v, out_ref.at[kk, pl.ds(off, SC_CH)])
        return carry

    lax.fori_loop(0, KNB, body, 0)


def _sc_gather(table, idx_t):
    tot, o = table.shape
    kern = pl.kernel(
        functools.partial(_sc_gather_body, tot),
        out_type=jax.ShapeDtypeStruct((KNB, tot, o), jnp.float32),
        mesh=plsc.VectorSubcoreMesh(core_axis_name="c", subcore_axis_name="s"),
        scratch_types=[
            pltpu.VMEM((SC_CH,), jnp.int32),
            pltpu.VMEM((SC_CH, o), jnp.float32),
            pltpu.SemaphoreType.DMA,
        ],
    )
    return kern(table, idx_t)


def _reduce_body(g_ref, b_ref, mx_ref, s1_ref, s2_ref):
    pb = pl.program_id(0)
    kk = pl.program_id(1)
    a = g_ref[0]
    bv = b_ref[...]
    y = a + bv
    part1 = jnp.sum(y, axis=0, keepdims=True)
    part2 = jnp.sum(y * y, axis=0, keepdims=True)

    @pl.when(jnp.logical_and(pb == 0, kk == 0))
    def _():
        s1_ref[...] = jnp.zeros_like(s1_ref)
        s2_ref[...] = jnp.zeros_like(s2_ref)

    s1_ref[...] += part1
    s2_ref[...] += part2

    @pl.when(kk == 0)
    def _():
        mx_ref[...] = a

    @pl.when(kk > 0)
    def _():
        mx_ref[...] = jnp.maximum(mx_ref[...], a)

    @pl.when(kk == KNB - 1)
    def _():
        mx_ref[...] = mx_ref[...] + bv


def _reduce(gathered, bv):
    knb, tot, o = gathered.shape
    nblk = tot // PB
    return pl.pallas_call(
        _reduce_body,
        grid=(nblk, knb),
        in_specs=[
            pl.BlockSpec((1, PB, o), lambda pb, kk: (kk, pb, 0)),
            pl.BlockSpec((PB, o), lambda pb, kk: (pb, 0)),
        ],
        out_specs=[
            pl.BlockSpec((PB, o), lambda pb, kk: (pb, 0)),
            pl.BlockSpec((1, o), lambda pb, kk: (0, 0)),
            pl.BlockSpec((1, o), lambda pb, kk: (0, 0)),
        ],
        out_shape=[
            jax.ShapeDtypeStruct((tot, o), jnp.float32),
            jax.ShapeDtypeStruct((1, o), jnp.float32),
            jax.ShapeDtypeStruct((1, o), jnp.float32),
        ],
    )(gathered, bv)


def _apply_proj_body(do_act, m_ref, s_ref, b_ref, wl_ref, wr_ref,
                     x_ref, a_ref, bv_ref):
    m = m_ref[...]
    if do_act:
        z = m * s_ref[...] + b_ref[...]
        x = jnp.where(z > 0, z, 0.2 * z)
    else:
        x = m
    x_ref[...] = x
    a_ref[...] = jnp.dot(x, wl_ref[...], preferred_element_type=jnp.float32)
    bv_ref[...] = jnp.dot(x, wr_ref[...], preferred_element_type=jnp.float32)


def _apply_proj(m, scale, bias, wlt, wrt, do_act=True):
    tot, o = m.shape
    o2 = wlt.shape[1]
    nblk = tot // PB
    return pl.pallas_call(
        functools.partial(_apply_proj_body, do_act),
        grid=(nblk,),
        in_specs=[
            pl.BlockSpec((PB, o), lambda pb: (pb, 0)),
            pl.BlockSpec((1, o), lambda pb: (0, 0)),
            pl.BlockSpec((1, o), lambda pb: (0, 0)),
            pl.BlockSpec((o, o2), lambda pb: (0, 0)),
            pl.BlockSpec((o, o2), lambda pb: (0, 0)),
        ],
        out_specs=[
            pl.BlockSpec((PB, o), lambda pb: (pb, 0)),
            pl.BlockSpec((PB, o2), lambda pb: (pb, 0)),
            pl.BlockSpec((PB, o2), lambda pb: (pb, 0)),
        ],
        out_shape=[
            jax.ShapeDtypeStruct((tot, o), jnp.float32),
            jax.ShapeDtypeStruct((tot, o2), jnp.float32),
            jax.ShapeDtypeStruct((tot, o2), jnp.float32),
        ],
    )(m, scale, bias, wlt, wrt)


def _apply_only_body(m_ref, s_ref, b_ref, x_ref):
    z = m_ref[...] * s_ref[...] + b_ref[...]
    x_ref[...] = jnp.where(z > 0, z, 0.2 * z)


def _apply_only(m, scale, bias):
    tot, o = m.shape
    nblk = tot // PB
    return pl.pallas_call(
        _apply_only_body,
        grid=(nblk,),
        in_specs=[
            pl.BlockSpec((PB, o), lambda pb: (pb, 0)),
            pl.BlockSpec((1, o), lambda pb: (0, 0)),
            pl.BlockSpec((1, o), lambda pb: (0, 0)),
        ],
        out_specs=pl.BlockSpec((PB, o), lambda pb: (pb, 0)),
        out_shape=jax.ShapeDtypeStruct((tot, o), jnp.float32),
    )(m, scale, bias)


def _final_mm_body(x1_ref, x2_ref, x3_ref, x4_ref, w_ref,
                   y_ref, s1_ref, s2_ref):
    pb = pl.program_id(0)
    cat = jnp.concatenate(
        [x1_ref[...], x2_ref[...], x3_ref[...], x4_ref[...]], axis=1)
    y = jnp.dot(cat, w_ref[...], preferred_element_type=jnp.float32)
    y_ref[...] = y

    @pl.when(pb == 0)
    def _():
        s1_ref[...] = jnp.zeros_like(s1_ref)
        s2_ref[...] = jnp.zeros_like(s2_ref)

    s1_ref[...] += jnp.sum(y, axis=0, keepdims=True)
    s2_ref[...] += jnp.sum(y * y, axis=0, keepdims=True)


def _final_mm(x1, x2, x3, x4, w5t):
    tot = x1.shape[0]
    oc = w5t.shape[1]
    nblk = tot // PB
    return pl.pallas_call(
        _final_mm_body,
        grid=(nblk,),
        in_specs=[
            pl.BlockSpec((PB, x1.shape[1]), lambda pb: (pb, 0)),
            pl.BlockSpec((PB, x2.shape[1]), lambda pb: (pb, 0)),
            pl.BlockSpec((PB, x3.shape[1]), lambda pb: (pb, 0)),
            pl.BlockSpec((PB, x4.shape[1]), lambda pb: (pb, 0)),
            pl.BlockSpec((w5t.shape[0], oc), lambda pb: (0, 0)),
        ],
        out_specs=[
            pl.BlockSpec((PB, oc), lambda pb: (pb, 0)),
            pl.BlockSpec((1, oc), lambda pb: (0, 0)),
            pl.BlockSpec((1, oc), lambda pb: (0, 0)),
        ],
        out_shape=[
            jax.ShapeDtypeStruct((tot, oc), jnp.float32),
            jax.ShapeDtypeStruct((1, oc), jnp.float32),
            jax.ShapeDtypeStruct((1, oc), jnp.float32),
        ],
    )(x1, x2, x3, x4, w5t)


def _stats(s1, s2, m, g, b):
    mean = s1[0] / m
    var = s2[0] / m - mean * mean
    scale = g / jnp.sqrt(var + 1e-5)
    bias = b - mean * scale
    return scale[None, :], bias[None, :]


def _edge_layer(xt_bnc, a_tab, b_tab, g, b):
    bsz, n, _ = xt_bnc.shape
    idxc = _knn(xt_bnc, n)
    idx_t = jnp.transpose(idxc[:, :KNB], (1, 0))
    gathered = _sc_gather(a_tab, idx_t)
    mx, s1, s2 = _reduce(gathered, b_tab)
    scale, bias = _stats(s1, s2, bsz * n * KNB, g, b)
    return mx, scale, bias


def _pad_cols(a, w):
    if a.shape[1] == w:
        return a
    return jnp.concatenate(
        [a, jnp.zeros((a.shape[0], w - a.shape[1]), a.dtype)], axis=1)


def _pad_rows(a, h):
    if a.shape[0] == h:
        return a
    return jnp.concatenate(
        [a, jnp.zeros((h - a.shape[0], a.shape[1]), a.dtype)], axis=0)


def _pad_vec(v, w):
    if v.shape[0] == w:
        return v
    return jnp.concatenate([v, jnp.zeros((w - v.shape[0],), v.dtype)])


def kernel(x, W1, g1, b1, W2, g2, b2, W3, g3, b3, W4, g4, b4, W5, g5, b5):
    bsz, c0, n = x.shape
    tot = bsz * n
    op = 128
    xt0 = jnp.transpose(x, (0, 2, 1))
    xt0f = xt0.reshape(tot, c0)

    w1l = _pad_cols(jnp.transpose(W1[:, :c0]), op)
    w1r = _pad_cols(jnp.transpose(W1[:, c0:]), op)
    _, a1, bv1 = _apply_proj(
        xt0f, jnp.ones((1, c0), jnp.float32), jnp.zeros((1, c0), jnp.float32),
        w1l, w1r, do_act=False)

    m1, sc1, bi1 = _edge_layer(xt0, a1, bv1, _pad_vec(g1, op), _pad_vec(b1, op))
    w2l = _pad_rows(_pad_cols(jnp.transpose(W2[:, :64]), op), op)
    w2r = _pad_rows(_pad_cols(jnp.transpose(W2[:, 64:]), op), op)
    x1, a2, bv2 = _apply_proj(m1, sc1, bi1, w2l, w2r)

    m2, sc2, bi2 = _edge_layer(
        x1.reshape(bsz, n, op), a2, bv2, _pad_vec(g2, op), _pad_vec(b2, op))
    w3l = _pad_rows(jnp.transpose(W3[:, :64]), op)
    w3r = _pad_rows(jnp.transpose(W3[:, 64:]), op)
    x2, a3, bv3 = _apply_proj(m2, sc2, bi2, w3l, w3r)

    m3, sc3, bi3 = _edge_layer(x2.reshape(bsz, n, op), a3, bv3, g3, b3)
    x3, a4, bv4 = _apply_proj(
        m3, sc3, bi3, jnp.transpose(W4[:, :128]), jnp.transpose(W4[:, 128:]))

    m4, sc4, bi4 = _edge_layer(x3.reshape(bsz, n, 128), a4, bv4, g4, b4)
    x4 = _apply_only(m4, sc4, bi4)

    y, s1, s2 = _final_mm(x1[:, :64], x2[:, :64], x3, x4, jnp.transpose(W5))
    scale, bias = _stats(s1, s2, tot, g5, b5)
    z = _apply_only(y, scale, bias)
    return jnp.transpose(z.reshape(bsz, n, -1), (0, 2, 1))

# --- scband reference (transcript-rebuilt; emitter-appended) ---
"""Pipeline reference for scband-dgcnn-5720896438493 (READ-ONLY COPY).

The authoritative reference and input builder live on the scoring server;
editing this copy changes nothing except your own understanding.
"""

import jax, jax.numpy as jnp
import numpy as np

K_NEIGHBORS = 20
EMB_DIM = 1024


def knn(x, k):
    # x: [B, C, N]
    xt = jnp.transpose(x, (0, 2, 1))
    inner = -2.0 * jnp.matmul(xt, x)
    xx = jnp.sum(x ** 2, axis=1, keepdims=True)  # [B,1,N]
    pairwise = -xx - inner - jnp.transpose(xx, (0, 2, 1))
    _, idx = jax.lax.top_k(pairwise, k)  # [B, N, k]
    return idx


def get_graph_feature(x, k):
    # x: [B, C, N] -> [B, 2C, N, k]
    idx = knn(x, k)
    xt = jnp.transpose(x, (0, 2, 1))  # [B, N, C]
    feature = jax.vmap(lambda f, i: f[i])(xt, idx)  # [B, N, k, C] gather
    xrep = jnp.broadcast_to(xt[:, :, None, :], feature.shape)
    feat = jnp.concatenate([feature - 0.0, xrep], axis=3)
    return jnp.transpose(feat, (0, 3, 1, 2))


def conv_bn_lrelu(x, W, gamma, beta):
    # 1x1 Conv2d (no bias) + BatchNorm2d (batch stats, training mode) + LeakyReLU(0.2)
    y = jnp.einsum('oc,bcnk->bonk', W, x)
    mean = jnp.mean(y, axis=(0, 2, 3), keepdims=True)
    var = jnp.var(y, axis=(0, 2, 3), keepdims=True)
    yn = (y - mean) / jnp.sqrt(var + 1e-5)
    yn = yn * gamma[None, :, None, None] + beta[None, :, None, None]
    return jnp.where(yn > 0, yn, 0.2 * yn)


def setup_inputs(seed: int = 0):
    key = jax.random.key(seed)
    ks = jax.random.split(key, 6)
    B, N = 8, 2048
    x = jax.random.normal(ks[0], (B, 3, N), dtype=jnp.float32)

    def w(kk, o, c):
        return jax.random.normal(kk, (o, c), dtype=jnp.float32) * (1.0 / np.sqrt(c))

    inp = {
        'x': x,
        'W1': w(ks[1], 64, 6),
        'g1': jnp.ones((64,), jnp.float32), 'b1': jnp.zeros((64,), jnp.float32),
        'W2': w(ks[2], 64, 128),
        'g2': jnp.ones((64,), jnp.float32), 'b2': jnp.zeros((64,), jnp.float32),
        'W3': w(ks[3], 128, 128),
        'g3': jnp.ones((128,), jnp.float32), 'b3': jnp.zeros((128,), jnp.float32),
        'W4': w(ks[4], 256, 256),
        'g4': jnp.ones((256,), jnp.float32), 'b4': jnp.zeros((256,), jnp.float32),
        'W5': w(ks[5], EMB_DIM, 512),
        'g5': jnp.ones((EMB_DIM,), jnp.float32), 'b5': jnp.zeros((EMB_DIM,), jnp.float32),
    }
    return inp


def reference(x, W1, g1, b1, W2, g2, b2, W3, g3, b3, W4, g4, b4, W5, g5, b5):
    k = K_NEIGHBORS
    B, _, N = x.shape
    h = get_graph_feature(x, k)
    h = conv_bn_lrelu(h, W1, g1, b1)
    x1 = jnp.max(h, axis=-1)
    h = get_graph_feature(x1, k)
    h = conv_bn_lrelu(h, W2, g2, b2)
    x2 = jnp.max(h, axis=-1)
    h = get_graph_feature(x2, k)
    h = conv_bn_lrelu(h, W3, g3, b3)
    x3 = jnp.max(h, axis=-1)
    h = get_graph_feature(x3, k)
    h = conv_bn_lrelu(h, W4, g4, b4)
    x4 = jnp.max(h, axis=-1)
    cat = jnp.concatenate([x1, x2, x3, x4], axis=1)[:, :, :, None]  # [B,512,N,1]
    out = conv_bn_lrelu(cat, W5, g5, b5)
    return out.reshape(B, -1, N)

if __name__ == "__main__":
    import jax
    _d = setup_inputs()
    print(jax.jit(kernel)(*tuple(_d.values())))

</pallas_src>

<mosaic_0001>
#map = affine_map<(d0, d1) -> (0, 0)>
#map1 = affine_map<(d0, d1) -> (0, 0, 0)>
module attributes {stable_mosaic.version = 14 : i64} {
  func.func @_sc_gather_body(%arg0: i32, %arg1: i32, %arg2: memref<16384x128xf32, #tpu.memory_space<hbm>>, %arg3: memref<20x16384xi32, #tpu.memory_space<hbm>>, %arg4: memref<20x16384x128xf32, #tpu.memory_space<hbm>>, %arg5: memref<128xi32, #tpu.memory_space<vmem>>, %arg6: memref<128x128xf32, #tpu.memory_space<vmem>>, %arg7: memref<!tpu.dma_semaphore, #tpu.memory_space<semaphore_mem>>) attributes {dimension_semantics = [#tpu.dimension_semantics<core_parallel>, #tpu.dimension_semantics<subcore_parallel>], iteration_bounds = array<i64: 2, 16>, scalar_prefetch = 0 : i64, scratch_operands = 3 : i64, tpu.core_type = #tpu.core_type<sc_vector_subcore>, window_params = [{transform_indices = #map}, {transform_indices = #map}, {transform_indices = #map1}]} {
    %mul3A = arith.constant 2 : i32
    %mul3A_0 = arith.muli %arg1, %mul3A : i32
    %add3A = arith.addi %mul3A_0, %arg0 : i32
    %mul3A_1 = arith.constant 512 : i32
    %mul3A_2 = arith.muli %add3A, %mul3A_1 : i32
    %scan3A = arith.constant 0 : i32
    %scan3A_3 = arith.constant 0 : i32
    %scan3A_4 = arith.constant 20 : i32
    %scan3A_5 = arith.addi %scan3A_3, %scan3A_4 : i32
    %scan3A_6 = arith.constant 1 : i32
    scf.for %scan3A_8 = %scan3A_3 to %scan3A_5 step %scan3A_6  : i32 {
      %add3A_9 = arith.constant 0 : i32
      %add3A_10 = arith.addi %mul3A_2, %add3A_9 : i32
      "tpu.region"() ({
        %run_scoped3A = tpu.sem_alloc : memref<!tpu.dma_semaphore, #tpu.memory_space<semaphore_mem>>
        %dma_start3A_39 = tpu.memref_slice %arg3[%scan3A_8, %add3A_10] : memref<20x16384xi32, #tpu.memory_space<hbm>> -> memref<1x128xi32, #tpu.memory_space<hbm>>
        %dma_start3A_40 = tpu.memref_squeeze %dma_start3A_39 : memref<1x128xi32, #tpu.memory_space<hbm>> -> memref<128xi32, #tpu.memory_space<hbm>>
        %dma_start3A_41 = tpu.memref_slice %arg3[%scan3A_8, %add3A_10] : memref<20x16384xi32, #tpu.memory_space<hbm>> -> memref<1x128xi32, #tpu.memory_space<hbm>>
        %dma_start3A_42 = tpu.memref_squeeze %dma_start3A_41 : memref<1x128xi32, #tpu.memory_space<hbm>> -> memref<128xi32, #tpu.memory_space<hbm>>
        tpu.enqueue_dma source(%dma_start3A_42 : memref<128xi32, #tpu.memory_space<hbm>>) target(%arg5 : memref<128xi32, #tpu.memory_space<vmem>>) target_semaphore(%run_scoped3A : memref<!tpu.dma_semaphore, #tpu.memory_space<semaphore_mem>>)
        %dma_wait3A_43 = tpu.memref_slice %arg3[%scan3A_8, %add3A_10] : memref<20x16384xi32, #tpu.memory_space<hbm>> -> memref<1x128xi32, #tpu.memory_space<hbm>>
        %dma_wait3A_44 = tpu.memref_squeeze %dma_wait3A_43 : memref<1x128xi32, #tpu.memory_space<hbm>> -> memref<128xi32, #tpu.memory_space<hbm>>
        %dma_wait3A_45 = tpu.memref_slice %arg3[%scan3A_8, %add3A_10] : memref<20x16384xi32, #tpu.memory_space<hbm>> -> memref<1x128xi32, #tpu.memory_space<hbm>>
        %dma_wait3A_46 = tpu.memref_squeeze %dma_wait3A_45 : memref<1x128xi32, #tpu.memory_space<hbm>> -> memref<128xi32, #tpu.memory_space<hbm>>
        tpu.wait_dma2 semaphore(%run_scoped3A : memref<!tpu.dma_semaphore, #tpu.memory_space<semaphore_mem>>) src(%dma_wait3A_46 : memref<128xi32, #tpu.memory_space<hbm>>) dst(%arg5 : memref<128xi32, #tpu.memory_space<vmem>>)
        tpu.yield
      }) : () -> ()
      %dma_start3A = arith.constant 0 : i32
      %dma_start3A_11 = arith.constant 0 : i32
      %dma_start3A_12 = tpu.memref_slice %arg2[%dma_start3A, %dma_start3A_11] : memref<16384x128xf32, #tpu.memory_space<hbm>> -> memref<16384x128xf32, #tpu.memory_space<hbm>>
      tpu.enqueue_indirect_dma source(%dma_start3A_12 : memref<16384x128xf32, #tpu.memory_space<hbm>>) target(%arg6 : memref<128x128xf32, #tpu.memory_space<vmem>>) offsets(%arg5 : memref<128xi32, #tpu.memory_space<vmem>>) semaphore(%arg7 : memref<!tpu.dma_semaphore, #tpu.memory_space<semaphore_mem>>)
      %dma_wait3A = arith.constant 0 : i32
      %dma_wait3A_13 = arith.constant 0 : i32
      %dma_wait3A_14 = tpu.memref_slice %arg2[%dma_wait3A, %dma_wait3A_13] : memref<16384x128xf32, #tpu.memory_space<hbm>> -> memref<16384x128xf32, #tpu.memory_space<hbm>>
      tpu.wait_indirect_dma semaphore(%arg7 : memref<!tpu.dma_semaphore, #tpu.memory_space<semaphore_mem>>) src(%dma_wait3A_14 : memref<16384x128xf32, #tpu.memory_space<hbm>>) dst(%arg6 : memref<128x128xf32, #tpu.memory_space<vmem>>)
      "tpu.region"() ({
        %run_scoped3A = tpu.sem_alloc : memref<!tpu.dma_semaphore, #tpu.memory_space<semaphore_mem>>
        %dma_start3A_39 = arith.constant 0 : i32
        %dma_start3A_40 = tpu.memref_slice %arg4[%scan3A_8, %add3A_10, %dma_start3A_39] : memref<20x16384x128xf32, #tpu.memory_space<hbm>> -> memref<1x128x128xf32, #tpu.memory_space<hbm>>
        %dma_start3A_41 = tpu.memref_squeeze %dma_start3A_40 : memref<1x128x128xf32, #tpu.memory_space<hbm>> -> memref<128x128xf32, #tpu.memory_space<hbm>>
        %dma_start3A_42 = arith.constant 0 : i32
        %dma_start3A_43 = tpu.memref_slice %arg4[%scan3A_8, %add3A_10, %dma_start3A_42] : memref<20x16384x128xf32, #tpu.memory_space<hbm>> -> memref<1x128x128xf32, #tpu.memory_space<hbm>>
        %dma_start3A_44 = tpu.memref_squeeze %dma_start3A_43 : memref<1x128x128xf32, #tpu.memory_space<hbm>> -> memref<128x128xf32, #tpu.memory_space<hbm>>
        tpu.enqueue_dma source(%arg6 : memref<128x128xf32, #tpu.memory_space<vmem>>) target(%dma_start3A_44 : memref<128x128xf32, #tpu.memory_space<hbm>>) target_semaphore(%run_scoped3A : memref<!tpu.dma_semaphore, #tpu.memory_space<semaphore_mem>>)
        %dma_wait3A_45 = arith.constant 0 : i32
        %dma_wait3A_46 = tpu.memref_slice %arg4[%scan3A_8, %add3A_10, %dma_wait3A_45] : memref<20x16384x128xf32, #tpu.memory_space<hbm>> -> memref<1x128x128xf32, #tpu.memory_space<hbm>>
        %dma_wait3A_47 = tpu.memref_squeeze %dma_wait3A_46 : memref<1x128x128xf32, #tpu.memory_space<hbm>> -> memref<128x128xf32, #tpu.memory_space<hbm>>
        %dma_wait3A_48 = arith.constant 0 : i32
        %dma_wait3A_49 = tpu.memref_slice %arg4[%scan3A_8, %add3A_10, %dma_wait3A_48] : memref<20x16384x128xf32, #tpu.memory_space<hbm>> -> memref<1x128x128xf32, #tpu.memory_space<hbm>>
        %dma_wait3A_50 = tpu.memref_squeeze %dma_wait3A_49 : memref<1x128x128xf32, #tpu.memory_space<hbm>> -> memref<128x128xf32, #tpu.memory_space<hbm>>
        tpu.wait_dma2 semaphore(%run_scoped3A : memref<!tpu.dma_semaphore, #tpu.memory_space<semaphore_mem>>) src(%arg6 : memref<128x128xf32, #tpu.memory_space<vmem>>) dst(%dma_wait3A_50 : memref<128x128xf32, #tpu.memory_space<hbm>>)
        tpu.yield
      }) : () -> ()
      %add3A_15 = arith.constant 128 : i32
      %add3A_16 = arith.addi %mul3A_2, %add3A_15 : i32
      "tpu.region"() ({
        %run_scoped3A = tpu.sem_alloc : memref<!tpu.dma_semaphore, #tpu.memory_space<semaphore_mem>>
        %dma_start3A_39 = tpu.memref_slice %arg3[%scan3A_8, %add3A_16] : memref<20x16384xi32, #tpu.memory_space<hbm>> -> memref<1x128xi32, #tpu.memory_space<hbm>>
        %dma_start3A_40 = tpu.memref_squeeze %dma_start3A_39 : memref<1x128xi32, #tpu.memory_space<hbm>> -> memref<128xi32, #tpu.memory_space<hbm>>
        %dma_start3A_41 = tpu.memref_slice %arg3[%scan3A_8, %add3A_16] : memref<20x16384xi32, #tpu.memory_space<hbm>> -> memref<1x128xi32, #tpu.memory_space<hbm>>
        %dma_start3A_42 = tpu.memref_squeeze %dma_start3A_41 : memref<1x128xi32, #tpu.memory_space<hbm>> -> memref<128xi32, #tpu.memory_space<hbm>>
        tpu.enqueue_dma source(%dma_start3A_42 : memref<128xi32, #tpu.memory_space<hbm>>) target(%arg5 : memref<128xi32, #tpu.memory_space<vmem>>) target_semaphore(%run_scoped3A : memref<!tpu.dma_semaphore, #tpu.memory_space<semaphore_mem>>)
        %dma_wait3A_43 = tpu.memref_slice %arg3[%scan3A_8, %add3A_16] : memref<20x16384xi32, #tpu.memory_space<hbm>> -> memref<1x128xi32, #tpu.memory_space<hbm>>
        %dma_wait3A_44 = tpu.memref_squeeze %dma_wait3A_43 : memref<1x128xi32, #tpu.memory_space<hbm>> -> memref<128xi32, #tpu.memory_space<hbm>>
        %dma_wait3A_45 = tpu.memref_slice %arg3[%scan3A_8, %add3A_16] : memref<20x16384xi32, #tpu.memory_space<hbm>> -> memref<1x128xi32, #tpu.memory_space<hbm>>
        %dma_wait3A_46 = tpu.memref_squeeze %dma_wait3A_45 : memref<1x128xi32, #tpu.memory_space<hbm>> -> memref<128xi32, #tpu.memory_space<hbm>>
        tpu.wait_dma2 semaphore(%run_scoped3A : memref<!tpu.dma_semaphore, #tpu.memory_space<semaphore_mem>>) src(%dma_wait3A_46 : memref<128xi32, #tpu.memory_space<hbm>>) dst(%arg5 : memref<128xi32, #tpu.memory_space<vmem>>)
        tpu.yield
      }) : () -> ()
      %dma_start3A_17 = arith.constant 0 : i32
      %dma_start3A_18 = arith.constant 0 : i32
      %dma_start3A_19 = tpu.memref_slice %arg2[%dma_start3A_17, %dma_start3A_18] : memref<16384x128xf32, #tpu.memory_space<hbm>> -> memref<16384x128xf32, #tpu.memory_space<hbm>>
      tpu.enqueue_indirect_dma source(%dma_start3A_19 : memref<16384x128xf32, #tpu.memory_space<hbm>>) target(%arg6 : memref<128x128xf32, #tpu.memory_space<vmem>>) offsets(%arg5 : memref<128xi32, #tpu.memory_space<vmem>>) semaphore(%arg7 : memref<!tpu.dma_semaphore, #tpu.memory_space<semaphore_mem>>)
      %dma_wait3A_20 = arith.constant 0 : i32
      %dma_wait3A_21 = arith.constant 0 : i32
      %dma_wait3A_22 = tpu.memref_slice %arg2[%dma_wait3A_20, %dma_wait3A_21] : memref<16384x128xf32, #tpu.memory_space<hbm>> -> memref<16384x128xf32, #tpu.memory_space<hbm>>
      tpu.wait_indirect_dma semaphore(%arg7 : memref<!tpu.dma_semaphore, #tpu.memory_space<semaphore_mem>>) src(%dma_wait3A_22 : memref<16384x128xf32, #tpu.memory_space<hbm>>) dst(%arg6 : memref<128x128xf32, #tpu.memory_space<vmem>>)
      "tpu.region"() ({
        %run_scoped3A = tpu.sem_alloc : memref<!tpu.dma_semaphore, #tpu.memory_space<semaphore_mem>>
        %dma_start3A_39 = arith.constant 0 : i32
        %dma_start3A_40 = tpu.memref_slice %arg4[%scan3A_8, %add3A_16, %dma_start3A_39] : memref<20x16384x128xf32, #tpu.memory_space<hbm>> -> memref<1x128x128xf32, #tpu.memory_space<hbm>>
        %dma_start3A_41 = tpu.memref_squeeze %dma_start3A_40 : memref<1x128x128xf32, #tpu.memory_space<hbm>> -> memref<128x128xf32, #tpu.memory_space<hbm>>
        %dma_start3A_42 = arith.constant 0 : i32
        %dma_start3A_43 = tpu.memref_slice %arg4[%scan3A_8, %add3A_16, %dma_start3A_42] : memref<20x16384x128xf32, #tpu.memory_space<hbm>> -> memref<1x128x128xf32, #tpu.memory_space<hbm>>
        %dma_start3A_44 = tpu.memref_squeeze %dma_start3A_43 : memref<1x128x128xf32, #tpu.memory_space<hbm>> -> memref<128x128xf32, #tpu.memory_space<hbm>>
        tpu.enqueue_dma source(%arg6 : memref<128x128xf32, #tpu.memory_space<vmem>>) target(%dma_start3A_44 : memref<128x128xf32, #tpu.memory_space<hbm>>) target_semaphore(%run_scoped3A : memref<!tpu.dma_semaphore, #tpu.memory_space<semaphore_mem>>)
        %dma_wait3A_45 = arith.constant 0 : i32
        %dma_wait3A_46 = tpu.memref_slice %arg4[%scan3A_8, %add3A_16, %dma_wait3A_45] : memref<20x16384x128xf32, #tpu.memory_space<hbm>> -> memref<1x128x128xf32, #tpu.memory_space<hbm>>
        %dma_wait3A_47 = tpu.memref_squeeze %dma_wait3A_46 : memref<1x128x128xf32, #tpu.memory_space<hbm>> -> memref<128x128xf32, #tpu.memory_space<hbm>>
        %dma_wait3A_48 = arith.constant 0 : i32
        %dma_wait3A_49 = tpu.memref_slice %arg4[%scan3A_8, %add3A_16, %dma_wait3A_48] : memref<20x16384x128xf32, #tpu.memory_space<hbm>> -> memref<1x128x128xf32, #tpu.memory_space<hbm>>
        %dma_wait3A_50 = tpu.memref_squeeze %dma_wait3A_49 : memref<1x128x128xf32, #tpu.memory_space<hbm>> -> memref<128x128xf32, #tpu.memory_space<hbm>>
        tpu.wait_dma2 semaphore(%run_scoped3A : memref<!tpu.dma_semaphore, #tpu.memory_space<semaphore_mem>>) src(%arg6 : memref<128x128xf32, #tpu.memory_space<vmem>>) dst(%dma_wait3A_50 : memref<128x128xf32, #tpu.memory_space<hbm>>)
        tpu.yield
      }) : () -> ()
      %add3A_23 = arith.constant 256 : i32
      %add3A_24 = arith.addi %mul3A_2, %add3A_23 : i32
      "tpu.region"() ({
        %run_scoped3A = tpu.sem_alloc : memref<!tpu.dma_semaphore, #tpu.memory_space<semaphore_mem>>
        %dma_start3A_39 = tpu.memref_slice %arg3[%scan3A_8, %add3A_24] : memref<20x16384xi32, #tpu.memory_space<hbm>> -> memref<1x128xi32, #tpu.memory_space<hbm>>
        %dma_start3A_40 = tpu.memref_squeeze %dma_start3A_39 : memref<1x128xi32, #tpu.memory_space<hbm>> -> memref<128xi32, #tpu.memory_space<hbm>>
        %dma_start3A_41 = tpu.memref_slice %arg3[%scan3A_8, %add3A_24] : memref<20x16384xi32, #tpu.memory_space<hbm>> -> memref<1x128xi32, #tpu.memory_space<hbm>>
        %dma_start3A_42 = tpu.memref_squeeze %dma_start3A_41 : memref<1x128xi32, #tpu.memory_space<hbm>> -> memref<128xi32, #tpu.memory_space<hbm>>
        tpu.enqueue_dma source(%dma_start3A_42 : memref<128xi32, #tpu.memory_space<hbm>>) target(%arg5 : memref<128xi32, #tpu.memory_space<vmem>>) target_semaphore(%run_scoped3A : memref<!tpu.dma_semaphore, #tpu.memory_space<semaphore_mem>>)
        %dma_wait3A_43 = tpu.memref_slice %arg3[%scan3A_8, %add3A_24] : memref<20x16384xi32, #tpu.memory_space<hbm>> -> memref<1x128xi32, #tpu.memory_space<hbm>>
        %dma_wait3A_44 = tpu.memref_squeeze %dma_wait3A_43 : memref<1x128xi32, #tpu.memory_space<hbm>> -> memref<128xi32, #tpu.memory_space<hbm>>
        %dma_wait3A_45 = tpu.memref_slice %arg3[%scan3A_8, %add3A_24] : memref<20x16384xi32, #tpu.memory_space<hbm>> -> memref<1x128xi32, #tpu.memory_space<hbm>>
        %dma_wait3A_46 = tpu.memref_squeeze %dma_wait3A_45 : memref<1x128xi32, #tpu.memory_space<hbm>> -> memref<128xi32, #tpu.memory_space<hbm>>
        tpu.wait_dma2 semaphore(%run_scoped3A : memref<!tpu.dma_semaphore, #tpu.memory_space<semaphore_mem>>) src(%dma_wait3A_46 : memref<128xi32, #tpu.memory_space<hbm>>) dst(%arg5 : memref<128xi32, #tpu.memory_space<vmem>>)
        tpu.yield
      }) : () -> ()
      %dma_start3A_25 = arith.constant 0 : i32
      %dma_start3A_26 = arith.constant 0 : i32
      %dma_start3A_27 = tpu.memref_slice %arg2[%dma_start3A_25, %dma_start3A_26] : memref<16384x128xf32, #tpu.memory_space<hbm>> -> memref<16384x128xf32, #tpu.memory_space<hbm>>
      tpu.enqueue_indirect_dma source(%dma_start3A_27 : memref<16384x128xf32, #tpu.memory_space<hbm>>) target(%arg6 : memref<128x128xf32, #tpu.memory_space<vmem>>) offsets(%arg5 : memref<128xi32, #tpu.memory_space<vmem>>) semaphore(%arg7 : memref<!tpu.dma_semaphore, #tpu.memory_space<semaphore_mem>>)
      %dma_wait3A_28 = arith.constant 0 : i32
      %dma_wait3A_29 = arith.constant 0 : i32
      %dma_wait3A_30 = tpu.memref_slice %arg2[%dma_wait3A_28, %dma_wait3A_29] : memref<16384x128xf32, #tpu.memory_space<hbm>> -> memref<16384x128xf32, #tpu.memory_space<hbm>>
      tpu.wait_indirect_dma semaphore(%arg7 : memref<!tpu.dma_semaphore, #tpu.memory_space<semaphore_mem>>) src(%dma_wait3A_30 : memref<16384x128xf32, #tpu.memory_space<hbm>>) dst(%arg6 : memref<128x128xf32, #tpu.memory_space<vmem>>)
      "tpu.region"() ({
        %run_scoped3A = tpu.sem_alloc : memref<!tpu.dma_semaphore, #tpu.memory_space<semaphore_mem>>
        %dma_start3A_39 = arith.constant 0 : i32
        %dma_start3A_40 = tpu.memref_slice %arg4[%scan3A_8, %add3A_24, %dma_start3A_39] : memref<20x16384x128xf32, #tpu.memory_space<hbm>> -> memref<1x128x128xf32, #tpu.memory_space<hbm>>
        %dma_start3A_41 = tpu.memref_squeeze %dma_start3A_40 : memref<1x128x128xf32, #tpu.memory_space<hbm>> -> memref<128x128xf32, #tpu.memory_space<hbm>>
        %dma_start3A_42 = arith.constant 0 : i32
        %dma_start3A_43 = tpu.memref_slice %arg4[%scan3A_8, %add3A_24, %dma_start3A_42] : memref<20x16384x128xf32, #tpu.memory_space<hbm>> -> memref<1x128x128xf32, #tpu.memory_space<hbm>>
        %dma_start3A_44 = tpu.memref_squeeze %dma_start3A_43 : memref<1x128x128xf32, #tpu.memory_space<hbm>> -> memref<128x128xf32, #tpu.memory_space<hbm>>
        tpu.enqueue_dma source(%arg6 : memref<128x128xf32, #tpu.memory_space<vmem>>) target(%dma_start3A_44 : memref<128x128xf32, #tpu.memory_space<hbm>>) target_semaphore(%run_scoped3A : memref<!tpu.dma_semaphore, #tpu.memory_space<semaphore_mem>>)
        %dma_wait3A_45 = arith.constant 0 : i32
        %dma_wait3A_46 = tpu.memref_slice %arg4[%scan3A_8, %add3A_24, %dma_wait3A_45] : memref<20x16384x128xf32, #tpu.memory_space<hbm>> -> memref<1x128x128xf32, #tpu.memory_space<hbm>>
        %dma_wait3A_47 = tpu.memref_squeeze %dma_wait3A_46 : memref<1x128x128xf32, #tpu.memory_space<hbm>> -> memref<128x128xf32, #tpu.memory_space<hbm>>
        %dma_wait3A_48 = arith.constant 0 : i32
        %dma_wait3A_49 = tpu.memref_slice %arg4[%scan3A_8, %add3A_24, %dma_wait3A_48] : memref<20x16384x128xf32, #tpu.memory_space<hbm>> -> memref<1x128x128xf32, #tpu.memory_space<hbm>>
        %dma_wait3A_50 = tpu.memref_squeeze %dma_wait3A_49 : memref<1x128x128xf32, #tpu.memory_space<hbm>> -> memref<128x128xf32, #tpu.memory_space<hbm>>
        tpu.wait_dma2 semaphore(%run_scoped3A : memref<!tpu.dma_semaphore, #tpu.memory_space<semaphore_mem>>) src(%arg6 : memref<128x128xf32, #tpu.memory_space<vmem>>) dst(%dma_wait3A_50 : memref<128x128xf32, #tpu.memory_space<hbm>>)
        tpu.yield
      }) : () -> ()
      %add3A_31 = arith.constant 384 : i32
      %add3A_32 = arith.addi %mul3A_2, %add3A_31 : i32
      "tpu.region"() ({
        %run_scoped3A = tpu.sem_alloc : memref<!tpu.dma_semaphore, #tpu.memory_space<semaphore_mem>>
        %dma_start3A_39 = tpu.memref_slice %arg3[%scan3A_8, %add3A_32] : memref<20x16384xi32, #tpu.memory_space<hbm>> -> memref<1x128xi32, #tpu.memory_space<hbm>>
        %dma_start3A_40 = tpu.memref_squeeze %dma_start3A_39 : memref<1x128xi32, #tpu.memory_space<hbm>> -> memref<128xi32, #tpu.memory_space<hbm>>
        %dma_start3A_41 = tpu.memref_slice %arg3[%scan3A_8, %add3A_32] : memref<20x16384xi32, #tpu.memory_space<hbm>> -> memref<1x128xi32, #tpu.memory_space<hbm>>
        %dma_start3A_42 = tpu.memref_squeeze %dma_start3A_41 : memref<1x128xi32, #tpu.memory_space<hbm>> -> memref<128xi32, #tpu.memory_space<hbm>>
        tpu.enqueue_dma source(%dma_start3A_42 : memref<128xi32, #tpu.memory_space<hbm>>) target(%arg5 : memref<128xi32, #tpu.memory_space<vmem>>) target_semaphore(%run_scoped3A : memref<!tpu.dma_semaphore, #tpu.memory_space<semaphore_mem>>)
        %dma_wait3A_43 = tpu.memref_slice %arg3[%scan3A_8, %add3A_32] : memref<20x16384xi32, #tpu.memory_space<hbm>> -> memref<1x128xi32, #tpu.memory_space<hbm>>
        %dma_wait3A_44 = tpu.memref_squeeze %dma_wait3A_43 : memref<1x128xi32, #tpu.memory_space<hbm>> -> memref<128xi32, #tpu.memory_space<hbm>>
        %dma_wait3A_45 = tpu.memref_slice %arg3[%scan3A_8, %add3A_32] : memref<20x16384xi32, #tpu.memory_space<hbm>> -> memref<1x128xi32, #tpu.memory_space<hbm>>
        %dma_wait3A_46 = tpu.memref_squeeze %dma_wait3A_45 : memref<1x128xi32, #tpu.memory_space<hbm>> -> memref<128xi32, #tpu.memory_space<hbm>>
        tpu.wait_dma2 semaphore(%run_scoped3A : memref<!tpu.dma_semaphore, #tpu.memory_space<semaphore_mem>>) src(%dma_wait3A_46 : memref<128xi32, #tpu.memory_space<hbm>>) dst(%arg5 : memref<128xi32, #tpu.memory_space<vmem>>)
        tpu.yield
      }) : () -> ()
      %dma_start3A_33 = arith.constant 0 : i32
      %dma_start3A_34 = arith.constant 0 : i32
      %dma_start3A_35 = tpu.memref_slice %arg2[%dma_start3A_33, %dma_start3A_34] : memref<16384x128xf32, #tpu.memory_space<hbm>> -> memref<16384x128xf32, #tpu.memory_space<hbm>>
      tpu.enqueue_indirect_dma source(%dma_start3A_35 : memref<16384x128xf32, #tpu.memory_space<hbm>>) target(%arg6 : memref<128x128xf32, #tpu.memory_space<vmem>>) offsets(%arg5 : memref<128xi32, #tpu.memory_space<vmem>>) semaphore(%arg7 : memref<!tpu.dma_semaphore, #tpu.memory_space<semaphore_mem>>)
      %dma_wait3A_36 = arith.constant 0 : i32
      %dma_wait3A_37 = arith.constant 0 : i32
      %dma_wait3A_38 = tpu.memref_slice %arg2[%dma_wait3A_36, %dma_wait3A_37] : memref<16384x128xf32, #tpu.memory_space<hbm>> -> memref<16384x128xf32, #tpu.memory_space<hbm>>
      tpu.wait_indirect_dma semaphore(%arg7 : memref<!tpu.dma_semaphore, #tpu.memory_space<semaphore_mem>>) src(%dma_wait3A_38 : memref<16384x128xf32, #tpu.memory_space<hbm>>) dst(%arg6 : memref<128x128xf32, #tpu.memory_space<vmem>>)
      "tpu.region"() ({
        %run_scoped3A = tpu.sem_alloc : memref<!tpu.dma_semaphore, #tpu.memory_space<semaphore_mem>>
        %dma_start3A_39 = arith.constant 0 : i32
        %dma_start3A_40 = tpu.memref_slice %arg4[%scan3A_8, %add3A_32, %dma_start3A_39] : memref<20x16384x128xf32, #tpu.memory_space<hbm>> -> memref<1x128x128xf32, #tpu.memory_space<hbm>>
        %dma_start3A_41 = tpu.memref_squeeze %dma_start3A_40 : memref<1x128x128xf32, #tpu.memory_space<hbm>> -> memref<128x128xf32, #tpu.memory_space<hbm>>
        %dma_start3A_42 = arith.constant 0 : i32
        %dma_start3A_43 = tpu.memref_slice %arg4[%scan3A_8, %add3A_32, %dma_start3A_42] : memref<20x16384x128xf32, #tpu.memory_space<hbm>> -> memref<1x128x128xf32, #tpu.memory_space<hbm>>
        %dma_start3A_44 = tpu.memref_squeeze %dma_start3A_43 : memref<1x128x128xf32, #tpu.memory_space<hbm>> -> memref<128x128xf32, #tpu.memory_space<hbm>>
        tpu.enqueue_dma source(%arg6 : memref<128x128xf32, #tpu.memory_space<vmem>>) target(%dma_start3A_44 : memref<128x128xf32, #tpu.memory_space<hbm>>) target_semaphore(%run_scoped3A : memref<!tpu.dma_semaphore, #tpu.memory_space<semaphore_mem>>)
        %dma_wait3A_45 = arith.constant 0 : i32
        %dma_wait3A_46 = tpu.memref_slice %arg4[%scan3A_8, %add3A_32, %dma_wait3A_45] : memref<20x16384x128xf32, #tpu.memory_space<hbm>> -> memref<1x128x128xf32, #tpu.memory_space<hbm>>
        %dma_wait3A_47 = tpu.memref_squeeze %dma_wait3A_46 : memref<1x128x128xf32, #tpu.memory_space<hbm>> -> memref<128x128xf32, #tpu.memory_space<hbm>>
        %dma_wait3A_48 = arith.constant 0 : i32
        %dma_wait3A_49 = tpu.memref_slice %arg4[%scan3A_8, %add3A_32, %dma_wait3A_48] : memref<20x16384x128xf32, #tpu.memory_space<hbm>> -> memref<1x128x128xf32, #tpu.memory_space<hbm>>
        %dma_wait3A_50 = tpu.memref_squeeze %dma_wait3A_49 : memref<1x128x128xf32, #tpu.memory_space<hbm>> -> memref<128x128xf32, #tpu.memory_space<hbm>>
        tpu.wait_dma2 semaphore(%run_scoped3A : memref<!tpu.dma_semaphore, #tpu.memory_space<semaphore_mem>>) src(%arg6 : memref<128x128xf32, #tpu.memory_space<vmem>>) dst(%dma_wait3A_50 : memref<128x128xf32, #tpu.memory_space<hbm>>)
        tpu.yield
      }) : () -> ()
    }
    %scan3A_7 = arith.constant 20 : i32
    return
  }
}

#map = affine_map<(d0, d1) -> (0, 0)>
#map1 = affine_map<(d0, d1) -> (0, 0, 0)>
module attributes {stable_mosaic.version = 14 : i64} {
  func.func @_sc_gather_body(%arg0: i32, %arg1: i32, %arg2: memref<16384x128xf32, #tpu.memory_space<hbm>>, %arg3: memref<20x16384xi32, #tpu.memory_space<hbm>>, %arg4: memref<20x16384x128xf32, #tpu.memory_space<hbm>>, %arg5: memref<128xi32, #tpu.memory_space<vmem>>, %arg6: memref<128x128xf32, #tpu.memory_space<vmem>>, %arg7: memref<!tpu.dma_semaphore, #tpu.memory_space<semaphore_mem>>) attributes {dimension_semantics = [#tpu.dimension_semantics<core_parallel>, #tpu.dimension_semantics<subcore_parallel>], iteration_bounds = array<i64: 2, 16>, scalar_prefetch = 0 : i64, scratch_operands = 3 : i64, tpu.core_type = #tpu.core_type<sc_vector_subcore>, window_params = [{transform_indices = #map}, {transform_indices = #map}, {transform_indices = #map1}]} {
    %mul3A = arith.constant 2 : i32
    %mul3A_0 = arith.muli %arg1, %mul3A : i32
    %add3A = arith.addi %mul3A_0, %arg0 : i32
    %mul3A_1 = arith.constant 512 : i32
    %mul3A_2 = arith.muli %add3A, %mul3A_1 : i32
    %scan3A = arith.constant 0 : i32
    %scan3A_3 = arith.constant 0 : i32
    %scan3A_4 = arith.constant 20 : i32
    %scan3A_5 = arith.addi %scan3A_3, %scan3A_4 : i32
    %scan3A_6 = arith.constant 1 : i32
    scf.for %scan3A_8 = %scan3A_3 to %scan3A_5 step %scan3A_6  : i32 {
      %add3A_9 = arith.constant 0 : i32
      %add3A_10 = arith.addi %mul3A_2, %add3A_9 : i32
      "tpu.region"() ({
        %run_scoped3A = tpu.sem_alloc : memref<!tpu.dma_semaphore, #tpu.memory_space<semaphore_mem>>
        %dma_start3A_39 = tpu.memref_slice %arg3[%scan3A_8, %add3A_10] : memref<20x16384xi32, #tpu.memory_space<hbm>> -> memref<1x128xi32, #tpu.memory_space<hbm>>
        %dma_start3A_40 = tpu.memref_squeeze %dma_start3A_39 : memref<1x128xi32, #tpu.memory_space<hbm>> -> memref<128xi32, #tpu.memory_space<hbm>>
        %dma_start3A_41 = tpu.memref_slice %arg3[%scan3A_8, %add3A_10] : memref<20x16384xi32, #tpu.memory_space<hbm>> -> memref<1x128xi32, #tpu.memory_space<hbm>>
        %dma_start3A_42 = tpu.memref_squeeze %dma_start3A_41 : memref<1x128xi32, #tpu.memory_space<hbm>> -> memref<128xi32, #tpu.memory_space<hbm>>
        tpu.enqueue_dma source(%dma_start3A_42 : memref<128xi32, #tpu.memory_space<hbm>>) target(%arg5 : memref<128xi32, #tpu.memory_space<vmem>>) target_semaphore(%run_scoped3A : memref<!tpu.dma_semaphore, #tpu.memory_space<semaphore_mem>>)
        %dma_wait3A_43 = tpu.memref_slice %arg3[%scan3A_8, %add3A_10] : memref<20x16384xi32, #tpu.memory_space<hbm>> -> memref<1x128xi32, #tpu.memory_space<hbm>>
        %dma_wait3A_44 = tpu.memref_squeeze %dma_wait3A_43 : memref<1x128xi32, #tpu.memory_space<hbm>> -> memref<128xi32, #tpu.memory_space<hbm>>
        %dma_wait3A_45 = tpu.memref_slice %arg3[%scan3A_8, %add3A_10] : memref<20x16384xi32, #tpu.memory_space<hbm>> -> memref<1x128xi32, #tpu.memory_space<hbm>>
        %dma_wait3A_46 = tpu.memref_squeeze %dma_wait3A_45 : memref<1x128xi32, #tpu.memory_space<hbm>> -> memref<128xi32, #tpu.memory_space<hbm>>
        tpu.wait_dma2 semaphore(%run_scoped3A : memref<!tpu.dma_semaphore, #tpu.memory_space<semaphore_mem>>) src(%dma_wait3A_46 : memref<128xi32, #tpu.memory_space<hbm>>) dst(%arg5 : memref<128xi32, #tpu.memory_space<vmem>>)
        tpu.yield
      }) : () -> ()
      %dma_start3A = arith.constant 0 : i32
      %dma_start3A_11 = arith.constant 0 : i32
      %dma_start3A_12 = tpu.memref_slice %arg2[%dma_start3A, %dma_start3A_11] : memref<16384x128xf32, #tpu.memory_space<hbm>> -> memref<16384x128xf32, #tpu.memory_space<hbm>>
      tpu.enqueue_indirect_dma source(%dma_start3A_12 : memref<16384x128xf32, #tpu.memory_space<hbm>>) target(%arg6 : memref<128x128xf32, #tpu.memory_space<vmem>>) offsets(%arg5 : memref<128xi32, #tpu.memory_space<vmem>>) semaphore(%arg7 : memref<!tpu.dma_semaphore, #tpu.memory_space<semaphore_mem>>)
      %dma_wait3A = arith.constant 0 : i32
      %dma_wait3A_13 = arith.constant 0 : i32
      %dma_wait3A_14 = tpu.memref_slice %arg2[%dma_wait3A, %dma_wait3A_13] : memref<16384x128xf32, #tpu.memory_space<hbm>> -> memref<16384x128xf32, #tpu.memory_space<hbm>>
      tpu.wait_indirect_dma semaphore(%arg7 : memref<!tpu.dma_semaphore, #tpu.memory_space<semaphore_mem>>) src(%dma_wait3A_14 : memref<16384x128xf32, #tpu.memory_space<hbm>>) dst(%arg6 : memref<128x128xf32, #tpu.memory_space<vmem>>)
      "tpu.region"() ({
        %run_scoped3A = tpu.sem_alloc : memref<!tpu.dma_semaphore, #tpu.memory_space<semaphore_mem>>
        %dma_start3A_39 = arith.constant 0 : i32
        %dma_start3A_40 = tpu.memref_slice %arg4[%scan3A_8, %add3A_10, %dma_start3A_39] : memref<20x16384x128xf32, #tpu.memory_space<hbm>> -> memref<1x128x128xf32, #tpu.memory_space<hbm>>
        %dma_start3A_41 = tpu.memref_squeeze %dma_start3A_40 : memref<1x128x128xf32, #tpu.memory_space<hbm>> -> memref<128x128xf32, #tpu.memory_space<hbm>>
        %dma_start3A_42 = arith.constant 0 : i32
        %dma_start3A_43 = tpu.memref_slice %arg4[%scan3A_8, %add3A_10, %dma_start3A_42] : memref<20x16384x128xf32, #tpu.memory_space<hbm>> -> memref<1x128x128xf32, #tpu.memory_space<hbm>>
        %dma_start3A_44 = tpu.memref_squeeze %dma_start3A_43 : memref<1x128x128xf32, #tpu.memory_space<hbm>> -> memref<128x128xf32, #tpu.memory_space<hbm>>
        tpu.enqueue_dma source(%arg6 : memref<128x128xf32, #tpu.memory_space<vmem>>) target(%dma_start3A_44 : memref<128x128xf32, #tpu.memory_space<hbm>>) target_semaphore(%run_scoped3A : memref<!tpu.dma_semaphore, #tpu.memory_space<semaphore_mem>>)
        %dma_wait3A_45 = arith.constant 0 : i32
        %dma_wait3A_46 = tpu.memref_slice %arg4[%scan3A_8, %add3A_10, %dma_wait3A_45] : memref<20x16384x128xf32, #tpu.memory_space<hbm>> -> memref<1x128x128xf32, #tpu.memory_space<hbm>>
        %dma_wait3A_47 = tpu.memref_squeeze %dma_wait3A_46 : memref<1x128x128xf32, #tpu.memory_space<hbm>> -> memref<128x128xf32, #tpu.memory_space<hbm>>
        %dma_wait3A_48 = arith.constant 0 : i32
        %dma_wait3A_49 = tpu.memref_slice %arg4[%scan3A_8, %add3A_10, %dma_wait3A_48] : memref<20x16384x128xf32, #tpu.memory_space<hbm>> -> memref<1x128x128xf32, #tpu.memory_space<hbm>>
        %dma_wait3A_50 = tpu.memref_squeeze %dma_wait3A_49 : memref<1x128x128xf32, #tpu.memory_space<hbm>> -> memref<128x128xf32, #tpu.memory_space<hbm>>
        tpu.wait_dma2 semaphore(%run_scoped3A : memref<!tpu.dma_semaphore, #tpu.memory_space<semaphore_mem>>) src(%arg6 : memref<128x128xf32, #tpu.memory_space<vmem>>) dst(%dma_wait3A_50 : memref<128x128xf32, #tpu.memory_space<hbm>>)
        tpu.yield
      }) : () -> ()
      %add3A_15 = arith.constant 128 : i32
      %add3A_16 = arith.addi %mul3A_2, %add3A_15 : i32
      "tpu.region"() ({
        %run_scoped3A = tpu.sem_alloc : memref<!tpu.dma_semaphore, #tpu.memory_space<semaphore_mem>>
        %dma_start3A_39 = tpu.memref_slice %arg3[%scan3A_8, %add3A_16] : memref<20x16384xi32, #tpu.memory_space<hbm>> -> memref<1x128xi32, #tpu.memory_space<hbm>>
        %dma_start3A_40 = tpu.memref_squeeze %dma_start3A_39 : memref<1x128xi32, #tpu.memory_space<hbm>> -> memref<128xi32, #tpu.memory_space<hbm>>
        %dma_start3A_41 = tpu.memref_slice %arg3[%scan3A_8, %add3A_16] : memref<20x16384xi32, #tpu.memory_space<hbm>> -> memref<1x128xi32, #tpu.memory_space<hbm>>
        %dma_start3A_42 = tpu.memref_squeeze %dma_start3A_41 : memref<1x128xi32, #tpu.memory_space<hbm>> -> memref<128xi32, #tpu.memory_space<hbm>>
        tpu.enqueue_dma source(%dma_start3A_42 : memref<128xi32, #tpu.memory_space<hbm>>) target(%arg5 : memref<128xi32, #tpu.memory_space<vmem>>) target_semaphore(%run_scoped3A : memref<!tpu.dma_semaphore, #tpu.memory_space<semaphore_mem>>)
        %dma_wait3A_43 = tpu.memref_slice %arg3[%scan3A_8, %add3A_16] : memref<20x16384xi32, #tpu.memory_space<hbm>> -> memref<1x128xi32, #tpu.memory_space<hbm>>
        %dma_wait3A_44 = tpu.memref_squeeze %dma_wait3A_43 : memref<1x128xi32, #tpu.memory_space<hbm>> -> memref<128xi32, #tpu.memory_space<hbm>>
        %dma_wait3A_45 = tpu.memref_slice %arg3[%scan3A_8, %add3A_16] : memref<20x16384xi32, #tpu.memory_space<hbm>> -> memref<1x128xi32, #tpu.memory_space<hbm>>
        %dma_wait3A_46 = tpu.memref_squeeze %dma_wait3A_45 : memref<1x128xi32, #tpu.memory_space<hbm>> -> memref<128xi32, #tpu.memory_space<hbm>>
        tpu.wait_dma2 semaphore(%run_scoped3A : memref<!tpu.dma_semaphore, #tpu.memory_space<semaphore_mem>>) src(%dma_wait3A_46 : memref<128xi32, #tpu.memory_space<hbm>>) dst(%arg5 : memref<128xi32, #tpu.memory_space<vmem>>)
        tpu.yield
      }) : () -> ()
      %dma_start3A_17 = arith.constant 0 : i32
      %dma_start3A_18 = arith.constant 0 : i32
      %dma_start3A_19 = tpu.memref_slice %arg2[%dma_start3A_17, %dma_start3A_18] : memref<16384x128xf32, #tpu.memory_space<hbm>> -> memref<16384x128xf32, #tpu.memory_space<hbm>>
      tpu.enqueue_indirect_dma source(%dma_start3A_19 : memref<16384x128xf32, #tpu.memory_space<hbm>>) target(%arg6 : memref<128x128xf32, #tpu.memory_space<vmem>>) offsets(%arg5 : memref<128xi32, #tpu.memory_space<vmem>>) semaphore(%arg7 : memref<!tpu.dma_semaphore, #tpu.memory_space<semaphore_mem>>)
      %dma_wait3A_20 = arith.constant 0 : i32
      %dma_wait3A_21 = arith.constant 0 : i32
      %dma_wait3A_22 = tpu.memref_slice %arg2[%dma_wait3A_20, %dma_wait3A_21] : memref<16384x128xf32, #tpu.memory_space<hbm>> -> memref<16384x128xf32, #tpu.memory_space<hbm>>
      tpu.wait_indirect_dma semaphore(%arg7 : memref<!tpu.dma_semaphore, #tpu.memory_space<semaphore_mem>>) src(%dma_wait3A_22 : memref<16384x128xf32, #tpu.memory_space<hbm>>) dst(%arg6 : memref<128x128xf32, #tpu.memory_space<vmem>>)
      "tpu.region"() ({
        %run_scoped3A = tpu.sem_alloc : memref<!tpu.dma_semaphore, #tpu.memory_space<semaphore_mem>>
        %dma_start3A_39 = arith.constant 0 : i32
        %dma_start3A_40 = tpu.memref_slice %arg4[%scan3A_8, %add3A_16, %dma_start3A_39] : memref<20x16384x128xf32, #tpu.memory_space<hbm>> -> memref<1x128x128xf32, #tpu.memory_space<hbm>>
        %dma_start3A_41 = tpu.memref_squeeze %dma_start3A_40 : memref<1x128x128xf32, #tpu.memory_space<hbm>> -> memref<128x128xf32, #tpu.memory_space<hbm>>
        %dma_start3A_42 = arith.constant 0 : i32
        %dma_start3A_43 = tpu.memref_slice %arg4[%scan3A_8, %add3A_16, %dma_start3A_42] : memref<20x16384x128xf32, #tpu.memory_space<hbm>> -> memref<1x128x128xf32, #tpu.memory_space<hbm>>
        %dma_start3A_44 = tpu.memref_squeeze %dma_start3A_43 : memref<1x128x128xf32, #tpu.memory_space<hbm>> -> memref<128x128xf32, #tpu.memory_space<hbm>>
        tpu.enqueue_dma source(%arg6 : memref<128x128xf32, #tpu.memory_space<vmem>>) target(%dma_start3A_44 : memref<128x128xf32, #tpu.memory_space<hbm>>) target_semaphore(%run_scoped3A : memref<!tpu.dma_semaphore, #tpu.memory_space<semaphore_mem>>)
        %dma_wait3A_45 = arith.constant 0 : i32
        %dma_wait3A_46 = tpu.memref_slice %arg4[%scan3A_8, %add3A_16, %dma_wait3A_45] : memref<20x16384x128xf32, #tpu.memory_space<hbm>> -> memref<1x128x128xf32, #tpu.memory_space<hbm>>
        %dma_wait3A_47 = tpu.memref_squeeze %dma_wait3A_46 : memref<1x128x128xf32, #tpu.memory_space<hbm>> -> memref<128x128xf32, #tpu.memory_space<hbm>>
        %dma_wait3A_48 = arith.constant 0 : i32
        %dma_wait3A_49 = tpu.memref_slice %arg4[%scan3A_8, %add3A_16, %dma_wait3A_48] : memref<20x16384x128xf32, #tpu.memory_space<hbm>> -> memref<1x128x128xf32, #tpu.memory_space<hbm>>
        %dma_wait3A_50 = tpu.memref_squeeze %dma_wait3A_49 : memref<1x128x128xf32, #tpu.memory_space<hbm>> -> memref<128x128xf32, #tpu.memory_space<hbm>>
        tpu.wait_dma2 semaphore(%run_scoped3A : memref<!tpu.dma_semaphore, #tpu.memory_space<semaphore_mem>>) src(%arg6 : memref<128x128xf32, #tpu.memory_space<vmem>>) dst(%dma_wait3A_50 : memref<128x128xf32, #tpu.memory_space<hbm>>)
        tpu.yield
      }) : () -> ()
      %add3A_23 = arith.constant 256 : i32
      %add3A_24 = arith.addi %mul3A_2, %add3A_23 : i32
      "tpu.region"() ({
        %run_scoped3A = tpu.sem_alloc : memref<!tpu.dma_semaphore, #tpu.memory_space<semaphore_mem>>
        %dma_start3A_39 = tpu.memref_slice %arg3[%scan3A_8, %add3A_24] : memref<20x16384xi32, #tpu.memory_space<hbm>> -> memref<1x128xi32, #tpu.memory_space<hbm>>
        %dma_start3A_40 = tpu.memref_squeeze %dma_start3A_39 : memref<1x128xi32, #tpu.memory_space<hbm>> -> memref<128xi32, #tpu.memory_space<hbm>>
        %dma_start3A_41 = tpu.memref_slice %arg3[%scan3A_8, %add3A_24] : memref<20x16384xi32, #tpu.memory_space<hbm>> -> memref<1x128xi32, #tpu.memory_space<hbm>>
        %dma_start3A_42 = tpu.memref_squeeze %dma_start3A_41 : memref<1x128xi32, #tpu.memory_space<hbm>> -> memref<128xi32, #tpu.memory_space<hbm>>
        tpu.enqueue_dma source(%dma_start3A_42 : memref<128xi32, #tpu.memory_space<hbm>>) target(%arg5 : memref<128xi32, #tpu.memory_space<vmem>>) target_semaphore(%run_scoped3A : memref<!tpu.dma_semaphore, #tpu.memory_space<semaphore_mem>>)
        %dma_wait3A_43 = tpu.memref_slice %arg3[%scan3A_8, %add3A_24] : memref<20x16384xi32, #tpu.memory_space<hbm>> -> memref<1x128xi32, #tpu.memory_space<hbm>>
        %dma_wait3A_44 = tpu.memref_squeeze %dma_wait3A_43 : memref<1x128xi32, #tpu.memory_space<hbm>> -> memref<128xi32, #tpu.memory_space<hbm>>
        %dma_wait3A_45 = tpu.memref_slice %arg3[%scan3A_8, %add3A_24] : memref<20x16384xi32, #tpu.memory_space<hbm>> -> memref<1x128xi32, #tpu.memory_space<hbm>>
        %dma_wait3A_46 = tpu.memref_squeeze %dma_wait3A_45 : memref<1x128xi32, #tpu.memory_space<hbm>> -> memref<128xi32, #tpu.memory_space<hbm>>
        tpu.wait_dma2 semaphore(%run_scoped3A : memref<!tpu.dma_semaphore, #tpu.memory_space<semaphore_mem>>) src(%dma_wait3A_46 : memref<128xi32, #tpu.memory_space<hbm>>) dst(%arg5 : memref<128xi32, #tpu.memory_space<vmem>>)
        tpu.yield
      }) : () -> ()
      %dma_start3A_25 = arith.constant 0 : i32
      %dma_start3A_26 = arith.constant 0 : i32
      %dma_start3A_27 = tpu.memref_slice %arg2[%dma_start3A_25, %dma_start3A_26] : memref<16384x128xf32, #tpu.memory_space<hbm>> -> memref<16384x128xf32, #tpu.memory_space<hbm>>
      tpu.enqueue_indirect_dma source(%dma_start3A_27 : memref<16384x128xf32, #tpu.memory_space<hbm>>) target(%arg6 : memref<128x128xf32, #tpu.memory_space<vmem>>) offsets(%arg5 : memref<128xi32, #tpu.memory_space<vmem>>) semaphore(%arg7 : memref<!tpu.dma_semaphore, #tpu.memory_space<semaphore_mem>>)
      %dma_wait3A_28 = arith.constant 0 : i32
      %dma_wait3A_29 = arith.constant 0 : i32
      %dma_wait3A_30 = tpu.memref_slice %arg2[%dma_wait3A_28, %dma_wait3A_29] : memref<16384x128xf32, #tpu.memory_space<hbm>> -> memref<16384x128xf32, #tpu.memory_space<hbm>>
      tpu.wait_indirect_dma semaphore(%arg7 : memref<!tpu.dma_semaphore, #tpu.memory_space<semaphore_mem>>) src(%dma_wait3A_30 : memref<16384x128xf32, #tpu.memory_space<hbm>>) dst(%arg6 : memref<128x128xf32, #tpu.memory_space<vmem>>)
      "tpu.region"() ({
        %run_scoped3A = tpu.sem_alloc : memref<!tpu.dma_semaphore, #tpu.memory_space<semaphore_mem>>
        %dma_start3A_39 = arith.constant 0 : i32
        %dma_start3A_40 = tpu.memref_slice %arg4[%scan3A_8, %add3A_24, %dma_start3A_39] : memref<20x16384x128xf32, #tpu.memory_space<hbm>> -> memref<1x128x128xf32, #tpu.memory_space<hbm>>
        %dma_start3A_41 = tpu.memref_squeeze %dma_start3A_40 : memref<1x128x128xf32, #tpu.memory_space<hbm>> -> memref<128x128xf32, #tpu.memory_space<hbm>>
        %dma_start3A_42 = arith.constant 0 : i32
        %dma_start3A_43 = tpu.memref_slice %arg4[%scan3A_8, %add3A_24, %dma_start3A_42] : memref<20x16384x128xf32, #tpu.memory_space<hbm>> -> memref<1x128x128xf32, #tpu.memory_space<hbm>>
        %dma_start3A_44 = tpu.memref_squeeze %dma_start3A_43 : memref<1x128x128xf32, #tpu.memory_space<hbm>> -> memref<128x128xf32, #tpu.memory_space<hbm>>
        tpu.enqueue_dma source(%arg6 : memref<128x128xf32, #tpu.memory_space<vmem>>) target(%dma_start3A_44 : memref<128x128xf32, #tpu.memory_space<hbm>>) target_semaphore(%run_scoped3A : memref<!tpu.dma_semaphore, #tpu.memory_space<semaphore_mem>>)
        %dma_wait3A_45 = arith.constant 0 : i32
        %dma_wait3A_46 = tpu.memref_slice %arg4[%scan3A_8, %add3A_24, %dma_wait3A_45] : memref<20x16384x128xf32, #tpu.memory_space<hbm>> -> memref<1x128x128xf32, #tpu.memory_space<hbm>>
        %dma_wait3A_47 = tpu.memref_squeeze %dma_wait3A_46 : memref<1x128x128xf32, #tpu.memory_space<hbm>> -> memref<128x128xf32, #tpu.memory_space<hbm>>
        %dma_wait3A_48 = arith.constant 0 : i32
        %dma_wait3A_49 = tpu.memref_slice %arg4[%scan3A_8, %add3A_24, %dma_wait3A_48] : memref<20x16384x128xf32, #tpu.memory_space<hbm>> -> memref<1x128x128xf32, #tpu.memory_space<hbm>>
        %dma_wait3A_50 = tpu.memref_squeeze %dma_wait3A_49 : memref<1x128x128xf32, #tpu.memory_space<hbm>> -> memref<128x128xf32, #tpu.memory_space<hbm>>
        tpu.wait_dma2 semaphore(%run_scoped3A : memref<!tpu.dma_semaphore, #tpu.memory_space<semaphore_mem>>) src(%arg6 : memref<128x128xf32, #tpu.memory_space<vmem>>) dst(%dma_wait3A_50 : memref<128x128xf32, #tpu.memory_space<hbm>>)
        tpu.yield
      }) : () -> ()
      %add3A_31 = arith.constant 384 : i32
      %add3A_32 = arith.addi %mul3A_2, %add3A_31 : i32
      "tpu.region"() ({
        %run_scoped3A = tpu.sem_alloc : memref<!tpu.dma_semaphore, #tpu.memory_space<semaphore_mem>>
        %dma_start3A_39 = tpu.memref_slice %arg3[%scan3A_8, %add3A_32] : memref<20x16384xi32, #tpu.memory_space<hbm>> -> memref<1x128xi32, #tpu.memory_space<hbm>>
        %dma_start3A_40 = tpu.memref_squeeze %dma_start3A_39 : memref<1x128xi32, #tpu.memory_space<hbm>> -> memref<128xi32, #tpu.memory_space<hbm>>
        %dma_start3A_41 = tpu.memref_slice %arg3[%scan3A_8, %add3A_32] : memref<20x16384xi32, #tpu.memory_space<hbm>> -> memref<1x128xi32, #tpu.memory_space<hbm>>
        %dma_start3A_42 = tpu.memref_squeeze %dma_start3A_41 : memref<1x128xi32, #tpu.memory_space<hbm>> -> memref<128xi32, #tpu.memory_space<hbm>>
        tpu.enqueue_dma source(%dma_start3A_42 : memref<128xi32, #tpu.memory_space<hbm>>) target(%arg5 : memref<128xi32, #tpu.memory_space<vmem>>) target_semaphore(%run_scoped3A : memref<!tpu.dma_semaphore, #tpu.memory_space<semaphore_mem>>)
        %dma_wait3A_43 = tpu.memref_slice %arg3[%scan3A_8, %add3A_32] : memref<20x16384xi32, #tpu.memory_space<hbm>> -> memref<1x128xi32, #tpu.memory_space<hbm>>
        %dma_wait3A_44 = tpu.memref_squeeze %dma_wait3A_43 : memref<1x128xi32, #tpu.memory_space<hbm>> -> memref<128xi32, #tpu.memory_space<hbm>>
        %dma_wait3A_45 = tpu.memref_slice %arg3[%scan3A_8, %add3A_32] : memref<20x16384xi32, #tpu.memory_space<hbm>> -> memref<1x128xi32, #tpu.memory_space<hbm>>
        %dma_wait3A_46 = tpu.memref_squeeze %dma_wait3A_45 : memref<1x128xi32, #tpu.memory_space<hbm>> -> memref<128xi32, #tpu.memory_space<hbm>>
        tpu.wait_dma2 semaphore(%run_scoped3A : memref<!tpu.dma_semaphore, #tpu.memory_space<semaphore_mem>>) src(%dma_wait3A_46 : memref<128xi32, #tpu.memory_space<hbm>>) dst(%arg5 : memref<128xi32, #tpu.memory_space<vmem>>)
        tpu.yield
      }) : () -> ()
      %dma_start3A_33 = arith.constant 0 : i32
      %dma_start3A_34 = arith.constant 0 : i32
      %dma_start3A_35 = tpu.memref_slice %arg2[%dma_start3A_33, %dma_start3A_34] : memref<16384x128xf32, #tpu.memory_space<hbm>> -> memref<16384x128xf32, #tpu.memory_space<hbm>>
      tpu.enqueue_indirect_dma source(%dma_start3A_35 : memref<16384x128xf32, #tpu.memory_space<hbm>>) target(%arg6 : memref<128x128xf32, #tpu.memory_space<vmem>>) offsets(%arg5 : memref<128xi32, #tpu.memory_space<vmem>>) semaphore(%arg7 : memref<!tpu.dma_semaphore, #tpu.memory_space<semaphore_mem>>)
      %dma_wait3A_36 = arith.constant 0 : i32
      %dma_wait3A_37 = arith.constant 0 : i32
      %dma_wait3A_38 = tpu.memref_slice %arg2[%dma_wait3A_36, %dma_wait3A_37] : memref<16384x128xf32, #tpu.memory_space<hbm>> -> memref<16384x128xf32, #tpu.memory_space<hbm>>
      tpu.wait_indirect_dma semaphore(%arg7 : memref<!tpu.dma_semaphore, #tpu.memory_space<semaphore_mem>>) src(%dma_wait3A_38 : memref<16384x128xf32, #tpu.memory_space<hbm>>) dst(%arg6 : memref<128x128xf32, #tpu.memory_space<vmem>>)
      "tpu.region"() ({
        %run_scoped3A = tpu.sem_alloc : memref<!tpu.dma_semaphore, #tpu.memory_space<semaphore_mem>>
        %dma_start3A_39 = arith.constant 0 : i32
        %dma_start3A_40 = tpu.memref_slice %arg4[%scan3A_8, %add3A_32, %dma_start3A_39] : memref<20x16384x128xf32, #tpu.memory_space<hbm>> -> memref<1x128x128xf32, #tpu.memory_space<hbm>>
        %dma_start3A_41 = tpu.memref_squeeze %dma_start3A_40 : memref<1x128x128xf32, #tpu.memory_space<hbm>> -> memref<128x128xf32, #tpu.memory_space<hbm>>
        %dma_start3A_42 = arith.constant 0 : i32
        %dma_start3A_43 = tpu.memref_slice %arg4[%scan3A_8, %add3A_32, %dma_start3A_42] : memref<20x16384x128xf32, #tpu.memory_space<hbm>> -> memref<1x128x128xf32, #tpu.memory_space<hbm>>
        %dma_start3A_44 = tpu.memref_squeeze %dma_start3A_43 : memref<1x128x128xf32, #tpu.memory_space<hbm>> -> memref<128x128xf32, #tpu.memory_space<hbm>>
        tpu.enqueue_dma source(%arg6 : memref<128x128xf32, #tpu.memory_space<vmem>>) target(%dma_start3A_44 : memref<128x128xf32, #tpu.memory_space<hbm>>) target_semaphore(%run_scoped3A : memref<!tpu.dma_semaphore, #tpu.memory_space<semaphore_mem>>)
        %dma_wait3A_45 = arith.constant 0 : i32
        %dma_wait3A_46 = tpu.memref_slice %arg4[%scan3A_8, %add3A_32, %dma_wait3A_45] : memref<20x16384x128xf32, #tpu.memory_space<hbm>> -> memref<1x128x128xf32, #tpu.memory_space<hbm>>
        %dma_wait3A_47 = tpu.memref_squeeze %dma_wait3A_46 : memref<1x128x128xf32, #tpu.memory_space<hbm>> -> memref<128x128xf32, #tpu.memory_space<hbm>>
        %dma_wait3A_48 = arith.constant 0 : i32
        %dma_wait3A_49 = tpu.memref_slice %arg4[%scan3A_8, %add3A_32, %dma_wait3A_48] : memref<20x16384x128xf32, #tpu.memory_space<hbm>> -> memref<1x128x128xf32, #tpu.memory_space<hbm>>
        %dma_wait3A_50 = tpu.memref_squeeze %dma_wait3A_49 : memref<1x128x128xf32, #tpu.memory_space<hbm>> -> memref<128x128xf32, #tpu.memory_space<hbm>>
        tpu.wait_dma2 semaphore(%run_scoped3A : memref<!tpu.dma_semaphore, #tpu.memory_space<semaphore_mem>>) src(%arg6 : memref<128x128xf32, #tpu.memory_space<vmem>>) dst(%dma_wait3A_50 : memref<128x128xf32, #tpu.memory_space<hbm>>)
        tpu.yield
      }) : () -> ()
    }
    %scan3A_7 = arith.constant 20 : i32
    return
  }
}

#map = affine_map<(d0, d1) -> (0, 0)>
#map1 = affine_map<(d0, d1) -> (0, 0, 0)>
module attributes {stable_mosaic.version = 14 : i64} {
  func.func @_sc_gather_body(%arg0: i32, %arg1: i32, %arg2: memref<16384x256xf32, #tpu.memory_space<hbm>>, %arg3: memref<20x16384xi32, #tpu.memory_space<hbm>>, %arg4: memref<20x16384x256xf32, #tpu.memory_space<hbm>>, %arg5: memref<128xi32, #tpu.memory_space<vmem>>, %arg6: memref<128x256xf32, #tpu.memory_space<vmem>>, %arg7: memref<!tpu.dma_semaphore, #tpu.memory_space<semaphore_mem>>) attributes {dimension_semantics = [#tpu.dimension_semantics<core_parallel>, #tpu.dimension_semantics<subcore_parallel>], iteration_bounds = array<i64: 2, 16>, scalar_prefetch = 0 : i64, scratch_operands = 3 : i64, tpu.core_type = #tpu.core_type<sc_vector_subcore>, window_params = [{transform_indices = #map}, {transform_indices = #map}, {transform_indices = #map1}]} {
    %mul3A = arith.constant 2 : i32
    %mul3A_0 = arith.muli %arg1, %mul3A : i32
    %add3A = arith.addi %mul3A_0, %arg0 : i32
    %mul3A_1 = arith.constant 512 : i32
    %mul3A_2 = arith.muli %add3A, %mul3A_1 : i32
    %scan3A = arith.constant 0 : i32
    %scan3A_3 = arith.constant 0 : i32
    %scan3A_4 = arith.constant 20 : i32
    %scan3A_5 = arith.addi %scan3A_3, %scan3A_4 : i32
    %scan3A_6 = arith.constant 1 : i32
    scf.for %scan3A_8 = %scan3A_3 to %scan3A_5 step %scan3A_6  : i32 {
      %add3A_9 = arith.constant 0 : i32
      %add3A_10 = arith.addi %mul3A_2, %add3A_9 : i32
      "tpu.region"() ({
        %run_scoped3A = tpu.sem_alloc : memref<!tpu.dma_semaphore, #tpu.memory_space<semaphore_mem>>
        %dma_start3A_39 = tpu.memref_slice %arg3[%scan3A_8, %add3A_10] : memref<20x16384xi32, #tpu.memory_space<hbm>> -> memref<1x128xi32, #tpu.memory_space<hbm>>
        %dma_start3A_40 = tpu.memref_squeeze %dma_start3A_39 : memref<1x128xi32, #tpu.memory_space<hbm>> -> memref<128xi32, #tpu.memory_space<hbm>>
        %dma_start3A_41 = tpu.memref_slice %arg3[%scan3A_8, %add3A_10] : memref<20x16384xi32, #tpu.memory_space<hbm>> -> memref<1x128xi32, #tpu.memory_space<hbm>>
        %dma_start3A_42 = tpu.memref_squeeze %dma_start3A_41 : memref<1x128xi32, #tpu.memory_space<hbm>> -> memref<128xi32, #tpu.memory_space<hbm>>
        tpu.enqueue_dma source(%dma_start3A_42 : memref<128xi32, #tpu.memory_space<hbm>>) target(%arg5 : memref<128xi32, #tpu.memory_space<vmem>>) target_semaphore(%run_scoped3A : memref<!tpu.dma_semaphore, #tpu.memory_space<semaphore_mem>>)
        %dma_wait3A_43 = tpu.memref_slice %arg3[%scan3A_8, %add3A_10] : memref<20x16384xi32, #tpu.memory_space<hbm>> -> memref<1x128xi32, #tpu.memory_space<hbm>>
        %dma_wait3A_44 = tpu.memref_squeeze %dma_wait3A_43 : memref<1x128xi32, #tpu.memory_space<hbm>> -> memref<128xi32, #tpu.memory_space<hbm>>
        %dma_wait3A_45 = tpu.memref_slice %arg3[%scan3A_8, %add3A_10] : memref<20x16384xi32, #tpu.memory_space<hbm>> -> memref<1x128xi32, #tpu.memory_space<hbm>>
        %dma_wait3A_46 = tpu.memref_squeeze %dma_wait3A_45 : memref<1x128xi32, #tpu.memory_space<hbm>> -> memref<128xi32, #tpu.memory_space<hbm>>
        tpu.wait_dma2 semaphore(%run_scoped3A : memref<!tpu.dma_semaphore, #tpu.memory_space<semaphore_mem>>) src(%dma_wait3A_46 : memref<128xi32, #tpu.memory_space<hbm>>) dst(%arg5 : memref<128xi32, #tpu.memory_space<vmem>>)
        tpu.yield
      }) : () -> ()
      %dma_start3A = arith.constant 0 : i32
      %dma_start3A_11 = arith.constant 0 : i32
      %dma_start3A_12 = tpu.memref_slice %arg2[%dma_start3A, %dma_start3A_11] : memref<16384x256xf32, #tpu.memory_space<hbm>> -> memref<16384x256xf32, #tpu.memory_space<hbm>>
      tpu.enqueue_indirect_dma source(%dma_start3A_12 : memref<16384x256xf32, #tpu.memory_space<hbm>>) target(%arg6 : memref<128x256xf32, #tpu.memory_space<vmem>>) offsets(%arg5 : memref<128xi32, #tpu.memory_space<vmem>>) semaphore(%arg7 : memref<!tpu.dma_semaphore, #tpu.memory_space<semaphore_mem>>)
      %dma_wait3A = arith.constant 0 : i32
      %dma_wait3A_13 = arith.constant 0 : i32
      %dma_wait3A_14 = tpu.memref_slice %arg2[%dma_wait3A, %dma_wait3A_13] : memref<16384x256xf32, #tpu.memory_space<hbm>> -> memref<16384x256xf32, #tpu.memory_space<hbm>>
      tpu.wait_indirect_dma semaphore(%arg7 : memref<!tpu.dma_semaphore, #tpu.memory_space<semaphore_mem>>) src(%dma_wait3A_14 : memref<16384x256xf32, #tpu.memory_space<hbm>>) dst(%arg6 : memref<128x256xf32, #tpu.memory_space<vmem>>)
      "tpu.region"() ({
        %run_scoped3A = tpu.sem_alloc : memref<!tpu.dma_semaphore, #tpu.memory_space<semaphore_mem>>
        %dma_start3A_39 = arith.constant 0 : i32
        %dma_start3A_40 = tpu.memref_slice %arg4[%scan3A_8, %add3A_10, %dma_start3A_39] : memref<20x16384x256xf32, #tpu.memory_space<hbm>> -> memref<1x128x256xf32, #tpu.memory_space<hbm>>
        %dma_start3A_41 = tpu.memref_squeeze %dma_start3A_40 : memref<1x128x256xf32, #tpu.memory_space<hbm>> -> memref<128x256xf32, #tpu.memory_space<hbm>>
        %dma_start3A_42 = arith.constant 0 : i32
        %dma_start3A_43 = tpu.memref_slice %arg4[%scan3A_8, %add3A_10, %dma_start3A_42] : memref<20x16384x256xf32, #tpu.memory_space<hbm>> -> memref<1x128x256xf32, #tpu.memory_space<hbm>>
        %dma_start3A_44 = tpu.memref_squeeze %dma_start3A_43 : memref<1x128x256xf32, #tpu.memory_space<hbm>> -> memref<128x256xf32, #tpu.memory_space<hbm>>
        tpu.enqueue_dma source(%arg6 : memref<128x256xf32, #tpu.memory_space<vmem>>) target(%dma_start3A_44 : memref<128x256xf32, #tpu.memory_space<hbm>>) target_semaphore(%run_scoped3A : memref<!tpu.dma_semaphore, #tpu.memory_space<semaphore_mem>>)
        %dma_wait3A_45 = arith.constant 0 : i32
        %dma_wait3A_46 = tpu.memref_slice %arg4[%scan3A_8, %add3A_10, %dma_wait3A_45] : memref<20x16384x256xf32, #tpu.memory_space<hbm>> -> memref<1x128x256xf32, #tpu.memory_space<hbm>>
        %dma_wait3A_47 = tpu.memref_squeeze %dma_wait3A_46 : memref<1x128x256xf32, #tpu.memory_space<hbm>> -> memref<128x256xf32, #tpu.memory_space<hbm>>
        %dma_wait3A_48 = arith.constant 0 : i32
        %dma_wait3A_49 = tpu.memref_slice %arg4[%scan3A_8, %add3A_10, %dma_wait3A_48] : memref<20x16384x256xf32, #tpu.memory_space<hbm>> -> memref<1x128x256xf32, #tpu.memory_space<hbm>>
        %dma_wait3A_50 = tpu.memref_squeeze %dma_wait3A_49 : memref<1x128x256xf32, #tpu.memory_space<hbm>> -> memref<128x256xf32, #tpu.memory_space<hbm>>
        tpu.wait_dma2 semaphore(%run_scoped3A : memref<!tpu.dma_semaphore, #tpu.memory_space<semaphore_mem>>) src(%arg6 : memref<128x256xf32, #tpu.memory_space<vmem>>) dst(%dma_wait3A_50 : memref<128x256xf32, #tpu.memory_space<hbm>>)
        tpu.yield
      }) : () -> ()
      %add3A_15 = arith.constant 128 : i32
      %add3A_16 = arith.addi %mul3A_2, %add3A_15 : i32
      "tpu.region"() ({
        %run_scoped3A = tpu.sem_alloc : memref<!tpu.dma_semaphore, #tpu.memory_space<semaphore_mem>>
        %dma_start3A_39 = tpu.memref_slice %arg3[%scan3A_8, %add3A_16] : memref<20x16384xi32, #tpu.memory_space<hbm>> -> memref<1x128xi32, #tpu.memory_space<hbm>>
        %dma_start3A_40 = tpu.memref_squeeze %dma_start3A_39 : memref<1x128xi32, #tpu.memory_space<hbm>> -> memref<128xi32, #tpu.memory_space<hbm>>
        %dma_start3A_41 = tpu.memref_slice %arg3[%scan3A_8, %add3A_16] : memref<20x16384xi32, #tpu.memory_space<hbm>> -> memref<1x128xi32, #tpu.memory_space<hbm>>
        %dma_start3A_42 = tpu.memref_squeeze %dma_start3A_41 : memref<1x128xi32, #tpu.memory_space<hbm>> -> memref<128xi32, #tpu.memory_space<hbm>>
        tpu.enqueue_dma source(%dma_start3A_42 : memref<128xi32, #tpu.memory_space<hbm>>) target(%arg5 : memref<128xi32, #tpu.memory_space<vmem>>) target_semaphore(%run_scoped3A : memref<!tpu.dma_semaphore, #tpu.memory_space<semaphore_mem>>)
        %dma_wait3A_43 = tpu.memref_slice %arg3[%scan3A_8, %add3A_16] : memref<20x16384xi32, #tpu.memory_space<hbm>> -> memref<1x128xi32, #tpu.memory_space<hbm>>
        %dma_wait3A_44 = tpu.memref_squeeze %dma_wait3A_43 : memref<1x128xi32, #tpu.memory_space<hbm>> -> memref<128xi32, #tpu.memory_space<hbm>>
        %dma_wait3A_45 = tpu.memref_slice %arg3[%scan3A_8, %add3A_16] : memref<20x16384xi32, #tpu.memory_space<hbm>> -> memref<1x128xi32, #tpu.memory_space<hbm>>
        %dma_wait3A_46 = tpu.memref_squeeze %dma_wait3A_45 : memref<1x128xi32, #tpu.memory_space<hbm>> -> memref<128xi32, #tpu.memory_space<hbm>>
        tpu.wait_dma2 semaphore(%run_scoped3A : memref<!tpu.dma_semaphore, #tpu.memory_space<semaphore_mem>>) src(%dma_wait3A_46 : memref<128xi32, #tpu.memory_space<hbm>>) dst(%arg5 : memref<128xi32, #tpu.memory_space<vmem>>)
        tpu.yield
      }) : () -> ()
      %dma_start3A_17 = arith.constant 0 : i32
      %dma_start3A_18 = arith.constant 0 : i32
      %dma_start3A_19 = tpu.memref_slice %arg2[%dma_start3A_17, %dma_start3A_18] : memref<16384x256xf32, #tpu.memory_space<hbm>> -> memref<16384x256xf32, #tpu.memory_space<hbm>>
      tpu.enqueue_indirect_dma source(%dma_start3A_19 : memref<16384x256xf32, #tpu.memory_space<hbm>>) target(%arg6 : memref<128x256xf32, #tpu.memory_space<vmem>>) offsets(%arg5 : memref<128xi32, #tpu.memory_space<vmem>>) semaphore(%arg7 : memref<!tpu.dma_semaphore, #tpu.memory_space<semaphore_mem>>)
      %dma_wait3A_20 = arith.constant 0 : i32
      %dma_wait3A_21 = arith.constant 0 : i32
      %dma_wait3A_22 = tpu.memref_slice %arg2[%dma_wait3A_20, %dma_wait3A_21] : memref<16384x256xf32, #tpu.memory_space<hbm>> -> memref<16384x256xf32, #tpu.memory_space<hbm>>
      tpu.wait_indirect_dma semaphore(%arg7 : memref<!tpu.dma_semaphore, #tpu.memory_space<semaphore_mem>>) src(%dma_wait3A_22 : memref<16384x256xf32, #tpu.memory_space<hbm>>) dst(%arg6 : memref<128x256xf32, #tpu.memory_space<vmem>>)
      "tpu.region"() ({
        %run_scoped3A = tpu.sem_alloc : memref<!tpu.dma_semaphore, #tpu.memory_space<semaphore_mem>>
        %dma_start3A_39 = arith.constant 0 : i32
        %dma_start3A_40 = tpu.memref_slice %arg4[%scan3A_8, %add3A_16, %dma_start3A_39] : memref<20x16384x256xf32, #tpu.memory_space<hbm>> -> memref<1x128x256xf32, #tpu.memory_space<hbm>>
        %dma_start3A_41 = tpu.memref_squeeze %dma_start3A_40 : memref<1x128x256xf32, #tpu.memory_space<hbm>> -> memref<128x256xf32, #tpu.memory_space<hbm>>
        %dma_start3A_42 = arith.constant 0 : i32
        %dma_start3A_43 = tpu.memref_slice %arg4[%scan3A_8, %add3A_16, %dma_start3A_42] : memref<20x16384x256xf32, #tpu.memory_space<hbm>> -> memref<1x128x256xf32, #tpu.memory_space<hbm>>
        %dma_start3A_44 = tpu.memref_squeeze %dma_start3A_43 : memref<1x128x256xf32, #tpu.memory_space<hbm>> -> memref<128x256xf32, #tpu.memory_space<hbm>>
        tpu.enqueue_dma source(%arg6 : memref<128x256xf32, #tpu.memory_space<vmem>>) target(%dma_start3A_44 : memref<128x256xf32, #tpu.memory_space<hbm>>) target_semaphore(%run_scoped3A : memref<!tpu.dma_semaphore, #tpu.memory_space<semaphore_mem>>)
        %dma_wait3A_45 = arith.constant 0 : i32
        %dma_wait3A_46 = tpu.memref_slice %arg4[%scan3A_8, %add3A_16, %dma_wait3A_45] : memref<20x16384x256xf32, #tpu.memory_space<hbm>> -> memref<1x128x256xf32, #tpu.memory_space<hbm>>
        %dma_wait3A_47 = tpu.memref_squeeze %dma_wait3A_46 : memref<1x128x256xf32, #tpu.memory_space<hbm>> -> memref<128x256xf32, #tpu.memory_space<hbm>>
        %dma_wait3A_48 = arith.constant 0 : i32
        %dma_wait3A_49 = tpu.memref_slice %arg4[%scan3A_8, %add3A_16, %dma_wait3A_48] : memref<20x16384x256xf32, #tpu.memory_space<hbm>> -> memref<1x128x256xf32, #tpu.memory_space<hbm>>
        %dma_wait3A_50 = tpu.memref_squeeze %dma_wait3A_49 : memref<1x128x256xf32, #tpu.memory_space<hbm>> -> memref<128x256xf32, #tpu.memory_space<hbm>>
        tpu.wait_dma2 semaphore(%run_scoped3A : memref<!tpu.dma_semaphore, #tpu.memory_space<semaphore_mem>>) src(%arg6 : memref<128x256xf32, #tpu.memory_space<vmem>>) dst(%dma_wait3A_50 : memref<128x256xf32, #tpu.memory_space<hbm>>)
        tpu.yield
      }) : () -> ()
      %add3A_23 = arith.constant 256 : i32
      %add3A_24 = arith.addi %mul3A_2, %add3A_23 : i32
      "tpu.region"() ({
        %run_scoped3A = tpu.sem_alloc : memref<!tpu.dma_semaphore, #tpu.memory_space<semaphore_mem>>
        %dma_start3A_39 = tpu.memref_slice %arg3[%scan3A_8, %add3A_24] : memref<20x16384xi32, #tpu.memory_space<hbm>> -> memref<1x128xi32, #tpu.memory_space<hbm>>
        %dma_start3A_40 = tpu.memref_squeeze %dma_start3A_39 : memref<1x128xi32, #tpu.memory_space<hbm>> -> memref<128xi32, #tpu.memory_space<hbm>>
        %dma_start3A_41 = tpu.memref_slice %arg3[%scan3A_8, %add3A_24] : memref<20x16384xi32, #tpu.memory_space<hbm>> -> memref<1x128xi32, #tpu.memory_space<hbm>>
        %dma_start3A_42 = tpu.memref_squeeze %dma_start3A_41 : memref<1x128xi32, #tpu.memory_space<hbm>> -> memref<128xi32, #tpu.memory_space<hbm>>
        tpu.enqueue_dma source(%dma_start3A_42 : memref<128xi32, #tpu.memory_space<hbm>>) target(%arg5 : memref<128xi32, #tpu.memory_space<vmem>>) target_semaphore(%run_scoped3A : memref<!tpu.dma_semaphore, #tpu.memory_space<semaphore_mem>>)
        %dma_wait3A_43 = tpu.memref_slice %arg3[%scan3A_8, %add3A_24] : memref<20x16384xi32, #tpu.memory_space<hbm>> -> memref<1x128xi32, #tpu.memory_space<hbm>>
        %dma_wait3A_44 = tpu.memref_squeeze %dma_wait3A_43 : memref<1x128xi32, #tpu.memory_space<hbm>> -> memref<128xi32, #tpu.memory_space<hbm>>
        %dma_wait3A_45 = tpu.memref_slice %arg3[%scan3A_8, %add3A_24] : memref<20x16384xi32, #tpu.memory_space<hbm>> -> memref<1x128xi32, #tpu.memory_space<hbm>>
        %dma_wait3A_46 = tpu.memref_squeeze %dma_wait3A_45 : memref<1x128xi32, #tpu.memory_space<hbm>> -> memref<128xi32, #tpu.memory_space<hbm>>
        tpu.wait_dma2 semaphore(%run_scoped3A : memref<!tpu.dma_semaphore, #tpu.memory_space<semaphore_mem>>) src(%dma_wait3A_46 : memref<128xi32, #tpu.memory_space<hbm>>) dst(%arg5 : memref<128xi32, #tpu.memory_space<vmem>>)
        tpu.yield
      }) : () -> ()
      %dma_start3A_25 = arith.constant 0 : i32
      %dma_start3A_26 = arith.constant 0 : i32
      %dma_start3A_27 = tpu.memref_slice %arg2[%dma_start3A_25, %dma_start3A_26] : memref<16384x256xf32, #tpu.memory_space<hbm>> -> memref<16384x256xf32, #tpu.memory_space<hbm>>
      tpu.enqueue_indirect_dma source(%dma_start3A_27 : memref<16384x256xf32, #tpu.memory_space<hbm>>) target(%arg6 : memref<128x256xf32, #tpu.memory_space<vmem>>) offsets(%arg5 : memref<128xi32, #tpu.memory_space<vmem>>) semaphore(%arg7 : memref<!tpu.dma_semaphore, #tpu.memory_space<semaphore_mem>>)
      %dma_wait3A_28 = arith.constant 0 : i32
      %dma_wait3A_29 = arith.constant 0 : i32
      %dma_wait3A_30 = tpu.memref_slice %arg2[%dma_wait3A_28, %dma_wait3A_29] : memref<16384x256xf32, #tpu.memory_space<hbm>> -> memref<16384x256xf32, #tpu.memory_space<hbm>>
      tpu.wait_indirect_dma semaphore(%arg7 : memref<!tpu.dma_semaphore, #tpu.memory_space<semaphore_mem>>) src(%dma_wait3A_30 : memref<16384x256xf32, #tpu.memory_space<hbm>>) dst(%arg6 : memref<128x256xf32, #tpu.memory_space<vmem>>)
      "tpu.region"() ({
        %run_scoped3A = tpu.sem_alloc : memref<!tpu.dma_semaphore, #tpu.memory_space<semaphore_mem>>
        %dma_start3A_39 = arith.constant 0 : i32
        %dma_start3A_40 = tpu.memref_slice %arg4[%scan3A_8, %add3A_24, %dma_start3A_39] : memref<20x16384x256xf32, #tpu.memory_space<hbm>> -> memref<1x128x256xf32, #tpu.memory_space<hbm>>
        %dma_start3A_41 = tpu.memref_squeeze %dma_start3A_40 : memref<1x128x256xf32, #tpu.memory_space<hbm>> -> memref<128x256xf32, #tpu.memory_space<hbm>>
        %dma_start3A_42 = arith.constant 0 : i32
        %dma_start3A_43 = tpu.memref_slice %arg4[%scan3A_8, %add3A_24, %dma_start3A_42] : memref<20x16384x256xf32, #tpu.memory_space<hbm>> -> memref<1x128x256xf32, #tpu.memory_space<hbm>>
        %dma_start3A_44 = tpu.memref_squeeze %dma_start3A_43 : memref<1x128x256xf32, #tpu.memory_space<hbm>> -> memref<128x256xf32, #tpu.memory_space<hbm>>
        tpu.enqueue_dma source(%arg6 : memref<128x256xf32, #tpu.memory_space<vmem>>) target(%dma_start3A_44 : memref<128x256xf32, #tpu.memory_space<hbm>>) target_semaphore(%run_scoped3A : memref<!tpu.dma_semaphore, #tpu.memory_space<semaphore_mem>>)
        %dma_wait3A_45 = arith.constant 0 : i32
        %dma_wait3A_46 = tpu.memref_slice %arg4[%scan3A_8, %add3A_24, %dma_wait3A_45] : memref<20x16384x256xf32, #tpu.memory_space<hbm>> -> memref<1x128x256xf32, #tpu.memory_space<hbm>>
        %dma_wait3A_47 = tpu.memref_squeeze %dma_wait3A_46 : memref<1x128x256xf32, #tpu.memory_space<hbm>> -> memref<128x256xf32, #tpu.memory_space<hbm>>
        %dma_wait3A_48 = arith.constant 0 : i32
        %dma_wait3A_49 = tpu.memref_slice %arg4[%scan3A_8, %add3A_24, %dma_wait3A_48] : memref<20x16384x256xf32, #tpu.memory_space<hbm>> -> memref<1x128x256xf32, #tpu.memory_space<hbm>>
        %dma_wait3A_50 = tpu.memref_squeeze %dma_wait3A_49 : memref<1x128x256xf32, #tpu.memory_space<hbm>> -> memref<128x256xf32, #tpu.memory_space<hbm>>
        tpu.wait_dma2 semaphore(%run_scoped3A : memref<!tpu.dma_semaphore, #tpu.memory_space<semaphore_mem>>) src(%arg6 : memref<128x256xf32, #tpu.memory_space<vmem>>) dst(%dma_wait3A_50 : memref<128x256xf32, #tpu.memory_space<hbm>>)
        tpu.yield
      }) : () -> ()
      %add3A_31 = arith.constant 384 : i32
      %add3A_32 = arith.addi %mul3A_2, %add3A_31 : i32
      "tpu.region"() ({
        %run_scoped3A = tpu.sem_alloc : memref<!tpu.dma_semaphore, #tpu.memory_space<semaphore_mem>>
        %dma_start3A_39 = tpu.memref_slice %arg3[%scan3A_8, %add3A_32] : memref<20x16384xi32, #tpu.memory_space<hbm>> -> memref<1x128xi32, #tpu.memory_space<hbm>>
        %dma_start3A_40 = tpu.memref_squeeze %dma_start3A_39 : memref<1x128xi32, #tpu.memory_space<hbm>> -> memref<128xi32, #tpu.memory_space<hbm>>
        %dma_start3A_41 = tpu.memref_slice %arg3[%scan3A_8, %add3A_32] : memref<20x16384xi32, #tpu.memory_space<hbm>> -> memref<1x128xi32, #tpu.memory_space<hbm>>
        %dma_start3A_42 = tpu.memref_squeeze %dma_start3A_41 : memref<1x128xi32, #tpu.memory_space<hbm>> -> memref<128xi32, #tpu.memory_space<hbm>>
        tpu.enqueue_dma source(%dma_start3A_42 : memref<128xi32, #tpu.memory_space<hbm>>) target(%arg5 : memref<128xi32, #tpu.memory_space<vmem>>) target_semaphore(%run_scoped3A : memref<!tpu.dma_semaphore, #tpu.memory_space<semaphore_mem>>)
        %dma_wait3A_43 = tpu.memref_slice %arg3[%scan3A_8, %add3A_32] : memref<20x16384xi32, #tpu.memory_space<hbm>> -> memref<1x128xi32, #tpu.memory_space<hbm>>
        %dma_wait3A_44 = tpu.memref_squeeze %dma_wait3A_43 : memref<1x128xi32, #tpu.memory_space<hbm>> -> memref<128xi32, #tpu.memory_space<hbm>>
        %dma_wait3A_45 = tpu.memref_slice %arg3[%scan3A_8, %add3A_32] : memref<20x16384xi32, #tpu.memory_space<hbm>> -> memref<1x128xi32, #tpu.memory_space<hbm>>
        %dma_wait3A_46 = tpu.memref_squeeze %dma_wait3A_45 : memref<1x128xi32, #tpu.memory_space<hbm>> -> memref<128xi32, #tpu.memory_space<hbm>>
        tpu.wait_dma2 semaphore(%run_scoped3A : memref<!tpu.dma_semaphore, #tpu.memory_space<semaphore_mem>>) src(%dma_wait3A_46 : memref<128xi32, #tpu.memory_space<hbm>>) dst(%arg5 : memref<128xi32, #tpu.memory_space<vmem>>)
        tpu.yield
      }) : () -> ()
      %dma_start3A_33 = arith.constant 0 : i32
      %dma_start3A_34 = arith.constant 0 : i32
      %dma_start3A_35 = tpu.memref_slice %arg2[%dma_start3A_33, %dma_start3A_34] : memref<16384x256xf32, #tpu.memory_space<hbm>> -> memref<16384x256xf32, #tpu.memory_space<hbm>>
      tpu.enqueue_indirect_dma source(%dma_start3A_35 : memref<16384x256xf32, #tpu.memory_space<hbm>>) target(%arg6 : memref<128x256xf32, #tpu.memory_space<vmem>>) offsets(%arg5 : memref<128xi32, #tpu.memory_space<vmem>>) semaphore(%arg7 : memref<!tpu.dma_semaphore, #tpu.memory_space<semaphore_mem>>)
      %dma_wait3A_36 = arith.constant 0 : i32
      %dma_wait3A_37 = arith.constant 0 : i32
      %dma_wait3A_38 = tpu.memref_slice %arg2[%dma_wait3A_36, %dma_wait3A_37] : memref<16384x256xf32, #tpu.memory_space<hbm>> -> memref<16384x256xf32, #tpu.memory_space<hbm>>
      tpu.wait_indirect_dma semaphore(%arg7 : memref<!tpu.dma_semaphore, #tpu.memory_space<semaphore_mem>>) src(%dma_wait3A_38 : memref<16384x256xf32, #tpu.memory_space<hbm>>) dst(%arg6 : memref<128x256xf32, #tpu.memory_space<vmem>>)
      "tpu.region"() ({
        %run_scoped3A = tpu.sem_alloc : memref<!tpu.dma_semaphore, #tpu.memory_space<semaphore_mem>>
        %dma_start3A_39 = arith.constant 0 : i32
        %dma_start3A_40 = tpu.memref_slice %arg4[%scan3A_8, %add3A_32, %dma_start3A_39] : memref<20x16384x256xf32, #tpu.memory_space<hbm>> -> memref<1x128x256xf32, #tpu.memory_space<hbm>>
        %dma_start3A_41 = tpu.memref_squeeze %dma_start3A_40 : memref<1x128x256xf32, #tpu.memory_space<hbm>> -> memref<128x256xf32, #tpu.memory_space<hbm>>
        %dma_start3A_42 = arith.constant 0 : i32
        %dma_start3A_43 = tpu.memref_slice %arg4[%scan3A_8, %add3A_32, %dma_start3A_42] : memref<20x16384x256xf32, #tpu.memory_space<hbm>> -> memref<1x128x256xf32, #tpu.memory_space<hbm>>
        %dma_start3A_44 = tpu.memref_squeeze %dma_start3A_43 : memref<1x128x256xf32, #tpu.memory_space<hbm>> -> memref<128x256xf32, #tpu.memory_space<hbm>>
        tpu.enqueue_dma source(%arg6 : memref<128x256xf32, #tpu.memory_space<vmem>>) target(%dma_start3A_44 : memref<128x256xf32, #tpu.memory_space<hbm>>) target_semaphore(%run_scoped3A : memref<!tpu.dma_semaphore, #tpu.memory_space<semaphore_mem>>)
        %dma_wait3A_45 = arith.constant 0 : i32
        %dma_wait3A_46 = tpu.memref_slice %arg4[%scan3A_8, %add3A_32, %dma_wait3A_45] : memref<20x16384x256xf32, #tpu.memory_space<hbm>> -> memref<1x128x256xf32, #tpu.memory_space<hbm>>
        %dma_wait3A_47 = tpu.memref_squeeze %dma_wait3A_46 : memref<1x128x256xf32, #tpu.memory_space<hbm>> -> memref<128x256xf32, #tpu.memory_space<hbm>>
        %dma_wait3A_48 = arith.constant 0 : i32
        %dma_wait3A_49 = tpu.memref_slice %arg4[%scan3A_8, %add3A_32, %dma_wait3A_48] : memref<20x16384x256xf32, #tpu.memory_space<hbm>> -> memref<1x128x256xf32, #tpu.memory_space<hbm>>
        %dma_wait3A_50 = tpu.memref_squeeze %dma_wait3A_49 : memref<1x128x256xf32, #tpu.memory_space<hbm>> -> memref<128x256xf32, #tpu.memory_space<hbm>>
        tpu.wait_dma2 semaphore(%run_scoped3A : memref<!tpu.dma_semaphore, #tpu.memory_space<semaphore_mem>>) src(%arg6 : memref<128x256xf32, #tpu.memory_space<vmem>>) dst(%dma_wait3A_50 : memref<128x256xf32, #tpu.memory_space<hbm>>)
        tpu.yield
      }) : () -> ()
    }
    %scan3A_7 = arith.constant 20 : i32
    return
  }
}

#map = affine_map<(d0, d1) -> (0, 0)>
#map1 = affine_map<(d0, d1) -> (0, 0, 0)>
module attributes {stable_mosaic.version = 14 : i64} {
  func.func @_sc_gather_body(%arg0: i32, %arg1: i32, %arg2: memref<16384x128xf32, #tpu.memory_space<hbm>>, %arg3: memref<20x16384xi32, #tpu.memory_space<hbm>>, %arg4: memref<20x16384x128xf32, #tpu.memory_space<hbm>>, %arg5: memref<128xi32, #tpu.memory_space<vmem>>, %arg6: memref<128x128xf32, #tpu.memory_space<vmem>>, %arg7: memref<!tpu.dma_semaphore, #tpu.memory_space<semaphore_mem>>) attributes {dimension_semantics = [#tpu.dimension_semantics<core_parallel>, #tpu.dimension_semantics<subcore_parallel>], iteration_bounds = array<i64: 2, 16>, scalar_prefetch = 0 : i64, scratch_operands = 3 : i64, tpu.core_type = #tpu.core_type<sc_vector_subcore>, window_params = [{transform_indices = #map}, {transform_indices = #map}, {transform_indices = #map1}]} {
    %mul3A = arith.constant 2 : i32
    %mul3A_0 = arith.muli %arg1, %mul3A : i32
    %add3A = arith.addi %mul3A_0, %arg0 : i32
    %mul3A_1 = arith.constant 512 : i32
    %mul3A_2 = arith.muli %add3A, %mul3A_1 : i32
    %scan3A = arith.constant 0 : i32
    %scan3A_3 = arith.constant 0 : i32
    %scan3A_4 = arith.constant 20 : i32
    %scan3A_5 = arith.addi %scan3A_3, %scan3A_4 : i32
    %scan3A_6 = arith.constant 1 : i32
    scf.for %scan3A_8 = %scan3A_3 to %scan3A_5 step %scan3A_6  : i32 {
      %add3A_9 = arith.constant 0 : i32
      %add3A_10 = arith.addi %mul3A_2, %add3A_9 : i32
      "tpu.region"() ({
        %run_scoped3A = tpu.sem_alloc : memref<!tpu.dma_semaphore, #tpu.memory_space<semaphore_mem>>
        %dma_start3A_39 = tpu.memref_slice %arg3[%scan3A_8, %add3A_10] : memref<20x16384xi32, #tpu.memory_space<hbm>> -> memref<1x128xi32, #tpu.memory_space<hbm>>
        %dma_start3A_40 = tpu.memref_squeeze %dma_start3A_39 : memref<1x128xi32, #tpu.memory_space<hbm>> -> memref<128xi32, #tpu.memory_space<hbm>>
        %dma_start3A_41 = tpu.memref_slice %arg3[%scan3A_8, %add3A_10] : memref<20x16384xi32, #tpu.memory_space<hbm>> -> memref<1x128xi32, #tpu.memory_space<hbm>>
        %dma_start3A_42 = tpu.memref_squeeze %dma_start3A_41 : memref<1x128xi32, #tpu.memory_space<hbm>> -> memref<128xi32, #tpu.memory_space<hbm>>
        tpu.enqueue_dma source(%dma_start3A_42 : memref<128xi32, #tpu.memory_space<hbm>>) target(%arg5 : memref<128xi32, #tpu.memory_space<vmem>>) target_semaphore(%run_scoped3A : memref<!tpu.dma_semaphore, #tpu.memory_space<semaphore_mem>>)
        %dma_wait3A_43 = tpu.memref_slice %arg3[%scan3A_8, %add3A_10] : memref<20x16384xi32, #tpu.memory_space<hbm>> -> memref<1x128xi32, #tpu.memory_space<hbm>>
        %dma_wait3A_44 = tpu.memref_squeeze %dma_wait3A_43 : memref<1x128xi32, #tpu.memory_space<hbm>> -> memref<128xi32, #tpu.memory_space<hbm>>
        %dma_wait3A_45 = tpu.memref_slice %arg3[%scan3A_8, %add3A_10] : memref<20x16384xi32, #tpu.memory_space<hbm>> -> memref<1x128xi32, #tpu.memory_space<hbm>>
        %dma_wait3A_46 = tpu.memref_squeeze %dma_wait3A_45 : memref<1x128xi32, #tpu.memory_space<hbm>> -> memref<128xi32, #tpu.memory_space<hbm>>
        tpu.wait_dma2 semaphore(%run_scoped3A : memref<!tpu.dma_semaphore, #tpu.memory_space<semaphore_mem>>) src(%dma_wait3A_46 : memref<128xi32, #tpu.memory_space<hbm>>) dst(%arg5 : memref<128xi32, #tpu.memory_space<vmem>>)
        tpu.yield
      }) : () -> ()
      %dma_start3A = arith.constant 0 : i32
      %dma_start3A_11 = arith.constant 0 : i32
      %dma_start3A_12 = tpu.memref_slice %arg2[%dma_start3A, %dma_start3A_11] : memref<16384x128xf32, #tpu.memory_space<hbm>> -> memref<16384x128xf32, #tpu.memory_space<hbm>>
      tpu.enqueue_indirect_dma source(%dma_start3A_12 : memref<16384x128xf32, #tpu.memory_space<hbm>>) target(%arg6 : memref<128x128xf32, #tpu.memory_space<vmem>>) offsets(%arg5 : memref<128xi32, #tpu.memory_space<vmem>>) semaphore(%arg7 : memref<!tpu.dma_semaphore, #tpu.memory_space<semaphore_mem>>)
      %dma_wait3A = arith.constant 0 : i32
      %dma_wait3A_13 = arith.constant 0 : i32
      %dma_wait3A_14 = tpu.memref_slice %arg2[%dma_wait3A, %dma_wait3A_13] : memref<16384x128xf32, #tpu.memory_space<hbm>> -> memref<16384x128xf32, #tpu.memory_space<hbm>>
      tpu.wait_indirect_dma semaphore(%arg7 : memref<!tpu.dma_semaphore, #tpu.memory_space<semaphore_mem>>) src(%dma_wait3A_14 : memref<16384x128xf32, #tpu.memory_space<hbm>>) dst(%arg6 : memref<128x128xf32, #tpu.memory_space<vmem>>)
      "tpu.region"() ({
        %run_scoped3A = tpu.sem_alloc : memref<!tpu.dma_semaphore, #tpu.memory_space<semaphore_mem>>
        %dma_start3A_39 = arith.constant 0 : i32
        %dma_start3A_40 = tpu.memref_slice %arg4[%scan3A_8, %add3A_10, %dma_start3A_39] : memref<20x16384x128xf32, #tpu.memory_space<hbm>> -> memref<1x128x128xf32, #tpu.memory_space<hbm>>
        %dma_start3A_41 = tpu.memref_squeeze %dma_start3A_40 : memref<1x128x128xf32, #tpu.memory_space<hbm>> -> memref<128x128xf32, #tpu.memory_space<hbm>>
        %dma_start3A_42 = arith.constant 0 : i32
        %dma_start3A_43 = tpu.memref_slice %arg4[%scan3A_8, %add3A_10, %dma_start3A_42] : memref<20x16384x128xf32, #tpu.memory_space<hbm>> -> memref<1x128x128xf32, #tpu.memory_space<hbm>>
        %dma_start3A_44 = tpu.memref_squeeze %dma_start3A_43 : memref<1x128x128xf32, #tpu.memory_space<hbm>> -> memref<128x128xf32, #tpu.memory_space<hbm>>
        tpu.enqueue_dma source(%arg6 : memref<128x128xf32, #tpu.memory_space<vmem>>) target(%dma_start3A_44 : memref<128x128xf32, #tpu.memory_space<hbm>>) target_semaphore(%run_scoped3A : memref<!tpu.dma_semaphore, #tpu.memory_space<semaphore_mem>>)
        %dma_wait3A_45 = arith.constant 0 : i32
        %dma_wait3A_46 = tpu.memref_slice %arg4[%scan3A_8, %add3A_10, %dma_wait3A_45] : memref<20x16384x128xf32, #tpu.memory_space<hbm>> -> memref<1x128x128xf32, #tpu.memory_space<hbm>>
        %dma_wait3A_47 = tpu.memref_squeeze %dma_wait3A_46 : memref<1x128x128xf32, #tpu.memory_space<hbm>> -> memref<128x128xf32, #tpu.memory_space<hbm>>
        %dma_wait3A_48 = arith.constant 0 : i32
        %dma_wait3A_49 = tpu.memref_slice %arg4[%scan3A_8, %add3A_10, %dma_wait3A_48] : memref<20x16384x128xf32, #tpu.memory_space<hbm>> -> memref<1x128x128xf32, #tpu.memory_space<hbm>>
        %dma_wait3A_50 = tpu.memref_squeeze %dma_wait3A_49 : memref<1x128x128xf32, #tpu.memory_space<hbm>> -> memref<128x128xf32, #tpu.memory_space<hbm>>
        tpu.wait_dma2 semaphore(%run_scoped3A : memref<!tpu.dma_semaphore, #tpu.memory_space<semaphore_mem>>) src(%arg6 : memref<128x128xf32, #tpu.memory_space<vmem>>) dst(%dma_wait3A_50 : memref<128x128xf32, #tpu.memory_space<hbm>>)
        tpu.yield
      }) : () -> ()
      %add3A_15 = arith.constant 128 : i32
      %add3A_16 = arith.addi %mul3A_2, %add3A_15 : i32
      "tpu.region"() ({
        %run_scoped3A = tpu.sem_alloc : memref<!tpu.dma_semaphore, #tpu.memory_space<semaphore_mem>>
        %dma_start3A_39 = tpu.memref_slice %arg3[%scan3A_8, %add3A_16] : memref<20x16384xi32, #tpu.memory_space<hbm>> -> memref<1x128xi32, #tpu.memory_space<hbm>>
        %dma_start3A_40 = tpu.memref_squeeze %dma_start3A_39 : memref<1x128xi32, #tpu.memory_space<hbm>> -> memref<128xi32, #tpu.memory_space<hbm>>
        %dma_start3A_41 = tpu.memref_slice %arg3[%scan3A_8, %add3A_16] : memref<20x16384xi32, #tpu.memory_space<hbm>> -> memref<1x128xi32, #tpu.memory_space<hbm>>
        %dma_start3A_42 = tpu.memref_squeeze %dma_start3A_41 : memref<1x128xi32, #tpu.memory_space<hbm>> -> memref<128xi32, #tpu.memory_space<hbm>>
        tpu.enqueue_dma source(%dma_start3A_42 : memref<128xi32, #tpu.memory_space<hbm>>) target(%arg5 : memref<128xi32, #tpu.memory_space<vmem>>) target_semaphore(%run_scoped3A : memref<!tpu.dma_semaphore, #tpu.memory_space<semaphore_mem>>)
        %dma_wait3A_43 = tpu.memref_slice %arg3[%scan3A_8, %add3A_16] : memref<20x16384xi32, #tpu.memory_space<hbm>> -> memref<1x128xi32, #tpu.memory_space<hbm>>
        %dma_wait3A_44 = tpu.memref_squeeze %dma_wait3A_43 : memref<1x128xi32, #tpu.memory_space<hbm>> -> memref<128xi32, #tpu.memory_space<hbm>>
        %dma_wait3A_45 = tpu.memref_slice %arg3[%scan3A_8, %add3A_16] : memref<20x16384xi32, #tpu.memory_space<hbm>> -> memref<1x128xi32, #tpu.memory_space<hbm>>
        %dma_wait3A_46 = tpu.memref_squeeze %dma_wait3A_45 : memref<1x128xi32, #tpu.memory_space<hbm>> -> memref<128xi32, #tpu.memory_space<hbm>>
        tpu.wait_dma2 semaphore(%run_scoped3A : memref<!tpu.dma_semaphore, #tpu.memory_space<semaphore_mem>>) src(%dma_wait3A_46 : memref<128xi32, #tpu.memory_space<hbm>>) dst(%arg5 : memref<128xi32, #tpu.memory_space<vmem>>)
        tpu.yield
      }) : () -> ()
      %dma_start3A_17 = arith.constant 0 : i32
      %dma_start3A_18 = arith.constant 0 : i32
      %dma_start3A_19 = tpu.memref_slice %arg2[%dma_start3A_17, %dma_start3A_18] : memref<16384x128xf32, #tpu.memory_space<hbm>> -> memref<16384x128xf32, #tpu.memory_space<hbm>>
      tpu.enqueue_indirect_dma source(%dma_start3A_19 : memref<16384x128xf32, #tpu.memory_space<hbm>>) target(%arg6 : memref<128x128xf32, #tpu.memory_space<vmem>>) offsets(%arg5 : memref<128xi32, #tpu.memory_space<vmem>>) semaphore(%arg7 : memref<!tpu.dma_semaphore, #tpu.memory_space<semaphore_mem>>)
      %dma_wait3A_20 = arith.constant 0 : i32
      %dma_wait3A_21 = arith.constant 0 : i32
      %dma_wait3A_22 = tpu.memref_slice %arg2[%dma_wait3A_20, %dma_wait3A_21] : memref<16384x128xf32, #tpu.memory_space<hbm>> -> memref<16384x128xf32, #tpu.memory_space<hbm>>
      tpu.wait_indirect_dma semaphore(%arg7 : memref<!tpu.dma_semaphore, #tpu.memory_space<semaphore_mem>>) src(%dma_wait3A_22 : memref<16384x128xf32, #tpu.memory_space<hbm>>) dst(%arg6 : memref<128x128xf32, #tpu.memory_space<vmem>>)
      "tpu.region"() ({
        %run_scoped3A = tpu.sem_alloc : memref<!tpu.dma_semaphore, #tpu.memory_space<semaphore_mem>>
        %dma_start3A_39 = arith.constant 0 : i32
        %dma_start3A_40 = tpu.memref_slice %arg4[%scan3A_8, %add3A_16, %dma_start3A_39] : memref<20x16384x128xf32, #tpu.memory_space<hbm>> -> memref<1x128x128xf32, #tpu.memory_space<hbm>>
        %dma_start3A_41 = tpu.memref_squeeze %dma_start3A_40 : memref<1x128x128xf32, #tpu.memory_space<hbm>> -> memref<128x128xf32, #tpu.memory_space<hbm>>
        %dma_start3A_42 = arith.constant 0 : i32
        %dma_start3A_43 = tpu.memref_slice %arg4[%scan3A_8, %add3A_16, %dma_start3A_42] : memref<20x16384x128xf32, #tpu.memory_space<hbm>> -> memref<1x128x128xf32, #tpu.memory_space<hbm>>
        %dma_start3A_44 = tpu.memref_squeeze %dma_start3A_43 : memref<1x128x128xf32, #tpu.memory_space<hbm>> -> memref<128x128xf32, #tpu.memory_space<hbm>>
        tpu.enqueue_dma source(%arg6 : memref<128x128xf32, #tpu.memory_space<vmem>>) target(%dma_start3A_44 : memref<128x128xf32, #tpu.memory_space<hbm>>) target_semaphore(%run_scoped3A : memref<!tpu.dma_semaphore, #tpu.memory_space<semaphore_mem>>)
        %dma_wait3A_45 = arith.constant 0 : i32
        %dma_wait3A_46 = tpu.memref_slice %arg4[%scan3A_8, %add3A_16, %dma_wait3A_45] : memref<20x16384x128xf32, #tpu.memory_space<hbm>> -> memref<1x128x128xf32, #tpu.memory_space<hbm>>
        %dma_wait3A_47 = tpu.memref_squeeze %dma_wait3A_46 : memref<1x128x128xf32, #tpu.memory_space<hbm>> -> memref<128x128xf32, #tpu.memory_space<hbm>>
        %dma_wait3A_48 = arith.constant 0 : i32
        %dma_wait3A_49 = tpu.memref_slice %arg4[%scan3A_8, %add3A_16, %dma_wait3A_48] : memref<20x16384x128xf32, #tpu.memory_space<hbm>> -> memref<1x128x128xf32, #tpu.memory_space<hbm>>
        %dma_wait3A_50 = tpu.memref_squeeze %dma_wait3A_49 : memref<1x128x128xf32, #tpu.memory_space<hbm>> -> memref<128x128xf32, #tpu.memory_space<hbm>>
        tpu.wait_dma2 semaphore(%run_scoped3A : memref<!tpu.dma_semaphore, #tpu.memory_space<semaphore_mem>>) src(%arg6 : memref<128x128xf32, #tpu.memory_space<vmem>>) dst(%dma_wait3A_50 : memref<128x128xf32, #tpu.memory_space<hbm>>)
        tpu.yield
      }) : () -> ()
      %add3A_23 = arith.constant 256 : i32
      %add3A_24 = arith.addi %mul3A_2, %add3A_23 : i32
      "tpu.region"() ({
        %run_scoped3A = tpu.sem_alloc : memref<!tpu.dma_semaphore, #tpu.memory_space<semaphore_mem>>
        %dma_start3A_39 = tpu.memref_slice %arg3[%scan3A_8, %add3A_24] : memref<20x16384xi32, #tpu.memory_space<hbm>> -> memref<1x128xi32, #tpu.memory_space<hbm>>
        %dma_start3A_40 = tpu.memref_squeeze %dma_start3A_39 : memref<1x128xi32, #tpu.memory_space<hbm>> -> memref<128xi32, #tpu.memory_space<hbm>>
        %dma_start3A_41 = tpu.memref_slice %arg3[%scan3A_8, %add3A_24] : memref<20x16384xi32, #tpu.memory_space<hbm>> -> memref<1x128xi32, #tpu.memory_space<hbm>>
        %dma_start3A_42 = tpu.memref_squeeze %dma_start3A_41 : memref<1x128xi32, #tpu.memory_space<hbm>> -> memref<128xi32, #tpu.memory_space<hbm>>
        tpu.enqueue_dma source(%dma_start3A_42 : memref<128xi32, #tpu.memory_space<hbm>>) target(%arg5 : memref<128xi32, #tpu.memory_space<vmem>>) target_semaphore(%run_scoped3A : memref<!tpu.dma_semaphore, #tpu.memory_space<semaphore_mem>>)
        %dma_wait3A_43 = tpu.memref_slice %arg3[%scan3A_8, %add3A_24] : memref<20x16384xi32, #tpu.memory_space<hbm>> -> memref<1x128xi32, #tpu.memory_space<hbm>>
        %dma_wait3A_44 = tpu.memref_squeeze %dma_wait3A_43 : memref<1x128xi32, #tpu.memory_space<hbm>> -> memref<128xi32, #tpu.memory_space<hbm>>
        %dma_wait3A_45 = tpu.memref_slice %arg3[%scan3A_8, %add3A_24] : memref<20x16384xi32, #tpu.memory_space<hbm>> -> memref<1x128xi32, #tpu.memory_space<hbm>>
        %dma_wait3A_46 = tpu.memref_squeeze %dma_wait3A_45 : memref<1x128xi32, #tpu.memory_space<hbm>> -> memref<128xi32, #tpu.memory_space<hbm>>
        tpu.wait_dma2 semaphore(%run_scoped3A : memref<!tpu.dma_semaphore, #tpu.memory_space<semaphore_mem>>) src(%dma_wait3A_46 : memref<128xi32, #tpu.memory_space<hbm>>) dst(%arg5 : memref<128xi32, #tpu.memory_space<vmem>>)
        tpu.yield
      }) : () -> ()
      %dma_start3A_25 = arith.constant 0 : i32
      %dma_start3A_26 = arith.constant 0 : i32
      %dma_start3A_27 = tpu.memref_slice %arg2[%dma_start3A_25, %dma_start3A_26] : memref<16384x128xf32, #tpu.memory_space<hbm>> -> memref<16384x128xf32, #tpu.memory_space<hbm>>
      tpu.enqueue_indirect_dma source(%dma_start3A_27 : memref<16384x128xf32, #tpu.memory_space<hbm>>) target(%arg6 : memref<128x128xf32, #tpu.memory_space<vmem>>) offsets(%arg5 : memref<128xi32, #tpu.memory_space<vmem>>) semaphore(%arg7 : memref<!tpu.dma_semaphore, #tpu.memory_space<semaphore_mem>>)
      %dma_wait3A_28 = arith.constant 0 : i32
      %dma_wait3A_29 = arith.constant 0 : i32
      %dma_wait3A_30 = tpu.memref_slice %arg2[%dma_wait3A_28, %dma_wait3A_29] : memref<16384x128xf32, #tpu.memory_space<hbm>> -> memref<16384x128xf32, #tpu.memory_space<hbm>>
      tpu.wait_indirect_dma semaphore(%arg7 : memref<!tpu.dma_semaphore, #tpu.memory_space<semaphore_mem>>) src(%dma_wait3A_30 : memref<16384x128xf32, #tpu.memory_space<hbm>>) dst(%arg6 : memref<128x128xf32, #tpu.memory_space<vmem>>)
      "tpu.region"() ({
        %run_scoped3A = tpu.sem_alloc : memref<!tpu.dma_semaphore, #tpu.memory_space<semaphore_mem>>
        %dma_start3A_39 = arith.constant 0 : i32
        %dma_start3A_40 = tpu.memref_slice %arg4[%scan3A_8, %add3A_24, %dma_start3A_39] : memref<20x16384x128xf32, #tpu.memory_space<hbm>> -> memref<1x128x128xf32, #tpu.memory_space<hbm>>
        %dma_start3A_41 = tpu.memref_squeeze %dma_start3A_40 : memref<1x128x128xf32, #tpu.memory_space<hbm>> -> memref<128x128xf32, #tpu.memory_space<hbm>>
        %dma_start3A_42 = arith.constant 0 : i32
        %dma_start3A_43 = tpu.memref_slice %arg4[%scan3A_8, %add3A_24, %dma_start3A_42] : memref<20x16384x128xf32, #tpu.memory_space<hbm>> -> memref<1x128x128xf32, #tpu.memory_space<hbm>>
        %dma_start3A_44 = tpu.memref_squeeze %dma_start3A_43 : memref<1x128x128xf32, #tpu.memory_space<hbm>> -> memref<128x128xf32, #tpu.memory_space<hbm>>
        tpu.enqueue_dma source(%arg6 : memref<128x128xf32, #tpu.memory_space<vmem>>) target(%dma_start3A_44 : memref<128x128xf32, #tpu.memory_space<hbm>>) target_semaphore(%run_scoped3A : memref<!tpu.dma_semaphore, #tpu.memory_space<semaphore_mem>>)
        %dma_wait3A_45 = arith.constant 0 : i32
        %dma_wait3A_46 = tpu.memref_slice %arg4[%scan3A_8, %add3A_24, %dma_wait3A_45] : memref<20x16384x128xf32, #tpu.memory_space<hbm>> -> memref<1x128x128xf32, #tpu.memory_space<hbm>>
        %dma_wait3A_47 = tpu.memref_squeeze %dma_wait3A_46 : memref<1x128x128xf32, #tpu.memory_space<hbm>> -> memref<128x128xf32, #tpu.memory_space<hbm>>
        %dma_wait3A_48 = arith.constant 0 : i32
        %dma_wait3A_49 = tpu.memref_slice %arg4[%scan3A_8, %add3A_24, %dma_wait3A_48] : memref<20x16384x128xf32, #tpu.memory_space<hbm>> -> memref<1x128x128xf32, #tpu.memory_space<hbm>>
        %dma_wait3A_50 = tpu.memref_squeeze %dma_wait3A_49 : memref<1x128x128xf32, #tpu.memory_space<hbm>> -> memref<128x128xf32, #tpu.memory_space<hbm>>
        tpu.wait_dma2 semaphore(%run_scoped3A : memref<!tpu.dma_semaphore, #tpu.memory_space<semaphore_mem>>) src(%arg6 : memref<128x128xf32, #tpu.memory_space<vmem>>) dst(%dma_wait3A_50 : memref<128x128xf32, #tpu.memory_space<hbm>>)
        tpu.yield
      }) : () -> ()
      %add3A_31 = arith.constant 384 : i32
      %add3A_32 = arith.addi %mul3A_2, %add3A_31 : i32
      "tpu.region"() ({
        %run_scoped3A = tpu.sem_alloc : memref<!tpu.dma_semaphore, #tpu.memory_space<semaphore_mem>>
        %dma_start3A_39 = tpu.memref_slice %arg3[%scan3A_8, %add3A_32] : memref<20x16384xi32, #tpu.memory_space<hbm>> -> memref<1x128xi32, #tpu.memory_space<hbm>>
        %dma_start3A_40 = tpu.memref_squeeze %dma_start3A_39 : memref<1x128xi32, #tpu.memory_space<hbm>> -> memref<128xi32, #tpu.memory_space<hbm>>
        %dma_start3A_41 = tpu.memref_slice %arg3[%scan3A_8, %add3A_32] : memref<20x16384xi32, #tpu.memory_space<hbm>> -> memref<1x128xi32, #tpu.memory_space<hbm>>
        %dma_start3A_42 = tpu.memref_squeeze %dma_start3A_41 : memref<1x128xi32, #tpu.memory_space<hbm>> -> memref<128xi32, #tpu.memory_space<hbm>>
        tpu.enqueue_dma source(%dma_start3A_42 : memref<128xi32, #tpu.memory_space<hbm>>) target(%arg5 : memref<128xi32, #tpu.memory_space<vmem>>) target_semaphore(%run_scoped3A : memref<!tpu.dma_semaphore, #tpu.memory_space<semaphore_mem>>)
        %dma_wait3A_43 = tpu.memref_slice %arg3[%scan3A_8, %add3A_32] : memref<20x16384xi32, #tpu.memory_space<hbm>> -> memref<1x128xi32, #tpu.memory_space<hbm>>
        %dma_wait3A_44 = tpu.memref_squeeze %dma_wait3A_43 : memref<1x128xi32, #tpu.memory_space<hbm>> -> memref<128xi32, #tpu.memory_space<hbm>>
        %dma_wait3A_45 = tpu.memref_slice %arg3[%scan3A_8, %add3A_32] : memref<20x16384xi32, #tpu.memory_space<hbm>> -> memref<1x128xi32, #tpu.memory_space<hbm>>
        %dma_wait3A_46 = tpu.memref_squeeze %dma_wait3A_45 : memref<1x128xi32, #tpu.memory_space<hbm>> -> memref<128xi32, #tpu.memory_space<hbm>>
        tpu.wait_dma2 semaphore(%run_scoped3A : memref<!tpu.dma_semaphore, #tpu.memory_space<semaphore_mem>>) src(%dma_wait3A_46 : memref<128xi32, #tpu.memory_space<hbm>>) dst(%arg5 : memref<128xi32, #tpu.memory_space<vmem>>)
        tpu.yield
      }) : () -> ()
      %dma_start3A_33 = arith.constant 0 : i32
      %dma_start3A_34 = arith.constant 0 : i32
      %dma_start3A_35 = tpu.memref_slice %arg2[%dma_start3A_33, %dma_start3A_34] : memref<16384x128xf32, #tpu.memory_space<hbm>> -> memref<16384x128xf32, #tpu.memory_space<hbm>>
      tpu.enqueue_indirect_dma source(%dma_start3A_35 : memref<16384x128xf32, #tpu.memory_space<hbm>>) target(%arg6 : memref<128x128xf32, #tpu.memory_space<vmem>>) offsets(%arg5 : memref<128xi32, #tpu.memory_space<vmem>>) semaphore(%arg7 : memref<!tpu.dma_semaphore, #tpu.memory_space<semaphore_mem>>)
      %dma_wait3A_36 = arith.constant 0 : i32
      %dma_wait3A_37 = arith.constant 0 : i32
      %dma_wait3A_38 = tpu.memref_slice %arg2[%dma_wait3A_36, %dma_wait3A_37] : memref<16384x128xf32, #tpu.memory_space<hbm>> -> memref<16384x128xf32, #tpu.memory_space<hbm>>
      tpu.wait_indirect_dma semaphore(%arg7 : memref<!tpu.dma_semaphore, #tpu.memory_space<semaphore_mem>>) src(%dma_wait3A_38 : memref<16384x128xf32, #tpu.memory_space<hbm>>) dst(%arg6 : memref<128x128xf32, #tpu.memory_space<vmem>>)
      "tpu.region"() ({
        %run_scoped3A = tpu.sem_alloc : memref<!tpu.dma_semaphore, #tpu.memory_space<semaphore_mem>>
        %dma_start3A_39 = arith.constant 0 : i32
        %dma_start3A_40 = tpu.memref_slice %arg4[%scan3A_8, %add3A_32, %dma_start3A_39] : memref<20x16384x128xf32, #tpu.memory_space<hbm>> -> memref<1x128x128xf32, #tpu.memory_space<hbm>>
        %dma_start3A_41 = tpu.memref_squeeze %dma_start3A_40 : memref<1x128x128xf32, #tpu.memory_space<hbm>> -> memref<128x128xf32, #tpu.memory_space<hbm>>
        %dma_start3A_42 = arith.constant 0 : i32
        %dma_start3A_43 = tpu.memref_slice %arg4[%scan3A_8, %add3A_32, %dma_start3A_42] : memref<20x16384x128xf32, #tpu.memory_space<hbm>> -> memref<1x128x128xf32, #tpu.memory_space<hbm>>
        %dma_start3A_44 = tpu.memref_squeeze %dma_start3A_43 : memref<1x128x128xf32, #tpu.memory_space<hbm>> -> memref<128x128xf32, #tpu.memory_space<hbm>>
        tpu.enqueue_dma source(%arg6 : memref<128x128xf32, #tpu.memory_space<vmem>>) target(%dma_start3A_44 : memref<128x128xf32, #tpu.memory_space<hbm>>) target_semaphore(%run_scoped3A : memref<!tpu.dma_semaphore, #tpu.memory_space<semaphore_mem>>)
        %dma_wait3A_45 = arith.constant 0 : i32
        %dma_wait3A_46 = tpu.memref_slice %arg4[%scan3A_8, %add3A_32, %dma_wait3A_45] : memref<20x16384x128xf32, #tpu.memory_space<hbm>> -> memref<1x128x128xf32, #tpu.memory_space<hbm>>
        %dma_wait3A_47 = tpu.memref_squeeze %dma_wait3A_46 : memref<1x128x128xf32, #tpu.memory_space<hbm>> -> memref<128x128xf32, #tpu.memory_space<hbm>>
        %dma_wait3A_48 = arith.constant 0 : i32
        %dma_wait3A_49 = tpu.memref_slice %arg4[%scan3A_8, %add3A_32, %dma_wait3A_48] : memref<20x16384x128xf32, #tpu.memory_space<hbm>> -> memref<1x128x128xf32, #tpu.memory_space<hbm>>
        %dma_wait3A_50 = tpu.memref_squeeze %dma_wait3A_49 : memref<1x128x128xf32, #tpu.memory_space<hbm>> -> memref<128x128xf32, #tpu.memory_space<hbm>>
        tpu.wait_dma2 semaphore(%run_scoped3A : memref<!tpu.dma_semaphore, #tpu.memory_space<semaphore_mem>>) src(%arg6 : memref<128x128xf32, #tpu.memory_space<vmem>>) dst(%dma_wait3A_50 : memref<128x128xf32, #tpu.memory_space<hbm>>)
        tpu.yield
      }) : () -> ()
    }
    %scan3A_7 = arith.constant 20 : i32
    return
  }
}

module attributes {stable_mosaic.version = 14 : i64} {
  func.func @_knn_body(%arg0: i32, %arg1: i32, %arg2: memref<1x256x3xf32, #tpu.memory_space<vmem>>, %arg3: memref<1x2048x3xf32, #tpu.memory_space<vmem>>, %arg4: memref<1x1x2048xf32, #tpu.memory_space<vmem>>, %arg5: memref<256x24xi32, #tpu.memory_space<vmem>>) attributes {dimension_semantics = [#tpu.dimension_semantics<parallel>, #tpu.dimension_semantics<parallel>], iteration_bounds = array<i64: 8, 8>, scalar_prefetch = 0 : i64, scratch_operands = 0 : i64, tpu.core_type = #tpu.core_type<tc>, window_params = [{transform_indices = @transform_0, window_bounds = array<i64: 1, 256, 3>}, {transform_indices = @transform_1, window_bounds = array<i64: 1, 2048, 3>}, {transform_indices = @transform_2, window_bounds = array<i64: 1, 1, 2048>}, {transform_indices = @transform_3, window_bounds = array<i64: 256, 24>}]} {
    %get3A = arith.constant 0 : index
    %get3A_0 = arith.constant 0 : index
    %get3A_1 = arith.constant 0 : index
    %get3A_2 = vector.load %arg2[%get3A, %get3A_0, %get3A_1] : memref<1x256x3xf32, #tpu.memory_space<vmem>>, vector<1x256x3xf32>
    %get3A_3 = vector.shape_cast %get3A_2 : vector<1x256x3xf32> to vector<256x3xf32>
    %get3A_4 = arith.constant 0 : index
    %get3A_5 = arith.constant 0 : index
    %get3A_6 = arith.constant 0 : index
    %get3A_7 = vector.load %arg3[%get3A_4, %get3A_5, %get3A_6] : memref<1x2048x3xf32, #tpu.memory_space<vmem>>, vector<1x2048x3xf32>
    %get3A_8 = vector.shape_cast %get3A_7 : vector<1x2048x3xf32> to vector<2048x3xf32>
    %dot_general3A = arith.constant dense<0.000000e+00> : vector<256x2048xf32>
    %dot_general3A_9 = tpu.matmul %get3A_3, %get3A_8, %dot_general3A {dimension_numbers = #tpu.dot_dimension_numbers<[1], [1], [0], [0], [0, 0, 1, 0], [], []>, transpose_lhs_hint = false} : vector<256x3xf32>, vector<2048x3xf32>, vector<256x2048xf32> -> vector<256x2048xf32>
    %mul3A = arith.constant 2.000000e+00 : f32
    %mul3A_10 = vector.broadcast %mul3A : f32 to vector<256x2048xf32>
    %mul3A_11 = arith.mulf %mul3A_10, %dot_general3A_9 : vector<256x2048xf32>
    %get3A_12 = arith.constant 0 : index
    %get3A_13 = arith.constant 0 : index
    %get3A_14 = arith.constant 0 : index
    %get3A_15 = vector.load %arg4[%get3A_12, %get3A_13, %get3A_14] : memref<1x1x2048xf32, #tpu.memory_space<vmem>>, vector<1x1x2048xf32>
    %get3A_16 = vector.shape_cast %get3A_15 : vector<1x1x2048xf32> to vector<1x2048xf32>
    %sub3A = vector.broadcast %get3A_16 : vector<1x2048xf32> to vector<256x2048xf32>
    %sub3A_17 = arith.subf %mul3A_11, %sub3A : vector<256x2048xf32>
    %iota3A = tpu.iota {dimensions = array<i32: 1>} : vector<256x2048xi32>
    %convert_element_type3A = arith.sitofp %iota3A : vector<256x2048xi32> to vector<256x2048xf32>
    %reduce_max3A = arith.constant dense<0xFF800000> : vector<256xf32>
    %reduce_max3A_18 = vector.multi_reduction <maximumf>, %sub3A_17, %reduce_max3A [1] : vector<256x2048xf32> to vector<256xf32>
    %broadcast_in_dim3A = vector.shape_cast %reduce_max3A_18 : vector<256xf32> to vector<256x1xf32>
    %ge3A = vector.broadcast %broadcast_in_dim3A : vector<256x1xf32> to vector<256x2048xf32>
    %ge3A_19 = arith.cmpf oge, %sub3A_17, %ge3A : vector<256x2048xf32>
    %jit3A = arith.constant 2.048000e+03 : f32
    %broadcast_in_dim3A_20 = vector.broadcast %jit3A : f32 to vector<256x2048xf32>
    %select_n3A = arith.select %ge3A_19, %convert_element_type3A, %broadcast_in_dim3A_20 : vector<256x2048xi1>, vector<256x2048xf32>
    %reduce_min3A = arith.constant dense<0x7F800000> : vector<256xf32>
    %reduce_min3A_21 = vector.multi_reduction <minimumf>, %select_n3A, %reduce_min3A [1] : vector<256x2048xf32> to vector<256xf32>
    %broadcast_in_dim3A_22 = vector.shape_cast %reduce_min3A_21 : vector<256xf32> to vector<256x1xf32>
    %convert_element_type3A_23 = arith.fptosi %broadcast_in_dim3A_22 : vector<256x1xf32> to vector<256x1xi32>
    %mul3A_24 = arith.constant 2048 : i32
    %mul3A_25 = arith.muli %arg0, %mul3A_24 : i32
    %add3A = vector.broadcast %mul3A_25 : i32 to vector<256x1xi32>
    %add3A_26 = arith.addi %convert_element_type3A_23, %add3A : vector<256x1xi32>
    %swap3A = arith.constant 0 : index
    %swap3A_27 = arith.constant 0 : index
    %swap3A_28 = vector.load %arg5[%swap3A, %swap3A_27] : memref<256x24xi32, #tpu.memory_space<vmem>>, vector<256x1xi32>
    tpu.vector_store %arg5[%swap3A, %swap3A_27], %add3A_26 {strides = array<i32>} : memref<256x24xi32, #tpu.memory_space<vmem>>, vector<256x1xi32>,
    %eq3A = vector.broadcast %broadcast_in_dim3A_22 : vector<256x1xf32> to vector<256x2048xf32>
    %eq3A_29 = arith.cmpf oeq, %convert_element_type3A, %eq3A : vector<256x2048xf32>
    %jit3A_30 = arith.constant -1.000000e+30 : f32
    %broadcast_in_dim3A_31 = vector.broadcast %jit3A_30 : f32 to vector<256x2048xf32>
    %select_n3A_32 = arith.select %eq3A_29, %broadcast_in_dim3A_31, %sub3A_17 : vector<256x2048xi1>, vector<256x2048xf32>
    %reduce_max3A_33 = arith.constant dense<0xFF800000> : vector<256xf32>
    %reduce_max3A_34 = vector.multi_reduction <maximumf>, %select_n3A_32, %reduce_max3A_33 [1] : vector<256x2048xf32> to vector<256xf32>
    %broadcast_in_dim3A_35 = vector.shape_cast %reduce_max3A_34 : vector<256xf32> to vector<256x1xf32>
    %ge3A_36 = vector.broadcast %broadcast_in_dim3A_35 : vector<256x1xf32> to vector<256x2048xf32>
    %ge3A_37 = arith.cmpf oge, %select_n3A_32, %ge3A_36 : vector<256x2048xf32>
    %jit3A_38 = arith.constant 2.048000e+03 : f32
    %broadcast_in_dim3A_39 = vector.broadcast %jit3A_38 : f32 to vector<256x2048xf32>
    %select_n3A_40 = arith.select %ge3A_37, %convert_element_type3A, %broadcast_in_dim3A_39 : vector<256x2048xi1>, vector<256x2048xf32>
    %reduce_min3A_41 = arith.constant dense<0x7F800000> : vector<256xf32>
    %reduce_min3A_42 = vector.multi_reduction <minimumf>, %select_n3A_40, %reduce_min3A_41 [1] : vector<256x2048xf32> to vector<256xf32>
    %broadcast_in_dim3A_43 = vector.shape_cast %reduce_min3A_42 : vector<256xf32> to vector<256x1xf32>
    %convert_element_type3A_44 = arith.fptosi %broadcast_in_dim3A_43 : vector<256x1xf32> to vector<256x1xi32>
    %mul3A_45 = arith.constant 2048 : i32
    %mul3A_46 = arith.muli %arg0, %mul3A_45 : i32
    %add3A_47 = vector.broadcast %mul3A_46 : i32 to vector<256x1xi32>
    %add3A_48 = arith.addi %convert_element_type3A_44, %add3A_47 : vector<256x1xi32>
    %swap3A_49 = arith.constant 0 : index
    %swap3A_50 = arith.constant 1 : index
    %swap3A_51 = vector.load %arg5[%swap3A_49, %swap3A_50] : memref<256x24xi32, #tpu.memory_space<vmem>>, vector<256x1xi32>
    tpu.vector_store %arg5[%swap3A_49, %swap3A_50], %add3A_48 {strides = array<i32>} : memref<256x24xi32, #tpu.memory_space<vmem>>, vector<256x1xi32>,
    %eq3A_52 = vector.broadcast %broadcast_in_dim3A_43 : vector<256x1xf32> to vector<256x2048xf32>
    %eq3A_53 = arith.cmpf oeq, %convert_element_type3A, %eq3A_52 : vector<256x2048xf32>
    %jit3A_54 = arith.constant -1.000000e+30 : f32
    %broadcast_in_dim3A_55 = vector.broadcast %jit3A_54 : f32 to vector<256x2048xf32>
    %select_n3A_56 = arith.select %eq3A_53, %broadcast_in_dim3A_55, %select_n3A_32 : vector<256x2048xi1>, vector<256x2048xf32>
    %reduce_max3A_57 = arith.constant dense<0xFF800000> : vector<256xf32>
    %reduce_max3A_58 = vector.multi_reduction <maximumf>, %select_n3A_56, %reduce_max3A_57 [1] : vector<256x2048xf32> to vector<256xf32>
    %broadcast_in_dim3A_59 = vector.shape_cast %reduce_max3A_58 : vector<256xf32> to vector<256x1xf32>
    %ge3A_60 = vector.broadcast %broadcast_in_dim3A_59 : vector<256x1xf32> to vector<256x2048xf32>
    %ge3A_61 = arith.cmpf oge, %select_n3A_56, %ge3A_60 : vector<256x2048xf32>
    %jit3A_62 = arith.constant 2.048000e+03 : f32
    %broadcast_in_dim3A_63 = vector.broadcast %jit3A_62 : f32 to vector<256x2048xf32>
    %select_n3A_64 = arith.select %ge3A_61, %convert_element_type3A, %broadcast_in_dim3A_63 : vector<256x2048xi1>, vector<256x2048xf32>
    %reduce_min3A_65 = arith.constant dense<0x7F800000> : vector<256xf32>
    %reduce_min3A_66 = vector.multi_reduction <minimumf>, %select_n3A_64, %reduce_min3A_65 [1] : vector<256x2048xf32> to vector<256xf32>
    %broadcast_in_dim3A_67 = vector.shape_cast %reduce_min3A_66 : vector<256xf32> to vector<256x1xf32>
    %convert_element_type3A_68 = arith.fptosi %broadcast_in_dim3A_67 : vector<256x1xf32> to vector<256x1xi32>
    %mul3A_69 = arith.constant 2048 : i32
    %mul3A_70 = arith.muli %arg0, %mul3A_69 : i32
    %add3A_71 = vector.broadcast %mul3A_70 : i32 to vector<256x1xi32>
    %add3A_72 = arith.addi %convert_element_type3A_68, %add3A_71 : vector<256x1xi32>
    %swap3A_73 = arith.constant 0 : index
    %swap3A_74 = arith.constant 2 : index
    %swap3A_75 = vector.load %arg5[%swap3A_73, %swap3A_74] : memref<256x24xi32, #tpu.memory_space<vmem>>, vector<256x1xi32>
    tpu.vector_store %arg5[%swap3A_73, %swap3A_74], %add3A_72 {strides = array<i32>} : memref<256x24xi32, #tpu.memory_space<vmem>>, vector<256x1xi32>,
    %eq3A_76 = vector.broadcast %broadcast_in_dim3A_67 : vector<256x1xf32> to vector<256x2048xf32>
    %eq3A_77 = arith.cmpf oeq, %convert_element_type3A, %eq3A_76 : vector<256x2048xf32>
    %jit3A_78 = arith.constant -1.000000e+30 : f32
    %broadcast_in_dim3A_79 = vector.broadcast %jit3A_78 : f32 to vector<256x2048xf32>
    %select_n3A_80 = arith.select %eq3A_77, %broadcast_in_dim3A_79, %select_n3A_56 : vector<256x2048xi1>, vector<256x2048xf32>
    %reduce_max3A_81 = arith.constant dense<0xFF800000> : vector<256xf32>
    %reduce_max3A_82 = vector.multi_reduction <maximumf>, %select_n3A_80, %reduce_max3A_81 [1] : vector<256x2048xf32> to vector<256xf32>
    %broadcast_in_dim3A_83 = vector.shape_cast %reduce_max3A_82 : vector<256xf32> to vector<256x1xf32>
    %ge3A_84 = vector.broadcast %broadcast_in_dim3A_83 : vector<256x1xf32> to vector<256x2048xf32>
    %ge3A_85 = arith.cmpf oge, %select_n3A_80, %ge3A_84 : vector<256x2048xf32>
    %jit3A_86 = arith.constant 2.048000e+03 : f32
    %broadcast_in_dim3A_87 = vector.broadcast %jit3A_86 : f32 to vector<256x2048xf32>
    %select_n3A_88 = arith.select %ge3A_85, %convert_element_type3A, %broadcast_in_dim3A_87 : vector<256x2048xi1>, vector<256x2048xf32>
    %reduce_min3A_89 = arith.constant dense<0x7F800000> : vector<256xf32>
    %reduce_min3A_90 = vector.multi_reduction <minimumf>, %select_n3A_88, %reduce_min3A_89 [1] : vector<256x2048xf32> to vector<256xf32>
    %broadcast_in_dim3A_91 = vector.shape_cast %reduce_min3A_90 : vector<256xf32> to vector<256x1xf32>
    %convert_element_type3A_92 = arith.fptosi %broadcast_in_dim3A_91 : vector<256x1xf32> to vector<256x1xi32>
    %mul3A_93 = arith.constant 2048 : i32
    %mul3A_94 = arith.muli %arg0, %mul3A_93 : i32
    %add3A_95 = vector.broadcast %mul3A_94 : i32 to vector<256x1xi32>
    %add3A_96 = arith.addi %convert_element_type3A_92, %add3A_95 : vector<256x1xi32>
    %swap3A_97 = arith.constant 0 : index
    %swap3A_98 = arith.constant 3 : index
    %swap3A_99 = vector.load %arg5[%swap3A_97, %swap3A_98] : memref<256x24xi32, #tpu.memory_space<vmem>>, vector<256x1xi32>
    tpu.vector_store %arg5[%swap3A_97, %swap3A_98], %add3A_96 {strides = array<i32>} : memref<256x24xi32, #tpu.memory_space<vmem>>, vector<256x1xi32>,
    %eq3A_100 = vector.broadcast %broadcast_in_dim3A_91 : vector<256x1xf32> to vector<256x2048xf32>
    %eq3A_101 = arith.cmpf oeq, %convert_element_type3A, %eq3A_100 : vector<256x2048xf32>
    %jit3A_102 = arith.constant -1.000000e+30 : f32
    %broadcast_in_dim3A_103 = vector.broadcast %jit3A_102 : f32 to vector<256x2048xf32>
    %select_n3A_104 = arith.select %eq3A_101, %broadcast_in_dim3A_103, %select_n3A_80 : vector<256x2048xi1>, vector<256x2048xf32>
    %reduce_max3A_105 = arith.constant dense<0xFF800000> : vector<256xf32>
    %reduce_max3A_106 = vector.multi_reduction <maximumf>, %select_n3A_104, %reduce_max3A_105 [1] : vector<256x2048xf32> to vector<256xf32>
    %broadcast_in_dim3A_107 = vector.shape_cast %reduce_max3A_106 : vector<256xf32> to vector<256x1xf32>
    %ge3A_108 = vector.broadcast %broadcast_in_dim3A_107 : vector<256x1xf32> to vector<256x2048xf32>
    %ge3A_109 = arith.cmpf oge, %select_n3A_104, %ge3A_108 : vector<256x2048xf32>
    %jit3A_110 = arith.constant 2.048000e+03 : f32
    %broadcast_in_dim3A_111 = vector.broadcast %jit3A_110 : f32 to vector<256x2048xf32>
    %select_n3A_112 = arith.select %ge3A_109, %convert_element_type3A, %broadcast_in_dim3A_111 : vector<256x2048xi1>, vector<256x2048xf32>
    %reduce_min3A_113 = arith.constant dense<0x7F800000> : vector<256xf32>
    %reduce_min3A_114 = vector.multi_reduction <minimumf>, %select_n3A_112, %reduce_min3A_113 [1] : vector<256x2048xf32> to vector<256xf32>
    %broadcast_in_dim3A_115 = vector.shape_cast %reduce_min3A_114 : vector<256xf32> to vector<256x1xf32>
    %convert_element_type3A_116 = arith.fptosi %broadcast_in_dim3A_115 : vector<256x1xf32> to vector<256x1xi32>
    %mul3A_117 = arith.constant 2048 : i32
    %mul3A_118 = arith.muli %arg0, %mul3A_117 : i32
    %add3A_119 = vector.broadcast %mul3A_118 : i32 to vector<256x1xi32>
    %add3A_120 = arith.addi %convert_element_type3A_116, %add3A_119 : vector<256x1xi32>
    %swap3A_121 = arith.constant 0 : index
    %swap3A_122 = arith.constant 4 : index
    %swap3A_123 = vector.load %arg5[%swap3A_121, %swap3A_122] : memref<256x24xi32, #tpu.memory_space<vmem>>, vector<256x1xi32>
    tpu.vector_store %arg5[%swap3A_121, %swap3A_122], %add3A_120 {strides = array<i32>} : memref<256x24xi32, #tpu.memory_space<vmem>>, vector<256x1xi32>,
    %eq3A_124 = vector.broadcast %broadcast_in_dim3A_115 : vector<256x1xf32> to vector<256x2048xf32>
    %eq3A_125 = arith.cmpf oeq, %convert_element_type3A, %eq3A_124 : vector<256x2048xf32>
    %jit3A_126 = arith.constant -1.000000e+30 : f32
    %broadcast_in_dim3A_127 = vector.broadcast %jit3A_126 : f32 to vector<256x2048xf32>
    %select_n3A_128 = arith.select %eq3A_125, %broadcast_in_dim3A_127, %select_n3A_104 : vector<256x2048xi1>, vector<256x2048xf32>
    %reduce_max3A_129 = arith.constant dense<0xFF800000> : vector<256xf32>
    %reduce_max3A_130 = vector.multi_reduction <maximumf>, %select_n3A_128, %reduce_max3A_129 [1] : vector<256x2048xf32> to vector<256xf32>
    %broadcast_in_dim3A_131 = vector.shape_cast %reduce_max3A_130 : vector<256xf32> to vector<256x1xf32>
    %ge3A_132 = vector.broadcast %broadcast_in_dim3A_131 : vector<256x1xf32> to vector<256x2048xf32>
    %ge3A_133 = arith.cmpf oge, %select_n3A_128, %ge3A_132 : vector<256x2048xf32>
    %jit3A_134 = arith.constant 2.048000e+03 : f32
    %broadcast_in_dim3A_135 = vector.broadcast %jit3A_134 : f32 to vector<256x2048xf32>
    %select_n3A_136 = arith.select %ge3A_133, %convert_element_type3A, %broadcast_in_dim3A_135 : vector<256x2048xi1>, vector<256x2048xf32>
    %reduce_min3A_137 = arith.constant dense<0x7F800000> : vector<256xf32>
    %reduce_min3A_138 = vector.multi_reduction <minimumf>, %select_n3A_136, %reduce_min3A_137 [1] : vector<256x2048xf32> to vector<256xf32>
    %broadcast_in_dim3A_139 = vector.shape_cast %reduce_min3A_138 : vector<256xf32> to vector<256x1xf32>
    %convert_element_type3A_140 = arith.fptosi %broadcast_in_dim3A_139 : vector<256x1xf32> to vector<256x1xi32>
    %mul3A_141 = arith.constant 2048 : i32
    %mul3A_142 = arith.muli %arg0, %mul3A_141 : i32
    %add3A_143 = vector.broadcast %mul3A_142 : i32 to vector<256x1xi32>
    %add3A_144 = arith.addi %convert_element_type3A_140, %add3A_143 : vector<256x1xi32>
    %swap3A_145 = arith.constant 0 : index
    %swap3A_146 = arith.constant 5 : index
    %swap3A_147 = vector.load %arg5[%swap3A_145, %swap3A_146] : memref<256x24xi32, #tpu.memory_space<vmem>>, vector<256x1xi32>
    tpu.vector_store %arg5[%swap3A_145, %swap3A_146], %add3A_144 {strides = array<i32>} : memref<256x24xi32, #tpu.memory_space<vmem>>, vector<256x1xi32>,
    %eq3A_148 = vector.broadcast %broadcast_in_dim3A_139 : vector<256x1xf32> to vector<256x2048xf32>
    %eq3A_149 = arith.cmpf oeq, %convert_element_type3A, %eq3A_148 : vector<256x2048xf32>
    %jit3A_150 = arith.constant -1.000000e+30 : f32
    %broadcast_in_dim3A_151 = vector.broadcast %jit3A_150 : f32 to vector<256x2048xf32>
    %select_n3A_152 = arith.select %eq3A_149, %broadcast_in_dim3A_151, %select_n3A_128 : vector<256x2048xi1>, vector<256x2048xf32>
    %reduce_max3A_153 = arith.constant dense<0xFF800000> : vector<256xf32>
    %reduce_max3A_154 = vector.multi_reduction <maximumf>, %select_n3A_152, %reduce_max3A_153 [1] : vector<256x2048xf32> to vector<256xf32>
    %broadcast_in_dim3A_155 = vector.shape_cast %reduce_max3A_154 : vector<256xf32> to vector<256x1xf32>
    %ge3A_156 = vector.broadcast %broadcast_in_dim3A_155 : vector<256x1xf32> to vector<256x2048xf32>
    %ge3A_157 = arith.cmpf oge, %select_n3A_152, %ge3A_156 : vector<256x2048xf32>
    %jit3A_158 = arith.constant 2.048000e+03 : f32
    %broadcast_in_dim3A_159 = vector.broadcast %jit3A_158 : f32 to vector<256x2048xf32>
    %select_n3A_160 = arith.select %ge3A_157, %convert_element_type3A, %broadcast_in_dim3A_159 : vector<256x2048xi1>, vector<256x2048xf32>
    %reduce_min3A_161 = arith.constant dense<0x7F800000> : vector<256xf32>
    %reduce_min3A_162 = vector.multi_reduction <minimumf>, %select_n3A_160, %reduce_min3A_161 [1] : vector<256x2048xf32> to vector<256xf32>
    %broadcast_in_dim3A_163 = vector.shape_cast %reduce_min3A_162 : vector<256xf32> to vector<256x1xf32>
    %convert_element_type3A_164 = arith.fptosi %broadcast_in_dim3A_163 : vector<256x1xf32> to vector<256x1xi32>
    %mul3A_165 = arith.constant 2048 : i32
    %mul3A_166 = arith.muli %arg0, %mul3A_165 : i32
    %add3A_167 = vector.broadcast %mul3A_166 : i32 to vector<256x1xi32>
    %add3A_168 = arith.addi %convert_element_type3A_164, %add3A_167 : vector<256x1xi32>
    %swap3A_169 = arith.constant 0 : index
    %swap3A_170 = arith.constant 6 : index
    %swap3A_171 = vector.load %arg5[%swap3A_169, %swap3A_170] : memref<256x24xi32, #tpu.memory_space<vmem>>, vector<256x1xi32>
    tpu.vector_store %arg5[%swap3A_169, %swap3A_170], %add3A_168 {strides = array<i32>} : memref<256x24xi32, #tpu.memory_space<vmem>>, vector<256x1xi32>,
    %eq3A_172 = vector.broadcast %broadcast_in_dim3A_163 : vector<256x1xf32> to vector<256x2048xf32>
    %eq3A_173 = arith.cmpf oeq, %convert_element_type3A, %eq3A_172 : vector<256x2048xf32>
    %jit3A_174 = arith.constant -1.000000e+30 : f32
    %broadcast_in_dim3A_175 = vector.broadcast %jit3A_174 : f32 to vector<256x2048xf32>
    %select_n3A_176 = arith.select %eq3A_173, %broadcast_in_dim3A_175, %select_n3A_152 : vector<256x2048xi1>, vector<256x2048xf32>
    %reduce_max3A_177 = arith.constant dense<0xFF800000> : vector<256xf32>
    %reduce_max3A_178 = vector.multi_reduction <maximumf>, %select_n3A_176, %reduce_max3A_177 [1] : vector<256x2048xf32> to vector<256xf32>
    %broadcast_in_dim3A_179 = vector.shape_cast %reduce_max3A_178 : vector<256xf32> to vector<256x1xf32>
    %ge3A_180 = vector.broadcast %broadcast_in_dim3A_179 : vector<256x1xf32> to vector<256x2048xf32>
    %ge3A_181 = arith.cmpf oge, %select_n3A_176, %ge3A_180 : vector<256x2048xf32>
    %jit3A_182 = arith.constant 2.048000e+03 : f32
    %broadcast_in_dim3A_183 = vector.broadcast %jit3A_182 : f32 to vector<256x2048xf32>
    %select_n3A_184 = arith.select %ge3A_181, %convert_element_type3A, %broadcast_in_dim3A_183 : vector<256x2048xi1>, vector<256x2048xf32>
    %reduce_min3A_185 = arith.constant dense<0x7F800000> : vector<256xf32>
    %reduce_min3A_186 = vector.multi_reduction <minimumf>, %select_n3A_184, %reduce_min3A_185 [1] : vector<256x2048xf32> to vector<256xf32>
    %broadcast_in_dim3A_187 = vector.shape_cast %reduce_min3A_186 : vector<256xf32> to vector<256x1xf32>
    %convert_element_type3A_188 = arith.fptosi %broadcast_in_dim3A_187 : vector<256x1xf32> to vector<256x1xi32>
    %mul3A_189 = arith.constant 2048 : i32
    %mul3A_190 = arith.muli %arg0, %mul3A_189 : i32
    %add3A_191 = vector.broadcast %mul3A_190 : i32 to vector<256x1xi32>
    %add3A_192 = arith.addi %convert_element_type3A_188, %add3A_191 : vector<256x1xi32>
    %swap3A_193 = arith.constant 0 : index
    %swap3A_194 = arith.constant 7 : index
    %swap3A_195 = vector.load %arg5[%swap3A_193, %swap3A_194] : memref<256x24xi32, #tpu.memory_space<vmem>>, vector<256x1xi32>
    tpu.vector_store %arg5[%swap3A_193, %swap3A_194], %add3A_192 {strides = array<i32>} : memref<256x24xi32, #tpu.memory_space<vmem>>, vector<256x1xi32>,
    %eq3A_196 = vector.broadcast %broadcast_in_dim3A_187 : vector<256x1xf32> to vector<256x2048xf32>
    %eq3A_197 = arith.cmpf oeq, %convert_element_type3A, %eq3A_196 : vector<256x2048xf32>
    %jit3A_198 = arith.constant -1.000000e+30 : f32
    %broadcast_in_dim3A_199 = vector.broadcast %jit3A_198 : f32 to vector<256x2048xf32>
    %select_n3A_200 = arith.select %eq3A_197, %broadcast_in_dim3A_199, %select_n3A_176 : vector<256x2048xi1>, vector<256x2048xf32>
    %reduce_max3A_201 = arith.constant dense<0xFF800000> : vector<256xf32>
    %reduce_max3A_202 = vector.multi_reduction <maximumf>, %select_n3A_200, %reduce_max3A_201 [1] : vector<256x2048xf32> to vector<256xf32>
    %broadcast_in_dim3A_203 = vector.shape_cast %reduce_max3A_202 : vector<256xf32> to vector<256x1xf32>
    %ge3A_204 = vector.broadcast %broadcast_in_dim3A_203 : vector<256x1xf32> to vector<256x2048xf32>
    %ge3A_205 = arith.cmpf oge, %select_n3A_200, %ge3A_204 : vector<256x2048xf32>
    %jit3A_206 = arith.constant 2.048000e+03 : f32
    %broadcast_in_dim3A_207 = vector.broadcast %jit3A_206 : f32 to vector<256x2048xf32>
    %select_n3A_208 = arith.select %ge3A_205, %convert_element_type3A, %broadcast_in_dim3A_207 : vector<256x2048xi1>, vector<256x2048xf32>
    %reduce_min3A_209 = arith.constant dense<0x7F800000> : vector<256xf32>
    %reduce_min3A_210 = vector.multi_reduction <minimumf>, %select_n3A_208, %reduce_min3A_209 [1] : vector<256x2048xf32> to vector<256xf32>
    %broadcast_in_dim3A_211 = vector.shape_cast %reduce_min3A_210 : vector<256xf32> to vector<256x1xf32>
    %convert_element_type3A_212 = arith.fptosi %broadcast_in_dim3A_211 : vector<256x1xf32> to vector<256x1xi32>
    %mul3A_213 = arith.constant 2048 : i32
    %mul3A_214 = arith.muli %arg0, %mul3A_213 : i32
    %add3A_215 = vector.broadcast %mul3A_214 : i32 to vector<256x1xi32>
    %add3A_216 = arith.addi %convert_element_type3A_212, %add3A_215 : vector<256x1xi32>
    %swap3A_217 = arith.constant 0 : index
    %swap3A_218 = arith.constant 8 : index
    %swap3A_219 = vector.load %arg5[%swap3A_217, %swap3A_218] : memref<256x24xi32, #tpu.memory_space<vmem>>, vector<256x1xi32>
    tpu.vector_store %arg5[%swap3A_217, %swap3A_218], %add3A_216 {strides = array<i32>} : memref<256x24xi32, #tpu.memory_space<vmem>>, vector<256x1xi32>,
    %eq3A_220 = vector.broadcast %broadcast_in_dim3A_211 : vector<256x1xf32> to vector<256x2048xf32>
    %eq3A_221 = arith.cmpf oeq, %convert_element_type3A, %eq3A_220 : vector<256x2048xf32>
    %jit3A_222 = arith.constant -1.000000e+30 : f32
    %broadcast_in_dim3A_223 = vector.broadcast %jit3A_222 : f32 to vector<256x2048xf32>
    %select_n3A_224 = arith.select %eq3A_221, %broadcast_in_dim3A_223, %select_n3A_200 : vector<256x2048xi1>, vector<256x2048xf32>
    %reduce_max3A_225 = arith.constant dense<0xFF800000> : vector<256xf32>
    %reduce_max3A_226 = vector.multi_reduction <maximumf>, %select_n3A_224, %reduce_max3A_225 [1] : vector<256x2048xf32> to vector<256xf32>
    %broadcast_in_dim3A_227 = vector.shape_cast %reduce_max3A_226 : vector<256xf32> to vector<256x1xf32>
    %ge3A_228 = vector.broadcast %broadcast_in_dim3A_227 : vector<256x1xf32> to vector<256x2048xf32>
    %ge3A_229 = arith.cmpf oge, %select_n3A_224, %ge3A_228 : vector<256x2048xf32>
    %jit3A_230 = arith.constant 2.048000e+03 : f32
    %broadcast_in_dim3A_231 = vector.broadcast %jit3A_230 : f32 to vector<256x2048xf32>
    %select_n3A_232 = arith.select %ge3A_229, %convert_element_type3A, %broadcast_in_dim3A_231 : vector<256x2048xi1>, vector<256x2048xf32>
    %reduce_min3A_233 = arith.constant dense<0x7F800000> : vector<256xf32>
    %reduce_min3A_234 = vector.multi_reduction <minimumf>, %select_n3A_232, %reduce_min3A_233 [1] : vector<256x2048xf32> to vector<256xf32>
    %broadcast_in_dim3A_235 = vector.shape_cast %reduce_min3A_234 : vector<256xf32> to vector<256x1xf32>
    %convert_element_type3A_236 = arith.fptosi %broadcast_in_dim3A_235 : vector<256x1xf32> to vector<256x1xi32>
    %mul3A_237 = arith.constant 2048 : i32
    %mul3A_238 = arith.muli %arg0, %mul3A_237 : i32
    %add3A_239 = vector.broadcast %mul3A_238 : i32 to vector<256x1xi32>
    %add3A_240 = arith.addi %convert_element_type3A_236, %add3A_239 : vector<256x1xi32>
    %swap3A_241 = arith.constant 0 : index
    %swap3A_242 = arith.constant 9 : index
    %swap3A_243 = vector.load %arg5[%swap3A_241, %swap3A_242] : memref<256x24xi32, #tpu.memory_space<vmem>>, vector<256x1xi32>
    tpu.vector_store %arg5[%swap3A_241, %swap3A_242], %add3A_240 {strides = array<i32>} : memref<256x24xi32, #tpu.memory_space<vmem>>, vector<256x1xi32>,
    %eq3A_244 = vector.broadcast %broadcast_in_dim3A_235 : vector<256x1xf32> to vector<256x2048xf32>
    %eq3A_245 = arith.cmpf oeq, %convert_element_type3A, %eq3A_244 : vector<256x2048xf32>
    %jit3A_246 = arith.constant -1.000000e+30 : f32
    %broadcast_in_dim3A_247 = vector.broadcast %jit3A_246 : f32 to vector<256x2048xf32>
    %select_n3A_248 = arith.select %eq3A_245, %broadcast_in_dim3A_247, %select_n3A_224 : vector<256x2048xi1>, vector<256x2048xf32>
    %reduce_max3A_249 = arith.constant dense<0xFF800000> : vector<256xf32>
    %reduce_max3A_250 = vector.multi_reduction <maximumf>, %select_n3A_248, %reduce_max3A_249 [1] : vector<256x2048xf32> to vector<256xf32>
    %broadcast_in_dim3A_251 = vector.shape_cast %reduce_max3A_250 : vector<256xf32> to vector<256x1xf32>
    %ge3A_252 = vector.broadcast %broadcast_in_dim3A_251 : vector<256x1xf32> to vector<256x2048xf32>
    %ge3A_253 = arith.cmpf oge, %select_n3A_248, %ge3A_252 : vector<256x2048xf32>
    %jit3A_254 = arith.constant 2.048000e+03 : f32
    %broadcast_in_dim3A_255 = vector.broadcast %jit3A_254 : f32 to vector<256x2048xf32>
    %select_n3A_256 = arith.select %ge3A_253, %convert_element_type3A, %broadcast_in_dim3A_255 : vector<256x2048xi1>, vector<256x2048xf32>
    %reduce_min3A_257 = arith.constant dense<0x7F800000> : vector<256xf32>
    %reduce_min3A_258 = vector.multi_reduction <minimumf>, %select_n3A_256, %reduce_min3A_257 [1] : vector<256x2048xf32> to vector<256xf32>
    %broadcast_in_dim3A_259 = vector.shape_cast %reduce_min3A_258 : vector<256xf32> to vector<256x1xf32>
    %convert_element_type3A_260 = arith.fptosi %broadcast_in_dim3A_259 : vector<256x1xf32> to vector<256x1xi32>
    %mul3A_261 = arith.constant 2048 : i32
    %mul3A_262 = arith.muli %arg0, %mul3A_261 : i32
    %add3A_263 = vector.broadcast %mul3A_262 : i32 to vector<256x1xi32>
    %add3A_264 = arith.addi %convert_element_type3A_260, %add3A_263 : vector<256x1xi32>
    %swap3A_265 = arith.constant 0 : index
    %swap3A_266 = arith.constant 10 : index
    %swap3A_267 = vector.load %arg5[%swap3A_265, %swap3A_266] : memref<256x24xi32, #tpu.memory_space<vmem>>, vector<256x1xi32>
    tpu.vector_store %arg5[%swap3A_265, %swap3A_266], %add3A_264 {strides = array<i32>} : memref<256x24xi32, #tpu.memory_space<vmem>>, vector<256x1xi32>,
    %eq3A_268 = vector.broadcast %broadcast_in_dim3A_259 : vector<256x1xf32> to vector<256x2048xf32>
    %eq3A_269 = arith.cmpf oeq, %convert_element_type3A, %eq3A_268 : vector<256x2048xf32>
    %jit3A_270 = arith.constant -1.000000e+30 : f32
    %broadcast_in_dim3A_271 = vector.broadcast %jit3A_270 : f32 to vector<256x2048xf32>
    %select_n3A_272 = arith.select %eq3A_269, %broadcast_in_dim3A_271, %select_n3A_248 : vector<256x2048xi1>, vector<256x2048xf32>
    %reduce_max3A_273 = arith.constant dense<0xFF800000> : vector<256xf32>
    %reduce_max3A_274 = vector.multi_reduction <maximumf>, %select_n3A_272, %reduce_max3A_273 [1] : vector<256x2048xf32> to vector<256xf32>
    %broadcast_in_dim3A_275 = vector.shape_cast %reduce_max3A_274 : vector<256xf32> to vector<256x1xf32>
    %ge3A_276 = vector.broadcast %broadcast_in_dim3A_275 : vector<256x1xf32> to vector<256x2048xf32>
    %ge3A_277 = arith.cmpf oge, %select_n3A_272, %ge3A_276 : vector<256x2048xf32>
    %jit3A_278 = arith.constant 2.048000e+03 : f32
    %broadcast_in_dim3A_279 = vector.broadcast %jit3A_278 : f32 to vector<256x2048xf32>
    %select_n3A_280 = arith.select %ge3A_277, %convert_element_type3A, %broadcast_in_dim3A_279 : vector<256x2048xi1>, vector<256x2048xf32>
    %reduce_min3A_281 = arith.constant dense<0x7F800000> : vector<256xf32>
    %reduce_min3A_282 = vector.multi_reduction <minimumf>, %select_n3A_280, %reduce_min3A_281 [1] : vector<256x2048xf32> to vector<256xf32>
    %broadcast_in_dim3A_283 = vector.shape_cast %reduce_min3A_282 : vector<256xf32> to vector<256x1xf32>
    %convert_element_type3A_284 = arith.fptosi %broadcast_in_dim3A_283 : vector<256x1xf32> to vector<256x1xi32>
    %mul3A_285 = arith.constant 2048 : i32
    %mul3A_286 = arith.muli %arg0, %mul3A_285 : i32
    %add3A_287 = vector.broadcast %mul3A_286 : i32 to vector<256x1xi32>
    %add3A_288 = arith.addi %convert_element_type3A_284, %add3A_287 : vector<256x1xi32>
    %swap3A_289 = arith.constant 0 : index
    %swap3A_290 = arith.constant 11 : index
    %swap3A_291 = vector.load %arg5[%swap3A_289, %swap3A_290] : memref<256x24xi32, #tpu.memory_space<vmem>>, vector<256x1xi32>
    tpu.vector_store %arg5[%swap3A_289, %swap3A_290], %add3A_288 {strides = array<i32>} : memref<256x24xi32, #tpu.memory_space<vmem>>, vector<256x1xi32>,
    %eq3A_292 = vector.broadcast %broadcast_in_dim3A_283 : vector<256x1xf32> to vector<256x2048xf32>
    %eq3A_293 = arith.cmpf oeq, %convert_element_type3A, %eq3A_292 : vector<256x2048xf32>
    %jit3A_294 = arith.constant -1.000000e+30 : f32
    %broadcast_in_dim3A_295 = vector.broadcast %jit3A_294 : f32 to vector<256x2048xf32>
    %select_n3A_296 = arith.select %eq3A_293, %broadcast_in_dim3A_295, %select_n3A_272 : vector<256x2048xi1>, vector<256x2048xf32>
    %reduce_max3A_297 = arith.constant dense<0xFF800000> : vector<256xf32>
    %reduce_max3A_298 = vector.multi_reduction <maximumf>, %select_n3A_296, %reduce_max3A_297 [1] : vector<256x2048xf32> to vector<256xf32>
    %broadcast_in_dim3A_299 = vector.shape_cast %reduce_max3A_298 : vector<256xf32> to vector<256x1xf32>
    %ge3A_300 = vector.broadcast %broadcast_in_dim3A_299 : vector<256x1xf32> to vector<256x2048xf32>
    %ge3A_301 = arith.cmpf oge, %select_n3A_296, %ge3A_300 : vector<256x2048xf32>
    %jit3A_302 = arith.constant 2.048000e+03 : f32
    %broadcast_in_dim3A_303 = vector.broadcast %jit3A_302 : f32 to vector<256x2048xf32>
    %select_n3A_304 = arith.select %ge3A_301, %convert_element_type3A, %broadcast_in_dim3A_303 : vector<256x2048xi1>, vector<256x2048xf32>
    %reduce_min3A_305 = arith.constant dense<0x7F800000> : vector<256xf32>
    %reduce_min3A_306 = vector.multi_reduction <minimumf>, %select_n3A_304, %reduce_min3A_305 [1] : vector<256x2048xf32> to vector<256xf32>
    %broadcast_in_dim3A_307 = vector.shape_cast %reduce_min3A_306 : vector<256xf32> to vector<256x1xf32>
    %convert_element_type3A_308 = arith.fptosi %broadcast_in_dim3A_307 : vector<256x1xf32> to vector<256x1xi32>
    %mul3A_309 = arith.constant 2048 : i32
    %mul3A_310 = arith.muli %arg0, %mul3A_309 : i32
    %add3A_311 = vector.broadcast %mul3A_310 : i32 to vector<256x1xi32>
    %add3A_312 = arith.addi %convert_element_type3A_308, %add3A_311 : vector<256x1xi32>
    %swap3A_313 = arith.constant 0 : index
    %swap3A_314 = arith.constant 12 : index
    %swap3A_315 = vector.load %arg5[%swap3A_313, %swap3A_314] : memref<256x24xi32, #tpu.memory_space<vmem>>, vector<256x1xi32>
    tpu.vector_store %arg5[%swap3A_313, %swap3A_314], %add3A_312 {strides = array<i32>} : memref<256x24xi32, #tpu.memory_space<vmem>>, vector<256x1xi32>,
    %eq3A_316 = vector.broadcast %broadcast_in_dim3A_307 : vector<256x1xf32> to vector<256x2048xf32>
    %eq3A_317 = arith.cmpf oeq, %convert_element_type3A, %eq3A_316 : vector<256x2048xf32>
    %jit3A_318 = arith.constant -1.000000e+30 : f32
    %broadcast_in_dim3A_319 = vector.broadcast %jit3A_318 : f32 to vector<256x2048xf32>
    %select_n3A_320 = arith.select %eq3A_317, %broadcast_in_dim3A_319, %select_n3A_296 : vector<256x2048xi1>, vector<256x2048xf32>
    %reduce_max3A_321 = arith.constant dense<0xFF800000> : vector<256xf32>
    %reduce_max3A_322 = vector.multi_reduction <maximumf>, %select_n3A_320, %reduce_max3A_321 [1] : vector<256x2048xf32> to vector<256xf32>
    %broadcast_in_dim3A_323 = vector.shape_cast %reduce_max3A_322 : vector<256xf32> to vector<256x1xf32>
    %ge3A_324 = vector.broadcast %broadcast_in_dim3A_323 : vector<256x1xf32> to vector<256x2048xf32>
    %ge3A_325 = arith.cmpf oge, %select_n3A_320, %ge3A_324 : vector<256x2048xf32>
    %jit3A_326 = arith.constant 2.048000e+03 : f32
    %broadcast_in_dim3A_327 = vector.broadcast %jit3A_326 : f32 to vector<256x2048xf32>
    %select_n3A_328 = arith.select %ge3A_325, %convert_element_type3A, %broadcast_in_dim3A_327 : vector<256x2048xi1>, vector<256x2048xf32>
    %reduce_min3A_329 = arith.constant dense<0x7F800000> : vector<256xf32>
    %reduce_min3A_330 = vector.multi_reduction <minimumf>, %select_n3A_328, %reduce_min3A_329 [1] : vector<256x2048xf32> to vector<256xf32>
    %broadcast_in_dim3A_331 = vector.shape_cast %reduce_min3A_330 : vector<256xf32> to vector<256x1xf32>
    %convert_element_type3A_332 = arith.fptosi %broadcast_in_dim3A_331 : vector<256x1xf32> to vector<256x1xi32>
    %mul3A_333 = arith.constant 2048 : i32
    %mul3A_334 = arith.muli %arg0, %mul3A_333 : i32
    %add3A_335 = vector.broadcast %mul3A_334 : i32 to vector<256x1xi32>
    %add3A_336 = arith.addi %convert_element_type3A_332, %add3A_335 : vector<256x1xi32>
    %swap3A_337 = arith.constant 0 : index
    %swap3A_338 = arith.constant 13 : index
    %swap3A_339 = vector.load %arg5[%swap3A_337, %swap3A_338] : memref<256x24xi32, #tpu.memory_space<vmem>>, vector<256x1xi32>
    tpu.vector_store %arg5[%swap3A_337, %swap3A_338], %add3A_336 {strides = array<i32>} : memref<256x24xi32, #tpu.memory_space<vmem>>, vector<256x1xi32>,
    %eq3A_340 = vector.broadcast %broadcast_in_dim3A_331 : vector<256x1xf32> to vector<256x2048xf32>
    %eq3A_341 = arith.cmpf oeq, %convert_element_type3A, %eq3A_340 : vector<256x2048xf32>
    %jit3A_342 = arith.constant -1.000000e+30 : f32
    %broadcast_in_dim3A_343 = vector.broadcast %jit3A_342 : f32 to vector<256x2048xf32>
    %select_n3A_344 = arith.select %eq3A_341, %broadcast_in_dim3A_343, %select_n3A_320 : vector<256x2048xi1>, vector<256x2048xf32>
    %reduce_max3A_345 = arith.constant dense<0xFF800000> : vector<256xf32>
    %reduce_max3A_346 = vector.multi_reduction <maximumf>, %select_n3A_344, %reduce_max3A_345 [1] : vector<256x2048xf32> to vector<256xf32>
    %broadcast_in_dim3A_347 = vector.shape_cast %reduce_max3A_346 : vector<256xf32> to vector<256x1xf32>
    %ge3A_348 = vector.broadcast %broadcast_in_dim3A_347 : vector<256x1xf32> to vector<256x2048xf32>
    %ge3A_349 = arith.cmpf oge, %select_n3A_344, %ge3A_348 : vector<256x2048xf32>
    %jit3A_350 = arith.constant 2.048000e+03 : f32
    %broadcast_in_dim3A_351 = vector.broadcast %jit3A_350 : f32 to vector<256x2048xf32>
    %select_n3A_352 = arith.select %ge3A_349, %convert_element_type3A, %broadcast_in_dim3A_351 : vector<256x2048xi1>, vector<256x2048xf32>
    %reduce_min3A_353 = arith.constant dense<0x7F800000> : vector<256xf32>
    %reduce_min3A_354 = vector.multi_reduction <minimumf>, %select_n3A_352, %reduce_min3A_353 [1] : vector<256x2048xf32> to vector<256xf32>
    %broadcast_in_dim3A_355 = vector.shape_cast %reduce_min3A_354 : vector<256xf32> to vector<256x1xf32>
    %convert_element_type3A_356 = arith.fptosi %broadcast_in_dim3A_355 : vector<256x1xf32> to vector<256x1xi32>
    %mul3A_357 = arith.constant 2048 : i32
    %mul3A_358 = arith.muli %arg0, %mul3A_357 : i32
    %add3A_359 = vector.broadcast %mul3A_358 : i32 to vector<256x1xi32>
    %add3A_360 = arith.addi %convert_element_type3A_356, %add3A_359 : vector<256x1xi32>
    %swap3A_361 = arith.constant 0 : index
    %swap3A_362 = arith.constant 14 : index
    %swap3A_363 = vector.load %arg5[%swap3A_361, %swap3A_362] : memref<256x24xi32, #tpu.memory_space<vmem>>, vector<256x1xi32>
    tpu.vector_store %arg5[%swap3A_361, %swap3A_362], %add3A_360 {strides = array<i32>} : memref<256x24xi32, #tpu.memory_space<vmem>>, vector<256x1xi32>,
    %eq3A_364 = vector.broadcast %broadcast_in_dim3A_355 : vector<256x1xf32> to vector<256x2048xf32>
    %eq3A_365 = arith.cmpf oeq, %convert_element_type3A, %eq3A_364 : vector<256x2048xf32>
    %jit3A_366 = arith.constant -1.000000e+30 : f32
    %broadcast_in_dim3A_367 = vector.broadcast %jit3A_366 : f32 to vector<256x2048xf32>
    %select_n3A_368 = arith.select %eq3A_365, %broadcast_in_dim3A_367, %select_n3A_344 : vector<256x2048xi1>, vector<256x2048xf32>
    %reduce_max3A_369 = arith.constant dense<0xFF800000> : vector<256xf32>
    %reduce_max3A_370 = vector.multi_reduction <maximumf>, %select_n3A_368, %reduce_max3A_369 [1] : vector<256x2048xf32> to vector<256xf32>
    %broadcast_in_dim3A_371 = vector.shape_cast %reduce_max3A_370 : vector<256xf32> to vector<256x1xf32>
    %ge3A_372 = vector.broadcast %broadcast_in_dim3A_371 : vector<256x1xf32> to vector<256x2048xf32>
    %ge3A_373 = arith.cmpf oge, %select_n3A_368, %ge3A_372 : vector<256x2048xf32>
    %jit3A_374 = arith.constant 2.048000e+03 : f32
    %broadcast_in_dim3A_375 = vector.broadcast %jit3A_374 : f32 to vector<256x2048xf32>
    %select_n3A_376 = arith.select %ge3A_373, %convert_element_type3A, %broadcast_in_dim3A_375 : vector<256x2048xi1>, vector<256x2048xf32>
    %reduce_min3A_377 = arith.constant dense<0x7F800000> : vector<256xf32>
    %reduce_min3A_378 = vector.multi_reduction <minimumf>, %select_n3A_376, %reduce_min3A_377 [1] : vector<256x2048xf32> to vector<256xf32>
    %broadcast_in_dim3A_379 = vector.shape_cast %reduce_min3A_378 : vector<256xf32> to vector<256x1xf32>
    %convert_element_type3A_380 = arith.fptosi %broadcast_in_dim3A_379 : vector<256x1xf32> to vector<256x1xi32>
    %mul3A_381 = arith.constant 2048 : i32
    %mul3A_382 = arith.muli %arg0, %mul3A_381 : i32
    %add3A_383 = vector.broadcast %mul3A_382 : i32 to vector<256x1xi32>
    %add3A_384 = arith.addi %convert_element_type3A_380, %add3A_383 : vector<256x1xi32>
    %swap3A_385 = arith.constant 0 : index
    %swap3A_386 = arith.constant 15 : index
    %swap3A_387 = vector.load %arg5[%swap3A_385, %swap3A_386] : memref<256x24xi32, #tpu.memory_space<vmem>>, vector<256x1xi32>
    tpu.vector_store %arg5[%swap3A_385, %swap3A_386], %add3A_384 {strides = array<i32>} : memref<256x24xi32, #tpu.memory_space<vmem>>, vector<256x1xi32>,
    %eq3A_388 = vector.broadcast %broadcast_in_dim3A_379 : vector<256x1xf32> to vector<256x2048xf32>
    %eq3A_389 = arith.cmpf oeq, %convert_element_type3A, %eq3A_388 : vector<256x2048xf32>
    %jit3A_390 = arith.constant -1.000000e+30 : f32
    %broadcast_in_dim3A_391 = vector.broadcast %jit3A_390 : f32 to vector<256x2048xf32>
    %select_n3A_392 = arith.select %eq3A_389, %broadcast_in_dim3A_391, %select_n3A_368 : vector<256x2048xi1>, vector<256x2048xf32>
    %reduce_max3A_393 = arith.constant dense<0xFF800000> : vector<256xf32>
    %reduce_max3A_394 = vector.multi_reduction <maximumf>, %select_n3A_392, %reduce_max3A_393 [1] : vector<256x2048xf32> to vector<256xf32>
    %broadcast_in_dim3A_395 = vector.shape_cast %reduce_max3A_394 : vector<256xf32> to vector<256x1xf32>
    %ge3A_396 = vector.broadcast %broadcast_in_dim3A_395 : vector<256x1xf32> to vector<256x2048xf32>
    %ge3A_397 = arith.cmpf oge, %select_n3A_392, %ge3A_396 : vector<256x2048xf32>
    %jit3A_398 = arith.constant 2.048000e+03 : f32
    %broadcast_in_dim3A_399 = vector.broadcast %jit3A_398 : f32 to vector<256x2048xf32>
    %select_n3A_400 = arith.select %ge3A_397, %convert_element_type3A, %broadcast_in_dim3A_399 : vector<256x2048xi1>, vector<256x2048xf32>
    %reduce_min3A_401 = arith.constant dense<0x7F800000> : vector<256xf32>
    %reduce_min3A_402 = vector.multi_reduction <minimumf>, %select_n3A_400, %reduce_min3A_401 [1] : vector<256x2048xf32> to vector<256xf32>
    %broadcast_in_dim3A_403 = vector.shape_cast %reduce_min3A_402 : vector<256xf32> to vector<256x1xf32>
    %convert_element_type3A_404 = arith.fptosi %broadcast_in_dim3A_403 : vector<256x1xf32> to vector<256x1xi32>
    %mul3A_405 = arith.constant 2048 : i32
    %mul3A_406 = arith.muli %arg0, %mul3A_405 : i32
    %add3A_407 = vector.broadcast %mul3A_406 : i32 to vector<256x1xi32>
    %add3A_408 = arith.addi %convert_element_type3A_404, %add3A_407 : vector<256x1xi32>
    %swap3A_409 = arith.constant 0 : index
    %swap3A_410 = arith.constant 16 : index
    %swap3A_411 = vector.load %arg5[%swap3A_409, %swap3A_410] : memref<256x24xi32, #tpu.memory_space<vmem>>, vector<256x1xi32>
    tpu.vector_store %arg5[%swap3A_409, %swap3A_410], %add3A_408 {strides = array<i32>} : memref<256x24xi32, #tpu.memory_space<vmem>>, vector<256x1xi32>,
    %eq3A_412 = vector.broadcast %broadcast_in_dim3A_403 : vector<256x1xf32> to vector<256x2048xf32>
    %eq3A_413 = arith.cmpf oeq, %convert_element_type3A, %eq3A_412 : vector<256x2048xf32>
    %jit3A_414 = arith.constant -1.000000e+30 : f32
    %broadcast_in_dim3A_415 = vector.broadcast %jit3A_414 : f32 to vector<256x2048xf32>
    %select_n3A_416 = arith.select %eq3A_413, %broadcast_in_dim3A_415, %select_n3A_392 : vector<256x2048xi1>, vector<256x2048xf32>
    %reduce_max3A_417 = arith.constant dense<0xFF800000> : vector<256xf32>
    %reduce_max3A_418 = vector.multi_reduction <maximumf>, %select_n3A_416, %reduce_max3A_417 [1] : vector<256x2048xf32> to vector<256xf32>
    %broadcast_in_dim3A_419 = vector.shape_cast %reduce_max3A_418 : vector<256xf32> to vector<256x1xf32>
    %ge3A_420 = vector.broadcast %broadcast_in_dim3A_419 : vector<256x1xf32> to vector<256x2048xf32>
    %ge3A_421 = arith.cmpf oge, %select_n3A_416, %ge3A_420 : vector<256x2048xf32>
    %jit3A_422 = arith.constant 2.048000e+03 : f32
    %broadcast_in_dim3A_423 = vector.broadcast %jit3A_422 : f32 to vector<256x2048xf32>
    %select_n3A_424 = arith.select %ge3A_421, %convert_element_type3A, %broadcast_in_dim3A_423 : vector<256x2048xi1>, vector<256x2048xf32>
    %reduce_min3A_425 = arith.constant dense<0x7F800000> : vector<256xf32>
    %reduce_min3A_426 = vector.multi_reduction <minimumf>, %select_n3A_424, %reduce_min3A_425 [1] : vector<256x2048xf32> to vector<256xf32>
    %broadcast_in_dim3A_427 = vector.shape_cast %reduce_min3A_426 : vector<256xf32> to vector<256x1xf32>
    %convert_element_type3A_428 = arith.fptosi %broadcast_in_dim3A_427 : vector<256x1xf32> to vector<256x1xi32>
    %mul3A_429 = arith.constant 2048 : i32
    %mul3A_430 = arith.muli %arg0, %mul3A_429 : i32
    %add3A_431 = vector.broadcast %mul3A_430 : i32 to vector<256x1xi32>
    %add3A_432 = arith.addi %convert_element_type3A_428, %add3A_431 : vector<256x1xi32>
    %swap3A_433 = arith.constant 0 : index
    %swap3A_434 = arith.constant 17 : index
    %swap3A_435 = vector.load %arg5[%swap3A_433, %swap3A_434] : memref<256x24xi32, #tpu.memory_space<vmem>>, vector<256x1xi32>
    tpu.vector_store %arg5[%swap3A_433, %swap3A_434], %add3A_432 {strides = array<i32>} : memref<256x24xi32, #tpu.memory_space<vmem>>, vector<256x1xi32>,
    %eq3A_436 = vector.broadcast %broadcast_in_dim3A_427 : vector<256x1xf32> to vector<256x2048xf32>
    %eq3A_437 = arith.cmpf oeq, %convert_element_type3A, %eq3A_436 : vector<256x2048xf32>
    %jit3A_438 = arith.constant -1.000000e+30 : f32
    %broadcast_in_dim3A_439 = vector.broadcast %jit3A_438 : f32 to vector<256x2048xf32>
    %select_n3A_440 = arith.select %eq3A_437, %broadcast_in_dim3A_439, %select_n3A_416 : vector<256x2048xi1>, vector<256x2048xf32>
    %reduce_max3A_441 = arith.constant dense<0xFF800000> : vector<256xf32>
    %reduce_max3A_442 = vector.multi_reduction <maximumf>, %select_n3A_440, %reduce_max3A_441 [1] : vector<256x2048xf32> to vector<256xf32>
    %broadcast_in_dim3A_443 = vector.shape_cast %reduce_max3A_442 : vector<256xf32> to vector<256x1xf32>
    %ge3A_444 = vector.broadcast %broadcast_in_dim3A_443 : vector<256x1xf32> to vector<256x2048xf32>
    %ge3A_445 = arith.cmpf oge, %select_n3A_440, %ge3A_444 : vector<256x2048xf32>
    %jit3A_446 = arith.constant 2.048000e+03 : f32
    %broadcast_in_dim3A_447 = vector.broadcast %jit3A_446 : f32 to vector<256x2048xf32>
    %select_n3A_448 = arith.select %ge3A_445, %convert_element_type3A, %broadcast_in_dim3A_447 : vector<256x2048xi1>, vector<256x2048xf32>
    %reduce_min3A_449 = arith.constant dense<0x7F800000> : vector<256xf32>
    %reduce_min3A_450 = vector.multi_reduction <minimumf>, %select_n3A_448, %reduce_min3A_449 [1] : vector<256x2048xf32> to vector<256xf32>
    %broadcast_in_dim3A_451 = vector.shape_cast %reduce_min3A_450 : vector<256xf32> to vector<256x1xf32>
    %convert_element_type3A_452 = arith.fptosi %broadcast_in_dim3A_451 : vector<256x1xf32> to vector<256x1xi32>
    %mul3A_453 = arith.constant 2048 : i32
    %mul3A_454 = arith.muli %arg0, %mul3A_453 : i32
    %add3A_455 = vector.broadcast %mul3A_454 : i32 to vector<256x1xi32>
    %add3A_456 = arith.addi %convert_element_type3A_452, %add3A_455 : vector<256x1xi32>
    %swap3A_457 = arith.constant 0 : index
    %swap3A_458 = arith.constant 18 : index
    %swap3A_459 = vector.load %arg5[%swap3A_457, %swap3A_458] : memref<256x24xi32, #tpu.memory_space<vmem>>, vector<256x1xi32>
    tpu.vector_store %arg5[%swap3A_457, %swap3A_458], %add3A_456 {strides = array<i32>} : memref<256x24xi32, #tpu.memory_space<vmem>>, vector<256x1xi32>,
    %eq3A_460 = vector.broadcast %broadcast_in_dim3A_451 : vector<256x1xf32> to vector<256x2048xf32>
    %eq3A_461 = arith.cmpf oeq, %convert_element_type3A, %eq3A_460 : vector<256x2048xf32>
    %jit3A_462 = arith.constant -1.000000e+30 : f32
    %broadcast_in_dim3A_463 = vector.broadcast %jit3A_462 : f32 to vector<256x2048xf32>
    %select_n3A_464 = arith.select %eq3A_461, %broadcast_in_dim3A_463, %select_n3A_440 : vector<256x2048xi1>, vector<256x2048xf32>
    %reduce_max3A_465 = arith.constant dense<0xFF800000> : vector<256xf32>
    %reduce_max3A_466 = vector.multi_reduction <maximumf>, %select_n3A_464, %reduce_max3A_465 [1] : vector<256x2048xf32> to vector<256xf32>
    %broadcast_in_dim3A_467 = vector.shape_cast %reduce_max3A_466 : vector<256xf32> to vector<256x1xf32>
    %ge3A_468 = vector.broadcast %broadcast_in_dim3A_467 : vector<256x1xf32> to vector<256x2048xf32>
    %ge3A_469 = arith.cmpf oge, %select_n3A_464, %ge3A_468 : vector<256x2048xf32>
    %jit3A_470 = arith.constant 2.048000e+03 : f32
    %broadcast_in_dim3A_471 = vector.broadcast %jit3A_470 : f32 to vector<256x2048xf32>
    %select_n3A_472 = arith.select %ge3A_469, %convert_element_type3A, %broadcast_in_dim3A_471 : vector<256x2048xi1>, vector<256x2048xf32>
    %reduce_min3A_473 = arith.constant dense<0x7F800000> : vector<256xf32>
    %reduce_min3A_474 = vector.multi_reduction <minimumf>, %select_n3A_472, %reduce_min3A_473 [1] : vector<256x2048xf32> to vector<256xf32>
    %broadcast_in_dim3A_475 = vector.shape_cast %reduce_min3A_474 : vector<256xf32> to vector<256x1xf32>
    %convert_element_type3A_476 = arith.fptosi %broadcast_in_dim3A_475 : vector<256x1xf32> to vector<256x1xi32>
    %mul3A_477 = arith.constant 2048 : i32
    %mul3A_478 = arith.muli %arg0, %mul3A_477 : i32
    %add3A_479 = vector.broadcast %mul3A_478 : i32 to vector<256x1xi32>
    %add3A_480 = arith.addi %convert_element_type3A_476, %add3A_479 : vector<256x1xi32>
    %swap3A_481 = arith.constant 0 : index
    %swap3A_482 = arith.constant 19 : index
    %swap3A_483 = vector.load %arg5[%swap3A_481, %swap3A_482] : memref<256x24xi32, #tpu.memory_space<vmem>>, vector<256x1xi32>
    tpu.vector_store %arg5[%swap3A_481, %swap3A_482], %add3A_480 {strides = array<i32>} : memref<256x24xi32, #tpu.memory_space<vmem>>, vector<256x1xi32>,
    return
  }
  func.func @transform_0(%arg0: i32, %arg1: i32) -> (i32, i32, i32) {
    %c0_i32 = arith.constant 0 : i32
    %c0_i32_0 = arith.constant 0 : i32
    return %arg0, %arg1, %c0_i32 : i32, i32, i32
  }
  func.func @transform_1(%arg0: i32, %arg1: i32) -> (i32, i32, i32) {
    %c0_i32 = arith.constant 0 : i32
    %c0_i32_0 = arith.constant 0 : i32
    %c0_i32_1 = arith.constant 0 : i32
    return %arg0, %c0_i32, %c0_i32_0 : i32, i32, i32
  }
  func.func @transform_2(%arg0: i32, %arg1: i32) -> (i32, i32, i32) {
    %c0_i32 = arith.constant 0 : i32
    %c0_i32_0 = arith.constant 0 : i32
    %c0_i32_1 = arith.constant 0 : i32
    return %arg0, %c0_i32, %c0_i32_0 : i32, i32, i32
  }
  func.func @transform_3(%arg0: i32, %arg1: i32) -> (i32, i32) {
    %mul3A = arith.constant 8 : i32
    %mul3A_0 = arith.muli %arg0, %mul3A : i32
    %add3A = arith.addi %mul3A_0, %arg1 : i32
    %c0_i32 = arith.constant 0 : i32
    %c0_i32_1 = arith.constant 0 : i32
    return %add3A, %c0_i32 : i32, i32
  }
}

module attributes {stable_mosaic.version = 14 : i64} {
  func.func @_apply_proj_body(%arg0: i32, %arg1: memref<256x3xf32, #tpu.memory_space<vmem>>, %arg2: memref<1x3xf32, #tpu.memory_space<vmem>>, %arg3: memref<1x3xf32, #tpu.memory_space<vmem>>, %arg4: memref<3x128xf32, #tpu.memory_space<vmem>>, %arg5: memref<3x128xf32, #tpu.memory_space<vmem>>, %arg6: memref<256x3xf32, #tpu.memory_space<vmem>>, %arg7: memref<256x128xf32, #tpu.memory_space<vmem>>, %arg8: memref<256x128xf32, #tpu.memory_space<vmem>>) attributes {dimension_semantics = [#tpu.dimension_semantics<arbitrary>], iteration_bounds = array<i64: 64>, scalar_prefetch = 0 : i64, scratch_operands = 0 : i64, tpu.core_type = #tpu.core_type<tc>, window_params = [{transform_indices = @transform_0, window_bounds = array<i64: 256, 3>}, {pipeline_mode = #tpu.pipeline_mode<synchronous>, transform_indices = @transform_1, window_bounds = array<i64: 1, 3>}, {pipeline_mode = #tpu.pipeline_mode<synchronous>, transform_indices = @transform_2, window_bounds = array<i64: 1, 3>}, {pipeline_mode = #tpu.pipeline_mode<synchronous>, transform_indices = @transform_3, window_bounds = array<i64: 3, 128>}, {pipeline_mode = #tpu.pipeline_mode<synchronous>, transform_indices = @transform_4, window_bounds = array<i64: 3, 128>}, {transform_indices = @transform_5, window_bounds = array<i64: 256, 3>}, {transform_indices = @transform_6, window_bounds = array<i64: 256, 128>}, {transform_indices = @transform_7, window_bounds = array<i64: 256, 128>}]} {
    %get3A = arith.constant 0 : index
    %get3A_0 = arith.constant 0 : index
    %get3A_1 = vector.load %arg1[%get3A, %get3A_0] : memref<256x3xf32, #tpu.memory_space<vmem>>, vector<256x3xf32>
    %swap3A = arith.constant 0 : index
    %swap3A_2 = arith.constant 0 : index
    %swap3A_3 = vector.load %arg6[%swap3A, %swap3A_2] : memref<256x3xf32, #tpu.memory_space<vmem>>, vector<256x3xf32>
    tpu.vector_store %arg6[%swap3A, %swap3A_2], %get3A_1 {strides = array<i32>} : memref<256x3xf32, #tpu.memory_space<vmem>>, vector<256x3xf32>,
    %get3A_4 = arith.constant 0 : index
    %get3A_5 = arith.constant 0 : index
    %get3A_6 = vector.load %arg4[%get3A_4, %get3A_5] : memref<3x128xf32, #tpu.memory_space<vmem>>, vector<3x128xf32>
    %dot_general3A = arith.constant dense<0.000000e+00> : vector<256x128xf32>
    %dot_general3A_7 = tpu.matmul %get3A_1, %get3A_6, %dot_general3A {dimension_numbers = #tpu.dot_dimension_numbers<[1], [0], [0], [1], [0, 0, 1, 1], [], []>, transpose_lhs_hint = false} : vector<256x3xf32>, vector<3x128xf32>, vector<256x128xf32> -> vector<256x128xf32>
    %swap3A_8 = arith.constant 0 : index
    %swap3A_9 = arith.constant 0 : index
    %swap3A_10 = vector.load %arg7[%swap3A_8, %swap3A_9] : memref<256x128xf32, #tpu.memory_space<vmem>>, vector<256x128xf32>
    tpu.vector_store %arg7[%swap3A_8, %swap3A_9], %dot_general3A_7 {strides = array<i32>} : memref<256x128xf32, #tpu.memory_space<vmem>>, vector<256x128xf32>,
    %get3A_11 = arith.constant 0 : index
    %get3A_12 = arith.constant 0 : index
    %get3A_13 = vector.load %arg5[%get3A_11, %get3A_12] : memref<3x128xf32, #tpu.memory_space<vmem>>, vector<3x128xf32>
    %dot_general3A_14 = arith.constant dense<0.000000e+00> : vector<256x128xf32>
    %dot_general3A_15 = tpu.matmul %get3A_1, %get3A_13, %dot_general3A_14 {dimension_numbers = #tpu.dot_dimension_numbers<[1], [0], [0], [1], [0, 0, 1, 1], [], []>, transpose_lhs_hint = false} : vector<256x3xf32>, vector<3x128xf32>, vector<256x128xf32> -> vector<256x128xf32>
    %swap3A_16 = arith.constant 0 : index
    %swap3A_17 = arith.constant 0 : index
    %swap3A_18 = vector.load %arg8[%swap3A_16, %swap3A_17] : memref<256x128xf32, #tpu.memory_space<vmem>>, vector<256x128xf32>
    tpu.vector_store %arg8[%swap3A_16, %swap3A_17], %dot_general3A_15 {strides = array<i32>} : memref<256x128xf32, #tpu.memory_space<vmem>>, vector<256x128xf32>,
    return
  }
  func.func @transform_0(%arg0: i32) -> (i32, i32) {
    %c0_i32 = arith.constant 0 : i32
    %c0_i32_0 = arith.constant 0 : i32
    return %arg0, %c0_i32 : i32, i32
  }
  func.func @transform_1(%arg0: i32) -> (i32, i32) {
    %c0_i32 = arith.constant 0 : i32
    %c0_i32_0 = arith.constant 0 : i32
    %c0_i32_1 = arith.constant 0 : i32
    return %c0_i32, %c0_i32_0 : i32, i32
  }
  func.func @transform_2(%arg0: i32) -> (i32, i32) {
    %c0_i32 = arith.constant 0 : i32
    %c0_i32_0 = arith.constant 0 : i32
    %c0_i32_1 = arith.constant 0 : i32
    return %c0_i32, %c0_i32_0 : i32, i32
  }
  func.func @transform_3(%arg0: i32) -> (i32, i32) {
    %c0_i32 = arith.constant 0 : i32
    %c0_i32_0 = arith.constant 0 : i32
    %c0_i32_1 = arith.constant 0 : i32
    return %c0_i32, %c0_i32_0 : i32, i32
  }
  func.func @transform_4(%arg0: i32) -> (i32, i32) {
    %c0_i32 = arith.constant 0 : i32
    %c0_i32_0 = arith.constant 0 : i32
    %c0_i32_1 = arith.constant 0 : i32
    return %c0_i32, %c0_i32_0 : i32, i32
  }
  func.func @transform_5(%arg0: i32) -> (i32, i32) {
    %c0_i32 = arith.constant 0 : i32
    %c0_i32_0 = arith.constant 0 : i32
    return %arg0, %c0_i32 : i32, i32
  }
  func.func @transform_6(%arg0: i32) -> (i32, i32) {
    %c0_i32 = arith.constant 0 : i32
    %c0_i32_0 = arith.constant 0 : i32
    return %arg0, %c0_i32 : i32, i32
  }
  func.func @transform_7(%arg0: i32) -> (i32, i32) {
    %c0_i32 = arith.constant 0 : i32
    %c0_i32_0 = arith.constant 0 : i32
    return %arg0, %c0_i32 : i32, i32
  }
}

module attributes {stable_mosaic.version = 14 : i64} {
  func.func @_apply_proj_body(%arg0: i32, %arg1: memref<256x128xf32, #tpu.memory_space<vmem>>, %arg2: memref<1x128xf32, #tpu.memory_space<vmem>>, %arg3: memref<1x128xf32, #tpu.memory_space<vmem>>, %arg4: memref<128x128xf32, #tpu.memory_space<vmem>>, %arg5: memref<128x128xf32, #tpu.memory_space<vmem>>, %arg6: memref<256x128xf32, #tpu.memory_space<vmem>>, %arg7: memref<256x128xf32, #tpu.memory_space<vmem>>, %arg8: memref<256x128xf32, #tpu.memory_space<vmem>>) attributes {dimension_semantics = [#tpu.dimension_semantics<arbitrary>], iteration_bounds = array<i64: 64>, scalar_prefetch = 0 : i64, scratch_operands = 0 : i64, tpu.core_type = #tpu.core_type<tc>, window_params = [{transform_indices = @transform_0, window_bounds = array<i64: 256, 128>}, {pipeline_mode = #tpu.pipeline_mode<synchronous>, transform_indices = @transform_1, window_bounds = array<i64: 1, 128>}, {pipeline_mode = #tpu.pipeline_mode<synchronous>, transform_indices = @transform_2, window_bounds = array<i64: 1, 128>}, {pipeline_mode = #tpu.pipeline_mode<synchronous>, transform_indices = @transform_3, window_bounds = array<i64: 128, 128>}, {pipeline_mode = #tpu.pipeline_mode<synchronous>, transform_indices = @transform_4, window_bounds = array<i64: 128, 128>}, {transform_indices = @transform_5, window_bounds = array<i64: 256, 128>}, {transform_indices = @transform_6, window_bounds = array<i64: 256, 128>}, {transform_indices = @transform_7, window_bounds = array<i64: 256, 128>}]} {
    %get3A = arith.constant 0 : index
    %get3A_0 = arith.constant 0 : index
    %get3A_1 = vector.load %arg1[%get3A, %get3A_0] : memref<256x128xf32, #tpu.memory_space<vmem>>, vector<256x128xf32>
    %get3A_2 = arith.constant 0 : index
    %get3A_3 = arith.constant 0 : index
    %get3A_4 = vector.load %arg2[%get3A_2, %get3A_3] : memref<1x128xf32, #tpu.memory_space<vmem>>, vector<1x128xf32>
    %mul3A = vector.broadcast %get3A_4 : vector<1x128xf32> to vector<256x128xf32>
    %mul3A_5 = arith.mulf %get3A_1, %mul3A : vector<256x128xf32>
    %get3A_6 = arith.constant 0 : index
    %get3A_7 = arith.constant 0 : index
    %get3A_8 = vector.load %arg3[%get3A_6, %get3A_7] : memref<1x128xf32, #tpu.memory_space<vmem>>, vector<1x128xf32>
    %add3A = vector.broadcast %get3A_8 : vector<1x128xf32> to vector<256x128xf32>
    %add3A_9 = arith.addf %mul3A_5, %add3A : vector<256x128xf32>
    %gt3A = arith.constant 0.000000e+00 : f32
    %gt3A_10 = vector.broadcast %gt3A : f32 to vector<256x128xf32>
    %gt3A_11 = arith.cmpf ogt, %add3A_9, %gt3A_10 : vector<256x128xf32>
    %mul3A_12 = arith.constant 2.000000e-01 : f32
    %mul3A_13 = vector.broadcast %mul3A_12 : f32 to vector<256x128xf32>
    %mul3A_14 = arith.mulf %mul3A_13, %add3A_9 : vector<256x128xf32>
    %select_n3A = arith.select %gt3A_11, %add3A_9, %mul3A_14 : vector<256x128xi1>, vector<256x128xf32>
    %swap3A = arith.constant 0 : index
    %swap3A_15 = arith.constant 0 : index
    %swap3A_16 = vector.load %arg6[%swap3A, %swap3A_15] : memref<256x128xf32, #tpu.memory_space<vmem>>, vector<256x128xf32>
    tpu.vector_store %arg6[%swap3A, %swap3A_15], %select_n3A {strides = array<i32>} : memref<256x128xf32, #tpu.memory_space<vmem>>, vector<256x128xf32>,
    %get3A_17 = arith.constant 0 : index
    %get3A_18 = arith.constant 0 : index
    %get3A_19 = vector.load %arg4[%get3A_17, %get3A_18] : memref<128x128xf32, #tpu.memory_space<vmem>>, vector<128x128xf32>
    %dot_general3A = arith.constant dense<0.000000e+00> : vector<256x128xf32>
    %dot_general3A_20 = tpu.matmul %select_n3A, %get3A_19, %dot_general3A {dimension_numbers = #tpu.dot_dimension_numbers<[1], [0], [0], [1], [0, 0, 1, 1], [], []>, transpose_lhs_hint = false} : vector<256x128xf32>, vector<128x128xf32>, vector<256x128xf32> -> vector<256x128xf32>
    %swap3A_21 = arith.constant 0 : index
    %swap3A_22 = arith.constant 0 : index
    %swap3A_23 = vector.load %arg7[%swap3A_21, %swap3A_22] : memref<256x128xf32, #tpu.memory_space<vmem>>, vector<256x128xf32>
    tpu.vector_store %arg7[%swap3A_21, %swap3A_22], %dot_general3A_20 {strides = array<i32>} : memref<256x128xf32, #tpu.memory_space<vmem>>, vector<256x128xf32>,
    %get3A_24 = arith.constant 0 : index
    %get3A_25 = arith.constant 0 : index
    %get3A_26 = vector.load %arg5[%get3A_24, %get3A_25] : memref<128x128xf32, #tpu.memory_space<vmem>>, vector<128x128xf32>
    %dot_general3A_27 = arith.constant dense<0.000000e+00> : vector<256x128xf32>
    %dot_general3A_28 = tpu.matmul %select_n3A, %get3A_26, %dot_general3A_27 {dimension_numbers = #tpu.dot_dimension_numbers<[1], [0], [0], [1], [0, 0, 1, 1], [], []>, transpose_lhs_hint = false} : vector<256x128xf32>, vector<128x128xf32>, vector<256x128xf32> -> vector<256x128xf32>
    %swap3A_29 = arith.constant 0 : index
    %swap3A_30 = arith.constant 0 : index
    %swap3A_31 = vector.load %arg8[%swap3A_29, %swap3A_30] : memref<256x128xf32, #tpu.memory_space<vmem>>, vector<256x128xf32>
    tpu.vector_store %arg8[%swap3A_29, %swap3A_30], %dot_general3A_28 {strides = array<i32>} : memref<256x128xf32, #tpu.memory_space<vmem>>, vector<256x128xf32>,
    return
  }
  func.func @transform_0(%arg0: i32) -> (i32, i32) {
    %c0_i32 = arith.constant 0 : i32
    %c0_i32_0 = arith.constant 0 : i32
    return %arg0, %c0_i32 : i32, i32
  }
  func.func @transform_1(%arg0: i32) -> (i32, i32) {
    %c0_i32 = arith.constant 0 : i32
    %c0_i32_0 = arith.constant 0 : i32
    %c0_i32_1 = arith.constant 0 : i32
    return %c0_i32, %c0_i32_0 : i32, i32
  }
  func.func @transform_2(%arg0: i32) -> (i32, i32) {
    %c0_i32 = arith.constant 0 : i32
    %c0_i32_0 = arith.constant 0 : i32
    %c0_i32_1 = arith.constant 0 : i32
    return %c0_i32, %c0_i32_0 : i32, i32
  }
  func.func @transform_3(%arg0: i32) -> (i32, i32) {
    %c0_i32 = arith.constant 0 : i32
    %c0_i32_0 = arith.constant 0 : i32
    %c0_i32_1 = arith.constant 0 : i32
    return %c0_i32, %c0_i32_0 : i32, i32
  }
  func.func @transform_4(%arg0: i32) -> (i32, i32) {
    %c0_i32 = arith.constant 0 : i32
    %c0_i32_0 = arith.constant 0 : i32
    %c0_i32_1 = arith.constant 0 : i32
    return %c0_i32, %c0_i32_0 : i32, i32
  }
  func.func @transform_5(%arg0: i32) -> (i32, i32) {
    %c0_i32 = arith.constant 0 : i32
    %c0_i32_0 = arith.constant 0 : i32
    return %arg0, %c0_i32 : i32, i32
  }
  func.func @transform_6(%arg0: i32) -> (i32, i32) {
    %c0_i32 = arith.constant 0 : i32
    %c0_i32_0 = arith.constant 0 : i32
    return %arg0, %c0_i32 : i32, i32
  }
  func.func @transform_7(%arg0: i32) -> (i32, i32) {
    %c0_i32 = arith.constant 0 : i32
    %c0_i32_0 = arith.constant 0 : i32
    return %arg0, %c0_i32 : i32, i32
  }
}

module attributes {stable_mosaic.version = 14 : i64} {
  func.func @_reduce_body(%arg0: i32, %arg1: i32, %arg2: memref<1x256x128xf32, #tpu.memory_space<vmem>>, %arg3: memref<256x128xf32, #tpu.memory_space<vmem>>, %arg4: memref<256x128xf32, #tpu.memory_space<vmem>>, %arg5: memref<1x128xf32, #tpu.memory_space<vmem>>, %arg6: memref<1x128xf32, #tpu.memory_space<vmem>>) attributes {dimension_semantics = [#tpu.dimension_semantics<arbitrary>, #tpu.dimension_semantics<arbitrary>], iteration_bounds = array<i64: 64, 20>, scalar_prefetch = 0 : i64, scratch_operands = 0 : i64, tpu.core_type = #tpu.core_type<tc>, window_params = [{transform_indices = @transform_0, window_bounds = array<i64: 1, 256, 128>}, {transform_indices = @transform_1, window_bounds = array<i64: 256, 128>}, {transform_indices = @transform_2, window_bounds = array<i64: 256, 128>}, {pipeline_mode = #tpu.pipeline_mode<synchronous>, transform_indices = @transform_3, window_bounds = array<i64: 1, 128>}, {pipeline_mode = #tpu.pipeline_mode<synchronous>, transform_indices = @transform_4, window_bounds = array<i64: 1, 128>}]} {
    %get3A = arith.constant 0 : index
    %get3A_0 = arith.constant 0 : index
    %get3A_1 = arith.constant 0 : index
    %get3A_2 = vector.load %arg2[%get3A, %get3A_0, %get3A_1] : memref<1x256x128xf32, #tpu.memory_space<vmem>>, vector<1x256x128xf32>
    %get3A_3 = vector.shape_cast %get3A_2 : vector<1x256x128xf32> to vector<256x128xf32>
    %get3A_4 = arith.constant 0 : index
    %get3A_5 = arith.constant 0 : index
    %get3A_6 = vector.load %arg3[%get3A_4, %get3A_5] : memref<256x128xf32, #tpu.memory_space<vmem>>, vector<256x128xf32>
    %add3A = arith.addf %get3A_3, %get3A_6 : vector<256x128xf32>
    %reduce_sum3A = arith.constant dense<0.000000e+00> : vector<128xf32>
    %reduce_sum3A_7 = vector.multi_reduction <add>, %add3A, %reduce_sum3A [0] : vector<256x128xf32> to vector<128xf32>
    %broadcast_in_dim3A = vector.shape_cast %reduce_sum3A_7 : vector<128xf32> to vector<1x128xf32>
    %mul3A = arith.mulf %add3A, %add3A : vector<256x128xf32>
    %reduce_sum3A_8 = arith.constant dense<0.000000e+00> : vector<128xf32>
    %reduce_sum3A_9 = vector.multi_reduction <add>, %mul3A, %reduce_sum3A_8 [0] : vector<256x128xf32> to vector<128xf32>
    %broadcast_in_dim3A_10 = vector.shape_cast %reduce_sum3A_9 : vector<128xf32> to vector<1x128xf32>
    %eq3A = arith.constant 0 : i32
    %eq3A_11 = arith.cmpi eq, %arg0, %eq3A : i32
    %eq3A_12 = arith.constant 0 : i32
    %eq3A_13 = arith.cmpi eq, %arg1, %eq3A_12 : i32
    %and3A = arith.andi %eq3A_11, %eq3A_13 : i1
    %convert_element_type3A = arith.extui %and3A : i1 to i32
    %cond3A = arith.constant 0 : i32
    %cond3A_14 = arith.cmpi ne, %convert_element_type3A, %cond3A : i32
    scf.if %cond3A_14 {
      %broadcast_in_dim3A_42 = arith.constant 0.000000e+00 : f32
      %broadcast_in_dim3A_43 = vector.broadcast %broadcast_in_dim3A_42 : f32 to vector<1x128xf32>
      %swap3A_44 = arith.constant 0 : index
      %swap3A_45 = arith.constant 0 : index
      %swap3A_46 = vector.load %arg5[%swap3A_44, %swap3A_45] : memref<1x128xf32, #tpu.memory_space<vmem>>, vector<1x128xf32>
      tpu.vector_store %arg5[%swap3A_44, %swap3A_45], %broadcast_in_dim3A_43 {strides = array<i32>} : memref<1x128xf32, #tpu.memory_space<vmem>>, vector<1x128xf32>,
      %broadcast_in_dim3A_47 = arith.constant 0.000000e+00 : f32
      %broadcast_in_dim3A_48 = vector.broadcast %broadcast_in_dim3A_47 : f32 to vector<1x128xf32>
      %swap3A_49 = arith.constant 0 : index
      %swap3A_50 = arith.constant 0 : index
      %swap3A_51 = vector.load %arg6[%swap3A_49, %swap3A_50] : memref<1x128xf32, #tpu.memory_space<vmem>>, vector<1x128xf32>
      tpu.vector_store %arg6[%swap3A_49, %swap3A_50], %broadcast_in_dim3A_48 {strides = array<i32>} : memref<1x128xf32, #tpu.memory_space<vmem>>, vector<1x128xf32>,
    } else {
    }
    %get3A_15 = arith.constant 0 : index
    %get3A_16 = arith.constant 0 : index
    %get3A_17 = vector.load %arg5[%get3A_15, %get3A_16] : memref<1x128xf32, #tpu.memory_space<vmem>>, vector<1x128xf32>
    %add3A_18 = arith.addf %get3A_17, %broadcast_in_dim3A : vector<1x128xf32>
    %swap3A = arith.constant 0 : index
    %swap3A_19 = arith.constant 0 : index
    %swap3A_20 = vector.load %arg5[%swap3A, %swap3A_19] : memref<1x128xf32, #tpu.memory_space<vmem>>, vector<1x128xf32>
    tpu.vector_store %arg5[%swap3A, %swap3A_19], %add3A_18 {strides = array<i32>} : memref<1x128xf32, #tpu.memory_space<vmem>>, vector<1x128xf32>,
    %get3A_21 = arith.constant 0 : index
    %get3A_22 = arith.constant 0 : index
    %get3A_23 = vector.load %arg6[%get3A_21, %get3A_22] : memref<1x128xf32, #tpu.memory_space<vmem>>, vector<1x128xf32>
    %add3A_24 = arith.addf %get3A_23, %broadcast_in_dim3A_10 : vector<1x128xf32>
    %swap3A_25 = arith.constant 0 : index
    %swap3A_26 = arith.constant 0 : index
    %swap3A_27 = vector.load %arg6[%swap3A_25, %swap3A_26] : memref<1x128xf32, #tpu.memory_space<vmem>>, vector<1x128xf32>
    tpu.vector_store %arg6[%swap3A_25, %swap3A_26], %add3A_24 {strides = array<i32>} : memref<1x128xf32, #tpu.memory_space<vmem>>, vector<1x128xf32>,
    %eq3A_28 = arith.constant 0 : i32
    %eq3A_29 = arith.cmpi eq, %arg1, %eq3A_28 : i32
    %convert_element_type3A_30 = arith.extui %eq3A_29 : i1 to i32
    %cond3A_31 = arith.constant 0 : i32
    %cond3A_32 = arith.cmpi ne, %convert_element_type3A_30, %cond3A_31 : i32
    scf.if %cond3A_32 {
      %swap3A_42 = arith.constant 0 : index
      %swap3A_43 = arith.constant 0 : index
      %swap3A_44 = vector.load %arg4[%swap3A_42, %swap3A_43] : memref<256x128xf32, #tpu.memory_space<vmem>>, vector<256x128xf32>
      tpu.vector_store %arg4[%swap3A_42, %swap3A_43], %get3A_3 {strides = array<i32>} : memref<256x128xf32, #tpu.memory_space<vmem>>, vector<256x128xf32>,
    } else {
    }
    %gt3A = arith.constant 0 : i32
    %gt3A_33 = arith.cmpi sgt, %arg1, %gt3A : i32
    %convert_element_type3A_34 = arith.extui %gt3A_33 : i1 to i32
    %cond3A_35 = arith.constant 0 : i32
    %cond3A_36 = arith.cmpi ne, %convert_element_type3A_34, %cond3A_35 : i32
    scf.if %cond3A_36 {
      %get3A_42 = arith.constant 0 : index
      %get3A_43 = arith.constant 0 : index
      %get3A_44 = vector.load %arg4[%get3A_42, %get3A_43] : memref<256x128xf32, #tpu.memory_space<vmem>>, vector<256x128xf32>
      %max3A = arith.maximumf %get3A_44, %get3A_3 : vector<256x128xf32>
      %swap3A_45 = arith.constant 0 : index
      %swap3A_46 = arith.constant 0 : index
      %swap3A_47 = vector.load %arg4[%swap3A_45, %swap3A_46] : memref<256x128xf32, #tpu.memory_space<vmem>>, vector<256x128xf32>
      tpu.vector_store %arg4[%swap3A_45, %swap3A_46], %max3A {strides = array<i32>} : memref<256x128xf32, #tpu.memory_space<vmem>>, vector<256x128xf32>,
    } else {
    }
    %eq3A_37 = arith.constant 19 : i32
    %eq3A_38 = arith.cmpi eq, %arg1, %eq3A_37 : i32
    %convert_element_type3A_39 = arith.extui %eq3A_38 : i1 to i32
    %cond3A_40 = arith.constant 0 : i32
    %cond3A_41 = arith.cmpi ne, %convert_element_type3A_39, %cond3A_40 : i32
    scf.if %cond3A_41 {
      %get3A_42 = arith.constant 0 : index
      %get3A_43 = arith.constant 0 : index
      %get3A_44 = vector.load %arg4[%get3A_42, %get3A_43] : memref<256x128xf32, #tpu.memory_space<vmem>>, vector<256x128xf32>
      %add3A_45 = arith.addf %get3A_44, %get3A_6 : vector<256x128xf32>
      %swap3A_46 = arith.constant 0 : index
      %swap3A_47 = arith.constant 0 : index
      %swap3A_48 = vector.load %arg4[%swap3A_46, %swap3A_47] : memref<256x128xf32, #tpu.memory_space<vmem>>, vector<256x128xf32>
      tpu.vector_store %arg4[%swap3A_46, %swap3A_47], %add3A_45 {strides = array<i32>} : memref<256x128xf32, #tpu.memory_space<vmem>>, vector<256x128xf32>,
    } else {
    }
    return
  }
  func.func @transform_0(%arg0: i32, %arg1: i32) -> (i32, i32, i32) {
    %c0_i32 = arith.constant 0 : i32
    %c0_i32_0 = arith.constant 0 : i32
    return %arg1, %arg0, %c0_i32 : i32, i32, i32
  }
  func.func @transform_1(%arg0: i32, %arg1: i32) -> (i32, i32) {
    %c0_i32 = arith.constant 0 : i32
    %c0_i32_0 = arith.constant 0 : i32
    return %arg0, %c0_i32 : i32, i32
  }
  func.func @transform_2(%arg0: i32, %arg1: i32) -> (i32, i32) {
    %c0_i32 = arith.constant 0 : i32
    %c0_i32_0 = arith.constant 0 : i32
    return %arg0, %c0_i32 : i32, i32
  }
  func.func @transform_3(%arg0: i32, %arg1: i32) -> (i32, i32) {
    %c0_i32 = arith.constant 0 : i32
    %c0_i32_0 = arith.constant 0 : i32
    %c0_i32_1 = arith.constant 0 : i32
    return %c0_i32, %c0_i32_0 : i32, i32
  }
  func.func @transform_4(%arg0: i32, %arg1: i32) -> (i32, i32) {
    %c0_i32 = arith.constant 0 : i32
    %c0_i32_0 = arith.constant 0 : i32
    %c0_i32_1 = arith.constant 0 : i32
    return %c0_i32, %c0_i32_0 : i32, i32
  }
}

module attributes {stable_mosaic.version = 14 : i64} {
  func.func @_knn_body(%arg0: i32, %arg1: i32, %arg2: memref<1x256x128xf32, #tpu.memory_space<vmem>>, %arg3: memref<1x2048x128xf32, #tpu.memory_space<vmem>>, %arg4: memref<1x1x2048xf32, #tpu.memory_space<vmem>>, %arg5: memref<256x24xi32, #tpu.memory_space<vmem>>) attributes {dimension_semantics = [#tpu.dimension_semantics<parallel>, #tpu.dimension_semantics<parallel>], iteration_bounds = array<i64: 8, 8>, scalar_prefetch = 0 : i64, scratch_operands = 0 : i64, tpu.core_type = #tpu.core_type<tc>, window_params = [{transform_indices = @transform_0, window_bounds = array<i64: 1, 256, 128>}, {transform_indices = @transform_1, window_bounds = array<i64: 1, 2048, 128>}, {transform_indices = @transform_2, window_bounds = array<i64: 1, 1, 2048>}, {transform_indices = @transform_3, window_bounds = array<i64: 256, 24>}]} {
    %get3A = arith.constant 0 : index
    %get3A_0 = arith.constant 0 : index
    %get3A_1 = arith.constant 0 : index
    %get3A_2 = vector.load %arg2[%get3A, %get3A_0, %get3A_1] : memref<1x256x128xf32, #tpu.memory_space<vmem>>, vector<1x256x128xf32>
    %get3A_3 = vector.shape_cast %get3A_2 : vector<1x256x128xf32> to vector<256x128xf32>
    %get3A_4 = arith.constant 0 : index
    %get3A_5 = arith.constant 0 : index
    %get3A_6 = arith.constant 0 : index
    %get3A_7 = vector.load %arg3[%get3A_4, %get3A_5, %get3A_6] : memref<1x2048x128xf32, #tpu.memory_space<vmem>>, vector<1x2048x128xf32>
    %get3A_8 = vector.shape_cast %get3A_7 : vector<1x2048x128xf32> to vector<2048x128xf32>
    %dot_general3A = arith.constant dense<0.000000e+00> : vector<256x2048xf32>
    %dot_general3A_9 = tpu.matmul %get3A_3, %get3A_8, %dot_general3A {dimension_numbers = #tpu.dot_dimension_numbers<[1], [1], [0], [0], [0, 0, 1, 0], [], []>, transpose_lhs_hint = false} : vector<256x128xf32>, vector<2048x128xf32>, vector<256x2048xf32> -> vector<256x2048xf32>
    %mul3A = arith.constant 2.000000e+00 : f32
    %mul3A_10 = vector.broadcast %mul3A : f32 to vector<256x2048xf32>
    %mul3A_11 = arith.mulf %mul3A_10, %dot_general3A_9 : vector<256x2048xf32>
    %get3A_12 = arith.constant 0 : index
    %get3A_13 = arith.constant 0 : index
    %get3A_14 = arith.constant 0 : index
    %get3A_15 = vector.load %arg4[%get3A_12, %get3A_13, %get3A_14] : memref<1x1x2048xf32, #tpu.memory_space<vmem>>, vector<1x1x2048xf32>
    %get3A_16 = vector.shape_cast %get3A_15 : vector<1x1x2048xf32> to vector<1x2048xf32>
    %sub3A = vector.broadcast %get3A_16 : vector<1x2048xf32> to vector<256x2048xf32>
    %sub3A_17 = arith.subf %mul3A_11, %sub3A : vector<256x2048xf32>
    %iota3A = tpu.iota {dimensions = array<i32: 1>} : vector<256x2048xi32>
    %convert_element_type3A = arith.sitofp %iota3A : vector<256x2048xi32> to vector<256x2048xf32>
    %reduce_max3A = arith.constant dense<0xFF800000> : vector<256xf32>
    %reduce_max3A_18 = vector.multi_reduction <maximumf>, %sub3A_17, %reduce_max3A [1] : vector<256x2048xf32> to vector<256xf32>
    %broadcast_in_dim3A = vector.shape_cast %reduce_max3A_18 : vector<256xf32> to vector<256x1xf32>
    %ge3A = vector.broadcast %broadcast_in_dim3A : vector<256x1xf32> to vector<256x2048xf32>
    %ge3A_19 = arith.cmpf oge, %sub3A_17, %ge3A : vector<256x2048xf32>
    %jit3A = arith.constant 2.048000e+03 : f32
    %broadcast_in_dim3A_20 = vector.broadcast %jit3A : f32 to vector<256x2048xf32>
    %select_n3A = arith.select %ge3A_19, %convert_element_type3A, %broadcast_in_dim3A_20 : vector<256x2048xi1>, vector<256x2048xf32>
    %reduce_min3A = arith.constant dense<0x7F800000> : vector<256xf32>
    %reduce_min3A_21 = vector.multi_reduction <minimumf>, %select_n3A, %reduce_min3A [1] : vector<256x2048xf32> to vector<256xf32>
    %broadcast_in_dim3A_22 = vector.shape_cast %reduce_min3A_21 : vector<256xf32> to vector<256x1xf32>
    %convert_element_type3A_23 = arith.fptosi %broadcast_in_dim3A_22 : vector<256x1xf32> to vector<256x1xi32>
    %mul3A_24 = arith.constant 2048 : i32
    %mul3A_25 = arith.muli %arg0, %mul3A_24 : i32
    %add3A = vector.broadcast %mul3A_25 : i32 to vector<256x1xi32>
    %add3A_26 = arith.addi %convert_element_type3A_23, %add3A : vector<256x1xi32>
    %swap3A = arith.constant 0 : index
    %swap3A_27 = arith.constant 0 : index
    %swap3A_28 = vector.load %arg5[%swap3A, %swap3A_27] : memref<256x24xi32, #tpu.memory_space<vmem>>, vector<256x1xi32>
    tpu.vector_store %arg5[%swap3A, %swap3A_27], %add3A_26 {strides = array<i32>} : memref<256x24xi32, #tpu.memory_space<vmem>>, vector<256x1xi32>,
    %eq3A = vector.broadcast %broadcast_in_dim3A_22 : vector<256x1xf32> to vector<256x2048xf32>
    %eq3A_29 = arith.cmpf oeq, %convert_element_type3A, %eq3A : vector<256x2048xf32>
    %jit3A_30 = arith.constant -1.000000e+30 : f32
    %broadcast_in_dim3A_31 = vector.broadcast %jit3A_30 : f32 to vector<256x2048xf32>
    %select_n3A_32 = arith.select %eq3A_29, %broadcast_in_dim3A_31, %sub3A_17 : vector<256x2048xi1>, vector<256x2048xf32>
    %reduce_max3A_33 = arith.constant dense<0xFF800000> : vector<256xf32>
    %reduce_max3A_34 = vector.multi_reduction <maximumf>, %select_n3A_32, %reduce_max3A_33 [1] : vector<256x2048xf32> to vector<256xf32>
    %broadcast_in_dim3A_35 = vector.shape_cast %reduce_max3A_34 : vector<256xf32> to vector<256x1xf32>
    %ge3A_36 = vector.broadcast %broadcast_in_dim3A_35 : vector<256x1xf32> to vector<256x2048xf32>
    %ge3A_37 = arith.cmpf oge, %select_n3A_32, %ge3A_36 : vector<256x2048xf32>
    %jit3A_38 = arith.constant 2.048000e+03 : f32
    %broadcast_in_dim3A_39 = vector.broadcast %jit3A_38 : f32 to vector<256x2048xf32>
    %select_n3A_40 = arith.select %ge3A_37, %convert_element_type3A, %broadcast_in_dim3A_39 : vector<256x2048xi1>, vector<256x2048xf32>
    %reduce_min3A_41 = arith.constant dense<0x7F800000> : vector<256xf32>
    %reduce_min3A_42 = vector.multi_reduction <minimumf>, %select_n3A_40, %reduce_min3A_41 [1] : vector<256x2048xf32> to vector<256xf32>
    %broadcast_in_dim3A_43 = vector.shape_cast %reduce_min3A_42 : vector<256xf32> to vector<256x1xf32>
    %convert_element_type3A_44 = arith.fptosi %broadcast_in_dim3A_43 : vector<256x1xf32> to vector<256x1xi32>
    %mul3A_45 = arith.constant 2048 : i32
    %mul3A_46 = arith.muli %arg0, %mul3A_45 : i32
    %add3A_47 = vector.broadcast %mul3A_46 : i32 to vector<256x1xi32>
    %add3A_48 = arith.addi %convert_element_type3A_44, %add3A_47 : vector<256x1xi32>
    %swap3A_49 = arith.constant 0 : index
    %swap3A_50 = arith.constant 1 : index
    %swap3A_51 = vector.load %arg5[%swap3A_49, %swap3A_50] : memref<256x24xi32, #tpu.memory_space<vmem>>, vector<256x1xi32>
    tpu.vector_store %arg5[%swap3A_49, %swap3A_50], %add3A_48 {strides = array<i32>} : memref<256x24xi32, #tpu.memory_space<vmem>>, vector<256x1xi32>,
    %eq3A_52 = vector.broadcast %broadcast_in_dim3A_43 : vector<256x1xf32> to vector<256x2048xf32>
    %eq3A_53 = arith.cmpf oeq, %convert_element_type3A, %eq3A_52 : vector<256x2048xf32>
    %jit3A_54 = arith.constant -1.000000e+30 : f32
    %broadcast_in_dim3A_55 = vector.broadcast %jit3A_54 : f32 to vector<256x2048xf32>
    %select_n3A_56 = arith.select %eq3A_53, %broadcast_in_dim3A_55, %select_n3A_32 : vector<256x2048xi1>, vector<256x2048xf32>
    %reduce_max3A_57 = arith.constant dense<0xFF800000> : vector<256xf32>
    %reduce_max3A_58 = vector.multi_reduction <maximumf>, %select_n3A_56, %reduce_max3A_57 [1] : vector<256x2048xf32> to vector<256xf32>
    %broadcast_in_dim3A_59 = vector.shape_cast %reduce_max3A_58 : vector<256xf32> to vector<256x1xf32>
    %ge3A_60 = vector.broadcast %broadcast_in_dim3A_59 : vector<256x1xf32> to vector<256x2048xf32>
    %ge3A_61 = arith.cmpf oge, %select_n3A_56, %ge3A_60 : vector<256x2048xf32>
    %jit3A_62 = arith.constant 2.048000e+03 : f32
    %broadcast_in_dim3A_63 = vector.broadcast %jit3A_62 : f32 to vector<256x2048xf32>
    %select_n3A_64 = arith.select %ge3A_61, %convert_element_type3A, %broadcast_in_dim3A_63 : vector<256x2048xi1>, vector<256x2048xf32>
    %reduce_min3A_65 = arith.constant dense<0x7F800000> : vector<256xf32>
    %reduce_min3A_66 = vector.multi_reduction <minimumf>, %select_n3A_64, %reduce_min3A_65 [1] : vector<256x2048xf32> to vector<256xf32>
    %broadcast_in_dim3A_67 = vector.shape_cast %reduce_min3A_66 : vector<256xf32> to vector<256x1xf32>
    %convert_element_type3A_68 = arith.fptosi %broadcast_in_dim3A_67 : vector<256x1xf32> to vector<256x1xi32>
    %mul3A_69 = arith.constant 2048 : i32
    %mul3A_70 = arith.muli %arg0, %mul3A_69 : i32
    %add3A_71 = vector.broadcast %mul3A_70 : i32 to vector<256x1xi32>
    %add3A_72 = arith.addi %convert_element_type3A_68, %add3A_71 : vector<256x1xi32>
    %swap3A_73 = arith.constant 0 : index
    %swap3A_74 = arith.constant 2 : index
    %swap3A_75 = vector.load %arg5[%swap3A_73, %swap3A_74] : memref<256x24xi32, #tpu.memory_space<vmem>>, vector<256x1xi32>
    tpu.vector_store %arg5[%swap3A_73, %swap3A_74], %add3A_72 {strides = array<i32>} : memref<256x24xi32, #tpu.memory_space<vmem>>, vector<256x1xi32>,
    %eq3A_76 = vector.broadcast %broadcast_in_dim3A_67 : vector<256x1xf32> to vector<256x2048xf32>
    %eq3A_77 = arith.cmpf oeq, %convert_element_type3A, %eq3A_76 : vector<256x2048xf32>
    %jit3A_78 = arith.constant -1.000000e+30 : f32
    %broadcast_in_dim3A_79 = vector.broadcast %jit3A_78 : f32 to vector<256x2048xf32>
    %select_n3A_80 = arith.select %eq3A_77, %broadcast_in_dim3A_79, %select_n3A_56 : vector<256x2048xi1>, vector<256x2048xf32>
    %reduce_max3A_81 = arith.constant dense<0xFF800000> : vector<256xf32>
    %reduce_max3A_82 = vector.multi_reduction <maximumf>, %select_n3A_80, %reduce_max3A_81 [1] : vector<256x2048xf32> to vector<256xf32>
    %broadcast_in_dim3A_83 = vector.shape_cast %reduce_max3A_82 : vector<256xf32> to vector<256x1xf32>
    %ge3A_84 = vector.broadcast %broadcast_in_dim3A_83 : vector<256x1xf32> to vector<256x2048xf32>
    %ge3A_85 = arith.cmpf oge, %select_n3A_80, %ge3A_84 : vector<256x2048xf32>
    %jit3A_86 = arith.constant 2.048000e+03 : f32
    %broadcast_in_dim3A_87 = vector.broadcast %jit3A_86 : f32 to vector<256x2048xf32>
    %select_n3A_88 = arith.select %ge3A_85, %convert_element_type3A, %broadcast_in_dim3A_87 : vector<256x2048xi1>, vector<256x2048xf32>
    %reduce_min3A_89 = arith.constant dense<0x7F800000> : vector<256xf32>
    %reduce_min3A_90 = vector.multi_reduction <minimumf>, %select_n3A_88, %reduce_min3A_89 [1] : vector<256x2048xf32> to vector<256xf32>
    %broadcast_in_dim3A_91 = vector.shape_cast %reduce_min3A_90 : vector<256xf32> to vector<256x1xf32>
    %convert_element_type3A_92 = arith.fptosi %broadcast_in_dim3A_91 : vector<256x1xf32> to vector<256x1xi32>
    %mul3A_93 = arith.constant 2048 : i32
    %mul3A_94 = arith.muli %arg0, %mul3A_93 : i32
    %add3A_95 = vector.broadcast %mul3A_94 : i32 to vector<256x1xi32>
    %add3A_96 = arith.addi %convert_element_type3A_92, %add3A_95 : vector<256x1xi32>
    %swap3A_97 = arith.constant 0 : index
    %swap3A_98 = arith.constant 3 : index
    %swap3A_99 = vector.load %arg5[%swap3A_97, %swap3A_98] : memref<256x24xi32, #tpu.memory_space<vmem>>, vector<256x1xi32>
    tpu.vector_store %arg5[%swap3A_97, %swap3A_98], %add3A_96 {strides = array<i32>} : memref<256x24xi32, #tpu.memory_space<vmem>>, vector<256x1xi32>,
    %eq3A_100 = vector.broadcast %broadcast_in_dim3A_91 : vector<256x1xf32> to vector<256x2048xf32>
    %eq3A_101 = arith.cmpf oeq, %convert_element_type3A, %eq3A_100 : vector<256x2048xf32>
    %jit3A_102 = arith.constant -1.000000e+30 : f32
    %broadcast_in_dim3A_103 = vector.broadcast %jit3A_102 : f32 to vector<256x2048xf32>
    %select_n3A_104 = arith.select %eq3A_101, %broadcast_in_dim3A_103, %select_n3A_80 : vector<256x2048xi1>, vector<256x2048xf32>
    %reduce_max3A_105 = arith.constant dense<0xFF800000> : vector<256xf32>
    %reduce_max3A_106 = vector.multi_reduction <maximumf>, %select_n3A_104, %reduce_max3A_105 [1] : vector<256x2048xf32> to vector<256xf32>
    %broadcast_in_dim3A_107 = vector.shape_cast %reduce_max3A_106 : vector<256xf32> to vector<256x1xf32>
    %ge3A_108 = vector.broadcast %broadcast_in_dim3A_107 : vector<256x1xf32> to vector<256x2048xf32>
    %ge3A_109 = arith.cmpf oge, %select_n3A_104, %ge3A_108 : vector<256x2048xf32>
    %jit3A_110 = arith.constant 2.048000e+03 : f32
    %broadcast_in_dim3A_111 = vector.broadcast %jit3A_110 : f32 to vector<256x2048xf32>
    %select_n3A_112 = arith.select %ge3A_109, %convert_element_type3A, %broadcast_in_dim3A_111 : vector<256x2048xi1>, vector<256x2048xf32>
    %reduce_min3A_113 = arith.constant dense<0x7F800000> : vector<256xf32>
    %reduce_min3A_114 = vector.multi_reduction <minimumf>, %select_n3A_112, %reduce_min3A_113 [1] : vector<256x2048xf32> to vector<256xf32>
    %broadcast_in_dim3A_115 = vector.shape_cast %reduce_min3A_114 : vector<256xf32> to vector<256x1xf32>
    %convert_element_type3A_116 = arith.fptosi %broadcast_in_dim3A_115 : vector<256x1xf32> to vector<256x1xi32>
    %mul3A_117 = arith.constant 2048 : i32
    %mul3A_118 = arith.muli %arg0, %mul3A_117 : i32
    %add3A_119 = vector.broadcast %mul3A_118 : i32 to vector<256x1xi32>
    %add3A_120 = arith.addi %convert_element_type3A_116, %add3A_119 : vector<256x1xi32>
    %swap3A_121 = arith.constant 0 : index
    %swap3A_122 = arith.constant 4 : index
    %swap3A_123 = vector.load %arg5[%swap3A_121, %swap3A_122] : memref<256x24xi32, #tpu.memory_space<vmem>>, vector<256x1xi32>
    tpu.vector_store %arg5[%swap3A_121, %swap3A_122], %add3A_120 {strides = array<i32>} : memref<256x24xi32, #tpu.memory_space<vmem>>, vector<256x1xi32>,
    %eq3A_124 = vector.broadcast %broadcast_in_dim3A_115 : vector<256x1xf32> to vector<256x2048xf32>
    %eq3A_125 = arith.cmpf oeq, %convert_element_type3A, %eq3A_124 : vector<256x2048xf32>
    %jit3A_126 = arith.constant -1.000000e+30 : f32
    %broadcast_in_dim3A_127 = vector.broadcast %jit3A_126 : f32 to vector<256x2048xf32>
    %select_n3A_128 = arith.select %eq3A_125, %broadcast_in_dim3A_127, %select_n3A_104 : vector<256x2048xi1>, vector<256x2048xf32>
    %reduce_max3A_129 = arith.constant dense<0xFF800000> : vector<256xf32>
    %reduce_max3A_130 = vector.multi_reduction <maximumf>, %select_n3A_128, %reduce_max3A_129 [1] : vector<256x2048xf32> to vector<256xf32>
    %broadcast_in_dim3A_131 = vector.shape_cast %reduce_max3A_130 : vector<256xf32> to vector<256x1xf32>
    %ge3A_132 = vector.broadcast %broadcast_in_dim3A_131 : vector<256x1xf32> to vector<256x2048xf32>
    %ge3A_133 = arith.cmpf oge, %select_n3A_128, %ge3A_132 : vector<256x2048xf32>
    %jit3A_134 = arith.constant 2.048000e+03 : f32
    %broadcast_in_dim3A_135 = vector.broadcast %jit3A_134 : f32 to vector<256x2048xf32>
    %select_n3A_136 = arith.select %ge3A_133, %convert_element_type3A, %broadcast_in_dim3A_135 : vector<256x2048xi1>, vector<256x2048xf32>
    %reduce_min3A_137 = arith.constant dense<0x7F800000> : vector<256xf32>
    %reduce_min3A_138 = vector.multi_reduction <minimumf>, %select_n3A_136, %reduce_min3A_137 [1] : vector<256x2048xf32> to vector<256xf32>
    %broadcast_in_dim3A_139 = vector.shape_cast %reduce_min3A_138 : vector<256xf32> to vector<256x1xf32>
    %convert_element_type3A_140 = arith.fptosi %broadcast_in_dim3A_139 : vector<256x1xf32> to vector<256x1xi32>
    %mul3A_141 = arith.constant 2048 : i32
    %mul3A_142 = arith.muli %arg0, %mul3A_141 : i32
    %add3A_143 = vector.broadcast %mul3A_142 : i32 to vector<256x1xi32>
    %add3A_144 = arith.addi %convert_element_type3A_140, %add3A_143 : vector<256x1xi32>
    %swap3A_145 = arith.constant 0 : index
    %swap3A_146 = arith.constant 5 : index
    %swap3A_147 = vector.load %arg5[%swap3A_145, %swap3A_146] : memref<256x24xi32, #tpu.memory_space<vmem>>, vector<256x1xi32>
    tpu.vector_store %arg5[%swap3A_145, %swap3A_146], %add3A_144 {strides = array<i32>} : memref<256x24xi32, #tpu.memory_space<vmem>>, vector<256x1xi32>,
    %eq3A_148 = vector.broadcast %broadcast_in_dim3A_139 : vector<256x1xf32> to vector<256x2048xf32>
    %eq3A_149 = arith.cmpf oeq, %convert_element_type3A, %eq3A_148 : vector<256x2048xf32>
    %jit3A_150 = arith.constant -1.000000e+30 : f32
    %broadcast_in_dim3A_151 = vector.broadcast %jit3A_150 : f32 to vector<256x2048xf32>
    %select_n3A_152 = arith.select %eq3A_149, %broadcast_in_dim3A_151, %select_n3A_128 : vector<256x2048xi1>, vector<256x2048xf32>
    %reduce_max3A_153 = arith.constant dense<0xFF800000> : vector<256xf32>
    %reduce_max3A_154 = vector.multi_reduction <maximumf>, %select_n3A_152, %reduce_max3A_153 [1] : vector<256x2048xf32> to vector<256xf32>
    %broadcast_in_dim3A_155 = vector.shape_cast %reduce_max3A_154 : vector<256xf32> to vector<256x1xf32>
    %ge3A_156 = vector.broadcast %broadcast_in_dim3A_155 : vector<256x1xf32> to vector<256x2048xf32>
    %ge3A_157 = arith.cmpf oge, %select_n3A_152, %ge3A_156 : vector<256x2048xf32>
    %jit3A_158 = arith.constant 2.048000e+03 : f32
    %broadcast_in_dim3A_159 = vector.broadcast %jit3A_158 : f32 to vector<256x2048xf32>
    %select_n3A_160 = arith.select %ge3A_157, %convert_element_type3A, %broadcast_in_dim3A_159 : vector<256x2048xi1>, vector<256x2048xf32>
    %reduce_min3A_161 = arith.constant dense<0x7F800000> : vector<256xf32>
    %reduce_min3A_162 = vector.multi_reduction <minimumf>, %select_n3A_160, %reduce_min3A_161 [1] : vector<256x2048xf32> to vector<256xf32>
    %broadcast_in_dim3A_163 = vector.shape_cast %reduce_min3A_162 : vector<256xf32> to vector<256x1xf32>
    %convert_element_type3A_164 = arith.fptosi %broadcast_in_dim3A_163 : vector<256x1xf32> to vector<256x1xi32>
    %mul3A_165 = arith.constant 2048 : i32
    %mul3A_166 = arith.muli %arg0, %mul3A_165 : i32
    %add3A_167 = vector.broadcast %mul3A_166 : i32 to vector<256x1xi32>
    %add3A_168 = arith.addi %convert_element_type3A_164, %add3A_167 : vector<256x1xi32>
    %swap3A_169 = arith.constant 0 : index
    %swap3A_170 = arith.constant 6 : index
    %swap3A_171 = vector.load %arg5[%swap3A_169, %swap3A_170] : memref<256x24xi32, #tpu.memory_space<vmem>>, vector<256x1xi32>
    tpu.vector_store %arg5[%swap3A_169, %swap3A_170], %add3A_168 {strides = array<i32>} : memref<256x24xi32, #tpu.memory_space<vmem>>, vector<256x1xi32>,
    %eq3A_172 = vector.broadcast %broadcast_in_dim3A_163 : vector<256x1xf32> to vector<256x2048xf32>
    %eq3A_173 = arith.cmpf oeq, %convert_element_type3A, %eq3A_172 : vector<256x2048xf32>
    %jit3A_174 = arith.constant -1.000000e+30 : f32
    %broadcast_in_dim3A_175 = vector.broadcast %jit3A_174 : f32 to vector<256x2048xf32>
    %select_n3A_176 = arith.select %eq3A_173, %broadcast_in_dim3A_175, %select_n3A_152 : vector<256x2048xi1>, vector<256x2048xf32>
    %reduce_max3A_177 = arith.constant dense<0xFF800000> : vector<256xf32>
    %reduce_max3A_178 = vector.multi_reduction <maximumf>, %select_n3A_176, %reduce_max3A_177 [1] : vector<256x2048xf32> to vector<256xf32>
    %broadcast_in_dim3A_179 = vector.shape_cast %reduce_max3A_178 : vector<256xf32> to vector<256x1xf32>
    %ge3A_180 = vector.broadcast %broadcast_in_dim3A_179 : vector<256x1xf32> to vector<256x2048xf32>
    %ge3A_181 = arith.cmpf oge, %select_n3A_176, %ge3A_180 : vector<256x2048xf32>
    %jit3A_182 = arith.constant 2.048000e+03 : f32
    %broadcast_in_dim3A_183 = vector.broadcast %jit3A_182 : f32 to vector<256x2048xf32>
    %select_n3A_184 = arith.select %ge3A_181, %convert_element_type3A, %broadcast_in_dim3A_183 : vector<256x2048xi1>, vector<256x2048xf32>
    %reduce_min3A_185 = arith.constant dense<0x7F800000> : vector<256xf32>
    %reduce_min3A_186 = vector.multi_reduction <minimumf>, %select_n3A_184, %reduce_min3A_185 [1] : vector<256x2048xf32> to vector<256xf32>
    %broadcast_in_dim3A_187 = vector.shape_cast %reduce_min3A_186 : vector<256xf32> to vector<256x1xf32>
    %convert_element_type3A_188 = arith.fptosi %broadcast_in_dim3A_187 : vector<256x1xf32> to vector<256x1xi32>
    %mul3A_189 = arith.constant 2048 : i32
    %mul3A_190 = arith.muli %arg0, %mul3A_189 : i32
    %add3A_191 = vector.broadcast %mul3A_190 : i32 to vector<256x1xi32>
    %add3A_192 = arith.addi %convert_element_type3A_188, %add3A_191 : vector<256x1xi32>
    %swap3A_193 = arith.constant 0 : index
    %swap3A_194 = arith.constant 7 : index
    %swap3A_195 = vector.load %arg5[%swap3A_193, %swap3A_194] : memref<256x24xi32, #tpu.memory_space<vmem>>, vector<256x1xi32>
    tpu.vector_store %arg5[%swap3A_193, %swap3A_194], %add3A_192 {strides = array<i32>} : memref<256x24xi32, #tpu.memory_space<vmem>>, vector<256x1xi32>,
    %eq3A_196 = vector.broadcast %broadcast_in_dim3A_187 : vector<256x1xf32> to vector<256x2048xf32>
    %eq3A_197 = arith.cmpf oeq, %convert_element_type3A, %eq3A_196 : vector<256x2048xf32>
    %jit3A_198 = arith.constant -1.000000e+30 : f32
    %broadcast_in_dim3A_199 = vector.broadcast %jit3A_198 : f32 to vector<256x2048xf32>
    %select_n3A_200 = arith.select %eq3A_197, %broadcast_in_dim3A_199, %select_n3A_176 : vector<256x2048xi1>, vector<256x2048xf32>
    %reduce_max3A_201 = arith.constant dense<0xFF800000> : vector<256xf32>
    %reduce_max3A_202 = vector.multi_reduction <maximumf>, %select_n3A_200, %reduce_max3A_201 [1] : vector<256x2048xf32> to vector<256xf32>
    %broadcast_in_dim3A_203 = vector.shape_cast %reduce_max3A_202 : vector<256xf32> to vector<256x1xf32>
    %ge3A_204 = vector.broadcast %broadcast_in_dim3A_203 : vector<256x1xf32> to vector<256x2048xf32>
    %ge3A_205 = arith.cmpf oge, %select_n3A_200, %ge3A_204 : vector<256x2048xf32>
    %jit3A_206 = arith.constant 2.048000e+03 : f32
    %broadcast_in_dim3A_207 = vector.broadcast %jit3A_206 : f32 to vector<256x2048xf32>
    %select_n3A_208 = arith.select %ge3A_205, %convert_element_type3A, %broadcast_in_dim3A_207 : vector<256x2048xi1>, vector<256x2048xf32>
    %reduce_min3A_209 = arith.constant dense<0x7F800000> : vector<256xf32>
    %reduce_min3A_210 = vector.multi_reduction <minimumf>, %select_n3A_208, %reduce_min3A_209 [1] : vector<256x2048xf32> to vector<256xf32>
    %broadcast_in_dim3A_211 = vector.shape_cast %reduce_min3A_210 : vector<256xf32> to vector<256x1xf32>
    %convert_element_type3A_212 = arith.fptosi %broadcast_in_dim3A_211 : vector<256x1xf32> to vector<256x1xi32>
    %mul3A_213 = arith.constant 2048 : i32
    %mul3A_214 = arith.muli %arg0, %mul3A_213 : i32
    %add3A_215 = vector.broadcast %mul3A_214 : i32 to vector<256x1xi32>
    %add3A_216 = arith.addi %convert_element_type3A_212, %add3A_215 : vector<256x1xi32>
    %swap3A_217 = arith.constant 0 : index
    %swap3A_218 = arith.constant 8 : index
    %swap3A_219 = vector.load %arg5[%swap3A_217, %swap3A_218] : memref<256x24xi32, #tpu.memory_space<vmem>>, vector<256x1xi32>
    tpu.vector_store %arg5[%swap3A_217, %swap3A_218], %add3A_216 {strides = array<i32>} : memref<256x24xi32, #tpu.memory_space<vmem>>, vector<256x1xi32>,
    %eq3A_220 = vector.broadcast %broadcast_in_dim3A_211 : vector<256x1xf32> to vector<256x2048xf32>
    %eq3A_221 = arith.cmpf oeq, %convert_element_type3A, %eq3A_220 : vector<256x2048xf32>
    %jit3A_222 = arith.constant -1.000000e+30 : f32
    %broadcast_in_dim3A_223 = vector.broadcast %jit3A_222 : f32 to vector<256x2048xf32>
    %select_n3A_224 = arith.select %eq3A_221, %broadcast_in_dim3A_223, %select_n3A_200 : vector<256x2048xi1>, vector<256x2048xf32>
    %reduce_max3A_225 = arith.constant dense<0xFF800000> : vector<256xf32>
    %reduce_max3A_226 = vector.multi_reduction <maximumf>, %select_n3A_224, %reduce_max3A_225 [1] : vector<256x2048xf32> to vector<256xf32>
    %broadcast_in_dim3A_227 = vector.shape_cast %reduce_max3A_226 : vector<256xf32> to vector<256x1xf32>
    %ge3A_228 = vector.broadcast %broadcast_in_dim3A_227 : vector<256x1xf32> to vector<256x2048xf32>
    %ge3A_229 = arith.cmpf oge, %select_n3A_224, %ge3A_228 : vector<256x2048xf32>
    %jit3A_230 = arith.constant 2.048000e+03 : f32
    %broadcast_in_dim3A_231 = vector.broadcast %jit3A_230 : f32 to vector<256x2048xf32>
    %select_n3A_232 = arith.select %ge3A_229, %convert_element_type3A, %broadcast_in_dim3A_231 : vector<256x2048xi1>, vector<256x2048xf32>
    %reduce_min3A_233 = arith.constant dense<0x7F800000> : vector<256xf32>
    %reduce_min3A_234 = vector.multi_reduction <minimumf>, %select_n3A_232, %reduce_min3A_233 [1] : vector<256x2048xf32> to vector<256xf32>
    %broadcast_in_dim3A_235 = vector.shape_cast %reduce_min3A_234 : vector<256xf32> to vector<256x1xf32>
    %convert_element_type3A_236 = arith.fptosi %broadcast_in_dim3A_235 : vector<256x1xf32> to vector<256x1xi32>
    %mul3A_237 = arith.constant 2048 : i32
    %mul3A_238 = arith.muli %arg0, %mul3A_237 : i32
    %add3A_239 = vector.broadcast %mul3A_238 : i32 to vector<256x1xi32>
    %add3A_240 = arith.addi %convert_element_type3A_236, %add3A_239 : vector<256x1xi32>
    %swap3A_241 = arith.constant 0 : index
    %swap3A_242 = arith.constant 9 : index
    %swap3A_243 = vector.load %arg5[%swap3A_241, %swap3A_242] : memref<256x24xi32, #tpu.memory_space<vmem>>, vector<256x1xi32>
    tpu.vector_store %arg5[%swap3A_241, %swap3A_242], %add3A_240 {strides = array<i32>} : memref<256x24xi32, #tpu.memory_space<vmem>>, vector<256x1xi32>,
    %eq3A_244 = vector.broadcast %broadcast_in_dim3A_235 : vector<256x1xf32> to vector<256x2048xf32>
    %eq3A_245 = arith.cmpf oeq, %convert_element_type3A, %eq3A_244 : vector<256x2048xf32>
    %jit3A_246 = arith.constant -1.000000e+30 : f32
    %broadcast_in_dim3A_247 = vector.broadcast %jit3A_246 : f32 to vector<256x2048xf32>
    %select_n3A_248 = arith.select %eq3A_245, %broadcast_in_dim3A_247, %select_n3A_224 : vector<256x2048xi1>, vector<256x2048xf32>
    %reduce_max3A_249 = arith.constant dense<0xFF800000> : vector<256xf32>
    %reduce_max3A_250 = vector.multi_reduction <maximumf>, %select_n3A_248, %reduce_max3A_249 [1] : vector<256x2048xf32> to vector<256xf32>
    %broadcast_in_dim3A_251 = vector.shape_cast %reduce_max3A_250 : vector<256xf32> to vector<256x1xf32>
    %ge3A_252 = vector.broadcast %broadcast_in_dim3A_251 : vector<256x1xf32> to vector<256x2048xf32>
    %ge3A_253 = arith.cmpf oge, %select_n3A_248, %ge3A_252 : vector<256x2048xf32>
    %jit3A_254 = arith.constant 2.048000e+03 : f32
    %broadcast_in_dim3A_255 = vector.broadcast %jit3A_254 : f32 to vector<256x2048xf32>
    %select_n3A_256 = arith.select %ge3A_253, %convert_element_type3A, %broadcast_in_dim3A_255 : vector<256x2048xi1>, vector<256x2048xf32>
    %reduce_min3A_257 = arith.constant dense<0x7F800000> : vector<256xf32>
    %reduce_min3A_258 = vector.multi_reduction <minimumf>, %select_n3A_256, %reduce_min3A_257 [1] : vector<256x2048xf32> to vector<256xf32>
    %broadcast_in_dim3A_259 = vector.shape_cast %reduce_min3A_258 : vector<256xf32> to vector<256x1xf32>
    %convert_element_type3A_260 = arith.fptosi %broadcast_in_dim3A_259 : vector<256x1xf32> to vector<256x1xi32>
    %mul3A_261 = arith.constant 2048 : i32
    %mul3A_262 = arith.muli %arg0, %mul3A_261 : i32
    %add3A_263 = vector.broadcast %mul3A_262 : i32 to vector<256x1xi32>
    %add3A_264 = arith.addi %convert_element_type3A_260, %add3A_263 : vector<256x1xi32>
    %swap3A_265 = arith.constant 0 : index
    %swap3A_266 = arith.constant 10 : index
    %swap3A_267 = vector.load %arg5[%swap3A_265, %swap3A_266] : memref<256x24xi32, #tpu.memory_space<vmem>>, vector<256x1xi32>
    tpu.vector_store %arg5[%swap3A_265, %swap3A_266], %add3A_264 {strides = array<i32>} : memref<256x24xi32, #tpu.memory_space<vmem>>, vector<256x1xi32>,
    %eq3A_268 = vector.broadcast %broadcast_in_dim3A_259 : vector<256x1xf32> to vector<256x2048xf32>
    %eq3A_269 = arith.cmpf oeq, %convert_element_type3A, %eq3A_268 : vector<256x2048xf32>
    %jit3A_270 = arith.constant -1.000000e+30 : f32
    %broadcast_in_dim3A_271 = vector.broadcast %jit3A_270 : f32 to vector<256x2048xf32>
    %select_n3A_272 = arith.select %eq3A_269, %broadcast_in_dim3A_271, %select_n3A_248 : vector<256x2048xi1>, vector<256x2048xf32>
    %reduce_max3A_273 = arith.constant dense<0xFF800000> : vector<256xf32>
    %reduce_max3A_274 = vector.multi_reduction <maximumf>, %select_n3A_272, %reduce_max3A_273 [1] : vector<256x2048xf32> to vector<256xf32>
    %broadcast_in_dim3A_275 = vector.shape_cast %reduce_max3A_274 : vector<256xf32> to vector<256x1xf32>
    %ge3A_276 = vector.broadcast %broadcast_in_dim3A_275 : vector<256x1xf32> to vector<256x2048xf32>
    %ge3A_277 = arith.cmpf oge, %select_n3A_272, %ge3A_276 : vector<256x2048xf32>
    %jit3A_278 = arith.constant 2.048000e+03 : f32
    %broadcast_in_dim3A_279 = vector.broadcast %jit3A_278 : f32 to vector<256x2048xf32>
    %select_n3A_280 = arith.select %ge3A_277, %convert_element_type3A, %broadcast_in_dim3A_279 : vector<256x2048xi1>, vector<256x2048xf32>
    %reduce_min3A_281 = arith.constant dense<0x7F800000> : vector<256xf32>
    %reduce_min3A_282 = vector.multi_reduction <minimumf>, %select_n3A_280, %reduce_min3A_281 [1] : vector<256x2048xf32> to vector<256xf32>
    %broadcast_in_dim3A_283 = vector.shape_cast %reduce_min3A_282 : vector<256xf32> to vector<256x1xf32>
    %convert_element_type3A_284 = arith.fptosi %broadcast_in_dim3A_283 : vector<256x1xf32> to vector<256x1xi32>
    %mul3A_285 = arith.constant 2048 : i32
    %mul3A_286 = arith.muli %arg0, %mul3A_285 : i32
    %add3A_287 = vector.broadcast %mul3A_286 : i32 to vector<256x1xi32>
    %add3A_288 = arith.addi %convert_element_type3A_284, %add3A_287 : vector<256x1xi32>
    %swap3A_289 = arith.constant 0 : index
    %swap3A_290 = arith.constant 11 : index
    %swap3A_291 = vector.load %arg5[%swap3A_289, %swap3A_290] : memref<256x24xi32, #tpu.memory_space<vmem>>, vector<256x1xi32>
    tpu.vector_store %arg5[%swap3A_289, %swap3A_290], %add3A_288 {strides = array<i32>} : memref<256x24xi32, #tpu.memory_space<vmem>>, vector<256x1xi32>,
    %eq3A_292 = vector.broadcast %broadcast_in_dim3A_283 : vector<256x1xf32> to vector<256x2048xf32>
    %eq3A_293 = arith.cmpf oeq, %convert_element_type3A, %eq3A_292 : vector<256x2048xf32>
    %jit3A_294 = arith.constant -1.000000e+30 : f32
    %broadcast_in_dim3A_295 = vector.broadcast %jit3A_294 : f32 to vector<256x2048xf32>
    %select_n3A_296 = arith.select %eq3A_293, %broadcast_in_dim3A_295, %select_n3A_272 : vector<256x2048xi1>, vector<256x2048xf32>
    %reduce_max3A_297 = arith.constant dense<0xFF800000> : vector<256xf32>
    %reduce_max3A_298 = vector.multi_reduction <maximumf>, %select_n3A_296, %reduce_max3A_297 [1] : vector<256x2048xf32> to vector<256xf32>
    %broadcast_in_dim3A_299 = vector.shape_cast %reduce_max3A_298 : vector<256xf32> to vector<256x1xf32>
    %ge3A_300 = vector.broadcast %broadcast_in_dim3A_299 : vector<256x1xf32> to vector<256x2048xf32>
    %ge3A_301 = arith.cmpf oge, %select_n3A_296, %ge3A_300 : vector<256x2048xf32>
    %jit3A_302 = arith.constant 2.048000e+03 : f32
    %broadcast_in_dim3A_303 = vector.broadcast %jit3A_302 : f32 to vector<256x2048xf32>
    %select_n3A_304 = arith.select %ge3A_301, %convert_element_type3A, %broadcast_in_dim3A_303 : vector<256x2048xi1>, vector<256x2048xf32>
    %reduce_min3A_305 = arith.constant dense<0x7F800000> : vector<256xf32>
    %reduce_min3A_306 = vector.multi_reduction <minimumf>, %select_n3A_304, %reduce_min3A_305 [1] : vector<256x2048xf32> to vector<256xf32>
    %broadcast_in_dim3A_307 = vector.shape_cast %reduce_min3A_306 : vector<256xf32> to vector<256x1xf32>
    %convert_element_type3A_308 = arith.fptosi %broadcast_in_dim3A_307 : vector<256x1xf32> to vector<256x1xi32>
    %mul3A_309 = arith.constant 2048 : i32
    %mul3A_310 = arith.muli %arg0, %mul3A_309 : i32
    %add3A_311 = vector.broadcast %mul3A_310 : i32 to vector<256x1xi32>
    %add3A_312 = arith.addi %convert_element_type3A_308, %add3A_311 : vector<256x1xi32>
    %swap3A_313 = arith.constant 0 : index
    %swap3A_314 = arith.constant 12 : index
    %swap3A_315 = vector.load %arg5[%swap3A_313, %swap3A_314] : memref<256x24xi32, #tpu.memory_space<vmem>>, vector<256x1xi32>
    tpu.vector_store %arg5[%swap3A_313, %swap3A_314], %add3A_312 {strides = array<i32>} : memref<256x24xi32, #tpu.memory_space<vmem>>, vector<256x1xi32>,
    %eq3A_316 = vector.broadcast %broadcast_in_dim3A_307 : vector<256x1xf32> to vector<256x2048xf32>
    %eq3A_317 = arith.cmpf oeq, %convert_element_type3A, %eq3A_316 : vector<256x2048xf32>
    %jit3A_318 = arith.constant -1.000000e+30 : f32
    %broadcast_in_dim3A_319 = vector.broadcast %jit3A_318 : f32 to vector<256x2048xf32>
    %select_n3A_320 = arith.select %eq3A_317, %broadcast_in_dim3A_319, %select_n3A_296 : vector<256x2048xi1>, vector<256x2048xf32>
    %reduce_max3A_321 = arith.constant dense<0xFF800000> : vector<256xf32>
    %reduce_max3A_322 = vector.multi_reduction <maximumf>, %select_n3A_320, %reduce_max3A_321 [1] : vector<256x2048xf32> to vector<256xf32>
    %broadcast_in_dim3A_323 = vector.shape_cast %reduce_max3A_322 : vector<256xf32> to vector<256x1xf32>
    %ge3A_324 = vector.broadcast %broadcast_in_dim3A_323 : vector<256x1xf32> to vector<256x2048xf32>
    %ge3A_325 = arith.cmpf oge, %select_n3A_320, %ge3A_324 : vector<256x2048xf32>
    %jit3A_326 = arith.constant 2.048000e+03 : f32
    %broadcast_in_dim3A_327 = vector.broadcast %jit3A_326 : f32 to vector<256x2048xf32>
    %select_n3A_328 = arith.select %ge3A_325, %convert_element_type3A, %broadcast_in_dim3A_327 : vector<256x2048xi1>, vector<256x2048xf32>
    %reduce_min3A_329 = arith.constant dense<0x7F800000> : vector<256xf32>
    %reduce_min3A_330 = vector.multi_reduction <minimumf>, %select_n3A_328, %reduce_min3A_329 [1] : vector<256x2048xf32> to vector<256xf32>
    %broadcast_in_dim3A_331 = vector.shape_cast %reduce_min3A_330 : vector<256xf32> to vector<256x1xf32>
    %convert_element_type3A_332 = arith.fptosi %broadcast_in_dim3A_331 : vector<256x1xf32> to vector<256x1xi32>
    %mul3A_333 = arith.constant 2048 : i32
    %mul3A_334 = arith.muli %arg0, %mul3A_333 : i32
    %add3A_335 = vector.broadcast %mul3A_334 : i32 to vector<256x1xi32>
    %add3A_336 = arith.addi %convert_element_type3A_332, %add3A_335 : vector<256x1xi32>
    %swap3A_337 = arith.constant 0 : index
    %swap3A_338 = arith.constant 13 : index
    %swap3A_339 = vector.load %arg5[%swap3A_337, %swap3A_338] : memref<256x24xi32, #tpu.memory_space<vmem>>, vector<256x1xi32>
    tpu.vector_store %arg5[%swap3A_337, %swap3A_338], %add3A_336 {strides = array<i32>} : memref<256x24xi32, #tpu.memory_space<vmem>>, vector<256x1xi32>,
    %eq3A_340 = vector.broadcast %broadcast_in_dim3A_331 : vector<256x1xf32> to vector<256x2048xf32>
    %eq3A_341 = arith.cmpf oeq, %convert_element_type3A, %eq3A_340 : vector<256x2048xf32>
    %jit3A_342 = arith.constant -1.000000e+30 : f32
    %broadcast_in_dim3A_343 = vector.broadcast %jit3A_342 : f32 to vector<256x2048xf32>
    %select_n3A_344 = arith.select %eq3A_341, %broadcast_in_dim3A_343, %select_n3A_320 : vector<256x2048xi1>, vector<256x2048xf32>
    %reduce_max3A_345 = arith.constant dense<0xFF800000> : vector<256xf32>
    %reduce_max3A_346 = vector.multi_reduction <maximumf>, %select_n3A_344, %reduce_max3A_345 [1] : vector<256x2048xf32> to vector<256xf32>
    %broadcast_in_dim3A_347 = vector.shape_cast %reduce_max3A_346 : vector<256xf32> to vector<256x1xf32>
    %ge3A_348 = vector.broadcast %broadcast_in_dim3A_347 : vector<256x1xf32> to vector<256x2048xf32>
    %ge3A_349 = arith.cmpf oge, %select_n3A_344, %ge3A_348 : vector<256x2048xf32>
    %jit3A_350 = arith.constant 2.048000e+03 : f32
    %broadcast_in_dim3A_351 = vector.broadcast %jit3A_350 : f32 to vector<256x2048xf32>
    %select_n3A_352 = arith.select %ge3A_349, %convert_element_type3A, %broadcast_in_dim3A_351 : vector<256x2048xi1>, vector<256x2048xf32>
    %reduce_min3A_353 = arith.constant dense<0x7F800000> : vector<256xf32>
    %reduce_min3A_354 = vector.multi_reduction <minimumf>, %select_n3A_352, %reduce_min3A_353 [1] : vector<256x2048xf32> to vector<256xf32>
    %broadcast_in_dim3A_355 = vector.shape_cast %reduce_min3A_354 : vector<256xf32> to vector<256x1xf32>
    %convert_element_type3A_356 = arith.fptosi %broadcast_in_dim3A_355 : vector<256x1xf32> to vector<256x1xi32>
    %mul3A_357 = arith.constant 2048 : i32
    %mul3A_358 = arith.muli %arg0, %mul3A_357 : i32
    %add3A_359 = vector.broadcast %mul3A_358 : i32 to vector<256x1xi32>
    %add3A_360 = arith.addi %convert_element_type3A_356, %add3A_359 : vector<256x1xi32>
    %swap3A_361 = arith.constant 0 : index
    %swap3A_362 = arith.constant 14 : index
    %swap3A_363 = vector.load %arg5[%swap3A_361, %swap3A_362] : memref<256x24xi32, #tpu.memory_space<vmem>>, vector<256x1xi32>
    tpu.vector_store %arg5[%swap3A_361, %swap3A_362], %add3A_360 {strides = array<i32>} : memref<256x24xi32, #tpu.memory_space<vmem>>, vector<256x1xi32>,
    %eq3A_364 = vector.broadcast %broadcast_in_dim3A_355 : vector<256x1xf32> to vector<256x2048xf32>
    %eq3A_365 = arith.cmpf oeq, %convert_element_type3A, %eq3A_364 : vector<256x2048xf32>
    %jit3A_366 = arith.constant -1.000000e+30 : f32
    %broadcast_in_dim3A_367 = vector.broadcast %jit3A_366 : f32 to vector<256x2048xf32>
    %select_n3A_368 = arith.select %eq3A_365, %broadcast_in_dim3A_367, %select_n3A_344 : vector<256x2048xi1>, vector<256x2048xf32>
    %reduce_max3A_369 = arith.constant dense<0xFF800000> : vector<256xf32>
    %reduce_max3A_370 = vector.multi_reduction <maximumf>, %select_n3A_368, %reduce_max3A_369 [1] : vector<256x2048xf32> to vector<256xf32>
    %broadcast_in_dim3A_371 = vector.shape_cast %reduce_max3A_370 : vector<256xf32> to vector<256x1xf32>
    %ge3A_372 = vector.broadcast %broadcast_in_dim3A_371 : vector<256x1xf32> to vector<256x2048xf32>
    %ge3A_373 = arith.cmpf oge, %select_n3A_368, %ge3A_372 : vector<256x2048xf32>
    %jit3A_374 = arith.constant 2.048000e+03 : f32
    %broadcast_in_dim3A_375 = vector.broadcast %jit3A_374 : f32 to vector<256x2048xf32>
    %select_n3A_376 = arith.select %ge3A_373, %convert_element_type3A, %broadcast_in_dim3A_375 : vector<256x2048xi1>, vector<256x2048xf32>
    %reduce_min3A_377 = arith.constant dense<0x7F800000> : vector<256xf32>
    %reduce_min3A_378 = vector.multi_reduction <minimumf>, %select_n3A_376, %reduce_min3A_377 [1] : vector<256x2048xf32> to vector<256xf32>
    %broadcast_in_dim3A_379 = vector.shape_cast %reduce_min3A_378 : vector<256xf32> to vector<256x1xf32>
    %convert_element_type3A_380 = arith.fptosi %broadcast_in_dim3A_379 : vector<256x1xf32> to vector<256x1xi32>
    %mul3A_381 = arith.constant 2048 : i32
    %mul3A_382 = arith.muli %arg0, %mul3A_381 : i32
    %add3A_383 = vector.broadcast %mul3A_382 : i32 to vector<256x1xi32>
    %add3A_384 = arith.addi %convert_element_type3A_380, %add3A_383 : vector<256x1xi32>
    %swap3A_385 = arith.constant 0 : index
    %swap3A_386 = arith.constant 15 : index
    %swap3A_387 = vector.load %arg5[%swap3A_385, %swap3A_386] : memref<256x24xi32, #tpu.memory_space<vmem>>, vector<256x1xi32>
    tpu.vector_store %arg5[%swap3A_385, %swap3A_386], %add3A_384 {strides = array<i32>} : memref<256x24xi32, #tpu.memory_space<vmem>>, vector<256x1xi32>,
    %eq3A_388 = vector.broadcast %broadcast_in_dim3A_379 : vector<256x1xf32> to vector<256x2048xf32>
    %eq3A_389 = arith.cmpf oeq, %convert_element_type3A, %eq3A_388 : vector<256x2048xf32>
    %jit3A_390 = arith.constant -1.000000e+30 : f32
    %broadcast_in_dim3A_391 = vector.broadcast %jit3A_390 : f32 to vector<256x2048xf32>
    %select_n3A_392 = arith.select %eq3A_389, %broadcast_in_dim3A_391, %select_n3A_368 : vector<256x2048xi1>, vector<256x2048xf32>
    %reduce_max3A_393 = arith.constant dense<0xFF800000> : vector<256xf32>
    %reduce_max3A_394 = vector.multi_reduction <maximumf>, %select_n3A_392, %reduce_max3A_393 [1] : vector<256x2048xf32> to vector<256xf32>
    %broadcast_in_dim3A_395 = vector.shape_cast %reduce_max3A_394 : vector<256xf32> to vector<256x1xf32>
    %ge3A_396 = vector.broadcast %broadcast_in_dim3A_395 : vector<256x1xf32> to vector<256x2048xf32>
    %ge3A_397 = arith.cmpf oge, %select_n3A_392, %ge3A_396 : vector<256x2048xf32>
    %jit3A_398 = arith.constant 2.048000e+03 : f32
    %broadcast_in_dim3A_399 = vector.broadcast %jit3A_398 : f32 to vector<256x2048xf32>
    %select_n3A_400 = arith.select %ge3A_397, %convert_element_type3A, %broadcast_in_dim3A_399 : vector<256x2048xi1>, vector<256x2048xf32>
    %reduce_min3A_401 = arith.constant dense<0x7F800000> : vector<256xf32>
    %reduce_min3A_402 = vector.multi_reduction <minimumf>, %select_n3A_400, %reduce_min3A_401 [1] : vector<256x2048xf32> to vector<256xf32>
    %broadcast_in_dim3A_403 = vector.shape_cast %reduce_min3A_402 : vector<256xf32> to vector<256x1xf32>
    %convert_element_type3A_404 = arith.fptosi %broadcast_in_dim3A_403 : vector<256x1xf32> to vector<256x1xi32>
    %mul3A_405 = arith.constant 2048 : i32
    %mul3A_406 = arith.muli %arg0, %mul3A_405 : i32
    %add3A_407 = vector.broadcast %mul3A_406 : i32 to vector<256x1xi32>
    %add3A_408 = arith.addi %convert_element_type3A_404, %add3A_407 : vector<256x1xi32>
    %swap3A_409 = arith.constant 0 : index
    %swap3A_410 = arith.constant 16 : index
    %swap3A_411 = vector.load %arg5[%swap3A_409, %swap3A_410] : memref<256x24xi32, #tpu.memory_space<vmem>>, vector<256x1xi32>
    tpu.vector_store %arg5[%swap3A_409, %swap3A_410], %add3A_408 {strides = array<i32>} : memref<256x24xi32, #tpu.memory_space<vmem>>, vector<256x1xi32>,
    %eq3A_412 = vector.broadcast %broadcast_in_dim3A_403 : vector<256x1xf32> to vector<256x2048xf32>
    %eq3A_413 = arith.cmpf oeq, %convert_element_type3A, %eq3A_412 : vector<256x2048xf32>
    %jit3A_414 = arith.constant -1.000000e+30 : f32
    %broadcast_in_dim3A_415 = vector.broadcast %jit3A_414 : f32 to vector<256x2048xf32>
    %select_n3A_416 = arith.select %eq3A_413, %broadcast_in_dim3A_415, %select_n3A_392 : vector<256x2048xi1>, vector<256x2048xf32>
    %reduce_max3A_417 = arith.constant dense<0xFF800000> : vector<256xf32>
    %reduce_max3A_418 = vector.multi_reduction <maximumf>, %select_n3A_416, %reduce_max3A_417 [1] : vector<256x2048xf32> to vector<256xf32>
    %broadcast_in_dim3A_419 = vector.shape_cast %reduce_max3A_418 : vector<256xf32> to vector<256x1xf32>
    %ge3A_420 = vector.broadcast %broadcast_in_dim3A_419 : vector<256x1xf32> to vector<256x2048xf32>
    %ge3A_421 = arith.cmpf oge, %select_n3A_416, %ge3A_420 : vector<256x2048xf32>
    %jit3A_422 = arith.constant 2.048000e+03 : f32
    %broadcast_in_dim3A_423 = vector.broadcast %jit3A_422 : f32 to vector<256x2048xf32>
    %select_n3A_424 = arith.select %ge3A_421, %convert_element_type3A, %broadcast_in_dim3A_423 : vector<256x2048xi1>, vector<256x2048xf32>
    %reduce_min3A_425 = arith.constant dense<0x7F800000> : vector<256xf32>
    %reduce_min3A_426 = vector.multi_reduction <minimumf>, %select_n3A_424, %reduce_min3A_425 [1] : vector<256x2048xf32> to vector<256xf32>
    %broadcast_in_dim3A_427 = vector.shape_cast %reduce_min3A_426 : vector<256xf32> to vector<256x1xf32>
    %convert_element_type3A_428 = arith.fptosi %broadcast_in_dim3A_427 : vector<256x1xf32> to vector<256x1xi32>
    %mul3A_429 = arith.constant 2048 : i32
    %mul3A_430 = arith.muli %arg0, %mul3A_429 : i32
    %add3A_431 = vector.broadcast %mul3A_430 : i32 to vector<256x1xi32>
    %add3A_432 = arith.addi %convert_element_type3A_428, %add3A_431 : vector<256x1xi32>
    %swap3A_433 = arith.constant 0 : index
    %swap3A_434 = arith.constant 17 : index
    %swap3A_435 = vector.load %arg5[%swap3A_433, %swap3A_434] : memref<256x24xi32, #tpu.memory_space<vmem>>, vector<256x1xi32>
    tpu.vector_store %arg5[%swap3A_433, %swap3A_434], %add3A_432 {strides = array<i32>} : memref<256x24xi32, #tpu.memory_space<vmem>>, vector<256x1xi32>,
    %eq3A_436 = vector.broadcast %broadcast_in_dim3A_427 : vector<256x1xf32> to vector<256x2048xf32>
    %eq3A_437 = arith.cmpf oeq, %convert_element_type3A, %eq3A_436 : vector<256x2048xf32>
    %jit3A_438 = arith.constant -1.000000e+30 : f32
    %broadcast_in_dim3A_439 = vector.broadcast %jit3A_438 : f32 to vector<256x2048xf32>
    %select_n3A_440 = arith.select %eq3A_437, %broadcast_in_dim3A_439, %select_n3A_416 : vector<256x2048xi1>, vector<256x2048xf32>
    %reduce_max3A_441 = arith.constant dense<0xFF800000> : vector<256xf32>
    %reduce_max3A_442 = vector.multi_reduction <maximumf>, %select_n3A_440, %reduce_max3A_441 [1] : vector<256x2048xf32> to vector<256xf32>
    %broadcast_in_dim3A_443 = vector.shape_cast %reduce_max3A_442 : vector<256xf32> to vector<256x1xf32>
    %ge3A_444 = vector.broadcast %broadcast_in_dim3A_443 : vector<256x1xf32> to vector<256x2048xf32>
    %ge3A_445 = arith.cmpf oge, %select_n3A_440, %ge3A_444 : vector<256x2048xf32>
    %jit3A_446 = arith.constant 2.048000e+03 : f32
    %broadcast_in_dim3A_447 = vector.broadcast %jit3A_446 : f32 to vector<256x2048xf32>
    %select_n3A_448 = arith.select %ge3A_445, %convert_element_type3A, %broadcast_in_dim3A_447 : vector<256x2048xi1>, vector<256x2048xf32>
    %reduce_min3A_449 = arith.constant dense<0x7F800000> : vector<256xf32>
    %reduce_min3A_450 = vector.multi_reduction <minimumf>, %select_n3A_448, %reduce_min3A_449 [1] : vector<256x2048xf32> to vector<256xf32>
    %broadcast_in_dim3A_451 = vector.shape_cast %reduce_min3A_450 : vector<256xf32> to vector<256x1xf32>
    %convert_element_type3A_452 = arith.fptosi %broadcast_in_dim3A_451 : vector<256x1xf32> to vector<256x1xi32>
    %mul3A_453 = arith.constant 2048 : i32
    %mul3A_454 = arith.muli %arg0, %mul3A_453 : i32
    %add3A_455 = vector.broadcast %mul3A_454 : i32 to vector<256x1xi32>
    %add3A_456 = arith.addi %convert_element_type3A_452, %add3A_455 : vector<256x1xi32>
    %swap3A_457 = arith.constant 0 : index
    %swap3A_458 = arith.constant 18 : index
    %swap3A_459 = vector.load %arg5[%swap3A_457, %swap3A_458] : memref<256x24xi32, #tpu.memory_space<vmem>>, vector<256x1xi32>
    tpu.vector_store %arg5[%swap3A_457, %swap3A_458], %add3A_456 {strides = array<i32>} : memref<256x24xi32, #tpu.memory_space<vmem>>, vector<256x1xi32>,
    %eq3A_460 = vector.broadcast %broadcast_in_dim3A_451 : vector<256x1xf32> to vector<256x2048xf32>
    %eq3A_461 = arith.cmpf oeq, %convert_element_type3A, %eq3A_460 : vector<256x2048xf32>
    %jit3A_462 = arith.constant -1.000000e+30 : f32
    %broadcast_in_dim3A_463 = vector.broadcast %jit3A_462 : f32 to vector<256x2048xf32>
    %select_n3A_464 = arith.select %eq3A_461, %broadcast_in_dim3A_463, %select_n3A_440 : vector<256x2048xi1>, vector<256x2048xf32>
    %reduce_max3A_465 = arith.constant dense<0xFF800000> : vector<256xf32>
    %reduce_max3A_466 = vector.multi_reduction <maximumf>, %select_n3A_464, %reduce_max3A_465 [1] : vector<256x2048xf32> to vector<256xf32>
    %broadcast_in_dim3A_467 = vector.shape_cast %reduce_max3A_466 : vector<256xf32> to vector<256x1xf32>
    %ge3A_468 = vector.broadcast %broadcast_in_dim3A_467 : vector<256x1xf32> to vector<256x2048xf32>
    %ge3A_469 = arith.cmpf oge, %select_n3A_464, %ge3A_468 : vector<256x2048xf32>
    %jit3A_470 = arith.constant 2.048000e+03 : f32
    %broadcast_in_dim3A_471 = vector.broadcast %jit3A_470 : f32 to vector<256x2048xf32>
    %select_n3A_472 = arith.select %ge3A_469, %convert_element_type3A, %broadcast_in_dim3A_471 : vector<256x2048xi1>, vector<256x2048xf32>
    %reduce_min3A_473 = arith.constant dense<0x7F800000> : vector<256xf32>
    %reduce_min3A_474 = vector.multi_reduction <minimumf>, %select_n3A_472, %reduce_min3A_473 [1] : vector<256x2048xf32> to vector<256xf32>
    %broadcast_in_dim3A_475 = vector.shape_cast %reduce_min3A_474 : vector<256xf32> to vector<256x1xf32>
    %convert_element_type3A_476 = arith.fptosi %broadcast_in_dim3A_475 : vector<256x1xf32> to vector<256x1xi32>
    %mul3A_477 = arith.constant 2048 : i32
    %mul3A_478 = arith.muli %arg0, %mul3A_477 : i32
    %add3A_479 = vector.broadcast %mul3A_478 : i32 to vector<256x1xi32>
    %add3A_480 = arith.addi %convert_element_type3A_476, %add3A_479 : vector<256x1xi32>
    %swap3A_481 = arith.constant 0 : index
    %swap3A_482 = arith.constant 19 : index
    %swap3A_483 = vector.load %arg5[%swap3A_481, %swap3A_482] : memref<256x24xi32, #tpu.memory_space<vmem>>, vector<256x1xi32>
    tpu.vector_store %arg5[%swap3A_481, %swap3A_482], %add3A_480 {strides = array<i32>} : memref<256x24xi32, #tpu.memory_space<vmem>>, vector<256x1xi32>,
    return
  }
  func.func @transform_0(%arg0: i32, %arg1: i32) -> (i32, i32, i32) {
    %c0_i32 = arith.constant 0 : i32
    %c0_i32_0 = arith.constant 0 : i32
    return %arg0, %arg1, %c0_i32 : i32, i32, i32
  }
  func.func @transform_1(%arg0: i32, %arg1: i32) -> (i32, i32, i32) {
    %c0_i32 = arith.constant 0 : i32
    %c0_i32_0 = arith.constant 0 : i32
    %c0_i32_1 = arith.constant 0 : i32
    return %arg0, %c0_i32, %c0_i32_0 : i32, i32, i32
  }
  func.func @transform_2(%arg0: i32, %arg1: i32) -> (i32, i32, i32) {
    %c0_i32 = arith.constant 0 : i32
    %c0_i32_0 = arith.constant 0 : i32
    %c0_i32_1 = arith.constant 0 : i32
    return %arg0, %c0_i32, %c0_i32_0 : i32, i32, i32
  }
  func.func @transform_3(%arg0: i32, %arg1: i32) -> (i32, i32) {
    %mul3A = arith.constant 8 : i32
    %mul3A_0 = arith.muli %arg0, %mul3A : i32
    %add3A = arith.addi %mul3A_0, %arg1 : i32
    %c0_i32 = arith.constant 0 : i32
    %c0_i32_1 = arith.constant 0 : i32
    return %add3A, %c0_i32 : i32, i32
  }
}

module attributes {stable_mosaic.version = 14 : i64} {
  func.func @_apply_proj_body(%arg0: i32, %arg1: memref<256x128xf32, #tpu.memory_space<vmem>>, %arg2: memref<1x128xf32, #tpu.memory_space<vmem>>, %arg3: memref<1x128xf32, #tpu.memory_space<vmem>>, %arg4: memref<128x256xf32, #tpu.memory_space<vmem>>, %arg5: memref<128x256xf32, #tpu.memory_space<vmem>>, %arg6: memref<256x128xf32, #tpu.memory_space<vmem>>, %arg7: memref<256x256xf32, #tpu.memory_space<vmem>>, %arg8: memref<256x256xf32, #tpu.memory_space<vmem>>) attributes {dimension_semantics = [#tpu.dimension_semantics<arbitrary>], iteration_bounds = array<i64: 64>, scalar_prefetch = 0 : i64, scratch_operands = 0 : i64, tpu.core_type = #tpu.core_type<tc>, window_params = [{transform_indices = @transform_0, window_bounds = array<i64: 256, 128>}, {pipeline_mode = #tpu.pipeline_mode<synchronous>, transform_indices = @transform_1, window_bounds = array<i64: 1, 128>}, {pipeline_mode = #tpu.pipeline_mode<synchronous>, transform_indices = @transform_2, window_bounds = array<i64: 1, 128>}, {pipeline_mode = #tpu.pipeline_mode<synchronous>, transform_indices = @transform_3, window_bounds = array<i64: 128, 256>}, {pipeline_mode = #tpu.pipeline_mode<synchronous>, transform_indices = @transform_4, window_bounds = array<i64: 128, 256>}, {transform_indices = @transform_5, window_bounds = array<i64: 256, 128>}, {transform_indices = @transform_6, window_bounds = array<i64: 256, 256>}, {transform_indices = @transform_7, window_bounds = array<i64: 256, 256>}]} {
    %get3A = arith.constant 0 : index
    %get3A_0 = arith.constant 0 : index
    %get3A_1 = vector.load %arg1[%get3A, %get3A_0] : memref<256x128xf32, #tpu.memory_space<vmem>>, vector<256x128xf32>
    %get3A_2 = arith.constant 0 : index
    %get3A_3 = arith.constant 0 : index
    %get3A_4 = vector.load %arg2[%get3A_2, %get3A_3] : memref<1x128xf32, #tpu.memory_space<vmem>>, vector<1x128xf32>
    %mul3A = vector.broadcast %get3A_4 : vector<1x128xf32> to vector<256x128xf32>
    %mul3A_5 = arith.mulf %get3A_1, %mul3A : vector<256x128xf32>
    %get3A_6 = arith.constant 0 : index
    %get3A_7 = arith.constant 0 : index
    %get3A_8 = vector.load %arg3[%get3A_6, %get3A_7] : memref<1x128xf32, #tpu.memory_space<vmem>>, vector<1x128xf32>
    %add3A = vector.broadcast %get3A_8 : vector<1x128xf32> to vector<256x128xf32>
    %add3A_9 = arith.addf %mul3A_5, %add3A : vector<256x128xf32>
    %gt3A = arith.constant 0.000000e+00 : f32
    %gt3A_10 = vector.broadcast %gt3A : f32 to vector<256x128xf32>
    %gt3A_11 = arith.cmpf ogt, %add3A_9, %gt3A_10 : vector<256x128xf32>
    %mul3A_12 = arith.constant 2.000000e-01 : f32
    %mul3A_13 = vector.broadcast %mul3A_12 : f32 to vector<256x128xf32>
    %mul3A_14 = arith.mulf %mul3A_13, %add3A_9 : vector<256x128xf32>
    %select_n3A = arith.select %gt3A_11, %add3A_9, %mul3A_14 : vector<256x128xi1>, vector<256x128xf32>
    %swap3A = arith.constant 0 : index
    %swap3A_15 = arith.constant 0 : index
    %swap3A_16 = vector.load %arg6[%swap3A, %swap3A_15] : memref<256x128xf32, #tpu.memory_space<vmem>>, vector<256x128xf32>
    tpu.vector_store %arg6[%swap3A, %swap3A_15], %select_n3A {strides = array<i32>} : memref<256x128xf32, #tpu.memory_space<vmem>>, vector<256x128xf32>,
    %get3A_17 = arith.constant 0 : index
    %get3A_18 = arith.constant 0 : index
    %get3A_19 = vector.load %arg4[%get3A_17, %get3A_18] : memref<128x256xf32, #tpu.memory_space<vmem>>, vector<128x256xf32>
    %dot_general3A = arith.constant dense<0.000000e+00> : vector<256x256xf32>
    %dot_general3A_20 = tpu.matmul %select_n3A, %get3A_19, %dot_general3A {dimension_numbers = #tpu.dot_dimension_numbers<[1], [0], [0], [1], [0, 0, 1, 1], [], []>, transpose_lhs_hint = false} : vector<256x128xf32>, vector<128x256xf32>, vector<256x256xf32> -> vector<256x256xf32>
    %swap3A_21 = arith.constant 0 : index
    %swap3A_22 = arith.constant 0 : index
    %swap3A_23 = vector.load %arg7[%swap3A_21, %swap3A_22] : memref<256x256xf32, #tpu.memory_space<vmem>>, vector<256x256xf32>
    tpu.vector_store %arg7[%swap3A_21, %swap3A_22], %dot_general3A_20 {strides = array<i32>} : memref<256x256xf32, #tpu.memory_space<vmem>>, vector<256x256xf32>,
    %get3A_24 = arith.constant 0 : index
    %get3A_25 = arith.constant 0 : index
    %get3A_26 = vector.load %arg5[%get3A_24, %get3A_25] : memref<128x256xf32, #tpu.memory_space<vmem>>, vector<128x256xf32>
    %dot_general3A_27 = arith.constant dense<0.000000e+00> : vector<256x256xf32>
    %dot_general3A_28 = tpu.matmul %select_n3A, %get3A_26, %dot_general3A_27 {dimension_numbers = #tpu.dot_dimension_numbers<[1], [0], [0], [1], [0, 0, 1, 1], [], []>, transpose_lhs_hint = false} : vector<256x128xf32>, vector<128x256xf32>, vector<256x256xf32> -> vector<256x256xf32>
    %swap3A_29 = arith.constant 0 : index
    %swap3A_30 = arith.constant 0 : index
    %swap3A_31 = vector.load %arg8[%swap3A_29, %swap3A_30] : memref<256x256xf32, #tpu.memory_space<vmem>>, vector<256x256xf32>
    tpu.vector_store %arg8[%swap3A_29, %swap3A_30], %dot_general3A_28 {strides = array<i32>} : memref<256x256xf32, #tpu.memory_space<vmem>>, vector<256x256xf32>,
    return
  }
  func.func @transform_0(%arg0: i32) -> (i32, i32) {
    %c0_i32 = arith.constant 0 : i32
    %c0_i32_0 = arith.constant 0 : i32
    return %arg0, %c0_i32 : i32, i32
  }
  func.func @transform_1(%arg0: i32) -> (i32, i32) {
    %c0_i32 = arith.constant 0 : i32
    %c0_i32_0 = arith.constant 0 : i32
    %c0_i32_1 = arith.constant 0 : i32
    return %c0_i32, %c0_i32_0 : i32, i32
  }
  func.func @transform_2(%arg0: i32) -> (i32, i32) {
    %c0_i32 = arith.constant 0 : i32
    %c0_i32_0 = arith.constant 0 : i32
    %c0_i32_1 = arith.constant 0 : i32
    return %c0_i32, %c0_i32_0 : i32, i32
  }
  func.func @transform_3(%arg0: i32) -> (i32, i32) {
    %c0_i32 = arith.constant 0 : i32
    %c0_i32_0 = arith.constant 0 : i32
    %c0_i32_1 = arith.constant 0 : i32
    return %c0_i32, %c0_i32_0 : i32, i32
  }
  func.func @transform_4(%arg0: i32) -> (i32, i32) {
    %c0_i32 = arith.constant 0 : i32
    %c0_i32_0 = arith.constant 0 : i32
    %c0_i32_1 = arith.constant 0 : i32
    return %c0_i32, %c0_i32_0 : i32, i32
  }
  func.func @transform_5(%arg0: i32) -> (i32, i32) {
    %c0_i32 = arith.constant 0 : i32
    %c0_i32_0 = arith.constant 0 : i32
    return %arg0, %c0_i32 : i32, i32
  }
  func.func @transform_6(%arg0: i32) -> (i32, i32) {
    %c0_i32 = arith.constant 0 : i32
    %c0_i32_0 = arith.constant 0 : i32
    return %arg0, %c0_i32 : i32, i32
  }
  func.func @transform_7(%arg0: i32) -> (i32, i32) {
    %c0_i32 = arith.constant 0 : i32
    %c0_i32_0 = arith.constant 0 : i32
    return %arg0, %c0_i32 : i32, i32
  }
}

module attributes {stable_mosaic.version = 14 : i64} {
  func.func @_reduce_body(%arg0: i32, %arg1: i32, %arg2: memref<1x256x256xf32, #tpu.memory_space<vmem>>, %arg3: memref<256x256xf32, #tpu.memory_space<vmem>>, %arg4: memref<256x256xf32, #tpu.memory_space<vmem>>, %arg5: memref<1x256xf32, #tpu.memory_space<vmem>>, %arg6: memref<1x256xf32, #tpu.memory_space<vmem>>) attributes {dimension_semantics = [#tpu.dimension_semantics<arbitrary>, #tpu.dimension_semantics<arbitrary>], iteration_bounds = array<i64: 64, 20>, scalar_prefetch = 0 : i64, scratch_operands = 0 : i64, tpu.core_type = #tpu.core_type<tc>, window_params = [{transform_indices = @transform_0, window_bounds = array<i64: 1, 256, 256>}, {transform_indices = @transform_1, window_bounds = array<i64: 256, 256>}, {transform_indices = @transform_2, window_bounds = array<i64: 256, 256>}, {pipeline_mode = #tpu.pipeline_mode<synchronous>, transform_indices = @transform_3, window_bounds = array<i64: 1, 256>}, {pipeline_mode = #tpu.pipeline_mode<synchronous>, transform_indices = @transform_4, window_bounds = array<i64: 1, 256>}]} {
    %get3A = arith.constant 0 : index
    %get3A_0 = arith.constant 0 : index
    %get3A_1 = arith.constant 0 : index
    %get3A_2 = vector.load %arg2[%get3A, %get3A_0, %get3A_1] : memref<1x256x256xf32, #tpu.memory_space<vmem>>, vector<1x256x256xf32>
    %get3A_3 = vector.shape_cast %get3A_2 : vector<1x256x256xf32> to vector<256x256xf32>
    %get3A_4 = arith.constant 0 : index
    %get3A_5 = arith.constant 0 : index
    %get3A_6 = vector.load %arg3[%get3A_4, %get3A_5] : memref<256x256xf32, #tpu.memory_space<vmem>>, vector<256x256xf32>
    %add3A = arith.addf %get3A_3, %get3A_6 : vector<256x256xf32>
    %reduce_sum3A = arith.constant dense<0.000000e+00> : vector<256xf32>
    %reduce_sum3A_7 = vector.multi_reduction <add>, %add3A, %reduce_sum3A [0] : vector<256x256xf32> to vector<256xf32>
    %broadcast_in_dim3A = vector.shape_cast %reduce_sum3A_7 : vector<256xf32> to vector<1x256xf32>
    %mul3A = arith.mulf %add3A, %add3A : vector<256x256xf32>
    %reduce_sum3A_8 = arith.constant dense<0.000000e+00> : vector<256xf32>
    %reduce_sum3A_9 = vector.multi_reduction <add>, %mul3A, %reduce_sum3A_8 [0] : vector<256x256xf32> to vector<256xf32>
    %broadcast_in_dim3A_10 = vector.shape_cast %reduce_sum3A_9 : vector<256xf32> to vector<1x256xf32>
    %eq3A = arith.constant 0 : i32
    %eq3A_11 = arith.cmpi eq, %arg0, %eq3A : i32
    %eq3A_12 = arith.constant 0 : i32
    %eq3A_13 = arith.cmpi eq, %arg1, %eq3A_12 : i32
    %and3A = arith.andi %eq3A_11, %eq3A_13 : i1
    %convert_element_type3A = arith.extui %and3A : i1 to i32
    %cond3A = arith.constant 0 : i32
    %cond3A_14 = arith.cmpi ne, %convert_element_type3A, %cond3A : i32
    scf.if %cond3A_14 {
      %broadcast_in_dim3A_42 = arith.constant 0.000000e+00 : f32
      %broadcast_in_dim3A_43 = vector.broadcast %broadcast_in_dim3A_42 : f32 to vector<1x256xf32>
      %swap3A_44 = arith.constant 0 : index
      %swap3A_45 = arith.constant 0 : index
      %swap3A_46 = vector.load %arg5[%swap3A_44, %swap3A_45] : memref<1x256xf32, #tpu.memory_space<vmem>>, vector<1x256xf32>
      tpu.vector_store %arg5[%swap3A_44, %swap3A_45], %broadcast_in_dim3A_43 {strides = array<i32>} : memref<1x256xf32, #tpu.memory_space<vmem>>, vector<1x256xf32>,
      %broadcast_in_dim3A_47 = arith.constant 0.000000e+00 : f32
      %broadcast_in_dim3A_48 = vector.broadcast %broadcast_in_dim3A_47 : f32 to vector<1x256xf32>
      %swap3A_49 = arith.constant 0 : index
      %swap3A_50 = arith.constant 0 : index
      %swap3A_51 = vector.load %arg6[%swap3A_49, %swap3A_50] : memref<1x256xf32, #tpu.memory_space<vmem>>, vector<1x256xf32>
      tpu.vector_store %arg6[%swap3A_49, %swap3A_50], %broadcast_in_dim3A_48 {strides = array<i32>} : memref<1x256xf32, #tpu.memory_space<vmem>>, vector<1x256xf32>,
    } else {
    }
    %get3A_15 = arith.constant 0 : index
    %get3A_16 = arith.constant 0 : index
    %get3A_17 = vector.load %arg5[%get3A_15, %get3A_16] : memref<1x256xf32, #tpu.memory_space<vmem>>, vector<1x256xf32>
    %add3A_18 = arith.addf %get3A_17, %broadcast_in_dim3A : vector<1x256xf32>
    %swap3A = arith.constant 0 : index
    %swap3A_19 = arith.constant 0 : index
    %swap3A_20 = vector.load %arg5[%swap3A, %swap3A_19] : memref<1x256xf32, #tpu.memory_space<vmem>>, vector<1x256xf32>
    tpu.vector_store %arg5[%swap3A, %swap3A_19], %add3A_18 {strides = array<i32>} : memref<1x256xf32, #tpu.memory_space<vmem>>, vector<1x256xf32>,
    %get3A_21 = arith.constant 0 : index
    %get3A_22 = arith.constant 0 : index
    %get3A_23 = vector.load %arg6[%get3A_21, %get3A_22] : memref<1x256xf32, #tpu.memory_space<vmem>>, vector<1x256xf32>
    %add3A_24 = arith.addf %get3A_23, %broadcast_in_dim3A_10 : vector<1x256xf32>
    %swap3A_25 = arith.constant 0 : index
    %swap3A_26 = arith.constant 0 : index
    %swap3A_27 = vector.load %arg6[%swap3A_25, %swap3A_26] : memref<1x256xf32, #tpu.memory_space<vmem>>, vector<1x256xf32>
    tpu.vector_store %arg6[%swap3A_25, %swap3A_26], %add3A_24 {strides = array<i32>} : memref<1x256xf32, #tpu.memory_space<vmem>>, vector<1x256xf32>,
    %eq3A_28 = arith.constant 0 : i32
    %eq3A_29 = arith.cmpi eq, %arg1, %eq3A_28 : i32
    %convert_element_type3A_30 = arith.extui %eq3A_29 : i1 to i32
    %cond3A_31 = arith.constant 0 : i32
    %cond3A_32 = arith.cmpi ne, %convert_element_type3A_30, %cond3A_31 : i32
    scf.if %cond3A_32 {
      %swap3A_42 = arith.constant 0 : index
      %swap3A_43 = arith.constant 0 : index
      %swap3A_44 = vector.load %arg4[%swap3A_42, %swap3A_43] : memref<256x256xf32, #tpu.memory_space<vmem>>, vector<256x256xf32>
      tpu.vector_store %arg4[%swap3A_42, %swap3A_43], %get3A_3 {strides = array<i32>} : memref<256x256xf32, #tpu.memory_space<vmem>>, vector<256x256xf32>,
    } else {
    }
    %gt3A = arith.constant 0 : i32
    %gt3A_33 = arith.cmpi sgt, %arg1, %gt3A : i32
    %convert_element_type3A_34 = arith.extui %gt3A_33 : i1 to i32
    %cond3A_35 = arith.constant 0 : i32
    %cond3A_36 = arith.cmpi ne, %convert_element_type3A_34, %cond3A_35 : i32
    scf.if %cond3A_36 {
      %get3A_42 = arith.constant 0 : index
      %get3A_43 = arith.constant 0 : index
      %get3A_44 = vector.load %arg4[%get3A_42, %get3A_43] : memref<256x256xf32, #tpu.memory_space<vmem>>, vector<256x256xf32>
      %max3A = arith.maximumf %get3A_44, %get3A_3 : vector<256x256xf32>
      %swap3A_45 = arith.constant 0 : index
      %swap3A_46 = arith.constant 0 : index
      %swap3A_47 = vector.load %arg4[%swap3A_45, %swap3A_46] : memref<256x256xf32, #tpu.memory_space<vmem>>, vector<256x256xf32>
      tpu.vector_store %arg4[%swap3A_45, %swap3A_46], %max3A {strides = array<i32>} : memref<256x256xf32, #tpu.memory_space<vmem>>, vector<256x256xf32>,
    } else {
    }
    %eq3A_37 = arith.constant 19 : i32
    %eq3A_38 = arith.cmpi eq, %arg1, %eq3A_37 : i32
    %convert_element_type3A_39 = arith.extui %eq3A_38 : i1 to i32
    %cond3A_40 = arith.constant 0 : i32
    %cond3A_41 = arith.cmpi ne, %convert_element_type3A_39, %cond3A_40 : i32
    scf.if %cond3A_41 {
      %get3A_42 = arith.constant 0 : index
      %get3A_43 = arith.constant 0 : index
      %get3A_44 = vector.load %arg4[%get3A_42, %get3A_43] : memref<256x256xf32, #tpu.memory_space<vmem>>, vector<256x256xf32>
      %add3A_45 = arith.addf %get3A_44, %get3A_6 : vector<256x256xf32>
      %swap3A_46 = arith.constant 0 : index
      %swap3A_47 = arith.constant 0 : index
      %swap3A_48 = vector.load %arg4[%swap3A_46, %swap3A_47] : memref<256x256xf32, #tpu.memory_space<vmem>>, vector<256x256xf32>
      tpu.vector_store %arg4[%swap3A_46, %swap3A_47], %add3A_45 {strides = array<i32>} : memref<256x256xf32, #tpu.memory_space<vmem>>, vector<256x256xf32>,
    } else {
    }
    return
  }
  func.func @transform_0(%arg0: i32, %arg1: i32) -> (i32, i32, i32) {
    %c0_i32 = arith.constant 0 : i32
    %c0_i32_0 = arith.constant 0 : i32
    return %arg1, %arg0, %c0_i32 : i32, i32, i32
  }
  func.func @transform_1(%arg0: i32, %arg1: i32) -> (i32, i32) {
    %c0_i32 = arith.constant 0 : i32
    %c0_i32_0 = arith.constant 0 : i32
    return %arg0, %c0_i32 : i32, i32
  }
  func.func @transform_2(%arg0: i32, %arg1: i32) -> (i32, i32) {
    %c0_i32 = arith.constant 0 : i32
    %c0_i32_0 = arith.constant 0 : i32
    return %arg0, %c0_i32 : i32, i32
  }
  func.func @transform_3(%arg0: i32, %arg1: i32) -> (i32, i32) {
    %c0_i32 = arith.constant 0 : i32
    %c0_i32_0 = arith.constant 0 : i32
    %c0_i32_1 = arith.constant 0 : i32
    return %c0_i32, %c0_i32_0 : i32, i32
  }
  func.func @transform_4(%arg0: i32, %arg1: i32) -> (i32, i32) {
    %c0_i32 = arith.constant 0 : i32
    %c0_i32_0 = arith.constant 0 : i32
    %c0_i32_1 = arith.constant 0 : i32
    return %c0_i32, %c0_i32_0 : i32, i32
  }
}

module attributes {stable_mosaic.version = 14 : i64} {
  func.func @_apply_only_body(%arg0: i32, %arg1: memref<256x256xf32, #tpu.memory_space<vmem>>, %arg2: memref<1x256xf32, #tpu.memory_space<vmem>>, %arg3: memref<1x256xf32, #tpu.memory_space<vmem>>, %arg4: memref<256x256xf32, #tpu.memory_space<vmem>>) attributes {dimension_semantics = [#tpu.dimension_semantics<arbitrary>], iteration_bounds = array<i64: 64>, scalar_prefetch = 0 : i64, scratch_operands = 0 : i64, tpu.core_type = #tpu.core_type<tc>, window_params = [{transform_indices = @transform_0, window_bounds = array<i64: 256, 256>}, {pipeline_mode = #tpu.pipeline_mode<synchronous>, transform_indices = @transform_1, window_bounds = array<i64: 1, 256>}, {pipeline_mode = #tpu.pipeline_mode<synchronous>, transform_indices = @transform_2, window_bounds = array<i64: 1, 256>}, {transform_indices = @transform_3, window_bounds = array<i64: 256, 256>}]} {
    %get3A = arith.constant 0 : index
    %get3A_0 = arith.constant 0 : index
    %get3A_1 = vector.load %arg1[%get3A, %get3A_0] : memref<256x256xf32, #tpu.memory_space<vmem>>, vector<256x256xf32>
    %get3A_2 = arith.constant 0 : index
    %get3A_3 = arith.constant 0 : index
    %get3A_4 = vector.load %arg2[%get3A_2, %get3A_3] : memref<1x256xf32, #tpu.memory_space<vmem>>, vector<1x256xf32>
    %mul3A = vector.broadcast %get3A_4 : vector<1x256xf32> to vector<256x256xf32>
    %mul3A_5 = arith.mulf %get3A_1, %mul3A : vector<256x256xf32>
    %get3A_6 = arith.constant 0 : index
    %get3A_7 = arith.constant 0 : index
    %get3A_8 = vector.load %arg3[%get3A_6, %get3A_7] : memref<1x256xf32, #tpu.memory_space<vmem>>, vector<1x256xf32>
    %add3A = vector.broadcast %get3A_8 : vector<1x256xf32> to vector<256x256xf32>
    %add3A_9 = arith.addf %mul3A_5, %add3A : vector<256x256xf32>
    %gt3A = arith.constant 0.000000e+00 : f32
    %gt3A_10 = vector.broadcast %gt3A : f32 to vector<256x256xf32>
    %gt3A_11 = arith.cmpf ogt, %add3A_9, %gt3A_10 : vector<256x256xf32>
    %mul3A_12 = arith.constant 2.000000e-01 : f32
    %mul3A_13 = vector.broadcast %mul3A_12 : f32 to vector<256x256xf32>
    %mul3A_14 = arith.mulf %mul3A_13, %add3A_9 : vector<256x256xf32>
    %select_n3A = arith.select %gt3A_11, %add3A_9, %mul3A_14 : vector<256x256xi1>, vector<256x256xf32>
    %swap3A = arith.constant 0 : index
    %swap3A_15 = arith.constant 0 : index
    %swap3A_16 = vector.load %arg4[%swap3A, %swap3A_15] : memref<256x256xf32, #tpu.memory_space<vmem>>, vector<256x256xf32>
    tpu.vector_store %arg4[%swap3A, %swap3A_15], %select_n3A {strides = array<i32>} : memref<256x256xf32, #tpu.memory_space<vmem>>, vector<256x256xf32>,
    return
  }
  func.func @transform_0(%arg0: i32) -> (i32, i32) {
    %c0_i32 = arith.constant 0 : i32
    %c0_i32_0 = arith.constant 0 : i32
    return %arg0, %c0_i32 : i32, i32
  }
  func.func @transform_1(%arg0: i32) -> (i32, i32) {
    %c0_i32 = arith.constant 0 : i32
    %c0_i32_0 = arith.constant 0 : i32
    %c0_i32_1 = arith.constant 0 : i32
    return %c0_i32, %c0_i32_0 : i32, i32
  }
  func.func @transform_2(%arg0: i32) -> (i32, i32) {
    %c0_i32 = arith.constant 0 : i32
    %c0_i32_0 = arith.constant 0 : i32
    %c0_i32_1 = arith.constant 0 : i32
    return %c0_i32, %c0_i32_0 : i32, i32
  }
  func.func @transform_3(%arg0: i32) -> (i32, i32) {
    %c0_i32 = arith.constant 0 : i32
    %c0_i32_0 = arith.constant 0 : i32
    return %arg0, %c0_i32 : i32, i32
  }
}

module attributes {stable_mosaic.version = 14 : i64} {
  func.func @_final_mm_body(%arg0: i32, %arg1: memref<256x64xf32, #tpu.memory_space<vmem>>, %arg2: memref<256x64xf32, #tpu.memory_space<vmem>>, %arg3: memref<256x128xf32, #tpu.memory_space<vmem>>, %arg4: memref<256x256xf32, #tpu.memory_space<vmem>>, %arg5: memref<512x1024xf32, #tpu.memory_space<vmem>>, %arg6: memref<256x1024xf32, #tpu.memory_space<vmem>>, %arg7: memref<1x1024xf32, #tpu.memory_space<vmem>>, %arg8: memref<1x1024xf32, #tpu.memory_space<vmem>>) attributes {dimension_semantics = [#tpu.dimension_semantics<arbitrary>], iteration_bounds = array<i64: 64>, scalar_prefetch = 0 : i64, scratch_operands = 0 : i64, tpu.core_type = #tpu.core_type<tc>, window_params = [{transform_indices = @transform_0, window_bounds = array<i64: 256, 64>}, {transform_indices = @transform_1, window_bounds = array<i64: 256, 64>}, {transform_indices = @transform_2, window_bounds = array<i64: 256, 128>}, {transform_indices = @transform_3, window_bounds = array<i64: 256, 256>}, {pipeline_mode = #tpu.pipeline_mode<synchronous>, transform_indices = @transform_4, window_bounds = array<i64: 512, 1024>}, {transform_indices = @transform_5, window_bounds = array<i64: 256, 1024>}, {pipeline_mode = #tpu.pipeline_mode<synchronous>, transform_indices = @transform_6, window_bounds = array<i64: 1, 1024>}, {pipeline_mode = #tpu.pipeline_mode<synchronous>, transform_indices = @transform_7, window_bounds = array<i64: 1, 1024>}]} {
    %get3A = arith.constant 0 : index
    %get3A_0 = arith.constant 0 : index
    %get3A_1 = vector.load %arg1[%get3A, %get3A_0] : memref<256x64xf32, #tpu.memory_space<vmem>>, vector<256x64xf32>
    %get3A_2 = arith.constant 0 : index
    %get3A_3 = arith.constant 0 : index
    %get3A_4 = vector.load %arg2[%get3A_2, %get3A_3] : memref<256x64xf32, #tpu.memory_space<vmem>>, vector<256x64xf32>
    %get3A_5 = arith.constant 0 : index
    %get3A_6 = arith.constant 0 : index
    %get3A_7 = vector.load %arg3[%get3A_5, %get3A_6] : memref<256x128xf32, #tpu.memory_space<vmem>>, vector<256x128xf32>
    %get3A_8 = arith.constant 0 : index
    %get3A_9 = arith.constant 0 : index
    %get3A_10 = vector.load %arg4[%get3A_8, %get3A_9] : memref<256x256xf32, #tpu.memory_space<vmem>>, vector<256x256xf32>
    %concatenate3A = tpu.concatenate %get3A_1, %get3A_4, %get3A_7, %get3A_10 in 1 : vector<256x64xf32>, vector<256x64xf32>, vector<256x128xf32>, vector<256x256xf32> -> vector<256x512xf32>
    %get3A_11 = arith.constant 0 : index
    %get3A_12 = arith.constant 0 : index
    %get3A_13 = vector.load %arg5[%get3A_11, %get3A_12] : memref<512x1024xf32, #tpu.memory_space<vmem>>, vector<512x1024xf32>
    %dot_general3A = arith.constant dense<0.000000e+00> : vector<256x1024xf32>
    %dot_general3A_14 = tpu.matmul %concatenate3A, %get3A_13, %dot_general3A {dimension_numbers = #tpu.dot_dimension_numbers<[1], [0], [0], [1], [0, 0, 1, 1], [], []>, transpose_lhs_hint = false} : vector<256x512xf32>, vector<512x1024xf32>, vector<256x1024xf32> -> vector<256x1024xf32>
    %swap3A = arith.constant 0 : index
    %swap3A_15 = arith.constant 0 : index
    %swap3A_16 = vector.load %arg6[%swap3A, %swap3A_15] : memref<256x1024xf32, #tpu.memory_space<vmem>>, vector<256x1024xf32>
    tpu.vector_store %arg6[%swap3A, %swap3A_15], %dot_general3A_14 {strides = array<i32>} : memref<256x1024xf32, #tpu.memory_space<vmem>>, vector<256x1024xf32>,
    %eq3A = arith.constant 0 : i32
    %eq3A_17 = arith.cmpi eq, %arg0, %eq3A : i32
    %convert_element_type3A = arith.extui %eq3A_17 : i1 to i32
    %cond3A = arith.constant 0 : i32
    %cond3A_18 = arith.cmpi ne, %convert_element_type3A, %cond3A : i32
    scf.if %cond3A_18 {
      %broadcast_in_dim3A_36 = arith.constant 0.000000e+00 : f32
      %broadcast_in_dim3A_37 = vector.broadcast %broadcast_in_dim3A_36 : f32 to vector<1x1024xf32>
      %swap3A_38 = arith.constant 0 : index
      %swap3A_39 = arith.constant 0 : index
      %swap3A_40 = vector.load %arg7[%swap3A_38, %swap3A_39] : memref<1x1024xf32, #tpu.memory_space<vmem>>, vector<1x1024xf32>
      tpu.vector_store %arg7[%swap3A_38, %swap3A_39], %broadcast_in_dim3A_37 {strides = array<i32>} : memref<1x1024xf32, #tpu.memory_space<vmem>>, vector<1x1024xf32>,
      %broadcast_in_dim3A_41 = arith.constant 0.000000e+00 : f32
      %broadcast_in_dim3A_42 = vector.broadcast %broadcast_in_dim3A_41 : f32 to vector<1x1024xf32>
      %swap3A_43 = arith.constant 0 : index
      %swap3A_44 = arith.constant 0 : index
      %swap3A_45 = vector.load %arg8[%swap3A_43, %swap3A_44] : memref<1x1024xf32, #tpu.memory_space<vmem>>, vector<1x1024xf32>
      tpu.vector_store %arg8[%swap3A_43, %swap3A_44], %broadcast_in_dim3A_42 {strides = array<i32>} : memref<1x1024xf32, #tpu.memory_space<vmem>>, vector<1x1024xf32>,
    } else {
    }
    %get3A_19 = arith.constant 0 : index
    %get3A_20 = arith.constant 0 : index
    %get3A_21 = vector.load %arg7[%get3A_19, %get3A_20] : memref<1x1024xf32, #tpu.memory_space<vmem>>, vector<1x1024xf32>
    %reduce_sum3A = arith.constant dense<0.000000e+00> : vector<1024xf32>
    %reduce_sum3A_22 = vector.multi_reduction <add>, %dot_general3A_14, %reduce_sum3A [0] : vector<256x1024xf32> to vector<1024xf32>
    %broadcast_in_dim3A = vector.shape_cast %reduce_sum3A_22 : vector<1024xf32> to vector<1x1024xf32>
    %add3A = arith.addf %get3A_21, %broadcast_in_dim3A : vector<1x1024xf32>
    %swap3A_23 = arith.constant 0 : index
    %swap3A_24 = arith.constant 0 : index
    %swap3A_25 = vector.load %arg7[%swap3A_23, %swap3A_24] : memref<1x1024xf32, #tpu.memory_space<vmem>>, vector<1x1024xf32>
    tpu.vector_store %arg7[%swap3A_23, %swap3A_24], %add3A {strides = array<i32>} : memref<1x1024xf32, #tpu.memory_space<vmem>>, vector<1x1024xf32>,
    %get3A_26 = arith.constant 0 : index
    %get3A_27 = arith.constant 0 : index
    %get3A_28 = vector.load %arg8[%get3A_26, %get3A_27] : memref<1x1024xf32, #tpu.memory_space<vmem>>, vector<1x1024xf32>
    %mul3A = arith.mulf %dot_general3A_14, %dot_general3A_14 : vector<256x1024xf32>
    %reduce_sum3A_29 = arith.constant dense<0.000000e+00> : vector<1024xf32>
    %reduce_sum3A_30 = vector.multi_reduction <add>, %mul3A, %reduce_sum3A_29 [0] : vector<256x1024xf32> to vector<1024xf32>
    %broadcast_in_dim3A_31 = vector.shape_cast %reduce_sum3A_30 : vector<1024xf32> to vector<1x1024xf32>
    %add3A_32 = arith.addf %get3A_28, %broadcast_in_dim3A_31 : vector<1x1024xf32>
    %swap3A_33 = arith.constant 0 : index
    %swap3A_34 = arith.constant 0 : index
    %swap3A_35 = vector.load %arg8[%swap3A_33, %swap3A_34] : memref<1x1024xf32, #tpu.memory_space<vmem>>, vector<1x1024xf32>
    tpu.vector_store %arg8[%swap3A_33, %swap3A_34], %add3A_32 {strides = array<i32>} : memref<1x1024xf32, #tpu.memory_space<vmem>>, vector<1x1024xf32>,
    return
  }
  func.func @transform_0(%arg0: i32) -> (i32, i32) {
    %c0_i32 = arith.constant 0 : i32
    %c0_i32_0 = arith.constant 0 : i32
    return %arg0, %c0_i32 : i32, i32
  }
  func.func @transform_1(%arg0: i32) -> (i32, i32) {
    %c0_i32 = arith.constant 0 : i32
    %c0_i32_0 = arith.constant 0 : i32
    return %arg0, %c0_i32 : i32, i32
  }
  func.func @transform_2(%arg0: i32) -> (i32, i32) {
    %c0_i32 = arith.constant 0 : i32
    %c0_i32_0 = arith.constant 0 : i32
    return %arg0, %c0_i32 : i32, i32
  }
  func.func @transform_3(%arg0: i32) -> (i32, i32) {
    %c0_i32 = arith.constant 0 : i32
    %c0_i32_0 = arith.constant 0 : i32
    return %arg0, %c0_i32 : i32, i32
  }
  func.func @transform_4(%arg0: i32) -> (i32, i32) {
    %c0_i32 = arith.constant 0 : i32
    %c0_i32_0 = arith.constant 0 : i32
    %c0_i32_1 = arith.constant 0 : i32
    return %c0_i32, %c0_i32_0 : i32, i32
  }
  func.func @transform_5(%arg0: i32) -> (i32, i32) {
    %c0_i32 = arith.constant 0 : i32
    %c0_i32_0 = arith.constant 0 : i32
    return %arg0, %c0_i32 : i32, i32
  }
  func.func @transform_6(%arg0: i32) -> (i32, i32) {
    %c0_i32 = arith.constant 0 : i32
    %c0_i32_0 = arith.constant 0 : i32
    %c0_i32_1 = arith.constant 0 : i32
    return %c0_i32, %c0_i32_0 : i32, i32
  }
  func.func @transform_7(%arg0: i32) -> (i32, i32) {
    %c0_i32 = arith.constant 0 : i32
    %c0_i32_0 = arith.constant 0 : i32
    %c0_i32_1 = arith.constant 0 : i32
    return %c0_i32, %c0_i32_0 : i32, i32
  }
}

module attributes {stable_mosaic.version = 14 : i64} {
  func.func @_apply_only_body(%arg0: i32, %arg1: memref<256x1024xf32, #tpu.memory_space<vmem>>, %arg2: memref<1x1024xf32, #tpu.memory_space<vmem>>, %arg3: memref<1x1024xf32, #tpu.memory_space<vmem>>, %arg4: memref<256x1024xf32, #tpu.memory_space<vmem>>) attributes {dimension_semantics = [#tpu.dimension_semantics<arbitrary>], iteration_bounds = array<i64: 64>, scalar_prefetch = 0 : i64, scratch_operands = 0 : i64, tpu.core_type = #tpu.core_type<tc>, window_params = [{transform_indices = @transform_0, window_bounds = array<i64: 256, 1024>}, {pipeline_mode = #tpu.pipeline_mode<synchronous>, transform_indices = @transform_1, window_bounds = array<i64: 1, 1024>}, {pipeline_mode = #tpu.pipeline_mode<synchronous>, transform_indices = @transform_2, window_bounds = array<i64: 1, 1024>}, {transform_indices = @transform_3, window_bounds = array<i64: 256, 1024>}]} {
    %get3A = arith.constant 0 : index
    %get3A_0 = arith.constant 0 : index
    %get3A_1 = vector.load %arg1[%get3A, %get3A_0] : memref<256x1024xf32, #tpu.memory_space<vmem>>, vector<256x1024xf32>
    %get3A_2 = arith.constant 0 : index
    %get3A_3 = arith.constant 0 : index
    %get3A_4 = vector.load %arg2[%get3A_2, %get3A_3] : memref<1x1024xf32, #tpu.memory_space<vmem>>, vector<1x1024xf32>
    %mul3A = vector.broadcast %get3A_4 : vector<1x1024xf32> to vector<256x1024xf32>
    %mul3A_5 = arith.mulf %get3A_1, %mul3A : vector<256x1024xf32>
    %get3A_6 = arith.constant 0 : index
    %get3A_7 = arith.constant 0 : index
    %get3A_8 = vector.load %arg3[%get3A_6, %get3A_7] : memref<1x1024xf32, #tpu.memory_space<vmem>>, vector<1x1024xf32>
    %add3A = vector.broadcast %get3A_8 : vector<1x1024xf32> to vector<256x1024xf32>
    %add3A_9 = arith.addf %mul3A_5, %add3A : vector<256x1024xf32>
    %gt3A = arith.constant 0.000000e+00 : f32
    %gt3A_10 = vector.broadcast %gt3A : f32 to vector<256x1024xf32>
    %gt3A_11 = arith.cmpf ogt, %add3A_9, %gt3A_10 : vector<256x1024xf32>
    %mul3A_12 = arith.constant 2.000000e-01 : f32
    %mul3A_13 = vector.broadcast %mul3A_12 : f32 to vector<256x1024xf32>
    %mul3A_14 = arith.mulf %mul3A_13, %add3A_9 : vector<256x1024xf32>
    %select_n3A = arith.select %gt3A_11, %add3A_9, %mul3A_14 : vector<256x1024xi1>, vector<256x1024xf32>
    %swap3A = arith.constant 0 : index
    %swap3A_15 = arith.constant 0 : index
    %swap3A_16 = vector.load %arg4[%swap3A, %swap3A_15] : memref<256x1024xf32, #tpu.memory_space<vmem>>, vector<256x1024xf32>
    tpu.vector_store %arg4[%swap3A, %swap3A_15], %select_n3A {strides = array<i32>} : memref<256x1024xf32, #tpu.memory_space<vmem>>, vector<256x1024xf32>,
    return
  }
  func.func @transform_0(%arg0: i32) -> (i32, i32) {
    %c0_i32 = arith.constant 0 : i32
    %c0_i32_0 = arith.constant 0 : i32
    return %arg0, %c0_i32 : i32, i32
  }
  func.func @transform_1(%arg0: i32) -> (i32, i32) {
    %c0_i32 = arith.constant 0 : i32
    %c0_i32_0 = arith.constant 0 : i32
    %c0_i32_1 = arith.constant 0 : i32
    return %c0_i32, %c0_i32_0 : i32, i32
  }
  func.func @transform_2(%arg0: i32) -> (i32, i32) {
    %c0_i32 = arith.constant 0 : i32
    %c0_i32_0 = arith.constant 0 : i32
    %c0_i32_1 = arith.constant 0 : i32
    return %c0_i32, %c0_i32_0 : i32, i32
  }
  func.func @transform_3(%arg0: i32) -> (i32, i32) {
    %c0_i32 = arith.constant 0 : i32
    %c0_i32_0 = arith.constant 0 : i32
    return %arg0, %c0_i32 : i32, i32
  }
}

</mosaic_0001>

<sc_bundles>
// kernel: kernel.21.cloned.1.call-start
scs
__scs_entry_jumppad:
0x0: {  	(pc) =	sbr.rel $0x88, $3  }
0x1: {  	(tag) =	ssettag $0x0;
	lr =	simm.s32 $0x1  }
0x2: {  	[smem:$0x3F91] =	sst lr;
	_ =	strace $0xD0000000  }
0x3: {  	_ = 	snop  }
0x4: {  	_ = 	snop  }
0x5: {  	_ = 	snop  }
0x6: {  	_ = 	snop  }
0x7: {  	_ = 	snop  }
__scs_overlays_trampoline_lowered:
0x8: {  	[smem:$0x3FA0] =	sst s0  }
0x9: {  	[smem:$0x3FA1] =	sst s1  }
0xa: {  	[smem:$0x3FA2] =	sst s2  }
0xb: {  	[smem:$0x3FA3] =	sst s3  }
0xc: {  	[smem:$0x3FA4] =	sst s4  }
0xd: {  	[smem:$0x3FA5] =	sst s5  }
0xe: {  	[smem:$0x3FA6] =	sst s6  }
0xf: {  	[smem:$0x3FA7] =	sst s7  }
0x10: {  	[smem:$0x3FA8] =	sst s8  }
0x11: {  	[smem:$0x3FA9] =	sst s9;
	s0 =	simm.s32 @!p0 $0x0  }
0x12: {  	s1 =	sld [smem:$0x3F8F];
	s0 =	simm.s32 @p0 $0x1  }
0x13: {  	[smem:$0x3FAA] =	sst s0;
	s0 =	simm.s32 @!p1 $0x0  }
0x14: {  	s2 =	sld [smem:$0x3F8E];
	s0 =	simm.s32 @p1 $0x1  }
0x15: {  	[smem:$0x3FAB] =	sst s0;
	s0 =	simm.s32 @!p2 $0x0  }
0x16: {  	s3 =	sld [smem:$0x3FDB];
	s0 =	simm.s32 @p2 $0x1  }
0x17: {  	s4 =	simm.s32 $0x1BF5;
	[smem:$0x3FAD] =	sst s0  }
0x18: {  	s0 =	sld [smem:$0x3F90];
	_ =	swait.ge [sflag:s4], $0x0  }
0x19: {  	s7 =	sld [smem:$0x3F91]  }
0x1a: {  	s8 =	sadd.s32 $0xFFFFE003, lr  }
0x1b: {  	s9 =	sadd.s32 $0xFFFFFEF7, lr;
	s5 =	simm.s32 $0xFFFFFFFF;
	p2 =	slt.u32 s8, $0xFFFFF086  }
0x1c: {  	p1 =	slt.u32 s9, $0xF7A;
	s5 =	simm.s32 @!p2 $0x0  }
0x1d: {  	s5 =	simm.s32 @p1 $0x1;
	p0 =	seq.s32 s7, s2  }
0x1e: {  	s7 =	smul.u32 @!p0 $0xF7A, s2;
	p2 =	seq.s32 @!p0 s5, $0x0  }
0x1f: {  	s9 =	smul.u32 $0xF7A, s1;
	s8 =	simm.s32 @!p0 $0x1BF5;
	p2 =	por !p2, p0  }
0x20: {  	[sflag:s8] =	ssyncset.s32 @!p0 $0xFFFFF086;
	s6 =	sadd.s32 @!p0 s3, s7;
	s7 =	simm.s32 @!p0 $0x108  }
0x21: {  	s3 =	sadd.s32 s3, s9;
	s6 =	sadd.s32 @!p0 $0x88, s6;
	s7 =	simm.s32 @p2 $0x1082  }
0x22: {  	[simem:s7], [sflag:s8] =	dma.local @!p0 [hbm:s6], $0xF7A  }
0x23: {  	s9 =	sor.u32 $0xD0000000, s2;
	s6 =	simm.s32 $0x108;
	_ =	swait.ge @!p0 [sflag:s8], $0x0  }
0x24: {  	s3 =	sadd.s32 $0x88, s3;
	s6 =	simm.s32 @!p1 $0x1082;
	[sflag:s4] =	ssyncset.s32 $0xFFFFF086  }
0x25: {  	[simem:s6], [sflag:s4] =	dma.local [hbm:s3], $0xF7A  }
0x26: {  	[smem:$0x3F91] =	sst s1;
	(tag) =	ssettag s2;
	_ =	strace s9  }
0x27: {  	s1 =	sld [smem:$0x3FA1]  }
0x28: {  	s2 =	sld [smem:$0x3FA2]  }
0x29: {  	s4 =	sld [smem:$0x3FA4]  }
0x2a: {  	p0 =	seq.s32 s5, $0x0;
	s5 =	sld [smem:$0x3FA5]  }
0x2b: {  	s6 =	sld [smem:$0x3FA6]  }
0x2c: {  	s7 =	sld [smem:$0x3FA7]  }
0x2d: {  	s3 =	simm.s32 $0x108;
	s8 =	sld [smem:$0x3FA8]  }
0x2e: {  	s3 =	simm.s32 @!p0 $0x1082;
	s9 =	sld [smem:$0x3FA9]  }
0x2f: {  	lr =	sadd.s32 s0, s3;
	s0 =	sld [smem:$0x3FA0]  }
0x30: {  	s3 =	sld [smem:$0x3FA3]  }
0x31: {  	[smem:$0x3FAC] =	sst s10  }
0x32: {  	s10 =	sld [smem:$0x3FAA];
	_ =	sdelay $0x3  }
0x33: {  	p0 =	seq.s32 s10, $0x1;
	s10 =	sld [smem:$0x3FAC];
	_ =	sdelay $0x3  }
0x34: {  	[smem:$0x3FAC] =	sst s10  }
0x35: {  	s10 =	sld [smem:$0x3FAB];
	_ =	sdelay $0x3  }
0x36: {  	p1 =	seq.s32 s10, $0x1;
	s10 =	sld [smem:$0x3FAC];
	_ =	sdelay $0x3  }
0x37: {  	[smem:$0x3FAC] =	sst s10  }
0x38: {  	s10 =	sld [smem:$0x3FAD]  }
0x39: {  	_ = 	snop;
	(pc) =	sbr.ind lr, $3  }
0x3a: {  	_ = 	snop  }
0x3b: {  	_ = 	snop  }
0x3c: {  	p2 =	seq.s32 s10, $0x1;
	s10 =	sld [smem:$0x3FAC]  }
0x3d: {  	_ =	shalt  }
0x3e: {  	_ =	shalt  }
0x3f: {  	_ =	shalt  }
0x40: {  	_ =	shalt  }
0x41: {  	_ =	shalt  }
0x42: {  	_ =	shalt  }
0x43: {  	_ =	shalt  }
0x44: {  	_ =	shalt  }
0x45: {  	_ =	shalt  }
0x46: {  	_ =	shalt  }
0x47: {  	_ =	shalt  }
0x48: {  	_ =	shalt  }
0x49: {  	_ =	shalt  }
0x4a: {  	_ =	shalt  }
0x4b: {  	_ =	shalt  }
0x4c: {  	_ =	shalt  }
0x4d: {  	_ =	shalt  }
0x4e: {  	_ =	shalt  }
0x4f: {  	_ =	shalt  }
0x50: {  	_ =	shalt  }
0x51: {  	_ =	shalt  }
0x52: {  	_ =	shalt  }
0x53: {  	_ =	shalt  }
0x54: {  	_ =	shalt  }
0x55: {  	_ =	shalt  }
0x56: {  	_ =	shalt  }
0x57: {  	_ =	shalt  }
0x58: {  	_ =	shalt  }
0x59: {  	_ =	shalt  }
0x5a: {  	_ =	shalt  }
0x5b: {  	_ =	shalt  }
0x5c: {  	_ =	shalt  }
0x5d: {  	_ =	shalt  }
0x5e: {  	_ =	shalt  }
0x5f: {  	_ =	shalt  }
0x60: {  	_ =	shalt  }
0x61: {  	_ =	shalt  }
0x62: {  	_ =	shalt  }
0x63: {  	_ =	shalt  }
0x64: {  	_ =	shalt  }
0x65: {  	_ =	shalt  }
0x66: {  	_ =	shalt  }
0x67: {  	_ =	shalt  }
0x68: {  	_ =	shalt  }
0x69: {  	_ =	shalt  }
0x6a: {  	_ =	shalt  }
0x6b: {  	_ =	shalt  }
0x6c: {  	_ =	shalt  }
0x6d: {  	_ =	shalt  }
0x6e: {  	_ =	shalt  }
0x6f: {  	_ =	shalt  }
0x70: {  	_ =	shalt  }
0x71: {  	_ =	shalt  }
0x72: {  	_ =	shalt  }
0x73: {  	_ =	shalt  }
0x74: {  	_ =	shalt  }
0x75: {  	_ =	shalt  }
0x76: {  	_ =	shalt  }
0x77: {  	_ =	shalt  }
0x78: {  	_ =	shalt  }
0x79: {  	_ =	shalt  }
0x7a: {  	_ =	shalt  }
0x7b: {  	_ =	shalt  }
0x7c: {  	_ =	shalt  }
0x7d: {  	_ =	shalt  }
0x7e: {  	_ =	shalt  }
0x7f: {  	_ =	shalt  }
0x80: {  	_ =	shalt  }
0x81: {  	_ =	shalt  }
0x82: {  	_ =	shalt  }
0x83: {  	_ =	shalt  }
0x84: {  	_ =	shalt  }
0x85: {  	_ =	shalt  }
0x86: {  	_ =	shalt  }
0x87: {  	_ =	shalt  }
.Lfunc_end0:
.L_simem_size_0:
called_computation.1_lowered:
.L_overlay_start_0:
0x88: {  	s2 =	sld [smem:$0x3FD9]  }
0x89: {  	s3 =	sld [smem:$0x3FFE];
	_ =	sdelay $0x1  }
0x8a: {  	s1 =	srdreg.scid  }
0x8b: {  	s0 =	sand.u32 $0x1, s1  }
0x8c: {  	s17 =	sshll.u32 s0, $0xA;
	s2 =	sadd.s32 s3, s2  }
0x8d: {  	s2 =	sadd.s32 s2, s17  }
0x8e: {  	[smem:$0x3FB8] =	sst s2  }
0x8f: {  	_ = 	snop  }
0x90: {  	s2 =	sld [smem:$0x3FD0];
	(tm) =	ssettm $0x1  }
0x91: {  	s18 =	sld [smem:$0x3FFB];
	_ =	sdelay $0x3  }
0x92: {  	_ =	strace s18  }
0x93: {  	s3 =	sld [smem:$0x3FFC];
	_ =	sdelay $0x3  }
0x94: {  	_ =	strace s3  }
0x95: {  	s3 =	sld [smem:$0x3FFD];
	_ =	sdelay $0x3  }
0x96: {  	_ =	strace s3  }
0x97: {  	_ =	strace $0x8FFFFFFF  }
0x98: {  	s19 =	sld [smem:$0x3FDB];
	_ =	sdelay $0x1  }
0x99: {  	s4 =	simm.s32 $_scs_section_size  }
0x9a: {  	s5 =	simm.s32 $_size__tile_overlayer_lowered;
	s6 =	simm.s32 $_tile_overlayer_lowered  }
0x9b: {  	s22 =	simm.s32 $0x1BFF;
	s21 =	sshll.u32 s6, $0x1;
	s3 =	sadd.s32 s4, s19  }
0x9c: {  	s7 =	simm.s32 $0x0;
	s20 =	sshll.u32 s5, $0x1;
	s5 =	sadd.s32 s21, s3  }
0x9d: {  	[timem:s7], [sflag:s22] =	dma.local [hbm:s5], s20  }
0x9e: {  	_ =	swait.ge [sflag:s22], s20  }
0x9f: {  	s4 =	ssub.s32 $0x0, s20;
	[sflag:s22] =	ssyncset.done $0x0  }
0xa0: {  	[sflag:s22] =	ssyncadd.s32 s4;
	_ =	sdelay $0x1  }
0xa1: {  	s23 =	simm.s32 $0x1B8B  }
0xa2: {  	_ =	swait.ge [sflag:s23], $0x1  }
0xa3: {  	[sflag:s23] =	ssyncset.done $0x0  }
0xa4: {  	s25 =	simm.s32 $0x1B8E;
	s24 =	sld [smem:$0x3FFE];
	[sflag:s23] =	ssyncadd.s32 $0xFFFFFFFF  }
0xa5: {  	s26 =	simm.s32 $execute0_lowered;
	[smem:$0x3FD2] =	sst s25  }
0xa6: {  	s5 =	sshll.u32 s26, $0x1;
	_ =	strace $0x80000046;
	[dreg:$0x1] =	wrdreg $0xFFFFFFFF  }
0xa7: {  	s28 =	simm.s32 $_size_execute0_lowered;
	s3 =	sadd.s32 s3, s5;
	[dreg:$0x0] =	wrdreg $0x0  }
0xa8: {  	s5 =	sshll.u32 s28, $0x1;
	[dreg:$0x2] =	wrdreg s3  }
0xa9: {  	[dreg:$0x3] =	wrdreg s5  }
0xaa: {  	[dreg:$0x4] =	wrdreg $0xC0  }
0xab: {  	_ =	task [dreg:s7], $0x5FFFF  }
0xac: {  	[dreg:$0x1] =	wrdreg $0xFFFFFFFF  }
0xad: {  	[dreg:$0x0] =	wrdreg $0x60  }
0xae: {  	[dreg:$0x2] =	wrdreg s2  }
0xaf: {  	[dreg:$0x3] =	wrdreg s24  }
0xb0: {  	[dreg:$0x4] =	wrdreg $0x9  }
0xb1: {  	_ =	task.clear_ibuf [dreg:s7], $0x5FFFF;
	_ =	strace $0x90000046  }
0xb2: {  	s29 =	simm.s32 $0x9;
	_ =	strace $0x80000048  }
0xb3: {  	_ =	swait.ge [sflag:s29], $0x1  }
0xb4: {  	[sflag:s29] =	ssyncadd.s32 $0xFFFFFFFF  }
0xb5: {  	_ =	strace $0x90000048  }
0xb6: {  	_ =	sfence  }
0xb7: {  	s30 =	sld [smem:$0x0];
	_ =	sdelay $0x2  }
0xb8: {  	s31 =	sshll.u32 s1, $0xD;
	s1 =	sshrl.u32 s1, $0x2  }
0xb9: {  	s3 =	sand.u32 $0x4000, s31;
	s1 =	sadd.s32 s1, s30  }
0xba: {  	s0 =	sor.u32 s3, s0;
	s1 =	sshll.u32 s1, $0x11  }
0xbb: {  	s0 =	sor.u32 s1, s0  }
0xbc: {  	s0 =	sadd.s32 $0x8F2B, s0  }
0xbd: {  	[sflag:s0] =	ssyncadd.remote.s32 $0x1  }
0xbe: {  	_ =	sfence.sel $0xFFFF  }
0xbf: {  	[dreg:$0x0] =	wrdreg $0xFFFFFFFF;
	(pc) =	sbr.abs _section_cstart, $3  }
0xc0: {  	[dreg:$0x1] =	wrdreg $0xFFFFFFFF  }
0xc1: {  	_ =	task.clear_ibuf [dreg:s7], $0x2FFFF;
	_ =	strace $0x9FFFFFFF  }
0xc2: {  	(tm) =	ssettm $0x7FFFFFFF  }
0xc3: {  	_ =	shalt  }
tec
execute0_lowered:
.L_overlay_start_1:
0x0: {  	(tag) =	ssettag $0x1  }
0x1: {  	s1 =	rddreg [dreg:$0x0]  }
0x2: {  	s6 =	rddreg [dreg:$0x1]  }
0x3: {  	s0 =	rddreg [dreg:$0x2]  }
0x4: {  	s4 =	srdreg.scid;
	s3 =	simm.s32 $0x0;
	s2 =	stileid.u32  }
0x5: {  	s12 =	simm.s32 $0x80;
	s13 =	simm.s32 $0x1;
	s14 =	simm.s32 $0x0  }
0x6: {  	s7 =	sand.u32 $0x1, s4;
	[smem:$0x7FF] =	sst s3;
	s25 =	sshll.u32 s2, $0xD  }
0x7: {  	s10 =	sadd.s32 $0x92C00, s6;
	s11 =	sshll.u32 s2, $0x11;
	s5 =	sshll.u32 s7, $0xC  }
0x8: {  	_ =	strace $0x80000047;
	s8 =	ssub.s32 $0x2, s7;
	s7 =	sshll.u32 s7, $0x10  }
0x9: {  	s4 =	sor.u32 s5, s25;
	s5 =	sadd.s32 $0x6C00, s6;
	s26 =	sshrl.u32 s8, $0x1  }
0xa: {  	s11 =	sor.u32 s7, s11;
	s9 =	sor.u32 $0x400, s4;
	s28 =	sor.u32 $0x800, s4  }
0xb: {  	s29 =	sor.u32 $0xC00, s4;
	s6 =	ssub.s32 s8, s26;
	[dreg:$0x3] =	wrdreg s9  }
0xc: {  	s7 =	sor.u32 $0xC000, s11;
	s30 =	sor.u32 $0x8000, s11;
	[dreg:$0x4] =	wrdreg s28  }
0xd: {  	s31 =	sor.u32 $0x4000, s11;
	s11 =	sshrl.u32 s11, $0x3;
	[dreg:$0x5] =	wrdreg s29  }
0xe: {  	s6 =	smax.u32 s6, $0x1;
	s7 =	sshrl.u32 s7, $0x3;
	s8 =	sshrl.u32 s30, $0x3  }
0xf: {  	s9 =	sshrl.u32 s31, $0x3;
	s7 =	sadd.s32 s7, s10;
	s8 =	sadd.s32 s8, s10  }
0x10: {  	s9 =	sadd.s32 s9, s10;
	s10 =	sadd.s32 s11, s10;
	s11 =	simm.s32 $0x2  }
.LBB2_1:
0x11: {  	s15 =	sand.u32 $0x60000, s3  }
0x12: {  	s16 =	sand.u32 $0x380, s3;
	s17 =	sor.u32 s4, s15  }
0x13: {  	s17 =	sor.u32 s16, s17  }
0x14: {  	s17 =	sshrl.u32 s17, $0x3  }
0x15: {  	s17 =	sadd.s32 s5, s17  }
0x16: {  	[tilespmem:s3], [sflag:$0x2] =	stream.linear.gather [hbm4b:s17+s3], $0x80, $0x38;
	[tilespmem:$0x4080] =	vst v63  }
0x17: {  	_ =	swait.ge [sflag:s11], $0x80  }
0x18: {  	[sflag:s11] =	ssyncset.done $0x0  }
0x19: {  	[sflag:s11] =	ssyncadd.s32 $0xFFFFFF80  }
0x1a: {  	[tilespmem:s12], [sflag:$0x1] =	stream.indirect.gather [hbm4b:s1+s12], $0x80, s3, s12, $0xb8;
	[tilespmem:$0x4080] =	vst v63  }
0x1b: {  	_ =	swait.ge [sflag:s13], $0x4000  }
0x1c: {  	[sflag:s13] =	ssyncset.done $0x0  }
0x1d: {  	[sflag:s13] =	ssyncadd.s32 $0xFFFFC000  }
0x1e: {  	[hbm4b:s10+s3] =	stream.linear.scatter [tilespmem:s12], [sflag:$0x2], $0x4000, $0x38;
	[tilespmem:$0x4080] =	vst v63  }
0x1f: {  	_ =	swait.ge [sflag:s11], $0x4000  }
0x20: {  	s28 =	rddreg [dreg:$0x3]  }
0x21: {  	s17 =	sor.u32 s28, s15  }
0x22: {  	s17 =	sor.u32 s16, s17  }
0x23: {  	[sflag:s11] =	ssyncset.done $0x0;
	s17 =	sshrl.u32 s17, $0x3  }
0x24: {  	[sflag:s11] =	ssyncadd.s32 $0xFFFFC000;
	s17 =	sadd.s32 s5, s17  }
0x25: {  	[tilespmem:s3], [sflag:$0x2] =	stream.linear.gather [hbm4b:s17+s3], $0x80, $0x38;
	[tilespmem:$0x4080] =	vst v63  }
0x26: {  	_ =	swait.ge [sflag:s11], $0x80  }
0x27: {  	[sflag:s11] =	ssyncset.done $0x0  }
0x28: {  	[sflag:s11] =	ssyncadd.s32 $0xFFFFFF80  }
0x29: {  	[tilespmem:s12], [sflag:$0x1] =	stream.indirect.gather [hbm4b:s1+s12], $0x80, s3, s12, $0xb8;
	[tilespmem:$0x4080] =	vst v63  }
0x2a: {  	_ =	swait.ge [sflag:s13], $0x4000  }
0x2b: {  	[sflag:s13] =	ssyncset.done $0x0  }
0x2c: {  	[sflag:s13] =	ssyncadd.s32 $0xFFFFC000  }
0x2d: {  	[hbm4b:s9+s3] =	stream.linear.scatter [tilespmem:s12], [sflag:$0x2], $0x4000, $0x38;
	[tilespmem:$0x4080] =	vst v63  }
0x2e: {  	_ =	swait.ge [sflag:s11], $0x4000  }
0x2f: {  	s29 =	rddreg [dreg:$0x4]  }
0x30: {  	s17 =	sor.u32 s29, s15  }
0x31: {  	s17 =	sor.u32 s16, s17  }
0x32: {  	[sflag:s11] =	ssyncset.done $0x0;
	s17 =	sshrl.u32 s17, $0x3  }
0x33: {  	[sflag:s11] =	ssyncadd.s32 $0xFFFFC000;
	s17 =	sadd.s32 s5, s17  }
0x34: {  	[tilespmem:s3], [sflag:$0x2] =	stream.linear.gather [hbm4b:s17+s3], $0x80, $0x38;
	[tilespmem:$0x4080] =	vst v63  }
0x35: {  	_ =	swait.ge [sflag:s11], $0x80  }
0x36: {  	[sflag:s11] =	ssyncset.done $0x0  }
0x37: {  	[sflag:s11] =	ssyncadd.s32 $0xFFFFFF80  }
0x38: {  	[tilespmem:s12], [sflag:$0x1] =	stream.indirect.gather [hbm4b:s1+s12], $0x80, s3, s12, $0xb8;
	[tilespmem:$0x4080] =	vst v63  }
0x39: {  	_ =	swait.ge [sflag:s13], $0x4000  }
0x3a: {  	[sflag:s13] =	ssyncset.done $0x0  }
0x3b: {  	[sflag:s13] =	ssyncadd.s32 $0xFFFFC000  }
0x3c: {  	[hbm4b:s8+s3] =	stream.linear.scatter [tilespmem:s12], [sflag:$0x2], $0x4000, $0x38;
	[tilespmem:$0x4080] =	vst v63  }
0x3d: {  	_ =	swait.ge [sflag:s11], $0x4000  }
0x3e: {  	s30 =	rddreg [dreg:$0x5]  }
0x3f: {  	s15 =	sor.u32 s30, s15  }
0x40: {  	s15 =	sor.u32 s16, s15  }
0x41: {  	[sflag:s11] =	ssyncset.done $0x0;
	s15 =	sshrl.u32 s15, $0x3  }
0x42: {  	[sflag:s11] =	ssyncadd.s32 $0xFFFFC000;
	s15 =	sadd.s32 s5, s15  }
0x43: {  	[tilespmem:s3], [sflag:$0x2] =	stream.linear.gather [hbm4b:s15+s3], $0x80, $0x38;
	[tilespmem:$0x4080] =	vst v63  }
0x44: {  	_ =	swait.ge [sflag:s11], $0x80  }
0x45: {  	[sflag:s11] =	ssyncset.done $0x0  }
0x46: {  	s31 =	simm.s32 $0x4000;
	[sflag:s11] =	ssyncadd.s32 $0xFFFFFF80  }
0x47: {  	[tilespmem:s12], [sflag:$0x1] =	stream.indirect.gather [hbm4b:s1+s12], $0x80, s3, s12, $0xb8;
	[tilespmem:$0x4080] =	vst v63  }
0x48: {  	s24 =	simm.s32 $0x8000;
	s19 =	sadd.s32 $0x40000, s10;
	_ =	swait.ge [sflag:s13], $0x4000  }
0x49: {  	s21 =	simm.s32 $0x80;
	s18 =	sand.u32 $0x60000, s31;
	[sflag:s13] =	ssyncset.done $0x0  }
0x4a: {  	s20 =	sand.u32 $0x380, s21;
	s17 =	sadd.s32 $0x40000, s9;
	[sflag:s13] =	ssyncadd.s32 $0xFFFFC000  }
0x4b: {  	[hbm4b:s7+s3] =	stream.linear.scatter [tilespmem:s12], [sflag:$0x2], $0x4000, $0x38;
	[tilespmem:$0x4080] =	vst v63  }
0x4c: {  	s16 =	sadd.s32 $0x40000, s8;
	s15 =	sor.u32 s4, s18;
	_ =	swait.ge [sflag:s11], $0x4000  }
0x4d: {  	s23 =	sor.u32 s20, s15;
	s15 =	sadd.s32 $0x40000, s7;
	[sflag:s11] =	ssyncset.done $0x0  }
.LBB2_2:
0x4e: {  	s25 =	sshrl.u32 s23, $0x3  }
0x4f: {  	[sflag:s11] =	ssyncadd.s32 $0xFFFFC000;
	s26 =	sadd.s32 s5, s25  }
0x50: {  	[tilespmem:s3], [sflag:$0x2] =	stream.linear.gather [hbm4b:s26+s3], $0x80, $0x38;
	[tilespmem:$0x4080] =	vst v63  }
0x51: {  	_ =	swait.ge [sflag:s11], $0x80  }
0x52: {  	[sflag:s11] =	ssyncset.done $0x0  }
0x53: {  	[sflag:s11] =	ssyncadd.s32 $0xFFFFFF80  }
0x54: {  	[tilespmem:s12], [sflag:$0x1] =	stream.indirect.gather [hbm4b:s1+s12], $0x80, s3, s12, $0xb8;
	[tilespmem:$0x4080] =	vst v63  }
0x55: {  	_ =	swait.ge [sflag:s13], $0x4000  }
0x56: {  	[sflag:s13] =	ssyncset.done $0x0  }
0x57: {  	[sflag:s13] =	ssyncadd.s32 $0xFFFFC000  }
0x58: {  	[hbm4b:s19+s3] =	stream.linear.scatter [tilespmem:s12], [sflag:$0x2], $0x4000, $0x38;
	[tilespmem:$0x4080] =	vst v63  }
0x59: {  	_ =	swait.ge [sflag:s11], $0x4000  }
0x5a: {  	s23 =	smov.u32 s24;
	s28 =	rddreg [dreg:$0x3]  }
0x5b: {  	s22 =	sadd.s32 $0x4000, s24;
	p0 =	sne.s32 s24, $0x4C000;
	s24 =	sor.u32 s28, s18  }
0x5c: {  	s24 =	sor.u32 s20, s24  }
0x5d: {  	[sflag:s11] =	ssyncset.done $0x0;
	s24 =	sshrl.u32 s24, $0x3  }
0x5e: {  	[sflag:s11] =	ssyncadd.s32 $0xFFFFC000;
	s24 =	sadd.s32 s5, s24  }
0x5f: {  	[tilespmem:s3], [sflag:$0x2] =	stream.linear.gather [hbm4b:s24+s3], $0x80, $0x38;
	[tilespmem:$0x4080] =	vst v63  }
0x60: {  	_ =	swait.ge [sflag:s11], $0x80  }
0x61: {  	[sflag:s11] =	ssyncset.done $0x0  }
0x62: {  	[sflag:s11] =	ssyncadd.s32 $0xFFFFFF80  }
0x63: {  	[tilespmem:s12], [sflag:$0x1] =	stream.indirect.gather [hbm4b:s1+s12], $0x80, s3, s12, $0xb8;
	[tilespmem:$0x4080] =	vst v63  }
0x64: {  	_ =	swait.ge [sflag:s13], $0x4000  }
0x65: {  	[sflag:s13] =	ssyncset.done $0x0  }
0x66: {  	[sflag:s13] =	ssyncadd.s32 $0xFFFFC000  }
0x67: {  	[hbm4b:s17+s3] =	stream.linear.scatter [tilespmem:s12], [sflag:$0x2], $0x4000, $0x38;
	[tilespmem:$0x4080] =	vst v63  }
0x68: {  	_ =	swait.ge [sflag:s11], $0x4000  }
0x69: {  	s29 =	rddreg [dreg:$0x4]  }
0x6a: {  	s24 =	sor.u32 s29, s18  }
0x6b: {  	s24 =	sor.u32 s20, s24  }
0x6c: {  	[sflag:s11] =	ssyncset.done $0x0;
	s24 =	sshrl.u32 s24, $0x3  }
0x6d: {  	[sflag:s11] =	ssyncadd.s32 $0xFFFFC000;
	s24 =	sadd.s32 s5, s24  }
0x6e: {  	[tilespmem:s3], [sflag:$0x2] =	stream.linear.gather [hbm4b:s24+s3], $0x80, $0x38;
	[tilespmem:$0x4080] =	vst v63  }
0x6f: {  	_ =	swait.ge [sflag:s11], $0x80  }
0x70: {  	[sflag:s11] =	ssyncset.done $0x0  }
0x71: {  	[sflag:s11] =	ssyncadd.s32 $0xFFFFFF80  }
0x72: {  	[tilespmem:s12], [sflag:$0x1] =	stream.indirect.gather [hbm4b:s1+s12], $0x80, s3, s12, $0xb8;
	[tilespmem:$0x4080] =	vst v63  }
0x73: {  	_ =	swait.ge [sflag:s13], $0x4000  }
0x74: {  	[sflag:s13] =	ssyncset.done $0x0  }
0x75: {  	[sflag:s13] =	ssyncadd.s32 $0xFFFFC000  }
0x76: {  	[hbm4b:s16+s3] =	stream.linear.scatter [tilespmem:s12], [sflag:$0x2], $0x4000, $0x38;
	[tilespmem:$0x4080] =	vst v63  }
0x77: {  	_ =	swait.ge [sflag:s11], $0x4000  }
0x78: {  	s30 =	rddreg [dreg:$0x5]  }
0x79: {  	s31 =	sor.u32 s30, s18  }
0x7a: {  	s18 =	sor.u32 s20, s31  }
0x7b: {  	[sflag:s11] =	ssyncset.done $0x0;
	s18 =	sshrl.u32 s18, $0x3  }
0x7c: {  	[sflag:s11] =	ssyncadd.s32 $0xFFFFC000;
	s18 =	sadd.s32 s5, s18  }
0x7d: {  	[tilespmem:s3], [sflag:$0x2] =	stream.linear.gather [hbm4b:s18+s3], $0x80, $0x38;
	[tilespmem:$0x4080] =	vst v63  }
0x7e: {  	_ =	swait.ge [sflag:s11], $0x80  }
0x7f: {  	[sflag:s11] =	ssyncset.done $0x0  }
0x80: {  	s21 =	sadd.s32 $0x80, s21;
	[sflag:s11] =	ssyncadd.s32 $0xFFFFFF80  }
0x81: {  	[tilespmem:s12], [sflag:$0x1] =	stream.indirect.gather [hbm4b:s1+s12], $0x80, s3, s12, $0xb8;
	[tilespmem:$0x4080] =	vst v63  }
0x82: {  	s19 =	sadd.s32 $0x40000, s19;
	s17 =	sadd.s32 $0x40000, s17;
	_ =	swait.ge [sflag:s13], $0x4000  }
.Ltmp0:
0x83: {  	s24 =	smov.u32 s22;
	[sflag:s13] =	ssyncset.done $0x0;
	(pc) =	sbr.rel @p0 .LBB2_2-.Ltmp0, $4  }
0x84: {  	s16 =	sadd.s32 $0x40000, s16;
	s18 =	sand.u32 $0x60000, s23;
	[sflag:s13] =	ssyncadd.s32 $0xFFFFC000  }
0x85: {  	[hbm4b:s15+s3] =	stream.linear.scatter [tilespmem:s12], [sflag:$0x2], $0x4000, $0x38;
	[tilespmem:$0x4080] =	vst v63  }
0x86: {  	s20 =	sand.u32 $0x380, s21;
	s23 =	sor.u32 s4, s18;
	_ =	swait.ge [sflag:s11], $0x4000  }
0x87: {  	s23 =	sor.u32 s20, s23;
	s15 =	sadd.s32 $0x40000, s15;
	[sflag:s11] =	ssyncset.done $0x0  }
0x88: {  	s21 =	sshrl.u32 s23, $0x3  }
0x89: {  	[sflag:s11] =	ssyncadd.s32 $0xFFFFC000;
	s21 =	sadd.s32 s5, s21  }
0x8a: {  	[tilespmem:s3], [sflag:$0x2] =	stream.linear.gather [hbm4b:s21+s3], $0x80, $0x38;
	[tilespmem:$0x4080] =	vst v63  }
0x8b: {  	_ =	swait.ge [sflag:s11], $0x80  }
0x8c: {  	[sflag:s11] =	ssyncset.done $0x0  }
0x8d: {  	[sflag:s11] =	ssyncadd.s32 $0xFFFFFF80  }
0x8e: {  	[tilespmem:s12], [sflag:$0x1] =	stream.indirect.gather [hbm4b:s1+s12], $0x80, s3, s12, $0xb8;
	[tilespmem:$0x4080] =	vst v63  }
0x8f: {  	_ =	swait.ge [sflag:s13], $0x4000  }
0x90: {  	[sflag:s13] =	ssyncset.done $0x0  }
0x91: {  	[sflag:s13] =	ssyncadd.s32 $0xFFFFC000  }
0x92: {  	[hbm4b:s19+s3] =	stream.linear.scatter [tilespmem:s12], [sflag:$0x2], $0x4000, $0x38;
	[tilespmem:$0x4080] =	vst v63  }
0x93: {  	_ =	swait.ge [sflag:s11], $0x4000  }
0x94: {  	s29 =	rddreg [dreg:$0x3]  }
0x95: {  	s19 =	sor.u32 s29, s18  }
0x96: {  	s19 =	sor.u32 s20, s19  }
0x97: {  	[sflag:s11] =	ssyncset.done $0x0;
	s19 =	sshrl.u32 s19, $0x3  }
0x98: {  	[sflag:s11] =	ssyncadd.s32 $0xFFFFC000;
	s19 =	sadd.s32 s5, s19  }
0x99: {  	[tilespmem:s3], [sflag:$0x2] =	stream.linear.gather [hbm4b:s19+s3], $0x80, $0x38;
	[tilespmem:$0x4080] =	vst v63  }
0x9a: {  	_ =	swait.ge [sflag:s11], $0x80  }
0x9b: {  	[sflag:s11] =	ssyncset.done $0x0  }
0x9c: {  	[sflag:s11] =	ssyncadd.s32 $0xFFFFFF80  }
0x9d: {  	[tilespmem:s12], [sflag:$0x1] =	stream.indirect.gather [hbm4b:s1+s12], $0x80, s3, s12, $0xb8;
	[tilespmem:$0x4080] =	vst v63  }
0x9e: {  	_ =	swait.ge [sflag:s13], $0x4000  }
0x9f: {  	[sflag:s13] =	ssyncset.done $0x0  }
0xa0: {  	[sflag:s13] =	ssyncadd.s32 $0xFFFFC000  }
0xa1: {  	[hbm4b:s17+s3] =	stream.linear.scatter [tilespmem:s12], [sflag:$0x2], $0x4000, $0x38;
	[tilespmem:$0x4080] =	vst v63  }
0xa2: {  	_ =	swait.ge [sflag:s11], $0x4000  }
0xa3: {  	s30 =	rddreg [dreg:$0x4]  }
0xa4: {  	s17 =	sor.u32 s30, s18  }
0xa5: {  	s17 =	sor.u32 s20, s17  }
0xa6: {  	[sflag:s11] =	ssyncset.done $0x0;
	s17 =	sshrl.u32 s17, $0x3  }
0xa7: {  	[sflag:s11] =	ssyncadd.s32 $0xFFFFC000;
	s17 =	sadd.s32 s5, s17  }
0xa8: {  	[tilespmem:s3], [sflag:$0x2] =	stream.linear.gather [hbm4b:s17+s3], $0x80, $0x38;
	[tilespmem:$0x4080] =	vst v63  }
0xa9: {  	_ =	swait.ge [sflag:s11], $0x80  }
0xaa: {  	[sflag:s11] =	ssyncset.done $0x0  }
0xab: {  	[sflag:s11] =	ssyncadd.s32 $0xFFFFFF80  }
0xac: {  	[tilespmem:s12], [sflag:$0x1] =	stream.indirect.gather [hbm4b:s1+s12], $0x80, s3, s12, $0xb8;
	[tilespmem:$0x4080] =	vst v63  }
0xad: {  	_ =	swait.ge [sflag:s13], $0x4000  }
0xae: {  	[sflag:s13] =	ssyncset.done $0x0  }
0xaf: {  	[sflag:s13] =	ssyncadd.s32 $0xFFFFC000  }
0xb0: {  	[hbm4b:s16+s3] =	stream.linear.scatter [tilespmem:s12], [sflag:$0x2], $0x4000, $0x38;
	[tilespmem:$0x4080] =	vst v63  }
0xb1: {  	_ =	swait.ge [sflag:s11], $0x4000  }
0xb2: {  	s31 =	rddreg [dreg:$0x5]  }
0xb3: {  	s16 =	sor.u32 s31, s18  }
0xb4: {  	s16 =	sor.u32 s20, s16  }
0xb5: {  	[sflag:s11] =	ssyncset.done $0x0;
	s16 =	sshrl.u32 s16, $0x3  }
0xb6: {  	[sflag:s11] =	ssyncadd.s32 $0xFFFFC000;
	s16 =	sadd.s32 s5, s16  }
0xb7: {  	[tilespmem:s3], [sflag:$0x2] =	stream.linear.gather [hbm4b:s16+s3], $0x80, $0x38;
	[tilespmem:$0x4080] =	vst v63  }
0xb8: {  	_ =	swait.ge [sflag:s11], $0x80  }
0xb9: {  	[sflag:s11] =	ssyncset.done $0x0  }
0xba: {  	[sflag:s11] =	ssyncadd.s32 $0xFFFFFF80  }
0xbb: {  	[tilespmem:s12], [sflag:$0x1] =	stream.indirect.gather [hbm4b:s1+s12], $0x80, s3, s12, $0xb8;
	[tilespmem:$0x4080] =	vst v63  }
0xbc: {  	s14 =	sadd.s32 $0x1, s14;
	_ =	swait.ge [sflag:s13], $0x4000  }
0xbd: {  	p0 =	sne.s32 s14, s6;
	[sflag:s13] =	ssyncset.done $0x0  }
.Ltmp1:
0xbe: {  	[sflag:s13] =	ssyncadd.s32 $0xFFFFC000;
	(pc) =	sbr.rel @p0 .LBB2_1-.Ltmp1, $4  }
0xbf: {  	[hbm4b:s15+s3] =	stream.linear.scatter [tilespmem:s12], [sflag:$0x2], $0x4000, $0x38;
	[tilespmem:$0x4080] =	vst v63  }
0xc0: {  	_ =	swait.ge [sflag:s11], $0x4000  }
0xc1: {  	[sflag:s11] =	ssyncset.done $0x0  }
0xc2: {  	[sflag:s11] =	ssyncadd.s32 $0xFFFFC000  }
0xc3: {  	_ =	sfence.sel $0x180000  }
0xc4: {  	[bflag:$0x0] =	sbarrier.arrive $0xFFFF  }
0xc5: {  	p0 =	sne.s32 s2, $0x0;
	_ =	strace $0x90000047  }
0xc6: {  	s0 =	sadd.s32 @!p0 $0x100000, s0;
	[bflag:$0x2] =	sbarrier.arrive $0xFFFF  }
0xc7: {  	[sflag:s0] =	ssyncadd.tile.s32 @!p0 $0x1;
	_ =	shalt  }
.Lfunc_end2:
_tile_overlayer_lowered:
.L_overlay_start_2:
0xc8: {  	(tag) =	ssettag $0x2  }
0xc9: {  	s0 =	rddreg [dreg:$0x0];
	s2 =	stileid.u32  }
0xca: {  	s1 =	rddreg [dreg:$0x1];
	p0 =	sne.s32 s2, $0x0  }
0xcb: {  	s3 =	rddreg [dreg:$0x2];
	[bflag:$0x3] =	sbarrier.arrive $0xFFFF;
	s2 =	simm.s32 @!p0 $0x1C02  }
0xcc: {  	[timem:s3], [sflag:s2] =	dma.local @!p0 [hbm:s0], s1  }
0xcd: {  	s0 =	simm.s32 @!p0 $0x2  }
0xce: {  	_ =	swait.ge @!p0 [sflag:s0], s1  }
0xcf: {  	s1 =	ssub.s32 @!p0 $0x0, s1;
	[sflag:s0] =	ssyncset.done @!p0 $0x0  }
0xd0: {  	[sflag:s0] =	ssyncadd.s32 @!p0 s1  }
0xd1: {  	[bflag:$0x3] =	sbarrier.arrive $0xFFFF  }
0xd2: {  	_ =	shalt  }

// kernel: kernel.24.cloned.1.call-start
scs
__scs_entry_jumppad:
0x0: {  	(pc) =	sbr.rel $0x88, $3  }
0x1: {  	(tag) =	ssettag $0x0;
	lr =	simm.s32 $0x1  }
0x2: {  	[smem:$0x3F91] =	sst lr;
	_ =	strace $0xD0000000  }
0x3: {  	_ = 	snop  }
0x4: {  	_ = 	snop  }
0x5: {  	_ = 	snop  }
0x6: {  	_ = 	snop  }
0x7: {  	_ = 	snop  }
__scs_overlays_trampoline_lowered:
0x8: {  	[smem:$0x3FA0] =	sst s0  }
0x9: {  	[smem:$0x3FA1] =	sst s1  }
0xa: {  	[smem:$0x3FA2] =	sst s2  }
0xb: {  	[smem:$0x3FA3] =	sst s3  }
0xc: {  	[smem:$0x3FA4] =	sst s4  }
0xd: {  	[smem:$0x3FA5] =	sst s5  }
0xe: {  	[smem:$0x3FA6] =	sst s6  }
0xf: {  	[smem:$0x3FA7] =	sst s7  }
0x10: {  	[smem:$0x3FA8] =	sst s8  }
0x11: {  	[smem:$0x3FA9] =	sst s9;
	s0 =	simm.s32 @!p0 $0x0  }
0x12: {  	s1 =	sld [smem:$0x3F8F];
	s0 =	simm.s32 @p0 $0x1  }
0x13: {  	[smem:$0x3FAA] =	sst s0;
	s0 =	simm.s32 @!p1 $0x0  }
0x14: {  	s2 =	sld [smem:$0x3F8E];
	s0 =	simm.s32 @p1 $0x1  }
0x15: {  	[smem:$0x3FAB] =	sst s0;
	s0 =	simm.s32 @!p2 $0x0  }
0x16: {  	s3 =	sld [smem:$0x3FDB];
	s0 =	simm.s32 @p2 $0x1  }
0x17: {  	s4 =	simm.s32 $0x1BF5;
	[smem:$0x3FAD] =	sst s0  }
0x18: {  	s0 =	sld [smem:$0x3F90];
	_ =	swait.ge [sflag:s4], $0x0  }
0x19: {  	s7 =	sld [smem:$0x3F91]  }
0x1a: {  	s8 =	sadd.s32 $0xFFFFE003, lr  }
0x1b: {  	s9 =	sadd.s32 $0xFFFFFEF7, lr;
	s5 =	simm.s32 $0xFFFFFFFF;
	p2 =	slt.u32 s8, $0xFFFFF086  }
0x1c: {  	p1 =	slt.u32 s9, $0xF7A;
	s5 =	simm.s32 @!p2 $0x0  }
0x1d: {  	s5 =	simm.s32 @p1 $0x1;
	p0 =	seq.s32 s7, s2  }
0x1e: {  	s7 =	smul.u32 @!p0 $0xF7A, s2;
	p2 =	seq.s32 @!p0 s5, $0x0  }
0x1f: {  	s9 =	smul.u32 $0xF7A, s1;
	s8 =	simm.s32 @!p0 $0x1BF5;
	p2 =	por !p2, p0  }
0x20: {  	[sflag:s8] =	ssyncset.s32 @!p0 $0xFFFFF086;
	s6 =	sadd.s32 @!p0 s3, s7;
	s7 =	simm.s32 @!p0 $0x108  }
0x21: {  	s3 =	sadd.s32 s3, s9;
	s6 =	sadd.s32 @!p0 $0x88, s6;
	s7 =	simm.s32 @p2 $0x1082  }
0x22: {  	[simem:s7], [sflag:s8] =	dma.local @!p0 [hbm:s6], $0xF7A  }
0x23: {  	s9 =	sor.u32 $0xD0000000, s2;
	s6 =	simm.s32 $0x108;
	_ =	swait.ge @!p0 [sflag:s8], $0x0  }
0x24: {  	s3 =	sadd.s32 $0x88, s3;
	s6 =	simm.s32 @!p1 $0x1082;
	[sflag:s4] =	ssyncset.s32 $0xFFFFF086  }
0x25: {  	[simem:s6], [sflag:s4] =	dma.local [hbm:s3], $0xF7A  }
0x26: {  	[smem:$0x3F91] =	sst s1;
	(tag) =	ssettag s2;
	_ =	strace s9  }
0x27: {  	s1 =	sld [smem:$0x3FA1]  }
0x28: {  	s2 =	sld [smem:$0x3FA2]  }
0x29: {  	s4 =	sld [smem:$0x3FA4]  }
0x2a: {  	p0 =	seq.s32 s5, $0x0;
	s5 =	sld [smem:$0x3FA5]  }
0x2b: {  	s6 =	sld [smem:$0x3FA6]  }
0x2c: {  	s7 =	sld [smem:$0x3FA7]  }
0x2d: {  	s3 =	simm.s32 $0x108;
	s8 =	sld [smem:$0x3FA8]  }
0x2e: {  	s3 =	simm.s32 @!p0 $0x1082;
	s9 =	sld [smem:$0x3FA9]  }
0x2f: {  	lr =	sadd.s32 s0, s3;
	s0 =	sld [smem:$0x3FA0]  }
0x30: {  	s3 =	sld [smem:$0x3FA3]  }
0x31: {  	[smem:$0x3FAC] =	sst s10  }
0x32: {  	s10 =	sld [smem:$0x3FAA];
	_ =	sdelay $0x3  }
0x33: {  	p0 =	seq.s32 s10, $0x1;
	s10 =	sld [smem:$0x3FAC];
	_ =	sdelay $0x3  }
0x34: {  	[smem:$0x3FAC] =	sst s10  }
0x35: {  	s10 =	sld [smem:$0x3FAB];
	_ =	sdelay $0x3  }
0x36: {  	p1 =	seq.s32 s10, $0x1;
	s10 =	sld [smem:$0x3FAC];
	_ =	sdelay $0x3  }
0x37: {  	[smem:$0x3FAC] =	sst s10  }
0x38: {  	s10 =	sld [smem:$0x3FAD]  }
0x39: {  	_ = 	snop;
	(pc) =	sbr.ind lr, $3  }
0x3a: {  	_ = 	snop  }
0x3b: {  	_ = 	snop  }
0x3c: {  	p2 =	seq.s32 s10, $0x1;
	s10 =	sld [smem:$0x3FAC]  }
0x3d: {  	_ =	shalt  }
0x3e: {  	_ =	shalt  }
0x3f: {  	_ =	shalt  }
0x40: {  	_ =	shalt  }
0x41: {  	_ =	shalt  }
0x42: {  	_ =	shalt  }
0x43: {  	_ =	shalt  }
0x44: {  	_ =	shalt  }
0x45: {  	_ =	shalt  }
0x46: {  	_ =	shalt  }
0x47: {  	_ =	shalt  }
0x48: {  	_ =	shalt  }
0x49: {  	_ =	shalt  }
0x4a: {  	_ =	shalt  }
0x4b: {  	_ =	shalt  }
0x4c: {  	_ =	shalt  }
0x4d: {  	_ =	shalt  }
0x4e: {  	_ =	shalt  }
0x4f: {  	_ =	shalt  }
0x50: {  	_ =	shalt  }
0x51: {  	_ =	shalt  }
0x52: {  	_ =	shalt  }
0x53: {  	_ =	shalt  }
0x54: {  	_ =	shalt  }
0x55: {  	_ =	shalt  }
0x56: {  	_ =	shalt  }
0x57: {  	_ =	shalt  }
0x58: {  	_ =	shalt  }
0x59: {  	_ =	shalt  }
0x5a: {  	_ =	shalt  }
0x5b: {  	_ =	shalt  }
0x5c: {  	_ =	shalt  }
0x5d: {  	_ =	shalt  }
0x5e: {  	_ =	shalt  }
0x5f: {  	_ =	shalt  }
0x60: {  	_ =	shalt  }
0x61: {  	_ =	shalt  }
0x62: {  	_ =	shalt  }
0x63: {  	_ =	shalt  }
0x64: {  	_ =	shalt  }
0x65: {  	_ =	shalt  }
0x66: {  	_ =	shalt  }
0x67: {  	_ =	shalt  }
0x68: {  	_ =	shalt  }
0x69: {  	_ =	shalt  }
0x6a: {  	_ =	shalt  }
0x6b: {  	_ =	shalt  }
0x6c: {  	_ =	shalt  }
0x6d: {  	_ =	shalt  }
0x6e: {  	_ =	shalt  }
0x6f: {  	_ =	shalt  }
0x70: {  	_ =	shalt  }
0x71: {  	_ =	shalt  }
0x72: {  	_ =	shalt  }
0x73: {  	_ =	shalt  }
0x74: {  	_ =	shalt  }
0x75: {  	_ =	shalt  }
0x76: {  	_ =	shalt  }
0x77: {  	_ =	shalt  }
0x78: {  	_ =	shalt  }
0x79: {  	_ =	shalt  }
0x7a: {  	_ =	shalt  }
0x7b: {  	_ =	shalt  }
0x7c: {  	_ =	shalt  }
0x7d: {  	_ =	shalt  }
0x7e: {  	_ =	shalt  }
0x7f: {  	_ =	shalt  }
0x80: {  	_ =	shalt  }
0x81: {  	_ =	shalt  }
0x82: {  	_ =	shalt  }
0x83: {  	_ =	shalt  }
0x84: {  	_ =	shalt  }
0x85: {  	_ =	shalt  }
0x86: {  	_ =	shalt  }
0x87: {  	_ =	shalt  }
.Lfunc_end0:
.L_simem_size_0:
called_computation.2_lowered:
.L_overlay_start_0:
0x88: {  	s2 =	sld [smem:$0x3FD9]  }
0x89: {  	s3 =	sld [smem:$0x3FFE];
	_ =	sdelay $0x1  }
0x8a: {  	s1 =	srdreg.scid  }
0x8b: {  	s0 =	sand.u32 $0x1, s1  }
0x8c: {  	s17 =	sshll.u32 s0, $0xA;
	s2 =	sadd.s32 s3, s2  }
0x8d: {  	s2 =	sadd.s32 s2, s17  }
0x8e: {  	[smem:$0x3FB8] =	sst s2  }
0x8f: {  	_ = 	snop  }
0x90: {  	s2 =	sld [smem:$0x3FD0];
	(tm) =	ssettm $0x1  }
0x91: {  	s18 =	sld [smem:$0x3FFB];
	_ =	sdelay $0x3  }
0x92: {  	_ =	strace s18  }
0x93: {  	s3 =	sld [smem:$0x3FFC];
	_ =	sdelay $0x3  }
0x94: {  	_ =	strace s3  }
0x95: {  	s3 =	sld [smem:$0x3FFD];
	_ =	sdelay $0x3  }
0x96: {  	_ =	strace s3  }
0x97: {  	_ =	strace $0x8FFFFFFF  }
0x98: {  	s19 =	sld [smem:$0x3FDB];
	_ =	sdelay $0x1  }
0x99: {  	s4 =	simm.s32 $_scs_section_size  }
0x9a: {  	s5 =	simm.s32 $_size__tile_overlayer_lowered;
	s6 =	simm.s32 $_tile_overlayer_lowered  }
0x9b: {  	s22 =	simm.s32 $0x1BFF;
	s21 =	sshll.u32 s6, $0x1;
	s3 =	sadd.s32 s4, s19  }
0x9c: {  	s7 =	simm.s32 $0x0;
	s20 =	sshll.u32 s5, $0x1;
	s5 =	sadd.s32 s21, s3  }
0x9d: {  	[timem:s7], [sflag:s22] =	dma.local [hbm:s5], s20  }
0x9e: {  	_ =	swait.ge [sflag:s22], s20  }
0x9f: {  	s4 =	ssub.s32 $0x0, s20;
	[sflag:s22] =	ssyncset.done $0x0  }
0xa0: {  	[sflag:s22] =	ssyncadd.s32 s4;
	_ =	sdelay $0x1  }
0xa1: {  	s23 =	simm.s32 $0x1B8B  }
0xa2: {  	_ =	swait.ge [sflag:s23], $0x1  }
0xa3: {  	[sflag:s23] =	ssyncset.done $0x0  }
0xa4: {  	s25 =	simm.s32 $0x1B8E;
	s24 =	sld [smem:$0x3FFE];
	[sflag:s23] =	ssyncadd.s32 $0xFFFFFFFF  }
0xa5: {  	s26 =	simm.s32 $execute0_lowered;
	[smem:$0x3FD2] =	sst s25  }
0xa6: {  	s5 =	sshll.u32 s26, $0x1;
	_ =	strace $0x80000049;
	[dreg:$0x1] =	wrdreg $0xFFFFFFFF  }
0xa7: {  	s28 =	simm.s32 $_size_execute0_lowered;
	s3 =	sadd.s32 s3, s5;
	[dreg:$0x0] =	wrdreg $0x0  }
0xa8: {  	s5 =	sshll.u32 s28, $0x1;
	[dreg:$0x2] =	wrdreg s3  }
0xa9: {  	[dreg:$0x3] =	wrdreg s5  }
0xaa: {  	[dreg:$0x4] =	wrdreg $0xC0  }
0xab: {  	_ =	task [dreg:s7], $0x5FFFF  }
0xac: {  	[dreg:$0x1] =	wrdreg $0xFFFFFFFF  }
0xad: {  	[dreg:$0x0] =	wrdreg $0x60  }
0xae: {  	[dreg:$0x2] =	wrdreg s2  }
0xaf: {  	[dreg:$0x3] =	wrdreg s24  }
0xb0: {  	[dreg:$0x4] =	wrdreg $0x9  }
0xb1: {  	_ =	task.clear_ibuf [dreg:s7], $0x5FFFF;
	_ =	strace $0x90000049  }
0xb2: {  	s29 =	simm.s32 $0x9;
	_ =	strace $0x8000004B  }
0xb3: {  	_ =	swait.ge [sflag:s29], $0x1  }
0xb4: {  	[sflag:s29] =	ssyncadd.s32 $0xFFFFFFFF  }
0xb5: {  	_ =	strace $0x9000004B  }
0xb6: {  	_ =	sfence  }
0xb7: {  	s30 =	sld [smem:$0x0];
	_ =	sdelay $0x2  }
0xb8: {  	s31 =	sshll.u32 s1, $0xD;
	s1 =	sshrl.u32 s1, $0x2  }
0xb9: {  	s3 =	sand.u32 $0x4000, s31;
	s1 =	sadd.s32 s1, s30  }
0xba: {  	s0 =	sor.u32 s3, s0;
	s1 =	sshll.u32 s1, $0x11  }
0xbb: {  	s0 =	sor.u32 s1, s0  }
0xbc: {  	s0 =	sadd.s32 $0x8F2B, s0  }
0xbd: {  	[sflag:s0] =	ssyncadd.remote.s32 $0x1  }
0xbe: {  	_ =	sfence.sel $0xFFFF  }
0xbf: {  	[dreg:$0x0] =	wrdreg $0xFFFFFFFF;
	(pc) =	sbr.abs _section_cstart, $3  }
0xc0: {  	[dreg:$0x1] =	wrdreg $0xFFFFFFFF  }
0xc1: {  	_ =	task.clear_ibuf [dreg:s7], $0x2FFFF;
	_ =	strace $0x9FFFFFFF  }
0xc2: {  	(tm) =	ssettm $0x7FFFFFFF  }
0xc3: {  	_ =	shalt  }
tec
execute0_lowered:
.L_overlay_start_1:
0x0: {  	(tag) =	ssettag $0x1  }
0x1: {  	s1 =	rddreg [dreg:$0x0]  }
0x2: {  	s6 =	rddreg [dreg:$0x1]  }
0x3: {  	s0 =	rddreg [dreg:$0x2]  }
0x4: {  	s4 =	srdreg.scid;
	s3 =	simm.s32 $0x0;
	s2 =	stileid.u32  }
0x5: {  	s12 =	simm.s32 $0x80;
	s13 =	simm.s32 $0x1;
	s14 =	simm.s32 $0x0  }
0x6: {  	s7 =	sand.u32 $0x1, s4;
	[smem:$0x7FF] =	sst s3;
	s25 =	sshll.u32 s2, $0xD  }
0x7: {  	s10 =	sadd.s32 $0x92C00, s6;
	s11 =	sshll.u32 s2, $0x11;
	s5 =	sshll.u32 s7, $0xC  }
0x8: {  	_ =	strace $0x8000004A;
	s8 =	ssub.s32 $0x2, s7;
	s7 =	sshll.u32 s7, $0x10  }
0x9: {  	s4 =	sor.u32 s5, s25;
	s5 =	sadd.s32 $0x86C00, s6;
	s26 =	sshrl.u32 s8, $0x1  }
0xa: {  	s11 =	sor.u32 s7, s11;
	s9 =	sor.u32 $0x400, s4;
	s28 =	sor.u32 $0x800, s4  }
0xb: {  	s29 =	sor.u32 $0xC00, s4;
	s6 =	ssub.s32 s8, s26;
	[dreg:$0x3] =	wrdreg s9  }
0xc: {  	s7 =	sor.u32 $0xC000, s11;
	s30 =	sor.u32 $0x8000, s11;
	[dreg:$0x4] =	wrdreg s28  }
0xd: {  	s31 =	sor.u32 $0x4000, s11;
	s11 =	sshrl.u32 s11, $0x3;
	[dreg:$0x5] =	wrdreg s29  }
0xe: {  	s6 =	smax.u32 s6, $0x1;
	s7 =	sshrl.u32 s7, $0x3;
	s8 =	sshrl.u32 s30, $0x3  }
0xf: {  	s9 =	sshrl.u32 s31, $0x3;
	s7 =	sadd.s32 s7, s10;
	s8 =	sadd.s32 s8, s10  }
0x10: {  	s9 =	sadd.s32 s9, s10;
	s10 =	sadd.s32 s11, s10;
	s11 =	simm.s32 $0x2  }
.LBB2_1:
0x11: {  	s15 =	sand.u32 $0x60000, s3  }
0x12: {  	s16 =	sand.u32 $0x380, s3;
	s17 =	sor.u32 s4, s15  }
0x13: {  	s17 =	sor.u32 s16, s17  }
0x14: {  	s17 =	sshrl.u32 s17, $0x3  }
0x15: {  	s17 =	sadd.s32 s5, s17  }
0x16: {  	[tilespmem:s3], [sflag:$0x2] =	stream.linear.gather [hbm4b:s17+s3], $0x80, $0x38;
	[tilespmem:$0x4080] =	vst v63  }
0x17: {  	_ =	swait.ge [sflag:s11], $0x80  }
0x18: {  	[sflag:s11] =	ssyncset.done $0x0  }
0x19: {  	[sflag:s11] =	ssyncadd.s32 $0xFFFFFF80  }
0x1a: {  	[tilespmem:s12], [sflag:$0x1] =	stream.indirect.gather [hbm4b:s1+s12], $0x80, s3, s12, $0xb8;
	[tilespmem:$0x4080] =	vst v63  }
0x1b: {  	_ =	swait.ge [sflag:s13], $0x4000  }
0x1c: {  	[sflag:s13] =	ssyncset.done $0x0  }
0x1d: {  	[sflag:s13] =	ssyncadd.s32 $0xFFFFC000  }
0x1e: {  	[hbm4b:s10+s3] =	stream.linear.scatter [tilespmem:s12], [sflag:$0x2], $0x4000, $0x38;
	[tilespmem:$0x4080] =	vst v63  }
0x1f: {  	_ =	swait.ge [sflag:s11], $0x4000  }
0x20: {  	s28 =	rddreg [dreg:$0x3]  }
0x21: {  	s17 =	sor.u32 s28, s15  }
0x22: {  	s17 =	sor.u32 s16, s17  }
0x23: {  	[sflag:s11] =	ssyncset.done $0x0;
	s17 =	sshrl.u32 s17, $0x3  }
0x24: {  	[sflag:s11] =	ssyncadd.s32 $0xFFFFC000;
	s17 =	sadd.s32 s5, s17  }
0x25: {  	[tilespmem:s3], [sflag:$0x2] =	stream.linear.gather [hbm4b:s17+s3], $0x80, $0x38;
	[tilespmem:$0x4080] =	vst v63  }
0x26: {  	_ =	swait.ge [sflag:s11], $0x80  }
0x27: {  	[sflag:s11] =	ssyncset.done $0x0  }
0x28: {  	[sflag:s11] =	ssyncadd.s32 $0xFFFFFF80  }
0x29: {  	[tilespmem:s12], [sflag:$0x1] =	stream.indirect.gather [hbm4b:s1+s12], $0x80, s3, s12, $0xb8;
	[tilespmem:$0x4080] =	vst v63  }
0x2a: {  	_ =	swait.ge [sflag:s13], $0x4000  }
0x2b: {  	[sflag:s13] =	ssyncset.done $0x0  }
0x2c: {  	[sflag:s13] =	ssyncadd.s32 $0xFFFFC000  }
0x2d: {  	[hbm4b:s9+s3] =	stream.linear.scatter [tilespmem:s12], [sflag:$0x2], $0x4000, $0x38;
	[tilespmem:$0x4080] =	vst v63  }
0x2e: {  	_ =	swait.ge [sflag:s11], $0x4000  }
0x2f: {  	s29 =	rddreg [dreg:$0x4]  }
0x30: {  	s17 =	sor.u32 s29, s15  }
0x31: {  	s17 =	sor.u32 s16, s17  }
0x32: {  	[sflag:s11] =	ssyncset.done $0x0;
	s17 =	sshrl.u32 s17, $0x3  }
0x33: {  	[sflag:s11] =	ssyncadd.s32 $0xFFFFC000;
	s17 =	sadd.s32 s5, s17  }
0x34: {  	[tilespmem:s3], [sflag:$0x2] =	stream.linear.gather [hbm4b:s17+s3], $0x80, $0x38;
	[tilespmem:$0x4080] =	vst v63  }
0x35: {  	_ =	swait.ge [sflag:s11], $0x80  }
0x36: {  	[sflag:s11] =	ssyncset.done $0x0  }
0x37: {  	[sflag:s11] =	ssyncadd.s32 $0xFFFFFF80  }
0x38: {  	[tilespmem:s12], [sflag:$0x1] =	stream.indirect.gather [hbm4b:s1+s12], $0x80, s3, s12, $0xb8;
	[tilespmem:$0x4080] =	vst v63  }
0x39: {  	_ =	swait.ge [sflag:s13], $0x4000  }
0x3a: {  	[sflag:s13] =	ssyncset.done $0x0  }
0x3b: {  	[sflag:s13] =	ssyncadd.s32 $0xFFFFC000  }
0x3c: {  	[hbm4b:s8+s3] =	stream.linear.scatter [tilespmem:s12], [sflag:$0x2], $0x4000, $0x38;
	[tilespmem:$0x4080] =	vst v63  }
0x3d: {  	_ =	swait.ge [sflag:s11], $0x4000  }
0x3e: {  	s30 =	rddreg [dreg:$0x5]  }
0x3f: {  	s15 =	sor.u32 s30, s15  }
0x40: {  	s15 =	sor.u32 s16, s15  }
0x41: {  	[sflag:s11] =	ssyncset.done $0x0;
	s15 =	sshrl.u32 s15, $0x3  }
0x42: {  	[sflag:s11] =	ssyncadd.s32 $0xFFFFC000;
	s15 =	sadd.s32 s5, s15  }
0x43: {  	[tilespmem:s3], [sflag:$0x2] =	stream.linear.gather [hbm4b:s15+s3], $0x80, $0x38;
	[tilespmem:$0x4080] =	vst v63  }
0x44: {  	_ =	swait.ge [sflag:s11], $0x80  }
0x45: {  	[sflag:s11] =	ssyncset.done $0x0  }
0x46: {  	s31 =	simm.s32 $0x4000;
	[sflag:s11] =	ssyncadd.s32 $0xFFFFFF80  }
0x47: {  	[tilespmem:s12], [sflag:$0x1] =	stream.indirect.gather [hbm4b:s1+s12], $0x80, s3, s12, $0xb8;
	[tilespmem:$0x4080] =	vst v63  }
0x48: {  	s24 =	simm.s32 $0x8000;
	s19 =	sadd.s32 $0x40000, s10;
	_ =	swait.ge [sflag:s13], $0x4000  }
0x49: {  	s21 =	simm.s32 $0x80;
	s18 =	sand.u32 $0x60000, s31;
	[sflag:s13] =	ssyncset.done $0x0  }
0x4a: {  	s20 =	sand.u32 $0x380, s21;
	s17 =	sadd.s32 $0x40000, s9;
	[sflag:s13] =	ssyncadd.s32 $0xFFFFC000  }
0x4b: {  	[hbm4b:s7+s3] =	stream.linear.scatter [tilespmem:s12], [sflag:$0x2], $0x4000, $0x38;
	[tilespmem:$0x4080] =	vst v63  }
0x4c: {  	s16 =	sadd.s32 $0x40000, s8;
	s15 =	sor.u32 s4, s18;
	_ =	swait.ge [sflag:s11], $0x4000  }
0x4d: {  	s23 =	sor.u32 s20, s15;
	s15 =	sadd.s32 $0x40000, s7;
	[sflag:s11] =	ssyncset.done $0x0  }
.LBB2_2:
0x4e: {  	s25 =	sshrl.u32 s23, $0x3  }
0x4f: {  	[sflag:s11] =	ssyncadd.s32 $0xFFFFC000;
	s26 =	sadd.s32 s5, s25  }
0x50: {  	[tilespmem:s3], [sflag:$0x2] =	stream.linear.gather [hbm4b:s26+s3], $0x80, $0x38;
	[tilespmem:$0x4080] =	vst v63  }
0x51: {  	_ =	swait.ge [sflag:s11], $0x80  }
0x52: {  	[sflag:s11] =	ssyncset.done $0x0  }
0x53: {  	[sflag:s11] =	ssyncadd.s32 $0xFFFFFF80  }
0x54: {  	[tilespmem:s12], [sflag:$0x1] =	stream.indirect.gather [hbm4b:s1+s12], $0x80, s3, s12, $0xb8;
	[tilespmem:$0x4080] =	vst v63  }
0x55: {  	_ =	swait.ge [sflag:s13], $0x4000  }
0x56: {  	[sflag:s13] =	ssyncset.done $0x0  }
0x57: {  	[sflag:s13] =	ssyncadd.s32 $0xFFFFC000  }
0x58: {  	[hbm4b:s19+s3] =	stream.linear.scatter [tilespmem:s12], [sflag:$0x2], $0x4000, $0x38;
	[tilespmem:$0x4080] =	vst v63  }
0x59: {  	_ =	swait.ge [sflag:s11], $0x4000  }
0x5a: {  	s23 =	smov.u32 s24;
	s28 =	rddreg [dreg:$0x3]  }
0x5b: {  	s22 =	sadd.s32 $0x4000, s24;
	p0 =	sne.s32 s24, $0x4C000;
	s24 =	sor.u32 s28, s18  }
0x5c: {  	s24 =	sor.u32 s20, s24  }
0x5d: {  	[sflag:s11] =	ssyncset.done $0x0;
	s24 =	sshrl.u32 s24, $0x3  }
0x5e: {  	[sflag:s11] =	ssyncadd.s32 $0xFFFFC000;
	s24 =	sadd.s32 s5, s24  }
0x5f: {  	[tilespmem:s3], [sflag:$0x2] =	stream.linear.gather [hbm4b:s24+s3], $0x80, $0x38;
	[tilespmem:$0x4080] =	vst v63  }
0x60: {  	_ =	swait.ge [sflag:s11], $0x80  }
0x61: {  	[sflag:s11] =	ssyncset.done $0x0  }
0x62: {  	[sflag:s11] =	ssyncadd.s32 $0xFFFFFF80  }
0x63: {  	[tilespmem:s12], [sflag:$0x1] =	stream.indirect.gather [hbm4b:s1+s12], $0x80, s3, s12, $0xb8;
	[tilespmem:$0x4080] =	vst v63  }
0x64: {  	_ =	swait.ge [sflag:s13], $0x4000  }
0x65: {  	[sflag:s13] =	ssyncset.done $0x0  }
0x66: {  	[sflag:s13] =	ssyncadd.s32 $0xFFFFC000  }
0x67: {  	[hbm4b:s17+s3] =	stream.linear.scatter [tilespmem:s12], [sflag:$0x2], $0x4000, $0x38;
	[tilespmem:$0x4080] =	vst v63  }
0x68: {  	_ =	swait.ge [sflag:s11], $0x4000  }
0x69: {  	s29 =	rddreg [dreg:$0x4]  }
0x6a: {  	s24 =	sor.u32 s29, s18  }
0x6b: {  	s24 =	sor.u32 s20, s24  }
0x6c: {  	[sflag:s11] =	ssyncset.done $0x0;
	s24 =	sshrl.u32 s24, $0x3  }
0x6d: {  	[sflag:s11] =	ssyncadd.s32 $0xFFFFC000;
	s24 =	sadd.s32 s5, s24  }
0x6e: {  	[tilespmem:s3], [sflag:$0x2] =	stream.linear.gather [hbm4b:s24+s3], $0x80, $0x38;
	[tilespmem:$0x4080] =	vst v63  }
0x6f: {  	_ =	swait.ge [sflag:s11], $0x80  }
0x70: {  	[sflag:s11] =	ssyncset.done $0x0  }
0x71: {  	[sflag:s11] =	ssyncadd.s32 $0xFFFFFF80  }
0x72: {  	[tilespmem:s12], [sflag:$0x1] =	stream.indirect.gather [hbm4b:s1+s12], $0x80, s3, s12, $0xb8;
	[tilespmem:$0x4080] =	vst v63  }
0x73: {  	_ =	swait.ge [sflag:s13], $0x4000  }
0x74: {  	[sflag:s13] =	ssyncset.done $0x0  }
0x75: {  	[sflag:s13] =	ssyncadd.s32 $0xFFFFC000  }
0x76: {  	[hbm4b:s16+s3] =	stream.linear.scatter [tilespmem:s12], [sflag:$0x2], $0x4000, $0x38;
	[tilespmem:$0x4080] =	vst v63  }
0x77: {  	_ =	swait.ge [sflag:s11], $0x4000  }
0x78: {  	s30 =	rddreg [dreg:$0x5]  }
0x79: {  	s31 =	sor.u32 s30, s18  }
0x7a: {  	s18 =	sor.u32 s20, s31  }
0x7b: {  	[sflag:s11] =	ssyncset.done $0x0;
	s18 =	sshrl.u32 s18, $0x3  }
0x7c: {  	[sflag:s11] =	ssyncadd.s32 $0xFFFFC000;
	s18 =	sadd.s32 s5, s18  }
0x7d: {  	[tilespmem:s3], [sflag:$0x2] =	stream.linear.gather [hbm4b:s18+s3], $0x80, $0x38;
	[tilespmem:$0x4080] =	vst v63  }
0x7e: {  	_ =	swait.ge [sflag:s11], $0x80  }
0x7f: {  	[sflag:s11] =	ssyncset.done $0x0  }
0x80: {  	s21 =	sadd.s32 $0x80, s21;
	[sflag:s11] =	ssyncadd.s32 $0xFFFFFF80  }
0x81: {  	[tilespmem:s12], [sflag:$0x1] =	stream.indirect.gather [hbm4b:s1+s12], $0x80, s3, s12, $0xb8;
	[tilespmem:$0x4080] =	vst v63  }
0x82: {  	s19 =	sadd.s32 $0x40000, s19;
	s17 =	sadd.s32 $0x40000, s17;
	_ =	swait.ge [sflag:s13], $0x4000  }
.Ltmp0:
0x83: {  	s24 =	smov.u32 s22;
	[sflag:s13] =	ssyncset.done $0x0;
	(pc) =	sbr.rel @p0 .LBB2_2-.Ltmp0, $4  }
0x84: {  	s16 =	sadd.s32 $0x40000, s16;
	s18 =	sand.u32 $0x60000, s23;
	[sflag:s13] =	ssyncadd.s32 $0xFFFFC000  }
0x85: {  	[hbm4b:s15+s3] =	stream.linear.scatter [tilespmem:s12], [sflag:$0x2], $0x4000, $0x38;
	[tilespmem:$0x4080] =	vst v63  }
0x86: {  	s20 =	sand.u32 $0x380, s21;
	s23 =	sor.u32 s4, s18;
	_ =	swait.ge [sflag:s11], $0x4000  }
0x87: {  	s23 =	sor.u32 s20, s23;
	s15 =	sadd.s32 $0x40000, s15;
	[sflag:s11] =	ssyncset.done $0x0  }
0x88: {  	s21 =	sshrl.u32 s23, $0x3  }
0x89: {  	[sflag:s11] =	ssyncadd.s32 $0xFFFFC000;
	s21 =	sadd.s32 s5, s21  }
0x8a: {  	[tilespmem:s3], [sflag:$0x2] =	stream.linear.gather [hbm4b:s21+s3], $0x80, $0x38;
	[tilespmem:$0x4080] =	vst v63  }
0x8b: {  	_ =	swait.ge [sflag:s11], $0x80  }
0x8c: {  	[sflag:s11] =	ssyncset.done $0x0  }
0x8d: {  	[sflag:s11] =	ssyncadd.s32 $0xFFFFFF80  }
0x8e: {  	[tilespmem:s12], [sflag:$0x1] =	stream.indirect.gather [hbm4b:s1+s12], $0x80, s3, s12, $0xb8;
	[tilespmem:$0x4080] =	vst v63  }
0x8f: {  	_ =	swait.ge [sflag:s13], $0x4000  }
0x90: {  	[sflag:s13] =	ssyncset.done $0x0  }
0x91: {  	[sflag:s13] =	ssyncadd.s32 $0xFFFFC000  }
0x92: {  	[hbm4b:s19+s3] =	stream.linear.scatter [tilespmem:s12], [sflag:$0x2], $0x4000, $0x38;
	[tilespmem:$0x4080] =	vst v63  }
0x93: {  	_ =	swait.ge [sflag:s11], $0x4000  }
0x94: {  	s29 =	rddreg [dreg:$0x3]  }
0x95: {  	s19 =	sor.u32 s29, s18  }
0x96: {  	s19 =	sor.u32 s20, s19  }
0x97: {  	[sflag:s11] =	ssyncset.done $0x0;
	s19 =	sshrl.u32 s19, $0x3  }
0x98: {  	[sflag:s11] =	ssyncadd.s32 $0xFFFFC000;
	s19 =	sadd.s32 s5, s19  }
0x99: {  	[tilespmem:s3], [sflag:$0x2] =	stream.linear.gather [hbm4b:s19+s3], $0x80, $0x38;
	[tilespmem:$0x4080] =	vst v63  }
0x9a: {  	_ =	swait.ge [sflag:s11], $0x80  }
0x9b: {  	[sflag:s11] =	ssyncset.done $0x0  }
0x9c: {  	[sflag:s11] =	ssyncadd.s32 $0xFFFFFF80  }
0x9d: {  	[tilespmem:s12], [sflag:$0x1] =	stream.indirect.gather [hbm4b:s1+s12], $0x80, s3, s12, $0xb8;
	[tilespmem:$0x4080] =	vst v63  }
0x9e: {  	_ =	swait.ge [sflag:s13], $0x4000  }
0x9f: {  	[sflag:s13] =	ssyncset.done $0x0  }
0xa0: {  	[sflag:s13] =	ssyncadd.s32 $0xFFFFC000  }
0xa1: {  	[hbm4b:s17+s3] =	stream.linear.scatter [tilespmem:s12], [sflag:$0x2], $0x4000, $0x38;
	[tilespmem:$0x4080] =	vst v63  }
0xa2: {  	_ =	swait.ge [sflag:s11], $0x4000  }
0xa3: {  	s30 =	rddreg [dreg:$0x4]  }
0xa4: {  	s17 =	sor.u32 s30, s18  }
0xa5: {  	s17 =	sor.u32 s20, s17  }
0xa6: {  	[sflag:s11] =	ssyncset.done $0x0;
	s17 =	sshrl.u32 s17, $0x3  }
0xa7: {  	[sflag:s11] =	ssyncadd.s32 $0xFFFFC000;
	s17 =	sadd.s32 s5, s17  }
0xa8: {  	[tilespmem:s3], [sflag:$0x2] =	stream.linear.gather [hbm4b:s17+s3], $0x80, $0x38;
	[tilespmem:$0x4080] =	vst v63  }
0xa9: {  	_ =	swait.ge [sflag:s11], $0x80  }
0xaa: {  	[sflag:s11] =	ssyncset.done $0x0  }
0xab: {  	[sflag:s11] =	ssyncadd.s32 $0xFFFFFF80  }
0xac: {  	[tilespmem:s12], [sflag:$0x1] =	stream.indirect.gather [hbm4b:s1+s12], $0x80, s3, s12, $0xb8;
	[tilespmem:$0x4080] =	vst v63  }
0xad: {  	_ =	swait.ge [sflag:s13], $0x4000  }
0xae: {  	[sflag:s13] =	ssyncset.done $0x0  }
0xaf: {  	[sflag:s13] =	ssyncadd.s32 $0xFFFFC000  }
0xb0: {  	[hbm4b:s16+s3] =	stream.linear.scatter [tilespmem:s12], [sflag:$0x2], $0x4000, $0x38;
	[tilespmem:$0x4080] =	vst v63  }
0xb1: {  	_ =	swait.ge [sflag:s11], $0x4000  }
0xb2: {  	s31 =	rddreg [dreg:$0x5]  }
0xb3: {  	s16 =	sor.u32 s31, s18  }
0xb4: {  	s16 =	sor.u32 s20, s16  }
0xb5: {  	[sflag:s11] =	ssyncset.done $0x0;
	s16 =	sshrl.u32 s16, $0x3  }
0xb6: {  	[sflag:s11] =	ssyncadd.s32 $0xFFFFC000;
	s16 =	sadd.s32 s5, s16  }
0xb7: {  	[tilespmem:s3], [sflag:$0x2] =	stream.linear.gather [hbm4b:s16+s3], $0x80, $0x38;
	[tilespmem:$0x4080] =	vst v63  }
0xb8: {  	_ =	swait.ge [sflag:s11], $0x80  }
0xb9: {  	[sflag:s11] =	ssyncset.done $0x0  }
0xba: {  	[sflag:s11] =	ssyncadd.s32 $0xFFFFFF80  }
0xbb: {  	[tilespmem:s12], [sflag:$0x1] =	stream.indirect.gather [hbm4b:s1+s12], $0x80, s3, s12, $0xb8;
	[tilespmem:$0x4080] =	vst v63  }
0xbc: {  	s14 =	sadd.s32 $0x1, s14;
	_ =	swait.ge [sflag:s13], $0x4000  }
0xbd: {  	p0 =	sne.s32 s14, s6;
	[sflag:s13] =	ssyncset.done $0x0  }
.Ltmp1:
0xbe: {  	[sflag:s13] =	ssyncadd.s32 $0xFFFFC000;
	(pc) =	sbr.rel @p0 .LBB2_1-.Ltmp1, $4  }
0xbf: {  	[hbm4b:s15+s3] =	stream.linear.scatter [tilespmem:s12], [sflag:$0x2], $0x4000, $0x38;
	[tilespmem:$0x4080] =	vst v63  }
0xc0: {  	_ =	swait.ge [sflag:s11], $0x4000  }
0xc1: {  	[sflag:s11] =	ssyncset.done $0x0  }
0xc2: {  	[sflag:s11] =	ssyncadd.s32 $0xFFFFC000  }
0xc3: {  	_ =	sfence.sel $0x180000  }
0xc4: {  	[bflag:$0x0] =	sbarrier.arrive $0xFFFF  }
0xc5: {  	p0 =	sne.s32 s2, $0x0;
	_ =	strace $0x9000004A  }
0xc6: {  	s0 =	sadd.s32 @!p0 $0x100000, s0;
	[bflag:$0x2] =	sbarrier.arrive $0xFFFF  }
0xc7: {  	[sflag:s0] =	ssyncadd.tile.s32 @!p0 $0x1;
	_ =	shalt  }
.Lfunc_end2:
_tile_overlayer_lowered:
.L_overlay_start_2:
0xc8: {  	(tag) =	ssettag $0x2  }
0xc9: {  	s0 =	rddreg [dreg:$0x0];
	s2 =	stileid.u32  }
0xca: {  	s1 =	rddreg [dreg:$0x1];
	p0 =	sne.s32 s2, $0x0  }
0xcb: {  	s3 =	rddreg [dreg:$0x2];
	[bflag:$0x3] =	sbarrier.arrive $0xFFFF;
	s2 =	simm.s32 @!p0 $0x1C02  }
0xcc: {  	[timem:s3], [sflag:s2] =	dma.local @!p0 [hbm:s0], s1  }
0xcd: {  	s0 =	simm.s32 @!p0 $0x2  }
0xce: {  	_ =	swait.ge @!p0 [sflag:s0], s1  }
0xcf: {  	s1 =	ssub.s32 @!p0 $0x0, s1;
	[sflag:s0] =	ssyncset.done @!p0 $0x0  }
0xd0: {  	[sflag:s0] =	ssyncadd.s32 @!p0 s1  }
0xd1: {  	[bflag:$0x3] =	sbarrier.arrive $0xFFFF  }
0xd2: {  	_ =	shalt  }

// kernel: kernel.27.cloned.1.call-start
scs
__scs_entry_jumppad:
0x0: {  	(pc) =	sbr.rel $0x88, $3  }
0x1: {  	(tag) =	ssettag $0x0;
	lr =	simm.s32 $0x1  }
0x2: {  	[smem:$0x3F91] =	sst lr;
	_ =	strace $0xD0000000  }
0x3: {  	_ = 	snop  }
0x4: {  	_ = 	snop  }
0x5: {  	_ = 	snop  }
0x6: {  	_ = 	snop  }
0x7: {  	_ = 	snop  }
__scs_overlays_trampoline_lowered:
0x8: {  	[smem:$0x3FA0] =	sst s0  }
0x9: {  	[smem:$0x3FA1] =	sst s1  }
0xa: {  	[smem:$0x3FA2] =	sst s2  }
0xb: {  	[smem:$0x3FA3] =	sst s3  }
0xc: {  	[smem:$0x3FA4] =	sst s4  }
0xd: {  	[smem:$0x3FA5] =	sst s5  }
0xe: {  	[smem:$0x3FA6] =	sst s6  }
0xf: {  	[smem:$0x3FA7] =	sst s7  }
0x10: {  	[smem:$0x3FA8] =	sst s8  }
0x11: {  	[smem:$0x3FA9] =	sst s9;
	s0 =	simm.s32 @!p0 $0x0  }
0x12: {  	s1 =	sld [smem:$0x3F8F];
	s0 =	simm.s32 @p0 $0x1  }
0x13: {  	[smem:$0x3FAA] =	sst s0;
	s0 =	simm.s32 @!p1 $0x0  }
0x14: {  	s2 =	sld [smem:$0x3F8E];
	s0 =	simm.s32 @p1 $0x1  }
0x15: {  	[smem:$0x3FAB] =	sst s0;
	s0 =	simm.s32 @!p2 $0x0  }
0x16: {  	s3 =	sld [smem:$0x3FDB];
	s0 =	simm.s32 @p2 $0x1  }
0x17: {  	s4 =	simm.s32 $0x1BF5;
	[smem:$0x3FAD] =	sst s0  }
0x18: {  	s0 =	sld [smem:$0x3F90];
	_ =	swait.ge [sflag:s4], $0x0  }
0x19: {  	s7 =	sld [smem:$0x3F91]  }
0x1a: {  	s8 =	sadd.s32 $0xFFFFE003, lr  }
0x1b: {  	s9 =	sadd.s32 $0xFFFFFEF7, lr;
	s5 =	simm.s32 $0xFFFFFFFF;
	p2 =	slt.u32 s8, $0xFFFFF086  }
0x1c: {  	p1 =	slt.u32 s9, $0xF7A;
	s5 =	simm.s32 @!p2 $0x0  }
0x1d: {  	s5 =	simm.s32 @p1 $0x1;
	p0 =	seq.s32 s7, s2  }
0x1e: {  	s7 =	smul.u32 @!p0 $0xF7A, s2;
	p2 =	seq.s32 @!p0 s5, $0x0  }
0x1f: {  	s9 =	smul.u32 $0xF7A, s1;
	s8 =	simm.s32 @!p0 $0x1BF5;
	p2 =	por !p2, p0  }
0x20: {  	[sflag:s8] =	ssyncset.s32 @!p0 $0xFFFFF086;
	s6 =	sadd.s32 @!p0 s3, s7;
	s7 =	simm.s32 @!p0 $0x108  }
0x21: {  	s3 =	sadd.s32 s3, s9;
	s6 =	sadd.s32 @!p0 $0x88, s6;
	s7 =	simm.s32 @p2 $0x1082  }
0x22: {  	[simem:s7], [sflag:s8] =	dma.local @!p0 [hbm:s6], $0xF7A  }
0x23: {  	s9 =	sor.u32 $0xD0000000, s2;
	s6 =	simm.s32 $0x108;
	_ =	swait.ge @!p0 [sflag:s8], $0x0  }
0x24: {  	s3 =	sadd.s32 $0x88, s3;
	s6 =	simm.s32 @!p1 $0x1082;
	[sflag:s4] =	ssyncset.s32 $0xFFFFF086  }
0x25: {  	[simem:s6], [sflag:s4] =	dma.local [hbm:s3], $0xF7A  }
0x26: {  	[smem:$0x3F91] =	sst s1;
	(tag) =	ssettag s2;
	_ =	strace s9  }
0x27: {  	s1 =	sld [smem:$0x3FA1]  }
0x28: {  	s2 =	sld [smem:$0x3FA2]  }
0x29: {  	s4 =	sld [smem:$0x3FA4]  }
0x2a: {  	p0 =	seq.s32 s5, $0x0;
	s5 =	sld [smem:$0x3FA5]  }
0x2b: {  	s6 =	sld [smem:$0x3FA6]  }
0x2c: {  	s7 =	sld [smem:$0x3FA7]  }
0x2d: {  	s3 =	simm.s32 $0x108;
	s8 =	sld [smem:$0x3FA8]  }
0x2e: {  	s3 =	simm.s32 @!p0 $0x1082;
	s9 =	sld [smem:$0x3FA9]  }
0x2f: {  	lr =	sadd.s32 s0, s3;
	s0 =	sld [smem:$0x3FA0]  }
0x30: {  	s3 =	sld [smem:$0x3FA3]  }
0x31: {  	[smem:$0x3FAC] =	sst s10  }
0x32: {  	s10 =	sld [smem:$0x3FAA];
	_ =	sdelay $0x3  }
0x33: {  	p0 =	seq.s32 s10, $0x1;
	s10 =	sld [smem:$0x3FAC];
	_ =	sdelay $0x3  }
0x34: {  	[smem:$0x3FAC] =	sst s10  }
0x35: {  	s10 =	sld [smem:$0x3FAB];
	_ =	sdelay $0x3  }
0x36: {  	p1 =	seq.s32 s10, $0x1;
	s10 =	sld [smem:$0x3FAC];
	_ =	sdelay $0x3  }
0x37: {  	[smem:$0x3FAC] =	sst s10  }
0x38: {  	s10 =	sld [smem:$0x3FAD]  }
0x39: {  	_ = 	snop;
	(pc) =	sbr.ind lr, $3  }
0x3a: {  	_ = 	snop  }
0x3b: {  	_ = 	snop  }
0x3c: {  	p2 =	seq.s32 s10, $0x1;
	s10 =	sld [smem:$0x3FAC]  }
0x3d: {  	_ =	shalt  }
0x3e: {  	_ =	shalt  }
0x3f: {  	_ =	shalt  }
0x40: {  	_ =	shalt  }
0x41: {  	_ =	shalt  }
0x42: {  	_ =	shalt  }
0x43: {  	_ =	shalt  }
0x44: {  	_ =	shalt  }
0x45: {  	_ =	shalt  }
0x46: {  	_ =	shalt  }
0x47: {  	_ =	shalt  }
0x48: {  	_ =	shalt  }
0x49: {  	_ =	shalt  }
0x4a: {  	_ =	shalt  }
0x4b: {  	_ =	shalt  }
0x4c: {  	_ =	shalt  }
0x4d: {  	_ =	shalt  }
0x4e: {  	_ =	shalt  }
0x4f: {  	_ =	shalt  }
0x50: {  	_ =	shalt  }
0x51: {  	_ =	shalt  }
0x52: {  	_ =	shalt  }
0x53: {  	_ =	shalt  }
0x54: {  	_ =	shalt  }
0x55: {  	_ =	shalt  }
0x56: {  	_ =	shalt  }
0x57: {  	_ =	shalt  }
0x58: {  	_ =	shalt  }
0x59: {  	_ =	shalt  }
0x5a: {  	_ =	shalt  }
0x5b: {  	_ =	shalt  }
0x5c: {  	_ =	shalt  }
0x5d: {  	_ =	shalt  }
0x5e: {  	_ =	shalt  }
0x5f: {  	_ =	shalt  }
0x60: {  	_ =	shalt  }
0x61: {  	_ =	shalt  }
0x62: {  	_ =	shalt  }
0x63: {  	_ =	shalt  }
0x64: {  	_ =	shalt  }
0x65: {  	_ =	shalt  }
0x66: {  	_ =	shalt  }
0x67: {  	_ =	shalt  }
0x68: {  	_ =	shalt  }
0x69: {  	_ =	shalt  }
0x6a: {  	_ =	shalt  }
0x6b: {  	_ =	shalt  }
0x6c: {  	_ =	shalt  }
0x6d: {  	_ =	shalt  }
0x6e: {  	_ =	shalt  }
0x6f: {  	_ =	shalt  }
0x70: {  	_ =	shalt  }
0x71: {  	_ =	shalt  }
0x72: {  	_ =	shalt  }
0x73: {  	_ =	shalt  }
0x74: {  	_ =	shalt  }
0x75: {  	_ =	shalt  }
0x76: {  	_ =	shalt  }
0x77: {  	_ =	shalt  }
0x78: {  	_ =	shalt  }
0x79: {  	_ =	shalt  }
0x7a: {  	_ =	shalt  }
0x7b: {  	_ =	shalt  }
0x7c: {  	_ =	shalt  }
0x7d: {  	_ =	shalt  }
0x7e: {  	_ =	shalt  }
0x7f: {  	_ =	shalt  }
0x80: {  	_ =	shalt  }
0x81: {  	_ =	shalt  }
0x82: {  	_ =	shalt  }
0x83: {  	_ =	shalt  }
0x84: {  	_ =	shalt  }
0x85: {  	_ =	shalt  }
0x86: {  	_ =	shalt  }
0x87: {  	_ =	shalt  }
.Lfunc_end0:
.L_simem_size_0:
called_computation.3_lowered:
.L_overlay_start_0:
0x88: {  	s2 =	sld [smem:$0x3FD9]  }
0x89: {  	s3 =	sld [smem:$0x3FFE];
	_ =	sdelay $0x1  }
0x8a: {  	s1 =	srdreg.scid  }
0x8b: {  	s0 =	sand.u32 $0x1, s1  }
0x8c: {  	s17 =	sshll.u32 s0, $0xA;
	s2 =	sadd.s32 s3, s2  }
0x8d: {  	s2 =	sadd.s32 s2, s17  }
0x8e: {  	[smem:$0x3FB8] =	sst s2  }
0x8f: {  	_ = 	snop  }
0x90: {  	s2 =	sld [smem:$0x3FD0];
	(tm) =	ssettm $0x1  }
0x91: {  	s18 =	sld [smem:$0x3FFB];
	_ =	sdelay $0x3  }
0x92: {  	_ =	strace s18  }
0x93: {  	s3 =	sld [smem:$0x3FFC];
	_ =	sdelay $0x3  }
0x94: {  	_ =	strace s3  }
0x95: {  	s3 =	sld [smem:$0x3FFD];
	_ =	sdelay $0x3  }
0x96: {  	_ =	strace s3  }
0x97: {  	_ =	strace $0x8FFFFFFF  }
0x98: {  	s19 =	sld [smem:$0x3FDB];
	_ =	sdelay $0x1  }
0x99: {  	s4 =	simm.s32 $_scs_section_size  }
0x9a: {  	s5 =	simm.s32 $_size__tile_overlayer_lowered;
	s6 =	simm.s32 $_tile_overlayer_lowered  }
0x9b: {  	s22 =	simm.s32 $0x1BFF;
	s21 =	sshll.u32 s6, $0x1;
	s3 =	sadd.s32 s4, s19  }
0x9c: {  	s7 =	simm.s32 $0x0;
	s20 =	sshll.u32 s5, $0x1;
	s5 =	sadd.s32 s21, s3  }
0x9d: {  	[timem:s7], [sflag:s22] =	dma.local [hbm:s5], s20  }
0x9e: {  	_ =	swait.ge [sflag:s22], s20  }
0x9f: {  	s4 =	ssub.s32 $0x0, s20;
	[sflag:s22] =	ssyncset.done $0x0  }
0xa0: {  	[sflag:s22] =	ssyncadd.s32 s4;
	_ =	sdelay $0x1  }
0xa1: {  	s23 =	simm.s32 $0x1B8B  }
0xa2: {  	_ =	swait.ge [sflag:s23], $0x1  }
0xa3: {  	[sflag:s23] =	ssyncset.done $0x0  }
0xa4: {  	s25 =	simm.s32 $0x1B8E;
	s24 =	sld [smem:$0x3FFE];
	[sflag:s23] =	ssyncadd.s32 $0xFFFFFFFF  }
0xa5: {  	s26 =	simm.s32 $execute0_lowered;
	[smem:$0x3FD2] =	sst s25  }
0xa6: {  	s5 =	sshll.u32 s26, $0x1;
	_ =	strace $0x8000004C;
	[dreg:$0x1] =	wrdreg $0xFFFFFFFF  }
0xa7: {  	s28 =	simm.s32 $_size_execute0_lowered;
	s3 =	sadd.s32 s3, s5;
	[dreg:$0x0] =	wrdreg $0x0  }
0xa8: {  	s5 =	sshll.u32 s28, $0x1;
	[dreg:$0x2] =	wrdreg s3  }
0xa9: {  	[dreg:$0x3] =	wrdreg s5  }
0xaa: {  	[dreg:$0x4] =	wrdreg $0xC0  }
0xab: {  	_ =	task [dreg:s7], $0x5FFFF  }
0xac: {  	[dreg:$0x1] =	wrdreg $0xFFFFFFFF  }
0xad: {  	[dreg:$0x0] =	wrdreg $0x60  }
0xae: {  	[dreg:$0x2] =	wrdreg s2  }
0xaf: {  	[dreg:$0x3] =	wrdreg s24  }
0xb0: {  	[dreg:$0x4] =	wrdreg $0x9  }
0xb1: {  	_ =	task.clear_ibuf [dreg:s7], $0x5FFFF;
	_ =	strace $0x9000004C  }
0xb2: {  	s29 =	simm.s32 $0x9;
	_ =	strace $0x8000004E  }
0xb3: {  	_ =	swait.ge [sflag:s29], $0x1  }
0xb4: {  	[sflag:s29] =	ssyncadd.s32 $0xFFFFFFFF  }
0xb5: {  	_ =	strace $0x9000004E  }
0xb6: {  	_ =	sfence  }
0xb7: {  	s30 =	sld [smem:$0x0];
	_ =	sdelay $0x2  }
0xb8: {  	s31 =	sshll.u32 s1, $0xD;
	s1 =	sshrl.u32 s1, $0x2  }
0xb9: {  	s3 =	sand.u32 $0x4000, s31;
	s1 =	sadd.s32 s1, s30  }
0xba: {  	s0 =	sor.u32 s3, s0;
	s1 =	sshll.u32 s1, $0x11  }
0xbb: {  	s0 =	sor.u32 s1, s0  }
0xbc: {  	s0 =	sadd.s32 $0x8F2B, s0  }
0xbd: {  	[sflag:s0] =	ssyncadd.remote.s32 $0x1  }
0xbe: {  	_ =	sfence.sel $0xFFFF  }
0xbf: {  	[dreg:$0x0] =	wrdreg $0xFFFFFFFF;
	(pc) =	sbr.abs _section_cstart, $3  }
0xc0: {  	[dreg:$0x1] =	wrdreg $0xFFFFFFFF  }
0xc1: {  	_ =	task.clear_ibuf [dreg:s7], $0x2FFFF;
	_ =	strace $0x9FFFFFFF  }
0xc2: {  	(tm) =	ssettm $0x7FFFFFFF  }
0xc3: {  	_ =	shalt  }
tec
execute0_lowered:
.L_overlay_start_1:
0x0: {  	(tag) =	ssettag $0x1  }
0x1: {  	s1 =	rddreg [dreg:$0x0]  }
0x2: {  	s6 =	rddreg [dreg:$0x1]  }
0x3: {  	s0 =	rddreg [dreg:$0x2]  }
0x4: {  	s4 =	srdreg.scid;
	s3 =	simm.s32 $0x0;
	s2 =	stileid.u32  }
0x5: {  	s12 =	simm.s32 $0x80;
	s13 =	simm.s32 $0x1;
	s14 =	simm.s32 $0x0  }
0x6: {  	s7 =	sand.u32 $0x1, s4;
	[smem:$0x7FF] =	sst s3;
	s25 =	sshll.u32 s2, $0xD  }
0x7: {  	s10 =	sadd.s32 $0xD2C00, s6;
	s11 =	sshll.u32 s2, $0x11;
	s5 =	sshll.u32 s7, $0xC  }
0x8: {  	_ =	strace $0x8000004D;
	s8 =	ssub.s32 $0x2, s7;
	s7 =	sshll.u32 s7, $0x10  }
0x9: {  	s4 =	sor.u32 s5, s25;
	s5 =	sadd.s32 $0xC6C00, s6;
	s26 =	sshrl.u32 s8, $0x1  }
0xa: {  	s11 =	sor.u32 s7, s11;
	s9 =	sor.u32 $0x400, s4;
	s28 =	sor.u32 $0x800, s4  }
0xb: {  	s29 =	sor.u32 $0xC00, s4;
	s6 =	ssub.s32 s8, s26;
	[dreg:$0x3] =	wrdreg s9  }
0xc: {  	s7 =	sor.u32 $0xC000, s11;
	s30 =	sor.u32 $0x8000, s11;
	[dreg:$0x4] =	wrdreg s28  }
0xd: {  	s31 =	sor.u32 $0x4000, s11;
	s11 =	sshrl.u32 s11, $0x3;
	[dreg:$0x5] =	wrdreg s29  }
0xe: {  	s6 =	smax.u32 s6, $0x1;
	s7 =	sshrl.u32 s7, $0x3;
	s8 =	sshrl.u32 s30, $0x3  }
0xf: {  	s9 =	sshrl.u32 s31, $0x3;
	s7 =	sadd.s32 s7, s10;
	s8 =	sadd.s32 s8, s10  }
0x10: {  	s9 =	sadd.s32 s9, s10;
	s10 =	sadd.s32 s11, s10;
	s11 =	simm.s32 $0x2  }
.LBB2_1:
0x11: {  	s15 =	sand.u32 $0x60000, s3  }
0x12: {  	s16 =	sand.u32 $0x380, s3;
	s17 =	sor.u32 s4, s15  }
0x13: {  	s17 =	sor.u32 s16, s17  }
0x14: {  	s17 =	sshrl.u32 s17, $0x3  }
0x15: {  	s17 =	sadd.s32 s5, s17  }
0x16: {  	[tilespmem:s3], [sflag:$0x2] =	stream.linear.gather [hbm4b:s17+s3], $0x80, $0x38;
	[tilespmem:$0x4080] =	vst v63  }
0x17: {  	_ =	swait.ge [sflag:s11], $0x80  }
0x18: {  	[sflag:s11] =	ssyncset.done $0x0  }
0x19: {  	[sflag:s11] =	ssyncadd.s32 $0xFFFFFF80  }
0x1a: {  	[tilespmem:s12], [sflag:$0x1] =	stream.indirect.gather [hbm4b:s1+s12], $0x80, s3, s12, $0xb8;
	[tilespmem:$0x4080] =	vst v63  }
0x1b: {  	_ =	swait.ge [sflag:s13], $0x4000  }
0x1c: {  	[sflag:s13] =	ssyncset.done $0x0  }
0x1d: {  	[sflag:s13] =	ssyncadd.s32 $0xFFFFC000  }
0x1e: {  	[hbm4b:s10+s3] =	stream.linear.scatter [tilespmem:s12], [sflag:$0x2], $0x4000, $0x38;
	[tilespmem:$0x4080] =	vst v63  }
0x1f: {  	_ =	swait.ge [sflag:s11], $0x4000  }
0x20: {  	s28 =	rddreg [dreg:$0x3]  }
0x21: {  	s17 =	sor.u32 s28, s15  }
0x22: {  	s17 =	sor.u32 s16, s17  }
0x23: {  	[sflag:s11] =	ssyncset.done $0x0;
	s17 =	sshrl.u32 s17, $0x3  }
0x24: {  	[sflag:s11] =	ssyncadd.s32 $0xFFFFC000;
	s17 =	sadd.s32 s5, s17  }
0x25: {  	[tilespmem:s3], [sflag:$0x2] =	stream.linear.gather [hbm4b:s17+s3], $0x80, $0x38;
	[tilespmem:$0x4080] =	vst v63  }
0x26: {  	_ =	swait.ge [sflag:s11], $0x80  }
0x27: {  	[sflag:s11] =	ssyncset.done $0x0  }
0x28: {  	[sflag:s11] =	ssyncadd.s32 $0xFFFFFF80  }
0x29: {  	[tilespmem:s12], [sflag:$0x1] =	stream.indirect.gather [hbm4b:s1+s12], $0x80, s3, s12, $0xb8;
	[tilespmem:$0x4080] =	vst v63  }
0x2a: {  	_ =	swait.ge [sflag:s13], $0x4000  }
0x2b: {  	[sflag:s13] =	ssyncset.done $0x0  }
0x2c: {  	[sflag:s13] =	ssyncadd.s32 $0xFFFFC000  }
0x2d: {  	[hbm4b:s9+s3] =	stream.linear.scatter [tilespmem:s12], [sflag:$0x2], $0x4000, $0x38;
	[tilespmem:$0x4080] =	vst v63  }
0x2e: {  	_ =	swait.ge [sflag:s11], $0x4000  }
0x2f: {  	s29 =	rddreg [dreg:$0x4]  }
0x30: {  	s17 =	sor.u32 s29, s15  }
0x31: {  	s17 =	sor.u32 s16, s17  }
0x32: {  	[sflag:s11] =	ssyncset.done $0x0;
	s17 =	sshrl.u32 s17, $0x3  }
0x33: {  	[sflag:s11] =	ssyncadd.s32 $0xFFFFC000;
	s17 =	sadd.s32 s5, s17  }
0x34: {  	[tilespmem:s3], [sflag:$0x2] =	stream.linear.gather [hbm4b:s17+s3], $0x80, $0x38;
	[tilespmem:$0x4080] =	vst v63  }
0x35: {  	_ =	swait.ge [sflag:s11], $0x80  }
0x36: {  	[sflag:s11] =	ssyncset.done $0x0  }
0x37: {  	[sflag:s11] =	ssyncadd.s32 $0xFFFFFF80  }
0x38: {  	[tilespmem:s12], [sflag:$0x1] =	stream.indirect.gather [hbm4b:s1+s12], $0x80, s3, s12, $0xb8;
	[tilespmem:$0x4080] =	vst v63  }
0x39: {  	_ =	swait.ge [sflag:s13], $0x4000  }
0x3a: {  	[sflag:s13] =	ssyncset.done $0x0  }
0x3b: {  	[sflag:s13] =	ssyncadd.s32 $0xFFFFC000  }
0x3c: {  	[hbm4b:s8+s3] =	stream.linear.scatter [tilespmem:s12], [sflag:$0x2], $0x4000, $0x38;
	[tilespmem:$0x4080] =	vst v63  }
0x3d: {  	_ =	swait.ge [sflag:s11], $0x4000  }
0x3e: {  	s30 =	rddreg [dreg:$0x5]  }
0x3f: {  	s15 =	sor.u32 s30, s15  }
0x40: {  	s15 =	sor.u32 s16, s15  }
0x41: {  	[sflag:s11] =	ssyncset.done $0x0;
	s15 =	sshrl.u32 s15, $0x3  }
0x42: {  	[sflag:s11] =	ssyncadd.s32 $0xFFFFC000;
	s15 =	sadd.s32 s5, s15  }
0x43: {  	[tilespmem:s3], [sflag:$0x2] =	stream.linear.gather [hbm4b:s15+s3], $0x80, $0x38;
	[tilespmem:$0x4080] =	vst v63  }
0x44: {  	_ =	swait.ge [sflag:s11], $0x80  }
0x45: {  	[sflag:s11] =	ssyncset.done $0x0  }
0x46: {  	s31 =	simm.s32 $0x4000;
	[sflag:s11] =	ssyncadd.s32 $0xFFFFFF80  }
0x47: {  	[tilespmem:s12], [sflag:$0x1] =	stream.indirect.gather [hbm4b:s1+s12], $0x80, s3, s12, $0xb8;
	[tilespmem:$0x4080] =	vst v63  }
0x48: {  	s24 =	simm.s32 $0x8000;
	s19 =	sadd.s32 $0x40000, s10;
	_ =	swait.ge [sflag:s13], $0x4000  }
0x49: {  	s21 =	simm.s32 $0x80;
	s18 =	sand.u32 $0x60000, s31;
	[sflag:s13] =	ssyncset.done $0x0  }
0x4a: {  	s20 =	sand.u32 $0x380, s21;
	s17 =	sadd.s32 $0x40000, s9;
	[sflag:s13] =	ssyncadd.s32 $0xFFFFC000  }
0x4b: {  	[hbm4b:s7+s3] =	stream.linear.scatter [tilespmem:s12], [sflag:$0x2], $0x4000, $0x38;
	[tilespmem:$0x4080] =	vst v63  }
0x4c: {  	s16 =	sadd.s32 $0x40000, s8;
	s15 =	sor.u32 s4, s18;
	_ =	swait.ge [sflag:s11], $0x4000  }
0x4d: {  	s23 =	sor.u32 s20, s15;
	s15 =	sadd.s32 $0x40000, s7;
	[sflag:s11] =	ssyncset.done $0x0  }
.LBB2_2:
0x4e: {  	s25 =	sshrl.u32 s23, $0x3  }
0x4f: {  	[sflag:s11] =	ssyncadd.s32 $0xFFFFC000;
	s26 =	sadd.s32 s5, s25  }
0x50: {  	[tilespmem:s3], [sflag:$0x2] =	stream.linear.gather [hbm4b:s26+s3], $0x80, $0x38;
	[tilespmem:$0x4080] =	vst v63  }
0x51: {  	_ =	swait.ge [sflag:s11], $0x80  }
0x52: {  	[sflag:s11] =	ssyncset.done $0x0  }
0x53: {  	[sflag:s11] =	ssyncadd.s32 $0xFFFFFF80  }
0x54: {  	[tilespmem:s12], [sflag:$0x1] =	stream.indirect.gather [hbm4b:s1+s12], $0x80, s3, s12, $0xb8;
	[tilespmem:$0x4080] =	vst v63  }
0x55: {  	_ =	swait.ge [sflag:s13], $0x4000  }
0x56: {  	[sflag:s13] =	ssyncset.done $0x0  }
0x57: {  	[sflag:s13] =	ssyncadd.s32 $0xFFFFC000  }
0x58: {  	[hbm4b:s19+s3] =	stream.linear.scatter [tilespmem:s12], [sflag:$0x2], $0x4000, $0x38;
	[tilespmem:$0x4080] =	vst v63  }
0x59: {  	_ =	swait.ge [sflag:s11], $0x4000  }
0x5a: {  	s23 =	smov.u32 s24;
	s28 =	rddreg [dreg:$0x3]  }
0x5b: {  	s22 =	sadd.s32 $0x4000, s24;
	p0 =	sne.s32 s24, $0x4C000;
	s24 =	sor.u32 s28, s18  }
0x5c: {  	s24 =	sor.u32 s20, s24  }
0x5d: {  	[sflag:s11] =	ssyncset.done $0x0;
	s24 =	sshrl.u32 s24, $0x3  }
0x5e: {  	[sflag:s11] =	ssyncadd.s32 $0xFFFFC000;
	s24 =	sadd.s32 s5, s24  }
0x5f: {  	[tilespmem:s3], [sflag:$0x2] =	stream.linear.gather [hbm4b:s24+s3], $0x80, $0x38;
	[tilespmem:$0x4080] =	vst v63  }
0x60: {  	_ =	swait.ge [sflag:s11], $0x80  }
0x61: {  	[sflag:s11] =	ssyncset.done $0x0  }
0x62: {  	[sflag:s11] =	ssyncadd.s32 $0xFFFFFF80  }
0x63: {  	[tilespmem:s12], [sflag:$0x1] =	stream.indirect.gather [hbm4b:s1+s12], $0x80, s3, s12, $0xb8;
	[tilespmem:$0x4080] =	vst v63  }
0x64: {  	_ =	swait.ge [sflag:s13], $0x4000  }
0x65: {  	[sflag:s13] =	ssyncset.done $0x0  }
0x66: {  	[sflag:s13] =	ssyncadd.s32 $0xFFFFC000  }
0x67: {  	[hbm4b:s17+s3] =	stream.linear.scatter [tilespmem:s12], [sflag:$0x2], $0x4000, $0x38;
	[tilespmem:$0x4080] =	vst v63  }
0x68: {  	_ =	swait.ge [sflag:s11], $0x4000  }
0x69: {  	s29 =	rddreg [dreg:$0x4]  }
0x6a: {  	s24 =	sor.u32 s29, s18  }
0x6b: {  	s24 =	sor.u32 s20, s24  }
0x6c: {  	[sflag:s11] =	ssyncset.done $0x0;
	s24 =	sshrl.u32 s24, $0x3  }
0x6d: {  	[sflag:s11] =	ssyncadd.s32 $0xFFFFC000;
	s24 =	sadd.s32 s5, s24  }
0x6e: {  	[tilespmem:s3], [sflag:$0x2] =	stream.linear.gather [hbm4b:s24+s3], $0x80, $0x38;
	[tilespmem:$0x4080] =	vst v63  }
0x6f: {  	_ =	swait.ge [sflag:s11], $0x80  }
0x70: {  	[sflag:s11] =	ssyncset.done $0x0  }
0x71: {  	[sflag:s11] =	ssyncadd.s32 $0xFFFFFF80  }
0x72: {  	[tilespmem:s12], [sflag:$0x1] =	stream.indirect.gather [hbm4b:s1+s12], $0x80, s3, s12, $0xb8;
	[tilespmem:$0x4080] =	vst v63  }
0x73: {  	_ =	swait.ge [sflag:s13], $0x4000  }
0x74: {  	[sflag:s13] =	ssyncset.done $0x0  }
0x75: {  	[sflag:s13] =	ssyncadd.s32 $0xFFFFC000  }
0x76: {  	[hbm4b:s16+s3] =	stream.linear.scatter [tilespmem:s12], [sflag:$0x2], $0x4000, $0x38;
	[tilespmem:$0x4080] =	vst v63  }
0x77: {  	_ =	swait.ge [sflag:s11], $0x4000  }
0x78: {  	s30 =	rddreg [dreg:$0x5]  }
0x79: {  	s31 =	sor.u32 s30, s18  }
0x7a: {  	s18 =	sor.u32 s20, s31  }
0x7b: {  	[sflag:s11] =	ssyncset.done $0x0;
	s18 =	sshrl.u32 s18, $0x3  }
0x7c: {  	[sflag:s11] =	ssyncadd.s32 $0xFFFFC000;
	s18 =	sadd.s32 s5, s18  }
0x7d: {  	[tilespmem:s3], [sflag:$0x2] =	stream.linear.gather [hbm4b:s18+s3], $0x80, $0x38;
	[tilespmem:$0x4080] =	vst v63  }
0x7e: {  	_ =	swait.ge [sflag:s11], $0x80  }
0x7f: {  	[sflag:s11] =	ssyncset.done $0x0  }
0x80: {  	s21 =	sadd.s32 $0x80, s21;
	[sflag:s11] =	ssyncadd.s32 $0xFFFFFF80  }
0x81: {  	[tilespmem:s12], [sflag:$0x1] =	stream.indirect.gather [hbm4b:s1+s12], $0x80, s3, s12, $0xb8;
	[tilespmem:$0x4080] =	vst v63  }
0x82: {  	s19 =	sadd.s32 $0x40000, s19;
	s17 =	sadd.s32 $0x40000, s17;
	_ =	swait.ge [sflag:s13], $0x4000  }
.Ltmp0:
0x83: {  	s24 =	smov.u32 s22;
	[sflag:s13] =	ssyncset.done $0x0;
	(pc) =	sbr.rel @p0 .LBB2_2-.Ltmp0, $4  }
0x84: {  	s16 =	sadd.s32 $0x40000, s16;
	s18 =	sand.u32 $0x60000, s23;
	[sflag:s13] =	ssyncadd.s32 $0xFFFFC000  }
0x85: {  	[hbm4b:s15+s3] =	stream.linear.scatter [tilespmem:s12], [sflag:$0x2], $0x4000, $0x38;
	[tilespmem:$0x4080] =	vst v63  }
0x86: {  	s20 =	sand.u32 $0x380, s21;
	s23 =	sor.u32 s4, s18;
	_ =	swait.ge [sflag:s11], $0x4000  }
0x87: {  	s23 =	sor.u32 s20, s23;
	s15 =	sadd.s32 $0x40000, s15;
	[sflag:s11] =	ssyncset.done $0x0  }
0x88: {  	s21 =	sshrl.u32 s23, $0x3  }
0x89: {  	[sflag:s11] =	ssyncadd.s32 $0xFFFFC000;
	s21 =	sadd.s32 s5, s21  }
0x8a: {  	[tilespmem:s3], [sflag:$0x2] =	stream.linear.gather [hbm4b:s21+s3], $0x80, $0x38;
	[tilespmem:$0x4080] =	vst v63  }
0x8b: {  	_ =	swait.ge [sflag:s11], $0x80  }
0x8c: {  	[sflag:s11] =	ssyncset.done $0x0  }
0x8d: {  	[sflag:s11] =	ssyncadd.s32 $0xFFFFFF80  }
0x8e: {  	[tilespmem:s12], [sflag:$0x1] =	stream.indirect.gather [hbm4b:s1+s12], $0x80, s3, s12, $0xb8;
	[tilespmem:$0x4080] =	vst v63  }
0x8f: {  	_ =	swait.ge [sflag:s13], $0x4000  }
0x90: {  	[sflag:s13] =	ssyncset.done $0x0  }
0x91: {  	[sflag:s13] =	ssyncadd.s32 $0xFFFFC000  }
0x92: {  	[hbm4b:s19+s3] =	stream.linear.scatter [tilespmem:s12], [sflag:$0x2], $0x4000, $0x38;
	[tilespmem:$0x4080] =	vst v63  }
0x93: {  	_ =	swait.ge [sflag:s11], $0x4000  }
0x94: {  	s29 =	rddreg [dreg:$0x3]  }
0x95: {  	s19 =	sor.u32 s29, s18  }
0x96: {  	s19 =	sor.u32 s20, s19  }
0x97: {  	[sflag:s11] =	ssyncset.done $0x0;
	s19 =	sshrl.u32 s19, $0x3  }
0x98: {  	[sflag:s11] =	ssyncadd.s32 $0xFFFFC000;
	s19 =	sadd.s32 s5, s19  }
0x99: {  	[tilespmem:s3], [sflag:$0x2] =	stream.linear.gather [hbm4b:s19+s3], $0x80, $0x38;
	[tilespmem:$0x4080] =	vst v63  }
0x9a: {  	_ =	swait.ge [sflag:s11], $0x80  }
0x9b: {  	[sflag:s11] =	ssyncset.done $0x0  }
0x9c: {  	[sflag:s11] =	ssyncadd.s32 $0xFFFFFF80  }
0x9d: {  	[tilespmem:s12], [sflag:$0x1] =	stream.indirect.gather [hbm4b:s1+s12], $0x80, s3, s12, $0xb8;
	[tilespmem:$0x4080] =	vst v63  }
0x9e: {  	_ =	swait.ge [sflag:s13], $0x4000  }
0x9f: {  	[sflag:s13] =	ssyncset.done $0x0  }
0xa0: {  	[sflag:s13] =	ssyncadd.s32 $0xFFFFC000  }
0xa1: {  	[hbm4b:s17+s3] =	stream.linear.scatter [tilespmem:s12], [sflag:$0x2], $0x4000, $0x38;
	[tilespmem:$0x4080] =	vst v63  }
0xa2: {  	_ =	swait.ge [sflag:s11], $0x4000  }
0xa3: {  	s30 =	rddreg [dreg:$0x4]  }
0xa4: {  	s17 =	sor.u32 s30, s18  }
0xa5: {  	s17 =	sor.u32 s20, s17  }
0xa6: {  	[sflag:s11] =	ssyncset.done $0x0;
	s17 =	sshrl.u32 s17, $0x3  }
0xa7: {  	[sflag:s11] =	ssyncadd.s32 $0xFFFFC000;
	s17 =	sadd.s32 s5, s17  }
0xa8: {  	[tilespmem:s3], [sflag:$0x2] =	stream.linear.gather [hbm4b:s17+s3], $0x80, $0x38;
	[tilespmem:$0x4080] =	vst v63  }
0xa9: {  	_ =	swait.ge [sflag:s11], $0x80  }
0xaa: {  	[sflag:s11] =	ssyncset.done $0x0  }
0xab: {  	[sflag:s11] =	ssyncadd.s32 $0xFFFFFF80  }
0xac: {  	[tilespmem:s12], [sflag:$0x1] =	stream.indirect.gather [hbm4b:s1+s12], $0x80, s3, s12, $0xb8;
	[tilespmem:$0x4080] =	vst v63  }
0xad: {  	_ =	swait.ge [sflag:s13], $0x4000  }
0xae: {  	[sflag:s13] =	ssyncset.done $0x0  }
0xaf: {  	[sflag:s13] =	ssyncadd.s32 $0xFFFFC000  }
0xb0: {  	[hbm4b:s16+s3] =	stream.linear.scatter [tilespmem:s12], [sflag:$0x2], $0x4000, $0x38;
	[tilespmem:$0x4080] =	vst v63  }
0xb1: {  	_ =	swait.ge [sflag:s11], $0x4000  }
0xb2: {  	s31 =	rddreg [dreg:$0x5]  }
0xb3: {  	s16 =	sor.u32 s31, s18  }
0xb4: {  	s16 =	sor.u32 s20, s16  }
0xb5: {  	[sflag:s11] =	ssyncset.done $0x0;
	s16 =	sshrl.u32 s16, $0x3  }
0xb6: {  	[sflag:s11] =	ssyncadd.s32 $0xFFFFC000;
	s16 =	sadd.s32 s5, s16  }
0xb7: {  	[tilespmem:s3], [sflag:$0x2] =	stream.linear.gather [hbm4b:s16+s3], $0x80, $0x38;
	[tilespmem:$0x4080] =	vst v63  }
0xb8: {  	_ =	swait.ge [sflag:s11], $0x80  }
0xb9: {  	[sflag:s11] =	ssyncset.done $0x0  }
0xba: {  	[sflag:s11] =	ssyncadd.s32 $0xFFFFFF80  }
0xbb: {  	[tilespmem:s12], [sflag:$0x1] =	stream.indirect.gather [hbm4b:s1+s12], $0x80, s3, s12, $0xb8;
	[tilespmem:$0x4080] =	vst v63  }
0xbc: {  	s14 =	sadd.s32 $0x1, s14;
	_ =	swait.ge [sflag:s13], $0x4000  }
0xbd: {  	p0 =	sne.s32 s14, s6;
	[sflag:s13] =	ssyncset.done $0x0  }
.Ltmp1:
0xbe: {  	[sflag:s13] =	ssyncadd.s32 $0xFFFFC000;
	(pc) =	sbr.rel @p0 .LBB2_1-.Ltmp1, $4  }
0xbf: {  	[hbm4b:s15+s3] =	stream.linear.scatter [tilespmem:s12], [sflag:$0x2], $0x4000, $0x38;
	[tilespmem:$0x4080] =	vst v63  }
0xc0: {  	_ =	swait.ge [sflag:s11], $0x4000  }
0xc1: {  	[sflag:s11] =	ssyncset.done $0x0  }
0xc2: {  	[sflag:s11] =	ssyncadd.s32 $0xFFFFC000  }
0xc3: {  	_ =	sfence.sel $0x180000  }
0xc4: {  	[bflag:$0x0] =	sbarrier.arrive $0xFFFF  }
0xc5: {  	p0 =	sne.s32 s2, $0x0;
	_ =	strace $0x9000004D  }
0xc6: {  	s0 =	sadd.s32 @!p0 $0x100000, s0;
	[bflag:$0x2] =	sbarrier.arrive $0xFFFF  }
0xc7: {  	[sflag:s0] =	ssyncadd.tile.s32 @!p0 $0x1;
	_ =	shalt  }
.Lfunc_end2:
_tile_overlayer_lowered:
.L_overlay_start_2:
0xc8: {  	(tag) =	ssettag $0x2  }
0xc9: {  	s0 =	rddreg [dreg:$0x0];
	s2 =	stileid.u32  }
0xca: {  	s1 =	rddreg [dreg:$0x1];
	p0 =	sne.s32 s2, $0x0  }
0xcb: {  	s3 =	rddreg [dreg:$0x2];
	[bflag:$0x3] =	sbarrier.arrive $0xFFFF;
	s2 =	simm.s32 @!p0 $0x1C02  }
0xcc: {  	[timem:s3], [sflag:s2] =	dma.local @!p0 [hbm:s0], s1  }
0xcd: {  	s0 =	simm.s32 @!p0 $0x2  }
0xce: {  	_ =	swait.ge @!p0 [sflag:s0], s1  }
0xcf: {  	s1 =	ssub.s32 @!p0 $0x0, s1;
	[sflag:s0] =	ssyncset.done @!p0 $0x0  }
0xd0: {  	[sflag:s0] =	ssyncadd.s32 @!p0 s1  }
0xd1: {  	[bflag:$0x3] =	sbarrier.arrive $0xFFFF  }
0xd2: {  	_ =	shalt  }

// kernel: kernel.30.cloned.1.call-start
scs
__scs_entry_jumppad:
0x0: {  	(pc) =	sbr.rel $0x88, $3  }
0x1: {  	(tag) =	ssettag $0x0;
	lr =	simm.s32 $0x1  }
0x2: {  	[smem:$0x3F91] =	sst lr;
	_ =	strace $0xD0000000  }
0x3: {  	_ = 	snop  }
0x4: {  	_ = 	snop  }
0x5: {  	_ = 	snop  }
0x6: {  	_ = 	snop  }
0x7: {  	_ = 	snop  }
__scs_overlays_trampoline_lowered:
0x8: {  	[smem:$0x3FA0] =	sst s0  }
0x9: {  	[smem:$0x3FA1] =	sst s1  }
0xa: {  	[smem:$0x3FA2] =	sst s2  }
0xb: {  	[smem:$0x3FA3] =	sst s3  }
0xc: {  	[smem:$0x3FA4] =	sst s4  }
0xd: {  	[smem:$0x3FA5] =	sst s5  }
0xe: {  	[smem:$0x3FA6] =	sst s6  }
0xf: {  	[smem:$0x3FA7] =	sst s7  }
0x10: {  	[smem:$0x3FA8] =	sst s8  }
0x11: {  	[smem:$0x3FA9] =	sst s9;
	s0 =	simm.s32 @!p0 $0x0  }
0x12: {  	s1 =	sld [smem:$0x3F8F];
	s0 =	simm.s32 @p0 $0x1  }
0x13: {  	[smem:$0x3FAA] =	sst s0;
	s0 =	simm.s32 @!p1 $0x0  }
0x14: {  	s2 =	sld [smem:$0x3F8E];
	s0 =	simm.s32 @p1 $0x1  }
0x15: {  	[smem:$0x3FAB] =	sst s0;
	s0 =	simm.s32 @!p2 $0x0  }
0x16: {  	s3 =	sld [smem:$0x3FDB];
	s0 =	simm.s32 @p2 $0x1  }
0x17: {  	s4 =	simm.s32 $0x1BF5;
	[smem:$0x3FAD] =	sst s0  }
0x18: {  	s0 =	sld [smem:$0x3F90];
	_ =	swait.ge [sflag:s4], $0x0  }
0x19: {  	s7 =	sld [smem:$0x3F91]  }
0x1a: {  	s8 =	sadd.s32 $0xFFFFE003, lr  }
0x1b: {  	s9 =	sadd.s32 $0xFFFFFEF7, lr;
	s5 =	simm.s32 $0xFFFFFFFF;
	p2 =	slt.u32 s8, $0xFFFFF086  }
0x1c: {  	p1 =	slt.u32 s9, $0xF7A;
	s5 =	simm.s32 @!p2 $0x0  }
0x1d: {  	s5 =	simm.s32 @p1 $0x1;
	p0 =	seq.s32 s7, s2  }
0x1e: {  	s7 =	smul.u32 @!p0 $0xF7A, s2;
	p2 =	seq.s32 @!p0 s5, $0x0  }
0x1f: {  	s9 =	smul.u32 $0xF7A, s1;
	s8 =	simm.s32 @!p0 $0x1BF5;
	p2 =	por !p2, p0  }
0x20: {  	[sflag:s8] =	ssyncset.s32 @!p0 $0xFFFFF086;
	s6 =	sadd.s32 @!p0 s3, s7;
	s7 =	simm.s32 @!p0 $0x108  }
0x21: {  	s3 =	sadd.s32 s3, s9;
	s6 =	sadd.s32 @!p0 $0x88, s6;
	s7 =	simm.s32 @p2 $0x1082  }
0x22: {  	[simem:s7], [sflag:s8] =	dma.local @!p0 [hbm:s6], $0xF7A  }
0x23: {  	s9 =	sor.u32 $0xD0000000, s2;
	s6 =	simm.s32 $0x108;
	_ =	swait.ge @!p0 [sflag:s8], $0x0  }
0x24: {  	s3 =	sadd.s32 $0x88, s3;
	s6 =	simm.s32 @!p1 $0x1082;
	[sflag:s4] =	ssyncset.s32 $0xFFFFF086  }
0x25: {  	[simem:s6], [sflag:s4] =	dma.local [hbm:s3], $0xF7A  }
0x26: {  	[smem:$0x3F91] =	sst s1;
	(tag) =	ssettag s2;
	_ =	strace s9  }
0x27: {  	s1 =	sld [smem:$0x3FA1]  }
0x28: {  	s2 =	sld [smem:$0x3FA2]  }
0x29: {  	s4 =	sld [smem:$0x3FA4]  }
0x2a: {  	p0 =	seq.s32 s5, $0x0;
	s5 =	sld [smem:$0x3FA5]  }
0x2b: {  	s6 =	sld [smem:$0x3FA6]  }
0x2c: {  	s7 =	sld [smem:$0x3FA7]  }
0x2d: {  	s3 =	simm.s32 $0x108;
	s8 =	sld [smem:$0x3FA8]  }
0x2e: {  	s3 =	simm.s32 @!p0 $0x1082;
	s9 =	sld [smem:$0x3FA9]  }
0x2f: {  	lr =	sadd.s32 s0, s3;
	s0 =	sld [smem:$0x3FA0]  }
0x30: {  	s3 =	sld [smem:$0x3FA3]  }
0x31: {  	[smem:$0x3FAC] =	sst s10  }
0x32: {  	s10 =	sld [smem:$0x3FAA];
	_ =	sdelay $0x3  }
0x33: {  	p0 =	seq.s32 s10, $0x1;
	s10 =	sld [smem:$0x3FAC];
	_ =	sdelay $0x3  }
0x34: {  	[smem:$0x3FAC] =	sst s10  }
0x35: {  	s10 =	sld [smem:$0x3FAB];
	_ =	sdelay $0x3  }
0x36: {  	p1 =	seq.s32 s10, $0x1;
	s10 =	sld [smem:$0x3FAC];
	_ =	sdelay $0x3  }
0x37: {  	[smem:$0x3FAC] =	sst s10  }
0x38: {  	s10 =	sld [smem:$0x3FAD]  }
0x39: {  	_ = 	snop;
	(pc) =	sbr.ind lr, $3  }
0x3a: {  	_ = 	snop  }
0x3b: {  	_ = 	snop  }
0x3c: {  	p2 =	seq.s32 s10, $0x1;
	s10 =	sld [smem:$0x3FAC]  }
0x3d: {  	_ =	shalt  }
0x3e: {  	_ =	shalt  }
0x3f: {  	_ =	shalt  }
0x40: {  	_ =	shalt  }
0x41: {  	_ =	shalt  }
0x42: {  	_ =	shalt  }
0x43: {  	_ =	shalt  }
0x44: {  	_ =	shalt  }
0x45: {  	_ =	shalt  }
0x46: {  	_ =	shalt  }
0x47: {  	_ =	shalt  }
0x48: {  	_ =	shalt  }
0x49: {  	_ =	shalt  }
0x4a: {  	_ =	shalt  }
0x4b: {  	_ =	shalt  }
0x4c: {  	_ =	shalt  }
0x4d: {  	_ =	shalt  }
0x4e: {  	_ =	shalt  }
0x4f: {  	_ =	shalt  }
0x50: {  	_ =	shalt  }
0x51: {  	_ =	shalt  }
0x52: {  	_ =	shalt  }
0x53: {  	_ =	shalt  }
0x54: {  	_ =	shalt  }
0x55: {  	_ =	shalt  }
0x56: {  	_ =	shalt  }
0x57: {  	_ =	shalt  }
0x58: {  	_ =	shalt  }
0x59: {  	_ =	shalt  }
0x5a: {  	_ =	shalt  }
0x5b: {  	_ =	shalt  }
0x5c: {  	_ =	shalt  }
0x5d: {  	_ =	shalt  }
0x5e: {  	_ =	shalt  }
0x5f: {  	_ =	shalt  }
0x60: {  	_ =	shalt  }
0x61: {  	_ =	shalt  }
0x62: {  	_ =	shalt  }
0x63: {  	_ =	shalt  }
0x64: {  	_ =	shalt  }
0x65: {  	_ =	shalt  }
0x66: {  	_ =	shalt  }
0x67: {  	_ =	shalt  }
0x68: {  	_ =	shalt  }
0x69: {  	_ =	shalt  }
0x6a: {  	_ =	shalt  }
0x6b: {  	_ =	shalt  }
0x6c: {  	_ =	shalt  }
0x6d: {  	_ =	shalt  }
0x6e: {  	_ =	shalt  }
0x6f: {  	_ =	shalt  }
0x70: {  	_ =	shalt  }
0x71: {  	_ =	shalt  }
0x72: {  	_ =	shalt  }
0x73: {  	_ =	shalt  }
0x74: {  	_ =	shalt  }
0x75: {  	_ =	shalt  }
0x76: {  	_ =	shalt  }
0x77: {  	_ =	shalt  }
0x78: {  	_ =	shalt  }
0x79: {  	_ =	shalt  }
0x7a: {  	_ =	shalt  }
0x7b: {  	_ =	shalt  }
0x7c: {  	_ =	shalt  }
0x7d: {  	_ =	shalt  }
0x7e: {  	_ =	shalt  }
0x7f: {  	_ =	shalt  }
0x80: {  	_ =	shalt  }
0x81: {  	_ =	shalt  }
0x82: {  	_ =	shalt  }
0x83: {  	_ =	shalt  }
0x84: {  	_ =	shalt  }
0x85: {  	_ =	shalt  }
0x86: {  	_ =	shalt  }
0x87: {  	_ =	shalt  }
.Lfunc_end0:
.L_simem_size_0:
called_computation.4_lowered:
.L_overlay_start_0:
0x88: {  	s2 =	sld [smem:$0x3FD9]  }
0x89: {  	s3 =	sld [smem:$0x3FFE];
	_ =	sdelay $0x1  }
0x8a: {  	s1 =	srdreg.scid  }
0x8b: {  	s0 =	sand.u32 $0x1, s1  }
0x8c: {  	s17 =	sshll.u32 s0, $0xA;
	s2 =	sadd.s32 s3, s2  }
0x8d: {  	s2 =	sadd.s32 s2, s17  }
0x8e: {  	[smem:$0x3FB8] =	sst s2  }
0x8f: {  	_ = 	snop  }
0x90: {  	s2 =	sld [smem:$0x3FD0];
	(tm) =	ssettm $0x1  }
0x91: {  	s18 =	sld [smem:$0x3FFB];
	_ =	sdelay $0x3  }
0x92: {  	_ =	strace s18  }
0x93: {  	s3 =	sld [smem:$0x3FFC];
	_ =	sdelay $0x3  }
0x94: {  	_ =	strace s3  }
0x95: {  	s3 =	sld [smem:$0x3FFD];
	_ =	sdelay $0x3  }
0x96: {  	_ =	strace s3  }
0x97: {  	_ =	strace $0x8FFFFFFF  }
0x98: {  	s19 =	sld [smem:$0x3FDB];
	_ =	sdelay $0x1  }
0x99: {  	s4 =	simm.s32 $_scs_section_size  }
0x9a: {  	s5 =	simm.s32 $_size__tile_overlayer_lowered;
	s6 =	simm.s32 $_tile_overlayer_lowered  }
0x9b: {  	s22 =	simm.s32 $0x1BFF;
	s21 =	sshll.u32 s6, $0x1;
	s3 =	sadd.s32 s4, s19  }
0x9c: {  	s7 =	simm.s32 $0x0;
	s20 =	sshll.u32 s5, $0x1;
	s5 =	sadd.s32 s21, s3  }
0x9d: {  	[timem:s7], [sflag:s22] =	dma.local [hbm:s5], s20  }
0x9e: {  	_ =	swait.ge [sflag:s22], s20  }
0x9f: {  	s4 =	ssub.s32 $0x0, s20;
	[sflag:s22] =	ssyncset.done $0x0  }
0xa0: {  	[sflag:s22] =	ssyncadd.s32 s4;
	_ =	sdelay $0x1  }
0xa1: {  	s23 =	simm.s32 $0x1B8B  }
0xa2: {  	_ =	swait.ge [sflag:s23], $0x1  }
0xa3: {  	[sflag:s23] =	ssyncset.done $0x0  }
0xa4: {  	s25 =	simm.s32 $0x1B8E;
	s24 =	sld [smem:$0x3FFE];
	[sflag:s23] =	ssyncadd.s32 $0xFFFFFFFF  }
0xa5: {  	s26 =	simm.s32 $execute0_lowered;
	[smem:$0x3FD2] =	sst s25  }
0xa6: {  	s5 =	sshll.u32 s26, $0x1;
	_ =	strace $0x8000004F;
	[dreg:$0x1] =	wrdreg $0xFFFFFFFF  }
0xa7: {  	s28 =	simm.s32 $_size_execute0_lowered;
	s3 =	sadd.s32 s3, s5;
	[dreg:$0x0] =	wrdreg $0x0  }
0xa8: {  	s5 =	sshll.u32 s28, $0x1;
	[dreg:$0x2] =	wrdreg s3  }
0xa9: {  	[dreg:$0x3] =	wrdreg s5  }
0xaa: {  	[dreg:$0x4] =	wrdreg $0xC0  }
0xab: {  	_ =	task [dreg:s7], $0x5FFFF  }
0xac: {  	[dreg:$0x1] =	wrdreg $0xFFFFFFFF  }
0xad: {  	[dreg:$0x0] =	wrdreg $0x60  }
0xae: {  	[dreg:$0x2] =	wrdreg s2  }
0xaf: {  	[dreg:$0x3] =	wrdreg s24  }
0xb0: {  	[dreg:$0x4] =	wrdreg $0x9  }
0xb1: {  	_ =	task.clear_ibuf [dreg:s7], $0x5FFFF;
	_ =	strace $0x9000004F  }
0xb2: {  	s29 =	simm.s32 $0x9;
	_ =	strace $0x80000051  }
0xb3: {  	_ =	swait.ge [sflag:s29], $0x1  }
0xb4: {  	[sflag:s29] =	ssyncadd.s32 $0xFFFFFFFF  }
0xb5: {  	_ =	strace $0x90000051  }
0xb6: {  	_ =	sfence  }
0xb7: {  	s30 =	sld [smem:$0x0];
	_ =	sdelay $0x2  }
0xb8: {  	s31 =	sshll.u32 s1, $0xD;
	s1 =	sshrl.u32 s1, $0x2  }
0xb9: {  	s3 =	sand.u32 $0x4000, s31;
	s1 =	sadd.s32 s1, s30  }
0xba: {  	s0 =	sor.u32 s3, s0;
	s1 =	sshll.u32 s1, $0x11  }
0xbb: {  	s0 =	sor.u32 s1, s0  }
0xbc: {  	s0 =	sadd.s32 $0x8F2B, s0  }
0xbd: {  	[sflag:s0] =	ssyncadd.remote.s32 $0x1  }
0xbe: {  	_ =	sfence.sel $0xFFFF  }
0xbf: {  	[dreg:$0x0] =	wrdreg $0xFFFFFFFF;
	(pc) =	sbr.abs _section_cstart, $3  }
0xc0: {  	[dreg:$0x1] =	wrdreg $0xFFFFFFFF  }
0xc1: {  	_ =	task.clear_ibuf [dreg:s7], $0x2FFFF;
	_ =	strace $0x9FFFFFFF  }
0xc2: {  	(tm) =	ssettm $0x7FFFFFFF  }
0xc3: {  	_ =	shalt  }
tec
execute0_lowered:
.L_overlay_start_1:
0x0: {  	(tag) =	ssettag $0x1  }
0x1: {  	s1 =	rddreg [dreg:$0x0]  }
0x2: {  	s0 =	rddreg [dreg:$0x1];
	s2 =	srdreg.scid;
	s3 =	simm.s32 $0x0  }
0x3: {  	s9 =	stileid.u32;
	s11 =	simm.s32 $0x2;
	s12 =	simm.s32 $0x80  }
0x4: {  	s13 =	simm.s32 $0x880;
	s14 =	simm.s32 $0x1080;
	s15 =	simm.s32 $0x1880  }
0x5: {  	s16 =	simm.s32 $0x2080;
	s17 =	simm.s32 $0x2880;
	s18 =	simm.s32 $0x3080  }
0x6: {  	s19 =	simm.s32 $0x3880;
	s20 =	simm.s32 $0x4080;
	s28 =	simm.s32 $0x7880  }
0x7: {  	s29 =	simm.s32 $0x1;
	s2 =	sand.u32 $0x1, s2;
	[smem:$0x7FF] =	sst s3  }
0x8: {  	s4 =	sshll.u32 s9, $0xD;
	s9 =	sshll.u32 s9, $0x12;
	s5 =	sshll.u32 s2, $0xC  }
0x9: {  	_ =	strace $0x80000050;
	s6 =	ssub.s32 $0x2, s2;
	s2 =	sshll.u32 s2, $0x11  }
0xa: {  	s4 =	sor.u32 s5, s4;
	s5 =	sadd.s32 $0x146C00, s0;
	s0 =	sadd.s32 $0x152C00, s0  }
0xb: {  	s8 =	sshrl.u32 s6, $0x1;
	s2 =	sor.u32 s2, s9;
	s7 =	sor.u32 $0x400, s4  }
0xc: {  	s21 =	sor.u32 $0x800, s4;
	s22 =	sor.u32 $0xC00, s4;
	s6 =	ssub.s32 s6, s8  }
0xd: {  	s23 =	sor.u32 $0x18000, s2;
	s25 =	sor.u32 $0x10000, s2;
	[dreg:$0x3] =	wrdreg s7  }
0xe: {  	s30 =	sor.u32 $0x8000, s2;
	s2 =	sshrl.u32 s2, $0x3;
	[dreg:$0x4] =	wrdreg s21  }
0xf: {  	[dreg:$0x5] =	wrdreg s22;
	s6 =	smax.u32 s6, $0x1;
	s24 =	sshrl.u32 s23, $0x3  }
0x10: {  	s26 =	sshrl.u32 s25, $0x3;
	s31 =	sshrl.u32 s30, $0x3;
	s21 =	simm.s32 $0x4880  }
0x11: {  	s22 =	simm.s32 $0x5080;
	[dreg:$0x6] =	wrdreg s6;
	s6 =	sadd.s32 s24, s0  }
0x12: {  	s23 =	simm.s32 $0x5880;
	[dreg:$0x7] =	wrdreg s6;
	s6 =	sadd.s32 s26, s0  }
0x13: {  	v2 =	vlaneseq.u32;
	s25 =	simm.s32 $0x6880;
	[dreg:$0x8] =	wrdreg s6;
	s6 =	sadd.s32 s31, s0  }
0x14: {  	vm0 =	vmmov $0xffff;
	v1 =	vshrl.u32 v2, $0x3;
	s24 =	simm.s32 $0x6080;
	s0 =	sadd.s32 s2, s0;
	[dreg:$0x9] =	wrdreg s6  }
0x15: {  	v0 =	vand.u32 $0x7, v2;
	v2 =	vor.u32 $0x8, v2;
	v1 =	vmul.u32 $0x8, v1;
	s26 =	simm.s32 $0x7080;
	s2 =	simm.s32 $0x0;
	[dreg:$0xa] =	wrdreg s0  }
.LBB2_1:
0x16: {  	[dreg:$0xb] =	wrdreg s2  }
0x17: {  	s10 =	rddreg [dreg:$0xa]  }
0x18: {  	s9 =	rddreg [dreg:$0x9]  }
0x19: {  	s8 =	rddreg [dreg:$0x8]  }
0x1a: {  	s31 =	simm.s32 $0x0;
	s7 =	rddreg [dreg:$0x7];
	s6 =	simm.s32 $0x0  }
.LBB2_2:
0x1b: {  	s2 =	sand.u32 $0x60000, s6  }
0x1c: {  	s0 =	sand.u32 $0x380, s31;
	s30 =	sor.u32 s4, s2  }
0x1d: {  	s30 =	sor.u32 s0, s30  }
0x1e: {  	s30 =	sshrl.u32 s30, $0x3  }
0x1f: {  	s30 =	sadd.s32 s5, s30  }
0x20: {  	[tilespmem:s3], [sflag:$0x2] =	stream.linear.gather [hbm4b:s30+s3], $0x80, $0x38;
	[tilespmem:$0x8080] =	vst v63  }
0x21: {  	_ =	swait.ge [sflag:s11], $0x80  }
0x22: {  	[sflag:s11] =	ssyncset.done $0x0  }
0x23: {  	[sflag:s11] =	ssyncadd.s32 $0xFFFFFF80  }
0x24: {  	v3 =	vld [tilespmem:$0x0];
	_ =	sdelay $0x4  }
0x25: {  	v4 =	vshll.u32 v3, $0x1  }
0x26: {  	v3 =	vand.u32 $0x7, v3;
	v4 =	vand.u32 $0xFFFFFFF0, v4  }
0x27: {  	v3 =	vor.u32 v3, v4  }
0x28: {  	v4 =	vperm.xlane v3, v0;
	_ =	sdelay $0x1  }
0x29: {  	v3 =	vperm.xlane v3, v2;
	v4 =	vadd.s32 v1, v4;
	_ =	sdelay $0x1  }
0x2a: {  	v3 =	vadd.s32 v1, v3;
	_ =	sdelay $0x2  }
0x2b: {  	[tilespmem:s12], [sflag:$0x1] =	stream.indirect_vreg.gather [hbm4b:s1+s3], $0x80, v4, vm0, $0xb8;
	[tilespmem:$0x8080] =	vst v63  }
0x2c: {  	_ = 	snop  }
0x2d: {  	[tilespmem:s13], [sflag:$0x1] =	stream.indirect_vreg.gather [hbm4b:s1+s3], $0x80, v3, vm0, $0xb8;
	[tilespmem:$0x8080] =	vst v63  }
0x2e: {  	v3 =	vld [tilespmem:$0x10];
	_ =	sdelay $0x4  }
0x2f: {  	v33 =	vshll.u32 v3, $0x1  }
0x30: {  	v3 =	vand.u32 $0x7, v3;
	v4 =	vand.u32 $0xFFFFFFF0, v33  }
0x31: {  	v3 =	vor.u32 v3, v4  }
0x32: {  	v4 =	vperm.xlane v3, v0;
	_ =	sdelay $0x1  }
0x33: {  	v3 =	vperm.xlane v3, v2;
	v4 =	vadd.s32 v1, v4;
	_ =	sdelay $0x1  }
0x34: {  	v3 =	vadd.s32 v1, v3;
	_ =	sdelay $0x2  }
0x35: {  	[tilespmem:s14], [sflag:$0x1] =	stream.indirect_vreg.gather [hbm4b:s1+s3], $0x80, v4, vm0, $0xb8;
	[tilespmem:$0x8080] =	vst v63  }
0x36: {  	_ = 	snop  }
0x37: {  	[tilespmem:s15], [sflag:$0x1] =	stream.indirect_vreg.gather [hbm4b:s1+s3], $0x80, v3, vm0, $0xb8;
	[tilespmem:$0x8080] =	vst v63  }
0x38: {  	v3 =	vld [tilespmem:$0x20];
	_ =	sdelay $0x4  }
0x39: {  	v34 =	vshll.u32 v3, $0x1  }
0x3a: {  	v3 =	vand.u32 $0x7, v3;
	v4 =	vand.u32 $0xFFFFFFF0, v34  }
0x3b: {  	v3 =	vor.u32 v3, v4  }
0x3c: {  	v4 =	vperm.xlane v3, v0;
	_ =	sdelay $0x1  }
0x3d: {  	v3 =	vperm.xlane v3, v2;
	v4 =	vadd.s32 v1, v4;
	_ =	sdelay $0x1  }
0x3e: {  	v3 =	vadd.s32 v1, v3;
	_ =	sdelay $0x2  }
0x3f: {  	[tilespmem:s16], [sflag:$0x1] =	stream.indirect_vreg.gather [hbm4b:s1+s3], $0x80, v4, vm0, $0xb8;
	[tilespmem:$0x8080] =	vst v63  }
0x40: {  	_ = 	snop  }
0x41: {  	[tilespmem:s17], [sflag:$0x1] =	stream.indirect_vreg.gather [hbm4b:s1+s3], $0x80, v3, vm0, $0xb8;
	[tilespmem:$0x8080] =	vst v63  }
0x42: {  	v3 =	vld [tilespmem:$0x30];
	_ =	sdelay $0x4  }
0x43: {  	v35 =	vshll.u32 v3, $0x1  }
0x44: {  	v3 =	vand.u32 $0x7, v3;
	v4 =	vand.u32 $0xFFFFFFF0, v35  }
0x45: {  	v3 =	vor.u32 v3, v4  }
0x46: {  	v4 =	vperm.xlane v3, v0;
	_ =	sdelay $0x1  }
0x47: {  	v3 =	vperm.xlane v3, v2;
	v4 =	vadd.s32 v1, v4;
	_ =	sdelay $0x1  }
0x48: {  	v3 =	vadd.s32 v1, v3;
	_ =	sdelay $0x2  }
0x49: {  	[tilespmem:s18], [sflag:$0x1] =	stream.indirect_vreg.gather [hbm4b:s1+s3], $0x80, v4, vm0, $0xb8;
	[tilespmem:$0x8080] =	vst v63  }
0x4a: {  	_ = 	snop  }
0x4b: {  	[tilespmem:s19], [sflag:$0x1] =	stream.indirect_vreg.gather [hbm4b:s1+s3], $0x80, v3, vm0, $0xb8;
	[tilespmem:$0x8080] =	vst v63  }
0x4c: {  	v3 =	vld [tilespmem:$0x40];
	_ =	sdelay $0x4  }
0x4d: {  	v36 =	vshll.u32 v3, $0x1  }
0x4e: {  	v3 =	vand.u32 $0x7, v3;
	v4 =	vand.u32 $0xFFFFFFF0, v36  }
0x4f: {  	v3 =	vor.u32 v3, v4  }
0x50: {  	v4 =	vperm.xlane v3, v0;
	_ =	sdelay $0x1  }
0x51: {  	v3 =	vperm.xlane v3, v2;
	v4 =	vadd.s32 v1, v4;
	_ =	sdelay $0x1  }
0x52: {  	v3 =	vadd.s32 v1, v3;
	_ =	sdelay $0x2  }
0x53: {  	[tilespmem:s20], [sflag:$0x1] =	stream.indirect_vreg.gather [hbm4b:s1+s3], $0x80, v4, vm0, $0xb8;
	[tilespmem:$0x8080] =	vst v63  }
0x54: {  	_ = 	snop  }
0x55: {  	[tilespmem:s21], [sflag:$0x1] =	stream.indirect_vreg.gather [hbm4b:s1+s3], $0x80, v3, vm0, $0xb8;
	[tilespmem:$0x8080] =	vst v63  }
0x56: {  	v3 =	vld [tilespmem:$0x50];
	_ =	sdelay $0x4  }
0x57: {  	v37 =	vshll.u32 v3, $0x1  }
0x58: {  	v3 =	vand.u32 $0x7, v3;
	v4 =	vand.u32 $0xFFFFFFF0, v37  }
0x59: {  	v3 =	vor.u32 v3, v4  }
0x5a: {  	v4 =	vperm.xlane v3, v0;
	_ =	sdelay $0x1  }
0x5b: {  	v3 =	vperm.xlane v3, v2;
	v4 =	vadd.s32 v1, v4;
	_ =	sdelay $0x1  }
0x5c: {  	v3 =	vadd.s32 v1, v3;
	_ =	sdelay $0x2  }
0x5d: {  	[tilespmem:s22], [sflag:$0x1] =	stream.indirect_vreg.gather [hbm4b:s1+s3], $0x80, v4, vm0, $0xb8;
	[tilespmem:$0x8080] =	vst v63  }
0x5e: {  	_ = 	snop  }
0x5f: {  	[tilespmem:s23], [sflag:$0x1] =	stream.indirect_vreg.gather [hbm4b:s1+s3], $0x80, v3, vm0, $0xb8;
	[tilespmem:$0x8080] =	vst v63  }
0x60: {  	v3 =	vld [tilespmem:$0x60];
	_ =	sdelay $0x4  }
0x61: {  	v38 =	vshll.u32 v3, $0x1  }
0x62: {  	v3 =	vand.u32 $0x7, v3;
	v4 =	vand.u32 $0xFFFFFFF0, v38  }
0x63: {  	v3 =	vor.u32 v3, v4  }
0x64: {  	v4 =	vperm.xlane v3, v0;
	_ =	sdelay $0x1  }
0x65: {  	v3 =	vperm.xlane v3, v2;
	v4 =	vadd.s32 v1, v4;
	_ =	sdelay $0x1  }
0x66: {  	v3 =	vadd.s32 v1, v3;
	_ =	sdelay $0x2  }
0x67: {  	[tilespmem:s24], [sflag:$0x1] =	stream.indirect_vreg.gather [hbm4b:s1+s3], $0x80, v4, vm0, $0xb8;
	[tilespmem:$0x8080] =	vst v63  }
0x68: {  	_ = 	snop  }
0x69: {  	[tilespmem:s25], [sflag:$0x1] =	stream.indirect_vreg.gather [hbm4b:s1+s3], $0x80, v3, vm0, $0xb8;
	[tilespmem:$0x8080] =	vst v63  }
0x6a: {  	v3 =	vld [tilespmem:$0x70];
	_ =	sdelay $0x4  }
0x6b: {  	v39 =	vshll.u32 v3, $0x1  }
0x6c: {  	v3 =	vand.u32 $0x7, v3;
	v4 =	vand.u32 $0xFFFFFFF0, v39  }
0x6d: {  	v3 =	vor.u32 v3, v4  }
0x6e: {  	v4 =	vperm.xlane v3, v0;
	_ =	sdelay $0x1  }
0x6f: {  	v3 =	vperm.xlane v3, v2;
	v4 =	vadd.s32 v1, v4;
	_ =	sdelay $0x1  }
0x70: {  	v3 =	vadd.s32 v1, v3;
	_ =	sdelay $0x2  }
0x71: {  	[tilespmem:s26], [sflag:$0x1] =	stream.indirect_vreg.gather [hbm4b:s1+s3], $0x80, v4, vm0, $0xb8;
	[tilespmem:$0x8080] =	vst v63  }
0x72: {  	_ = 	snop  }
0x73: {  	[tilespmem:s28], [sflag:$0x1] =	stream.indirect_vreg.gather [hbm4b:s1+s3], $0x80, v3, vm0, $0xb8;
	[tilespmem:$0x8080] =	vst v63  }
0x74: {  	_ =	swait.ge [sflag:s29], $0x8000  }
0x75: {  	[sflag:s29] =	ssyncset.done $0x0  }
0x76: {  	[sflag:s29] =	ssyncadd.s32 $0xFFFF8000  }
0x77: {  	[hbm4b:s10+s3] =	stream.linear.scatter [tilespmem:s12], [sflag:$0x2], $0x8000, $0x38;
	[tilespmem:$0x8080] =	vst v63  }
0x78: {  	_ =	swait.ge [sflag:s11], $0x8000  }
0x79: {  	s30 =	rddreg [dreg:$0x3]  }
0x7a: {  	s30 =	sor.u32 s30, s2  }
0x7b: {  	s30 =	sor.u32 s0, s30  }
0x7c: {  	[sflag:s11] =	ssyncset.done $0x0;
	s30 =	sshrl.u32 s30, $0x3  }
0x7d: {  	[sflag:s11] =	ssyncadd.s32 $0xFFFF8000;
	s30 =	sadd.s32 s5, s30  }
0x7e: {  	[tilespmem:s3], [sflag:$0x2] =	stream.linear.gather [hbm4b:s30+s3], $0x80, $0x38;
	[tilespmem:$0x8080] =	vst v63  }
0x7f: {  	_ =	swait.ge [sflag:s11], $0x80  }
0x80: {  	[sflag:s11] =	ssyncset.done $0x0  }
0x81: {  	[sflag:s11] =	ssyncadd.s32 $0xFFFFFF80  }
0x82: {  	v3 =	vld [tilespmem:$0x0];
	_ =	sdelay $0x4  }
0x83: {  	v40 =	vshll.u32 v3, $0x1  }
0x84: {  	v3 =	vand.u32 $0x7, v3;
	v4 =	vand.u32 $0xFFFFFFF0, v40  }
0x85: {  	v3 =	vor.u32 v3, v4  }
0x86: {  	v4 =	vperm.xlane v3, v0;
	_ =	sdelay $0x1  }
0x87: {  	v3 =	vperm.xlane v3, v2;
	v4 =	vadd.s32 v1, v4;
	_ =	sdelay $0x1  }
0x88: {  	v3 =	vadd.s32 v1, v3;
	_ =	sdelay $0x2  }
0x89: {  	[tilespmem:s12], [sflag:$0x1] =	stream.indirect_vreg.gather [hbm4b:s1+s3], $0x80, v4, vm0, $0xb8;
	[tilespmem:$0x8080] =	vst v63  }
0x8a: {  	_ = 	snop  }
0x8b: {  	[tilespmem:s13], [sflag:$0x1] =	stream.indirect_vreg.gather [hbm4b:s1+s3], $0x80, v3, vm0, $0xb8;
	[tilespmem:$0x8080] =	vst v63  }
0x8c: {  	v3 =	vld [tilespmem:$0x10];
	_ =	sdelay $0x4  }
0x8d: {  	v41 =	vshll.u32 v3, $0x1  }
0x8e: {  	v3 =	vand.u32 $0x7, v3;
	v4 =	vand.u32 $0xFFFFFFF0, v41  }
0x8f: {  	v3 =	vor.u32 v3, v4  }
0x90: {  	v4 =	vperm.xlane v3, v0;
	_ =	sdelay $0x1  }
0x91: {  	v3 =	vperm.xlane v3, v2;
	v4 =	vadd.s32 v1, v4;
	_ =	sdelay $0x1  }
0x92: {  	v3 =	vadd.s32 v1, v3;
	_ =	sdelay $0x2  }
0x93: {  	[tilespmem:s14], [sflag:$0x1] =	stream.indirect_vreg.gather [hbm4b:s1+s3], $0x80, v4, vm0, $0xb8;
	[tilespmem:$0x8080] =	vst v63  }
0x94: {  	_ = 	snop  }
0x95: {  	[tilespmem:s15], [sflag:$0x1] =	stream.indirect_vreg.gather [hbm4b:s1+s3], $0x80, v3, vm0, $0xb8;
	[tilespmem:$0x8080] =	vst v63  }
0x96: {  	v3 =	vld [tilespmem:$0x20];
	_ =	sdelay $0x4  }
0x97: {  	v42 =	vshll.u32 v3, $0x1  }
0x98: {  	v3 =	vand.u32 $0x7, v3;
	v4 =	vand.u32 $0xFFFFFFF0, v42  }
0x99: {  	v3 =	vor.u32 v3, v4  }
0x9a: {  	v4 =	vperm.xlane v3, v0;
	_ =	sdelay $0x1  }
0x9b: {  	v3 =	vperm.xlane v3, v2;
	v4 =	vadd.s32 v1, v4;
	_ =	sdelay $0x1  }
0x9c: {  	v3 =	vadd.s32 v1, v3;
	_ =	sdelay $0x2  }
0x9d: {  	[tilespmem:s16], [sflag:$0x1] =	stream.indirect_vreg.gather [hbm4b:s1+s3], $0x80, v4, vm0, $0xb8;
	[tilespmem:$0x8080] =	vst v63  }
0x9e: {  	_ = 	snop  }
0x9f: {  	[tilespmem:s17], [sflag:$0x1] =	stream.indirect_vreg.gather [hbm4b:s1+s3], $0x80, v3, vm0, $0xb8;
	[tilespmem:$0x8080] =	vst v63  }
0xa0: {  	v3 =	vld [tilespmem:$0x30];
	_ =	sdelay $0x4  }
0xa1: {  	v43 =	vshll.u32 v3, $0x1  }
0xa2: {  	v3 =	vand.u32 $0x7, v3;
	v4 =	vand.u32 $0xFFFFFFF0, v43  }
0xa3: {  	v3 =	vor.u32 v3, v4  }
0xa4: {  	v4 =	vperm.xlane v3, v0;
	_ =	sdelay $0x1  }
0xa5: {  	v3 =	vperm.xlane v3, v2;
	v4 =	vadd.s32 v1, v4;
	_ =	sdelay $0x1  }
0xa6: {  	v3 =	vadd.s32 v1, v3;
	_ =	sdelay $0x2  }
0xa7: {  	[tilespmem:s18], [sflag:$0x1] =	stream.indirect_vreg.gather [hbm4b:s1+s3], $0x80, v4, vm0, $0xb8;
	[tilespmem:$0x8080] =	vst v63  }
0xa8: {  	_ = 	snop  }
0xa9: {  	[tilespmem:s19], [sflag:$0x1] =	stream.indirect_vreg.gather [hbm4b:s1+s3], $0x80, v3, vm0, $0xb8;
	[tilespmem:$0x8080] =	vst v63  }
0xaa: {  	v3 =	vld [tilespmem:$0x40];
	_ =	sdelay $0x4  }
0xab: {  	v44 =	vshll.u32 v3, $0x1  }
0xac: {  	v3 =	vand.u32 $0x7, v3;
	v4 =	vand.u32 $0xFFFFFFF0, v44  }
0xad: {  	v3 =	vor.u32 v3, v4  }
0xae: {  	v4 =	vperm.xlane v3, v0;
	_ =	sdelay $0x1  }
0xaf: {  	v3 =	vperm.xlane v3, v2;
	v4 =	vadd.s32 v1, v4;
	_ =	sdelay $0x1  }
0xb0: {  	v3 =	vadd.s32 v1, v3;
	_ =	sdelay $0x2  }
0xb1: {  	[tilespmem:s20], [sflag:$0x1] =	stream.indirect_vreg.gather [hbm4b:s1+s3], $0x80, v4, vm0, $0xb8;
	[tilespmem:$0x8080] =	vst v63  }
0xb2: {  	_ = 	snop  }
0xb3: {  	[tilespmem:s21], [sflag:$0x1] =	stream.indirect_vreg.gather [hbm4b:s1+s3], $0x80, v3, vm0, $0xb8;
	[tilespmem:$0x8080] =	vst v63  }
0xb4: {  	v3 =	vld [tilespmem:$0x50];
	_ =	sdelay $0x4  }
0xb5: {  	v45 =	vshll.u32 v3, $0x1  }
0xb6: {  	v3 =	vand.u32 $0x7, v3;
	v4 =	vand.u32 $0xFFFFFFF0, v45  }
0xb7: {  	v3 =	vor.u32 v3, v4  }
0xb8: {  	v4 =	vperm.xlane v3, v0;
	_ =	sdelay $0x1  }
0xb9: {  	v3 =	vperm.xlane v3, v2;
	v4 =	vadd.s32 v1, v4;
	_ =	sdelay $0x1  }
0xba: {  	v3 =	vadd.s32 v1, v3;
	_ =	sdelay $0x2  }
0xbb: {  	[tilespmem:s22], [sflag:$0x1] =	stream.indirect_vreg.gather [hbm4b:s1+s3], $0x80, v4, vm0, $0xb8;
	[tilespmem:$0x8080] =	vst v63  }
0xbc: {  	_ = 	snop  }
0xbd: {  	[tilespmem:s23], [sflag:$0x1] =	stream.indirect_vreg.gather [hbm4b:s1+s3], $0x80, v3, vm0, $0xb8;
	[tilespmem:$0x8080] =	vst v63  }
0xbe: {  	v3 =	vld [tilespmem:$0x60];
	_ =	sdelay $0x4  }
0xbf: {  	v46 =	vshll.u32 v3, $0x1  }
0xc0: {  	v3 =	vand.u32 $0x7, v3;
	v4 =	vand.u32 $0xFFFFFFF0, v46  }
0xc1: {  	v3 =	vor.u32 v3, v4  }
0xc2: {  	v4 =	vperm.xlane v3, v0;
	_ =	sdelay $0x1  }
0xc3: {  	v3 =	vperm.xlane v3, v2;
	v4 =	vadd.s32 v1, v4;
	_ =	sdelay $0x1  }
0xc4: {  	v3 =	vadd.s32 v1, v3;
	_ =	sdelay $0x2  }
0xc5: {  	[tilespmem:s24], [sflag:$0x1] =	stream.indirect_vreg.gather [hbm4b:s1+s3], $0x80, v4, vm0, $0xb8;
	[tilespmem:$0x8080] =	vst v63  }
0xc6: {  	_ = 	snop  }
0xc7: {  	[tilespmem:s25], [sflag:$0x1] =	stream.indirect_vreg.gather [hbm4b:s1+s3], $0x80, v3, vm0, $0xb8;
	[tilespmem:$0x8080] =	vst v63  }
0xc8: {  	v3 =	vld [tilespmem:$0x70];
	_ =	sdelay $0x4  }
0xc9: {  	v47 =	vshll.u32 v3, $0x1  }
0xca: {  	v3 =	vand.u32 $0x7, v3;
	v4 =	vand.u32 $0xFFFFFFF0, v47  }
0xcb: {  	v3 =	vor.u32 v3, v4  }
0xcc: {  	v4 =	vperm.xlane v3, v0;
	_ =	sdelay $0x1  }
0xcd: {  	v3 =	vperm.xlane v3, v2;
	v4 =	vadd.s32 v1, v4;
	_ =	sdelay $0x1  }
0xce: {  	v3 =	vadd.s32 v1, v3;
	_ =	sdelay $0x2  }
0xcf: {  	[tilespmem:s26], [sflag:$0x1] =	stream.indirect_vreg.gather [hbm4b:s1+s3], $0x80, v4, vm0, $0xb8;
	[tilespmem:$0x8080] =	vst v63  }
0xd0: {  	_ = 	snop  }
0xd1: {  	[tilespmem:s28], [sflag:$0x1] =	stream.indirect_vreg.gather [hbm4b:s1+s3], $0x80, v3, vm0, $0xb8;
	[tilespmem:$0x8080] =	vst v63  }
0xd2: {  	_ =	swait.ge [sflag:s29], $0x8000  }
0xd3: {  	[sflag:s29] =	ssyncset.done $0x0  }
0xd4: {  	[sflag:s29] =	ssyncadd.s32 $0xFFFF8000  }
0xd5: {  	[hbm4b:s9+s3] =	stream.linear.scatter [tilespmem:s12], [sflag:$0x2], $0x8000, $0x38;
	[tilespmem:$0x8080] =	vst v63  }
0xd6: {  	_ =	swait.ge [sflag:s11], $0x8000  }
0xd7: {  	s30 =	rddreg [dreg:$0x4]  }
0xd8: {  	s30 =	sor.u32 s30, s2  }
0xd9: {  	s30 =	sor.u32 s0, s30  }
0xda: {  	[sflag:s11] =	ssyncset.done $0x0;
	s30 =	sshrl.u32 s30, $0x3  }
0xdb: {  	[sflag:s11] =	ssyncadd.s32 $0xFFFF8000;
	s30 =	sadd.s32 s5, s30  }
0xdc: {  	[tilespmem:s3], [sflag:$0x2] =	stream.linear.gather [hbm4b:s30+s3], $0x80, $0x38;
	[tilespmem:$0x8080] =	vst v63  }
0xdd: {  	_ =	swait.ge [sflag:s11], $0x80  }
0xde: {  	[sflag:s11] =	ssyncset.done $0x0  }
0xdf: {  	[sflag:s11] =	ssyncadd.s32 $0xFFFFFF80  }
0xe0: {  	v3 =	vld [tilespmem:$0x0];
	_ =	sdelay $0x4  }
0xe1: {  	v48 =	vshll.u32 v3, $0x1  }
0xe2: {  	v3 =	vand.u32 $0x7, v3;
	v4 =	vand.u32 $0xFFFFFFF0, v48  }
0xe3: {  	v3 =	vor.u32 v3, v4  }
0xe4: {  	v4 =	vperm.xlane v3, v0;
	_ =	sdelay $0x1  }
0xe5: {  	v3 =	vperm.xlane v3, v2;
	v4 =	vadd.s32 v1, v4;
	_ =	sdelay $0x1  }
0xe6: {  	v3 =	vadd.s32 v1, v3;
	_ =	sdelay $0x2  }
0xe7: {  	[tilespmem:s12], [sflag:$0x1] =	stream.indirect_vreg.gather [hbm4b:s1+s3], $0x80, v4, vm0, $0xb8;
	[tilespmem:$0x8080] =	vst v63  }
0xe8: {  	_ = 	snop  }
0xe9: {  	[tilespmem:s13], [sflag:$0x1] =	stream.indirect_vreg.gather [hbm4b:s1+s3], $0x80, v3, vm0, $0xb8;
	[tilespmem:$0x8080] =	vst v63  }
0xea: {  	v3 =	vld [tilespmem:$0x10];
	_ =	sdelay $0x4  }
0xeb: {  	v49 =	vshll.u32 v3, $0x1  }
0xec: {  	v3 =	vand.u32 $0x7, v3;
	v4 =	vand.u32 $0xFFFFFFF0, v49  }
0xed: {  	v3 =	vor.u32 v3, v4  }
0xee: {  	v4 =	vperm.xlane v3, v0;
	_ =	sdelay $0x1  }
0xef: {  	v3 =	vperm.xlane v3, v2;
	v4 =	vadd.s32 v1, v4;
	_ =	sdelay $0x1  }
0xf0: {  	v3 =	vadd.s32 v1, v3;
	_ =	sdelay $0x2  }
0xf1: {  	[tilespmem:s14], [sflag:$0x1] =	stream.indirect_vreg.gather [hbm4b:s1+s3], $0x80, v4, vm0, $0xb8;
	[tilespmem:$0x8080] =	vst v63  }
0xf2: {  	_ = 	snop  }
0xf3: {  	[tilespmem:s15], [sflag:$0x1] =	stream.indirect_vreg.gather [hbm4b:s1+s3], $0x80, v3, vm0, $0xb8;
	[tilespmem:$0x8080] =	vst v63  }
0xf4: {  	v3 =	vld [tilespmem:$0x20];
	_ =	sdelay $0x4  }
0xf5: {  	v50 =	vshll.u32 v3, $0x1  }
0xf6: {  	v3 =	vand.u32 $0x7, v3;
	v4 =	vand.u32 $0xFFFFFFF0, v50  }
0xf7: {  	v3 =	vor.u32 v3, v4  }
0xf8: {  	v4 =	vperm.xlane v3, v0;
	_ =	sdelay $0x1  }
0xf9: {  	v3 =	vperm.xlane v3, v2;
	v4 =	vadd.s32 v1, v4;
	_ =	sdelay $0x1  }
0xfa: {  	v3 =	vadd.s32 v1, v3;
	_ =	sdelay $0x2  }
0xfb: {  	[tilespmem:s16], [sflag:$0x1] =	stream.indirect_vreg.gather [hbm4b:s1+s3], $0x80, v4, vm0, $0xb8;
	[tilespmem:$0x8080] =	vst v63  }
0xfc: {  	_ = 	snop  }
0xfd: {  	[tilespmem:s17], [sflag:$0x1] =	stream.indirect_vreg.gather [hbm4b:s1+s3], $0x80, v3, vm0, $0xb8;
	[tilespmem:$0x8080] =	vst v63  }
0xfe: {  	v3 =	vld [tilespmem:$0x30];
	_ =	sdelay $0x4  }
0xff: {  	v51 =	vshll.u32 v3, $0x1  }
0x100: {  	v3 =	vand.u32 $0x7, v3;
	v4 =	vand.u32 $0xFFFFFFF0, v51  }
0x101: {  	v3 =	vor.u32 v3, v4  }
0x102: {  	v4 =	vperm.xlane v3, v0;
	_ =	sdelay $0x1  }
0x103: {  	v3 =	vperm.xlane v3, v2;
	v4 =	vadd.s32 v1, v4;
	_ =	sdelay $0x1  }
0x104: {  	v3 =	vadd.s32 v1, v3;
	_ =	sdelay $0x2  }
0x105: {  	[tilespmem:s18], [sflag:$0x1] =	stream.indirect_vreg.gather [hbm4b:s1+s3], $0x80, v4, vm0, $0xb8;
	[tilespmem:$0x8080] =	vst v63  }
0x106: {  	_ = 	snop  }
0x107: {  	[tilespmem:s19], [sflag:$0x1] =	stream.indirect_vreg.gather [hbm4b:s1+s3], $0x80, v3, vm0, $0xb8;
	[tilespmem:$0x8080] =	vst v63  }
0x108: {  	v3 =	vld [tilespmem:$0x40];
	_ =	sdelay $0x4  }
0x109: {  	v52 =	vshll.u32 v3, $0x1  }
0x10a: {  	v3 =	vand.u32 $0x7, v3;
	v4 =	vand.u32 $0xFFFFFFF0, v52  }
0x10b: {  	v3 =	vor.u32 v3, v4  }
0x10c: {  	v4 =	vperm.xlane v3, v0;
	_ =	sdelay $0x1  }
0x10d: {  	v3 =	vperm.xlane v3, v2;
	v4 =	vadd.s32 v1, v4;
	_ =	sdelay $0x1  }
0x10e: {  	v3 =	vadd.s32 v1, v3;
	_ =	sdelay $0x2  }
0x10f: {  	[tilespmem:s20], [sflag:$0x1] =	stream.indirect_vreg.gather [hbm4b:s1+s3], $0x80, v4, vm0, $0xb8;
	[tilespmem:$0x8080] =	vst v63  }
0x110: {  	_ = 	snop  }
0x111: {  	[tilespmem:s21], [sflag:$0x1] =	stream.indirect_vreg.gather [hbm4b:s1+s3], $0x80, v3, vm0, $0xb8;
	[tilespmem:$0x8080] =	vst v63  }
0x112: {  	v3 =	vld [tilespmem:$0x50];
	_ =	sdelay $0x4  }
0x113: {  	v53 =	vshll.u32 v3, $0x1  }
0x114: {  	v3 =	vand.u32 $0x7, v3;
	v4 =	vand.u32 $0xFFFFFFF0, v53  }
0x115: {  	v3 =	vor.u32 v3, v4  }
0x116: {  	v4 =	vperm.xlane v3, v0;
	_ =	sdelay $0x1  }
0x117: {  	v3 =	vperm.xlane v3, v2;
	v4 =	vadd.s32 v1, v4;
	_ =	sdelay $0x1  }
0x118: {  	v3 =	vadd.s32 v1, v3;
	_ =	sdelay $0x2  }
0x119: {  	[tilespmem:s22], [sflag:$0x1] =	stream.indirect_vreg.gather [hbm4b:s1+s3], $0x80, v4, vm0, $0xb8;
	[tilespmem:$0x8080] =	vst v63  }
0x11a: {  	_ = 	snop  }
0x11b: {  	[tilespmem:s23], [sflag:$0x1] =	stream.indirect_vreg.gather [hbm4b:s1+s3], $0x80, v3, vm0, $0xb8;
	[tilespmem:$0x8080] =	vst v63  }
0x11c: {  	v3 =	vld [tilespmem:$0x60];
	_ =	sdelay $0x4  }
0x11d: {  	v54 =	vshll.u32 v3, $0x1  }
0x11e: {  	v3 =	vand.u32 $0x7, v3;
	v4 =	vand.u32 $0xFFFFFFF0, v54  }
0x11f: {  	v3 =	vor.u32 v3, v4  }
0x120: {  	v4 =	vperm.xlane v3, v0;
	_ =	sdelay $0x1  }
0x121: {  	v3 =	vperm.xlane v3, v2;
	v4 =	vadd.s32 v1, v4;
	_ =	sdelay $0x1  }
0x122: {  	v3 =	vadd.s32 v1, v3;
	_ =	sdelay $0x2  }
0x123: {  	[tilespmem:s24], [sflag:$0x1] =	stream.indirect_vreg.gather [hbm4b:s1+s3], $0x80, v4, vm0, $0xb8;
	[tilespmem:$0x8080] =	vst v63  }
0x124: {  	_ = 	snop  }
0x125: {  	[tilespmem:s25], [sflag:$0x1] =	stream.indirect_vreg.gather [hbm4b:s1+s3], $0x80, v3, vm0, $0xb8;
	[tilespmem:$0x8080] =	vst v63  }
0x126: {  	v3 =	vld [tilespmem:$0x70];
	_ =	sdelay $0x4  }
0x127: {  	v55 =	vshll.u32 v3, $0x1  }
0x128: {  	v3 =	vand.u32 $0x7, v3;
	v4 =	vand.u32 $0xFFFFFFF0, v55  }
0x129: {  	v3 =	vor.u32 v3, v4  }
0x12a: {  	v4 =	vperm.xlane v3, v0;
	_ =	sdelay $0x1  }
0x12b: {  	v3 =	vperm.xlane v3, v2;
	v4 =	vadd.s32 v1, v4;
	_ =	sdelay $0x1  }
0x12c: {  	v3 =	vadd.s32 v1, v3;
	_ =	sdelay $0x2  }
0x12d: {  	[tilespmem:s26], [sflag:$0x1] =	stream.indirect_vreg.gather [hbm4b:s1+s3], $0x80, v4, vm0, $0xb8;
	[tilespmem:$0x8080] =	vst v63  }
0x12e: {  	_ = 	snop  }
0x12f: {  	[tilespmem:s28], [sflag:$0x1] =	stream.indirect_vreg.gather [hbm4b:s1+s3], $0x80, v3, vm0, $0xb8;
	[tilespmem:$0x8080] =	vst v63  }
0x130: {  	_ =	swait.ge [sflag:s29], $0x8000  }
0x131: {  	[sflag:s29] =	ssyncset.done $0x0  }
0x132: {  	[sflag:s29] =	ssyncadd.s32 $0xFFFF8000  }
0x133: {  	[hbm4b:s8+s3] =	stream.linear.scatter [tilespmem:s12], [sflag:$0x2], $0x8000, $0x38;
	[tilespmem:$0x8080] =	vst v63  }
0x134: {  	_ =	swait.ge [sflag:s11], $0x8000  }
0x135: {  	s30 =	rddreg [dreg:$0x5]  }
0x136: {  	s2 =	sor.u32 s30, s2  }
0x137: {  	s0 =	sor.u32 s0, s2  }
0x138: {  	[sflag:s11] =	ssyncset.done $0x0;
	s0 =	sshrl.u32 s0, $0x3  }
0x139: {  	[sflag:s11] =	ssyncadd.s32 $0xFFFF8000;
	s0 =	sadd.s32 s5, s0  }
0x13a: {  	[tilespmem:s3], [sflag:$0x2] =	stream.linear.gather [hbm4b:s0+s3], $0x80, $0x38;
	[tilespmem:$0x8080] =	vst v63  }
0x13b: {  	_ =	swait.ge [sflag:s11], $0x80  }
0x13c: {  	[sflag:s11] =	ssyncset.done $0x0  }
0x13d: {  	[sflag:s11] =	ssyncadd.s32 $0xFFFFFF80  }
0x13e: {  	v3 =	vld [tilespmem:$0x0];
	_ =	sdelay $0x4  }
0x13f: {  	v56 =	vshll.u32 v3, $0x1  }
0x140: {  	v3 =	vand.u32 $0x7, v3;
	v4 =	vand.u32 $0xFFFFFFF0, v56  }
0x141: {  	v3 =	vor.u32 v3, v4  }
0x142: {  	v4 =	vperm.xlane v3, v0;
	_ =	sdelay $0x1  }
0x143: {  	v3 =	vperm.xlane v3, v2;
	v4 =	vadd.s32 v1, v4;
	_ =	sdelay $0x1  }
0x144: {  	v3 =	vadd.s32 v1, v3;
	_ =	sdelay $0x2  }
0x145: {  	[tilespmem:s12], [sflag:$0x1] =	stream.indirect_vreg.gather [hbm4b:s1+s3], $0x80, v4, vm0, $0xb8;
	[tilespmem:$0x8080] =	vst v63  }
0x146: {  	_ = 	snop  }
0x147: {  	[tilespmem:s13], [sflag:$0x1] =	stream.indirect_vreg.gather [hbm4b:s1+s3], $0x80, v3, vm0, $0xb8;
	[tilespmem:$0x8080] =	vst v63  }
0x148: {  	v3 =	vld [tilespmem:$0x10];
	_ =	sdelay $0x4  }
0x149: {  	v57 =	vshll.u32 v3, $0x1  }
0x14a: {  	v3 =	vand.u32 $0x7, v3;
	v4 =	vand.u32 $0xFFFFFFF0, v57  }
0x14b: {  	v3 =	vor.u32 v3, v4  }
0x14c: {  	v4 =	vperm.xlane v3, v0;
	_ =	sdelay $0x1  }
0x14d: {  	v3 =	vperm.xlane v3, v2;
	v4 =	vadd.s32 v1, v4;
	_ =	sdelay $0x1  }
0x14e: {  	v3 =	vadd.s32 v1, v3;
	_ =	sdelay $0x2  }
0x14f: {  	[tilespmem:s14], [sflag:$0x1] =	stream.indirect_vreg.gather [hbm4b:s1+s3], $0x80, v4, vm0, $0xb8;
	[tilespmem:$0x8080] =	vst v63  }
0x150: {  	_ = 	snop  }
0x151: {  	[tilespmem:s15], [sflag:$0x1] =	stream.indirect_vreg.gather [hbm4b:s1+s3], $0x80, v3, vm0, $0xb8;
	[tilespmem:$0x8080] =	vst v63  }
0x152: {  	v3 =	vld [tilespmem:$0x20];
	_ =	sdelay $0x4  }
0x153: {  	v58 =	vshll.u32 v3, $0x1  }
0x154: {  	v3 =	vand.u32 $0x7, v3;
	v4 =	vand.u32 $0xFFFFFFF0, v58  }
0x155: {  	v3 =	vor.u32 v3, v4  }
0x156: {  	v4 =	vperm.xlane v3, v0;
	_ =	sdelay $0x1  }
0x157: {  	v3 =	vperm.xlane v3, v2;
	v4 =	vadd.s32 v1, v4;
	_ =	sdelay $0x1  }
0x158: {  	v3 =	vadd.s32 v1, v3;
	_ =	sdelay $0x2  }
0x159: {  	[tilespmem:s16], [sflag:$0x1] =	stream.indirect_vreg.gather [hbm4b:s1+s3], $0x80, v4, vm0, $0xb8;
	[tilespmem:$0x8080] =	vst v63  }
0x15a: {  	_ = 	snop  }
0x15b: {  	[tilespmem:s17], [sflag:$0x1] =	stream.indirect_vreg.gather [hbm4b:s1+s3], $0x80, v3, vm0, $0xb8;
	[tilespmem:$0x8080] =	vst v63  }
0x15c: {  	v3 =	vld [tilespmem:$0x30];
	_ =	sdelay $0x4  }
0x15d: {  	v59 =	vshll.u32 v3, $0x1  }
0x15e: {  	v3 =	vand.u32 $0x7, v3;
	v4 =	vand.u32 $0xFFFFFFF0, v59  }
0x15f: {  	v3 =	vor.u32 v3, v4  }
0x160: {  	v4 =	vperm.xlane v3, v0;
	_ =	sdelay $0x1  }
0x161: {  	v3 =	vperm.xlane v3, v2;
	v4 =	vadd.s32 v1, v4;
	_ =	sdelay $0x1  }
0x162: {  	v3 =	vadd.s32 v1, v3;
	_ =	sdelay $0x2  }
0x163: {  	[tilespmem:s18], [sflag:$0x1] =	stream.indirect_vreg.gather [hbm4b:s1+s3], $0x80, v4, vm0, $0xb8;
	[tilespmem:$0x8080] =	vst v63  }
0x164: {  	_ = 	snop  }
0x165: {  	[tilespmem:s19], [sflag:$0x1] =	stream.indirect_vreg.gather [hbm4b:s1+s3], $0x80, v3, vm0, $0xb8;
	[tilespmem:$0x8080] =	vst v63  }
0x166: {  	v3 =	vld [tilespmem:$0x40];
	_ =	sdelay $0x4  }
0x167: {  	v60 =	vshll.u32 v3, $0x1  }
0x168: {  	v3 =	vand.u32 $0x7, v3;
	v4 =	vand.u32 $0xFFFFFFF0, v60  }
0x169: {  	v3 =	vor.u32 v3, v4  }
0x16a: {  	v4 =	vperm.xlane v3, v0;
	_ =	sdelay $0x1  }
0x16b: {  	v3 =	vperm.xlane v3, v2;
	v4 =	vadd.s32 v1, v4;
	_ =	sdelay $0x1  }
0x16c: {  	v3 =	vadd.s32 v1, v3;
	_ =	sdelay $0x2  }
0x16d: {  	[tilespmem:s20], [sflag:$0x1] =	stream.indirect_vreg.gather [hbm4b:s1+s3], $0x80, v4, vm0, $0xb8;
	[tilespmem:$0x8080] =	vst v63  }
0x16e: {  	_ = 	snop  }
0x16f: {  	[tilespmem:s21], [sflag:$0x1] =	stream.indirect_vreg.gather [hbm4b:s1+s3], $0x80, v3, vm0, $0xb8;
	[tilespmem:$0x8080] =	vst v63  }
0x170: {  	v3 =	vld [tilespmem:$0x50];
	_ =	sdelay $0x4  }
0x171: {  	v61 =	vshll.u32 v3, $0x1  }
0x172: {  	v3 =	vand.u32 $0x7, v3;
	v4 =	vand.u32 $0xFFFFFFF0, v61  }
0x173: {  	v3 =	vor.u32 v3, v4  }
0x174: {  	v4 =	vperm.xlane v3, v0;
	_ =	sdelay $0x1  }
0x175: {  	v3 =	vperm.xlane v3, v2;
	v4 =	vadd.s32 v1, v4;
	_ =	sdelay $0x1  }
0x176: {  	v3 =	vadd.s32 v1, v3;
	_ =	sdelay $0x2  }
0x177: {  	[tilespmem:s22], [sflag:$0x1] =	stream.indirect_vreg.gather [hbm4b:s1+s3], $0x80, v4, vm0, $0xb8;
	[tilespmem:$0x8080] =	vst v63  }
0x178: {  	_ = 	snop  }
0x179: {  	[tilespmem:s23], [sflag:$0x1] =	stream.indirect_vreg.gather [hbm4b:s1+s3], $0x80, v3, vm0, $0xb8;
	[tilespmem:$0x8080] =	vst v63  }
0x17a: {  	v3 =	vld [tilespmem:$0x60];
	_ =	sdelay $0x4  }
0x17b: {  	v62 =	vshll.u32 v3, $0x1  }
0x17c: {  	v3 =	vand.u32 $0x7, v3;
	v4 =	vand.u32 $0xFFFFFFF0, v62  }
0x17d: {  	v3 =	vor.u32 v3, v4  }
0x17e: {  	v4 =	vperm.xlane v3, v0;
	_ =	sdelay $0x1  }
0x17f: {  	v3 =	vperm.xlane v3, v2;
	v4 =	vadd.s32 v1, v4;
	_ =	sdelay $0x1  }
0x180: {  	v3 =	vadd.s32 v1, v3;
	_ =	sdelay $0x2  }
0x181: {  	[tilespmem:s24], [sflag:$0x1] =	stream.indirect_vreg.gather [hbm4b:s1+s3], $0x80, v4, vm0, $0xb8;
	[tilespmem:$0x8080] =	vst v63  }
0x182: {  	_ = 	snop  }
0x183: {  	[tilespmem:s25], [sflag:$0x1] =	stream.indirect_vreg.gather [hbm4b:s1+s3], $0x80, v3, vm0, $0xb8;
	[tilespmem:$0x8080] =	vst v63  }
0x184: {  	v3 =	vld [tilespmem:$0x70];
	_ =	sdelay $0x4  }
0x185: {  	v63 =	vshll.u32 v3, $0x1  }
0x186: {  	v3 =	vand.u32 $0x7, v3;
	v4 =	vand.u32 $0xFFFFFFF0, v63  }
0x187: {  	v3 =	vor.u32 v3, v4  }
0x188: {  	v4 =	vperm.xlane v3, v0;
	_ =	sdelay $0x1  }
0x189: {  	v3 =	vperm.xlane v3, v2;
	v4 =	vadd.s32 v1, v4;
	_ =	sdelay $0x1  }
0x18a: {  	v3 =	vadd.s32 v1, v3;
	_ =	sdelay $0x2  }
0x18b: {  	[tilespmem:s26], [sflag:$0x1] =	stream.indirect_vreg.gather [hbm4b:s1+s3], $0x80, v4, vm0, $0xb8;
	[tilespmem:$0x8080] =	vst v63  }
0x18c: {  	_ = 	snop  }
0x18d: {  	[tilespmem:s28], [sflag:$0x1] =	stream.indirect_vreg.gather [hbm4b:s1+s3], $0x80, v3, vm0, $0xb8;
	[tilespmem:$0x8080] =	vst v63  }
0x18e: {  	_ =	swait.ge [sflag:s29], $0x8000  }
0x18f: {  	p0 =	sne.s32 s6, $0x4C000;
	[sflag:s29] =	ssyncset.done $0x0  }
.Ltmp0:
0x190: {  	[sflag:s29] =	ssyncadd.s32 $0xFFFF8000;
	(pc) =	sbr.rel @p0 .LBB2_2-.Ltmp0, $4  }
0x191: {  	[hbm4b:s7+s3] =	stream.linear.scatter [tilespmem:s12], [sflag:$0x2], $0x8000, $0x38;
	[tilespmem:$0x8080] =	vst v63  }
0x192: {  	s31 =	sadd.s32 $0x80, s31;
	s6 =	sadd.s32 $0x4000, s6;
	_ =	swait.ge [sflag:s11], $0x8000  }
0x193: {  	s10 =	sadd.s32 $0x80000, s10;
	s9 =	sadd.s32 $0x80000, s9;
	[sflag:s11] =	ssyncset.done $0x0  }
0x194: {  	s8 =	sadd.s32 $0x80000, s8;
	s7 =	sadd.s32 $0x80000, s7;
	[sflag:s11] =	ssyncadd.s32 $0xFFFF8000  }
0x195: {  	s2 =	rddreg [dreg:$0xb]  }
0x196: {  	s0 =	rddreg [dreg:$0x6];
	s2 =	sadd.s32 $0x1, s2  }
0x197: {  	p0 =	sne.s32 s2, s0  }
.Ltmp1:
0x198: {  	_ = 	snop;
	(pc) =	sbr.rel @p0 .LBB2_1-.Ltmp1, $1  }
0x199: {  	_ =	sdelay $0x3  }
0x19a: {  	_ =	sfence.sel $0x180000  }
0x19b: {  	[bflag:$0x0] =	sbarrier.arrive $0xFFFF  }
0x19c: {  	_ =	strace $0x90000050  }
0x19d: {  	s0 =	stileid.u32;
	[bflag:$0x2] =	sbarrier.arrive $0xFFFF  }
0x19e: {  	p0 =	sne.s32 s0, $0x0;
	s0 =	rddreg [dreg:$0x2]  }
0x19f: {  	s0 =	sadd.s32 @!p0 $0x100000, s0  }
0x1a0: {  	[sflag:s0] =	ssyncadd.tile.s32 @!p0 $0x1;
	_ =	shalt  }
.Lfunc_end2:
_tile_overlayer_lowered:
.L_overlay_start_2:
0x1a1: {  	(tag) =	ssettag $0x2  }
0x1a2: {  	s0 =	rddreg [dreg:$0x0];
	s2 =	stileid.u32  }
0x1a3: {  	s1 =	rddreg [dreg:$0x1];
	p0 =	sne.s32 s2, $0x0  }
0x1a4: {  	s3 =	rddreg [dreg:$0x2];
	[bflag:$0x3] =	sbarrier.arrive $0xFFFF;
	s2 =	simm.s32 @!p0 $0x1C02  }
0x1a5: {  	[timem:s3], [sflag:s2] =	dma.local @!p0 [hbm:s0], s1  }
0x1a6: {  	s0 =	simm.s32 @!p0 $0x2  }
0x1a7: {  	_ =	swait.ge @!p0 [sflag:s0], s1  }
0x1a8: {  	s1 =	ssub.s32 @!p0 $0x0, s1;
	[sflag:s0] =	ssyncset.done @!p0 $0x0  }
0x1a9: {  	[sflag:s0] =	ssyncadd.s32 @!p0 s1  }
0x1aa: {  	[bflag:$0x3] =	sbarrier.arrive $0xFFFF  }
0x1ab: {  	_ =	shalt  }

// kernel: sparse-core-data-format-call.cloned.1.call-start
scs
called_computation_lowered:
.L_overlay_start_0:
0x0: {  	s2 =	sld [smem:$0x3FD9]  }
0x1: {  	s3 =	sld [smem:$0x3FFE];
	_ =	sdelay $0x1  }
0x2: {  	s1 =	srdreg.scid  }
0x3: {  	s0 =	sand.u32 $0x1, s1  }
0x4: {  	s18 =	sshll.u32 s0, $0xA;
	s2 =	sadd.s32 s3, s2  }
0x5: {  	s2 =	sadd.s32 s2, s18  }
0x6: {  	[smem:$0x3FB8] =	sst s2  }
0x7: {  	_ = 	snop  }
0x8: {  	s2 =	sld [smem:$0x3FD0];
	(tm) =	ssettm $0x1  }
0x9: {  	s19 =	sld [smem:$0x3FFB];
	_ =	sdelay $0x3  }
0xa: {  	_ =	strace s19  }
0xb: {  	s3 =	sld [smem:$0x3FFC];
	_ =	sdelay $0x3  }
0xc: {  	_ =	strace s3  }
0xd: {  	s3 =	sld [smem:$0x3FFD];
	_ =	sdelay $0x3  }
0xe: {  	_ =	strace s3  }
0xf: {  	_ =	strace $0x8FFFFFFF  }
0x10: {  	s20 =	sld [smem:$0x3FDB];
	_ =	sdelay $0x1  }
0x11: {  	s4 =	simm.s32 $_scs_section_size  }
0x12: {  	s5 =	simm.s32 $_size__tile_overlayer_lowered;
	s6 =	simm.s32 $_tile_overlayer_lowered  }
0x13: {  	s23 =	simm.s32 $0x1BFF;
	s22 =	sshll.u32 s6, $0x1;
	s3 =	sadd.s32 s4, s20  }
0x14: {  	s7 =	simm.s32 $0x0;
	s21 =	sshll.u32 s5, $0x1;
	s5 =	sadd.s32 s22, s3  }
0x15: {  	[timem:s7], [sflag:s23] =	dma.local [hbm:s5], s21  }
0x16: {  	_ =	swait.ge [sflag:s23], s21  }
0x17: {  	s4 =	ssub.s32 $0x0, s21;
	[sflag:s23] =	ssyncset.done $0x0  }
0x18: {  	[sflag:s23] =	ssyncadd.s32 s4;
	_ =	sdelay $0x1  }
0x19: {  	s24 =	simm.s32 $0x1B8B  }
0x1a: {  	_ =	swait.ge [sflag:s24], $0x1  }
0x1b: {  	[sflag:s24] =	ssyncset.done $0x0  }
0x1c: {  	s26 =	simm.s32 $0x1B8E;
	s25 =	sld [smem:$0x3FFE];
	[sflag:s24] =	ssyncadd.s32 $0xFFFFFFFF  }
0x1d: {  	s27 =	simm.s32 $execute0_lowered;
	[smem:$0x3FD2] =	sst s26  }
0x1e: {  	s5 =	sshll.u32 s27, $0x1;
	_ =	strace $0x80000052;
	[dreg:$0x1] =	wrdreg $0xFFFFFFFF  }
0x1f: {  	s28 =	simm.s32 $_size_execute0_lowered;
	s3 =	sadd.s32 s3, s5;
	[dreg:$0x0] =	wrdreg $0x0  }
0x20: {  	s5 =	sshll.u32 s28, $0x1;
	[dreg:$0x2] =	wrdreg s3  }
0x21: {  	[dreg:$0x3] =	wrdreg s5  }
0x22: {  	[dreg:$0x4] =	wrdreg $0xC0  }
0x23: {  	_ =	task [dreg:s7], $0x5FFFF  }
0x24: {  	[dreg:$0x1] =	wrdreg $0xFFFFFFFF  }
0x25: {  	[dreg:$0x0] =	wrdreg $0x60  }
0x26: {  	[dreg:$0x2] =	wrdreg s25  }
0x27: {  	[dreg:$0x3] =	wrdreg s2  }
0x28: {  	[dreg:$0x4] =	wrdreg $0x9  }
0x29: {  	_ =	task.clear_ibuf [dreg:s7], $0x5FFFF;
	_ =	strace $0x90000052  }
0x2a: {  	s29 =	simm.s32 $0x9;
	_ =	strace $0x80000054  }
0x2b: {  	_ =	swait.ge [sflag:s29], $0x1  }
0x2c: {  	[sflag:s29] =	ssyncadd.s32 $0xFFFFFFFF  }
0x2d: {  	_ =	strace $0x90000054  }
0x2e: {  	_ =	sfence  }
0x2f: {  	s30 =	sld [smem:$0x0];
	_ =	sdelay $0x2  }
0x30: {  	s31 =	sshll.u32 s1, $0xD;
	s1 =	sshrl.u32 s1, $0x2  }
0x31: {  	s3 =	sand.u32 $0x4000, s31;
	s1 =	sadd.s32 s1, s30  }
0x32: {  	s0 =	sor.u32 s3, s0;
	s1 =	sshll.u32 s1, $0x11  }
0x33: {  	s0 =	sor.u32 s1, s0  }
0x34: {  	s0 =	sadd.s32 $0x8F2B, s0  }
0x35: {  	[sflag:s0] =	ssyncadd.remote.s32 $0x1  }
0x36: {  	_ =	sfence.sel $0xFFFF  }
0x37: {  	[dreg:$0x0] =	wrdreg $0xFFFFFFFF;
	(pc) =	sbr.abs _section_cstart, $3  }
0x38: {  	[dreg:$0x1] =	wrdreg $0xFFFFFFFF  }
0x39: {  	_ =	task.clear_ibuf [dreg:s7], $0x2FFFF;
	_ =	strace $0x9FFFFFFF  }
0x3a: {  	(tm) =	ssettm $0x7FFFFFFF  }
0x3b: {  	_ =	shalt  }
tec
execute0_lowered:
.L_overlay_start_1:
0x0: {  	(tag) =	ssettag $0x1  }
0x1: {  	s0 =	stileid.u32;
	s4 =	rddreg [dreg:$0x0]  }
0x2: {  	s1 =	srdreg.scid;
	s3 =	rddreg [dreg:$0x1];
	s7 =	simm.s32 $0x1  }
0x3: {  	s31 =	simm.s32 $0x2;
	s2 =	sshll.u32 s0, $0x4;
	s1 =	sshll.u32 s1, $0x8  }
0x4: {  	s16 =	simm.s32 $0x0;
	s9 =	simm.s32 $0x4000;
	s1 =	sor.u32 s2, s1  }
0x5: {  	s14 =	simm.s32 $0x0;
	s15 =	simm.s32 $0x0;
	s2 =	sand.u32 $0x180, s1  }
0x6: {  	s10 =	simm.s32 $0x0;
	s13 =	simm.s32 $0x0;
	s5 =	ssub.s32 $0x800, s2  }
0x7: {  	s4 =	sadd.s32 $0x6C00, s4;
	s1 =	rddreg [dreg:$0x2];
	s6 =	sand.u32 $0x180, s5  }
.Ltmp0:
0x8: {  	_ =	strace $0x80000053;
	p0 =	sne.s32 s6, $0x0;
	(pc) =	sbr.rel .LBB1_1-.Ltmp0, $4  }
0x9: {  	s11 =	smov.u32 s2;
	s8 =	sshrl.u32 s5, $0x9;
	s7 =	simm.s32 @!p0 $0x0  }
0xa: {  	s5 =	sand.u32 $0x7, s0;
	s6 =	simm.s32 $0x1;
	s7 =	sadd.s32 s7, s8  }
0xb: {  	s12 =	smov.u32 s5;
	[sflag:s6] =	ssyncpa.u1 $0x0;
	s7 =	sshll.u32 s7, $0x3  }
0xc: {  	p0 =	por $0x0, $0x0;
	[sflag:s31] =	ssyncpa.u1 $0x0;
	s8 =	sor.u32 $0x1, s7  }
.LBB1_4:
0xd: {  	v5 =	vld [tilespmem:s19+$0xFFFFFFD0]  }
0xe: {  	[tilespmem:s20+$0x2040 ss:$0x81] =	vst.msk $0xffff, v1;
	v58 =	vld [tilespmem:s19+$0xFFFFFFE0]  }
0xf: {  	[tilespmem:s20+$0x2850 ss:$0x81] =	vst.msk $0xffff, v2;
	v59 =	vld [tilespmem:s19+$0xFFFFFFF0]  }
0x10: {  	s21 =	sshra.s32 s21, $0x2;
	[tilespmem:s20+$0x3060 ss:$0x81] =	vst.msk $0xffff, v3;
	v60 =	vld [tilespmem:s19+$0x0]  }
0x11: {  	[tilespmem:s20+$0x0 ss:$0x81] =	vst.msk $0xffff, v0;
	v61 =	vld [tilespmem:s19+$0x10];
	s18 =	sadd.s32 s21, s18  }
0x12: {  	s26 =	sshll.u32 s16, $0xB;
	v62 =	vld [tilespmem:s19+$0x20];
	[tilespmem:s18+$0x3870 ss:$0x81] =	vst.msk $0xffff, v4  }
0x13: {  	s27 =	sand.u32 $0x78, s14;
	s22 =	sshll.u32 s14, $0x3;
	v63 =	vld [tilespmem:s19+$0xFFFFFFC0];
	s29 =	sshll.u32 s16, $0x7;
	[tilespmem:s18+$0x810 ss:$0x81] =	vst.msk $0xffff, v5  }
0x14: {  	s15 =	sshll.u32 s15, $0x12;
	s20 =	sand.u32 $0x1FC000, s26;
	s28 =	sand.u32 $0x1FFC00, s22;
	[tilespmem:s18+$0x1020 ss:$0x81] =	vst.msk $0xffff, v58  }
0x15: {  	s31 =	sand.u32 $0x7, s14;
	s22 =	sand.u32 $0x400, s22;
	s19 =	sadd.s32 s28, s20;
	[tilespmem:s18+$0x1830 ss:$0x81] =	vst.msk $0xffff, v59  }
0x16: {  	s16 =	sand.u32 $0x380, s29;
	s30 =	sor.u32 s27, s22;
	s19 =	sshrl.u32 s19, $0x3;
	[tilespmem:s18+$0x2040 ss:$0x81] =	vst.msk $0xffff, v60  }
0x17: {  	s15 =	sadd.s32 s3, s15;
	s16 =	sor.u32 s16, s30;
	s19 =	sand.u32 $0x3FF00, s19;
	[tilespmem:s18+$0x2850 ss:$0x81] =	vst.msk $0xffff, v61  }
0x18: {  	s14 =	sshll.u32 s31, $0x12;
	s16 =	sshrl.u32 s16, $0x3;
	[tilespmem:s18+$0x3060 ss:$0x81] =	vst.msk $0xffff, v62;
	s15 =	sadd.s32 s19, s15  }
0x19: {  	s14 =	sor.u32 $0x400, s14;
	[tilespmem:s18+$0x0 ss:$0x81] =	vst.msk $0xffff, v63;
	s15 =	sadd.s32 s16, s15  }
0x1a: {  	[hbm4b:s15+s14] =	stream.strided.scatter [tilespmem:s17], [sflag:$0x2], $0x4000, s9, s14, $0x20;
	[tilespmem:$0x10100] =	vst v63  }
.LBB1_5:
0x1b: {  	s17 =	sadd.s32 $0x80, s10  }
0x1c: {  	s14 =	sadd.s32 $0x200, s11;
	s18 =	smov.u32 s11;
	p2 =	sgt.s32 s17, $0x3FF  }
0x1d: {  	s18 =	smov.u32 @p2 s14  }
0x1e: {  	s20 =	smov.u32 s12;
	s14 =	sadd.s32 $0x8, s12;
	p3 =	sgt.s32 s18, $0x7FF  }
0x1f: {  	s20 =	smov.u32 @p3 s14  }
0x20: {  	s17 =	simm.s32 @p2 $0x0;
	p2 =	sgt.s32 s20, $0x7  }
0x21: {  	p1 =	slt.u32 s13, $0x2;
	s20 =	smov.u32 @p2 s5;
	p2 =	sne.s32 s13, s8  }
.Ltmp1:
0x22: {  	s19 =	simm.s32 @!p1 $0x2;
	(pc) =	sbr.rel @!p2 .LBB1_6-.Ltmp1, $4  }
0x23: {  	s16 =	smov.u32 s10;
	s15 =	smov.u32 s12;
	_ =	swait.ge @!p1 [sflag:s19], $0x4000  }
0x24: {  	p0 =	por !p0, !p0;
	[sflag:s19] =	ssyncset.done @!p1 $0x0;
	s10 =	smov.u32 s17  }
0x25: {  	s18 =	smov.u32 @p3 s2;
	s14 =	smov.u32 s11;
	[sflag:s19] =	ssyncadd.s32 @!p1 $0xFFFFC000  }
0x26: {  	s11 =	smov.u32 s18;
	s13 =	sadd.s32 $0x1, s13;
	s12 =	smov.u32 s20  }
.LBB1_1:
0x27: {  	p1 =	sge.u32 s13, s7  }
0x28: {  	s31 =	sadd.s32 $0xFFFFFFFF, s13;
	s17 =	sshll.u32 @!p1 s11, $0x7  }
0x29: {  	s18 =	sxor.u32 @!p1 $0xFFFFFFFF, s13;
	s19 =	sand.u32 @!p1 $0x78, s10;
	s20 =	sand.u32 @!p1 $0x380, s17  }
0x2a: {  	s18 =	sshll.u32 @!p1 s18, $0xE;
	s19 =	sor.u32 @!p1 s19, s20;
	s20 =	sshll.u32 @!p1 s12, $0x12  }
0x2b: {  	s17 =	sand.u32 @!p1 $0x3FC00, s17;
	s19 =	sshrl.u32 @!p1 s19, $0x3;
	s20 =	sadd.s32 @!p1 s4, s20  }
0x2c: {  	s17 =	sadd.s32 @!p1 s10, s17;
	s19 =	sadd.s32 @!p1 s19, s20;
	s20 =	sand.u32 @!p1 $0x7, s10  }
0x2d: {  	s18 =	sand.u32 @!p1 $0x4000, s18;
	s17 =	sand.u32 @!p1 $0x3FF80, s17;
	s20 =	sshll.u32 @!p1 s20, $0x12  }
0x2e: {  	s17 =	sadd.s32 @!p1 s17, s19;
	s19 =	sor.u32 @!p1 $0x400, s20;
	s20 =	simm.s32 @!p1 $0x2000  }
0x2f: {  	[tilespmem:s18], [sflag:$0x1] =	stream.strided.gather @!p1 [hbm4b:s17+s19], $0x4000, s20, s19, $0x38;
	[tilespmem:$0x10100] =	vst v63  }
0x30: {  	p1 =	sge.u32 s31, s7  }
.Ltmp2:
0x31: {  	_ = 	snop;
	(pc) =	sbr.rel @p1 .LBB1_5-.Ltmp2, $1  }
0x32: {  	_ =	sdelay $0x3  }
0x33: {  	s17 =	simm.s32 $0x1  }
0x34: {  	_ =	swait.ge [sflag:s6], $0x4000;
	s17 =	simm.s32 @!p0 $0x0  }
0x35: {  	[sflag:s6] =	ssyncset.done $0x0;
	s18 =	sshll.u32 s17, $0xE  }
0x36: {  	[sflag:s6] =	ssyncadd.s32 $0xFFFFC000;
	s19 =	sor.u32 $0x40, s18  }
0x37: {  	s17 =	smul.u32 $0x10200, s17;
	v0 =	vld [tilespmem:s19+$0x30]  }
0x38: {  	v3 =	vld [tilespmem:s19+$0xFFFFFFD0]  }
0x39: {  	s17 =	sshrl.u32 s17, $0x2;
	v4 =	vld [tilespmem:s19+$0xFFFFFFE0]  }
0x3a: {  	v5 =	vld [tilespmem:s19+$0xFFFFFFF0];
	s18 =	sor.u32 $0x8000, s17  }
0x3b: {  	s31 =	sand.u32 $0x1, s13;
	v1 =	vld [tilespmem:s19+$0x0];
	s20 =	sadd.s32 $0x0, s18  }
0x3c: {  	v2 =	vld [tilespmem:s19+$0x10];
	s17 =	smul.u32 $0x10200, s31;
	[tilespmem:s20+$0x3870 ss:$0x81] =	vst.msk $0xffff, v0  }
0x3d: {  	[tilespmem:s20+$0x810 ss:$0x81] =	vst.msk $0xffff, v3;
	v3 =	vld [tilespmem:s19+$0x20]  }
0x3e: {  	s17 =	sshrl.u32 s17, $0x2;
	v0 =	vld [tilespmem:s19+$0xFFFFFFC0];
	[tilespmem:s20+$0x1020 ss:$0x81] =	vst.msk $0xffff, v4;
	s19 =	sadd.s32 $0x80, s19  }
0x3f: {  	s21 =	simm.s32 $0x4;
	s22 =	simm.s32 $0x8;
	s17 =	sor.u32 $0x8000, s17;
	[tilespmem:s20+$0x1830 ss:$0x81] =	vst.msk $0xffff, v5;
	v4 =	vld [tilespmem:s19+$0x30]  }
.LBB1_3:
0x40: {  	p1 =	sne.s32 s22, $0x1FC;
	v5 =	vld [tilespmem:s19+$0xFFFFFFD0];
	[tilespmem:s20+$0x2040 ss:$0x81] =	vst.msk $0xffff, v1  }
0x41: {  	v6 =	vld [tilespmem:s19+$0xFFFFFFE0];
	[tilespmem:s20+$0x2850 ss:$0x81] =	vst.msk $0xffff, v2  }
0x42: {  	s23 =	sshra.s32 s21, $0x2;
	s21 =	smov.u32 s22;
	v7 =	vld [tilespmem:s19+$0xFFFFFFF0];
	[tilespmem:s20+$0x3060 ss:$0x81] =	vst.msk $0xffff, v3  }
.Ltmp3:
0x43: {  	v1 =	vld [tilespmem:s19+$0x0];
	[tilespmem:s20+$0x0 ss:$0x81] =	vst.msk $0xffff, v0;
	s20 =	sadd.s32 s23, s18;
	(pc) =	sbr.rel @p1 .LBB1_3-.Ltmp3, $4  }
0x44: {  	v2 =	vld [tilespmem:s19+$0x10];
	[tilespmem:s20+$0x3870 ss:$0x81] =	vst.msk $0xffff, v4  }
0x45: {  	[tilespmem:s20+$0x810 ss:$0x81] =	vst.msk $0xffff, v5;
	v3 =	vld [tilespmem:s19+$0x20]  }
0x46: {  	v0 =	vld [tilespmem:s19+$0xFFFFFFC0];
	[tilespmem:s20+$0x1020 ss:$0x81] =	vst.msk $0xffff, v6;
	s19 =	sadd.s32 $0x80, s19  }
0x47: {  	s22 =	sadd.s32 $0x4, s22;
	v4 =	vld [tilespmem:s19+$0x30];
	[tilespmem:s20+$0x1830 ss:$0x81] =	vst.msk $0xffff, v7  }
.Ltmp4:
0x48: {  	_ = 	snop;
	(pc) =	sbr.rel .LBB1_4-.Ltmp4, $1  }
0x49: {  	_ =	sdelay $0x3  }
.LBB1_6:
0x4a: {  	_ =	sfence.sel $0x180000  }
0x4b: {  	s2 =	simm.s32 $0x1;
	[bflag:$0x0] =	sbarrier.arrive $0xFFFF  }
0x4c: {  	s31 =	simm.s32 $0x2;
	[sflag:s2] =	ssyncpa.u1 $0x1  }
0x4d: {  	[sflag:s31] =	ssyncpa.u1 $0x1  }
0x4e: {  	p0 =	sne.s32 s0, $0x0;
	_ =	strace $0x90000053  }
0x4f: {  	s0 =	sadd.s32 @!p0 $0x100000, s1;
	[bflag:$0x2] =	sbarrier.arrive $0xFFFF  }
0x50: {  	[sflag:s0] =	ssyncadd.tile.s32 @!p0 $0x1;
	_ =	shalt  }
.Lfunc_end1:
_tile_overlayer_lowered:
.L_overlay_start_2:
0x51: {  	(tag) =	ssettag $0x2  }
0x52: {  	s0 =	rddreg [dreg:$0x0];
	s2 =	stileid.u32  }
0x53: {  	s1 =	rddreg [dreg:$0x1];
	p0 =	sne.s32 s2, $0x0  }
0x54: {  	s3 =	rddreg [dreg:$0x2];
	[bflag:$0x3] =	sbarrier.arrive $0xFFFF;
	s2 =	simm.s32 @!p0 $0x1C01  }
0x55: {  	[timem:s3], [sflag:s2] =	dma.local @!p0 [hbm:s0], s1  }
0x56: {  	s0 =	simm.s32 @!p0 $0x1  }
0x57: {  	_ =	swait.ge @!p0 [sflag:s0], s1  }
0x58: {  	s1 =	ssub.s32 @!p0 $0x0, s1;
	[sflag:s0] =	ssyncset.done @!p0 $0x0  }
0x59: {  	[sflag:s0] =	ssyncadd.s32 @!p0 s1  }
0x5a: {  	[bflag:$0x3] =	sbarrier.arrive $0xFFFF  }
0x5b: {  	_ =	shalt  }

</sc_bundles>
